<compile_context>
chip_gen: v7x
topology: tpu7x:2x2x1
jax: 0.10.2.dev20260603
libtpu: 0.0.44.dev20260713+nightly
codegen_flags: <defaults>
</compile_context>

<pallas_src>
import functools

import jax
import jax.numpy as jnp
from jax import lax
from jax.experimental import pallas as pl
from jax.experimental.pallas import tpu as pltpu
from jax.experimental.pallas import tpu_sc as plsc

_C = 160
_CH = 80
_L = 16


def _pack_tables(scale_w, shift_w):
    su = lax.bitcast_convert_type(scale_w.astype(jnp.bfloat16), jnp.uint16)
    hu = lax.bitcast_convert_type(shift_w.astype(jnp.bfloat16), jnp.uint16)
    w = (hu.astype(jnp.uint32) << 16) | su.astype(jnp.uint32)
    return lax.bitcast_convert_type(w, jnp.int32)


def kernel(inputs, z, scale_w, shift_w):
    n, d = inputs.shape
    t = scale_w.shape[0]
    tab = _pack_tables(scale_w, shift_w)
    z32 = z.astype(jnp.int32)
    num_chunks = n // _C
    info = plsc.get_sparse_core_info()
    nw = info.num_cores * info.num_subcores
    cpw = -(-num_chunks // nw)

    @functools.partial(
        pl.kernel,
        out_type=jax.ShapeDtypeStruct((n, d), jnp.float32),
        mesh=plsc.VectorSubcoreMesh(core_axis_name="c", subcore_axis_name="s"),
        scratch_types=[
            pltpu.VMEM((t, d), jnp.int32),
            pltpu.VMEM((2, 2, _CH), jnp.int32),
            pltpu.VMEM((3, _C, d), jnp.float32),
            pltpu.VMEM((2, _C, d), jnp.float32),
            pltpu.SemaphoreType.DMA((2,)),
            pltpu.SemaphoreType.DMA((3,)),
            pltpu.SemaphoreType.DMA((2,)),
        ],
        compiler_params=pltpu.CompilerParams(needs_layout_passes=False),
    )
    def run(tab_hbm, x_hbm, z_hbm, out_hbm, tab_v, idx_v, x_v, o_v,
            sem_i, sem_x, sem_s):
        wid = lax.axis_index("s") * info.num_cores + lax.axis_index("c")
        start = wid * cpw
        count = jnp.maximum(jnp.minimum(cpw, num_chunks - start), 0)

        def row_base(tt):
            return (start + tt) * _C

        def start_idx(tt):
            for h in range(2):
                pltpu.async_copy(
                    z_hbm.at[pl.ds(row_base(tt) + h * _CH, _CH)],
                    idx_v.at[tt % 2, h],
                    sem_i.at[tt % 2],
                )

        def wait_idx(tt):
            for h in range(2):
                pltpu.make_async_copy(
                    z_hbm.at[pl.ds(row_base(tt) + h * _CH, _CH)],
                    idx_v.at[tt % 2, h],
                    sem_i.at[tt % 2],
                ).wait()

        def start_x(tt):
            for h in range(2):
                pltpu.async_copy(
                    x_hbm.at[pl.ds(row_base(tt) + h * _CH, _CH), :],
                    x_v.at[tt % 3, pl.ds(h * _CH, _CH)],
                    sem_x.at[tt % 3],
                )

        def wait_x_half(tt, h):
            pltpu.make_async_copy(
                x_hbm.at[pl.ds(row_base(tt) + h * _CH, _CH), :],
                x_v.at[tt % 3, pl.ds(h * _CH, _CH)],
                sem_x.at[tt % 3],
            ).wait()

        def start_out_half(tt, h):
            pltpu.async_copy(
                o_v.at[tt % 2, pl.ds(h * _CH, _CH)],
                out_hbm.at[pl.ds(row_base(tt) + h * _CH, _CH), :],
                sem_s.at[tt % 2],
            )

        def wait_out(tt):
            for h in range(2):
                pltpu.make_async_copy(
                    o_v.at[tt % 2, pl.ds(h * _CH, _CH)],
                    out_hbm.at[pl.ds(row_base(tt) + h * _CH, _CH), :],
                    sem_s.at[tt % 2],
                ).wait()

        start_idx(0)
        start_x(0)
        pltpu.sync_copy(tab_hbm, tab_v)

        @pl.when(count > 1)
        def _():
            start_idx(1)
            start_x(1)

        cols = [
            lax.iota(jnp.int32, _L) + jnp.full((_L,), j * _L, jnp.int32)
            for j in range(d // _L)
        ]
        shift16 = jnp.full((_L,), 16, jnp.int32)
        mask_hi = jnp.full((_L,), -65536, jnp.int32)

        def chunk(tt, carry):
            @pl.when(tt + 2 < count)
            def _():
                start_x(tt + 2)

            @pl.when(tt >= 2)
            def _():
                wait_out(tt - 2)

            wait_idx(tt)

            slot = tt % 2
            slot_vec = jnp.full((_L,), slot, jnp.int32)
            x_s = x_v.at[tt % 3]
            o_s = o_v.at[slot]

            for h in range(2):
                wait_x_half(tt, h)
                h_vec = jnp.full((_L,), h, jnp.int32)

                @plsc.parallel_loop(0, _CH, step=1, unroll=4)
                def row(i):
                    zv = plsc.load_gather(
                        idx_v, [slot_vec, h_vec, jnp.full((_L,), i, jnp.int32)]
                    )
                    r = i + h * _CH
                    for j in range(d // _L):
                        w = plsc.load_gather(tab_v, [zv, cols[j]])
                        scale = plsc.bitcast(lax.shift_left(w, shift16), jnp.float32)
                        shift = plsc.bitcast(lax.bitwise_and(w, mask_hi), jnp.float32)
                        o_s[r, pl.ds(j * _L, _L)] = (
                            x_s[r, pl.ds(j * _L, _L)] * scale + shift
                        )

                start_out_half(tt, h)

            @pl.when(tt + 2 < count)
            def _():
                start_idx(tt + 2)

            return carry

        lax.fori_loop(0, count, chunk, 0)

        @pl.when(count >= 2)
        def _():
            wait_out(count - 2)

        wait_out(count - 1)

    return run(tab, inputs, z32)

# --- scband reference (transcript-rebuilt; emitter-appended) ---
"""Pipeline reference for scband-node-property-scale-shift-40157944218366 (READ-ONLY COPY).

The authoritative reference and input builder live on the scoring server;
editing this copy changes nothing except your own understanding.
"""

import jax, jax.numpy as jnp
import numpy as np

NUM_TYPES = 100
D = 128
N = 100000

def setup_inputs(seed: int = 0) -> dict:
    key = jax.random.key(seed)
    k1, k2, k3, k4 = jax.random.split(key, 4)
    inputs = jax.random.normal(k1, (N, D), dtype=jnp.float32)
    z = jax.random.randint(k2, (N,), 0, NUM_TYPES, dtype=jnp.int64)
    # learned per-atomic-number scale/shift tables (nn.Embedding.from_pretrained)
    scale_w = jax.random.normal(k3, (NUM_TYPES, D), dtype=jnp.float32) * 0.1 + 1.0
    shift_w = jax.random.normal(k4, (NUM_TYPES, D), dtype=jnp.float32) * 0.1
    return {"inputs": inputs, "z": z, "scale_w": scale_w, "shift_w": shift_w}

def reference(inputs, z, scale_w, shift_w):
    # embedding lookup per atomic number, then elementwise scale & shift
    scale = jnp.take(scale_w, z, axis=0)
    shift = jnp.take(shift_w, z, axis=0)
    return inputs * scale + shift

if __name__ == "__main__":
    import jax
    _d = setup_inputs()
    print(jax.jit(kernel)(*tuple(_d.values())))

</pallas_src>

<mosaic_0001>
#map = affine_map<(d0, d1) -> (0, 0)>
#map1 = affine_map<(d0, d1) -> (0)>
module attributes {stable_mosaic.version = 14 : i64} {
  func.func @run(%arg0: i32, %arg1: i32, %arg2: memref<100x128xi32, #tpu.memory_space<hbm>>, %arg3: memref<100000x128xf32, #tpu.memory_space<hbm>>, %arg4: memref<100000xi32, #tpu.memory_space<hbm>>, %arg5: memref<100000x128xf32, #tpu.memory_space<hbm>>, %arg6: memref<100x128xi32, #tpu.memory_space<vmem>>, %arg7: memref<2x2x80xi32, #tpu.memory_space<vmem>>, %arg8: memref<3x160x128xf32, #tpu.memory_space<vmem>>, %arg9: memref<2x160x128xf32, #tpu.memory_space<vmem>>, %arg10: memref<2x!tpu.dma_semaphore, #tpu.memory_space<semaphore_mem>>, %arg11: memref<3x!tpu.dma_semaphore, #tpu.memory_space<semaphore_mem>>, %arg12: memref<2x!tpu.dma_semaphore, #tpu.memory_space<semaphore_mem>>) attributes {dimension_semantics = [#tpu.dimension_semantics<core_parallel>, #tpu.dimension_semantics<subcore_parallel>], iteration_bounds = array<i64: 2, 16>, scalar_prefetch = 0 : i64, scratch_operands = 7 : i64, tpu.core_type = #tpu.core_type<sc_vector_subcore>, window_params = [{transform_indices = #map}, {transform_indices = #map}, {transform_indices = #map1}, {transform_indices = #map}]} {
    %mul3A = arith.constant 2 : i32
    %mul3A_0 = arith.muli %arg1, %mul3A : i32
    %add3A = arith.addi %mul3A_0, %arg0 : i32
    %mul3A_1 = arith.constant 20 : i32
    %mul3A_2 = arith.muli %add3A, %mul3A_1 : i32
    %sub3A = arith.constant 625 : i32
    %sub3A_3 = arith.subi %sub3A, %mul3A_2 : i32
    %min3A = arith.constant 20 : i32
    %min3A_4 = arith.minsi %min3A, %sub3A_3 : i32
    %max3A = arith.constant 0 : i32
    %max3A_5 = arith.maxsi %min3A_4, %max3A : i32
    %add3A_6 = arith.constant 0 : i32
    %add3A_7 = arith.addi %mul3A_2, %add3A_6 : i32
    %mul3A_8 = arith.constant 160 : i32
    %mul3A_9 = arith.muli %add3A_7, %mul3A_8 : i32
    %add3A_10 = arith.constant 0 : i32
    %add3A_11 = arith.addi %mul3A_9, %add3A_10 : i32
    %dma_start3A = arith.constant 0 : i32
    %dma_start3A_12 = arith.constant 0 : i32
    %dma_start3A_13 = arith.constant 0 : i32
    %dma_start3A_14 = arith.constant 0 : i32
    %dma_start3A_15 = tpu.memref_slice %arg7[%dma_start3A, %dma_start3A_12, %dma_start3A_14] : memref<2x2x80xi32, #tpu.memory_space<vmem>> -> memref<1x1x80xi32, #tpu.memory_space<vmem>>
    %dma_start3A_16 = tpu.memref_squeeze %dma_start3A_15 : memref<1x1x80xi32, #tpu.memory_space<vmem>> -> memref<80xi32, #tpu.memory_space<vmem>>
    %dma_start3A_17 = tpu.memref_slice %arg4[%add3A_11] : memref<100000xi32, #tpu.memory_space<hbm>> -> memref<80xi32, #tpu.memory_space<hbm>>
    %dma_start3A_18 = tpu.memref_slice %arg10[%dma_start3A_13] : memref<2x!tpu.dma_semaphore, #tpu.memory_space<semaphore_mem>> -> memref<1x!tpu.dma_semaphore, #tpu.memory_space<semaphore_mem>>
    %dma_start3A_19 = tpu.memref_squeeze %dma_start3A_18 : memref<1x!tpu.dma_semaphore, #tpu.memory_space<semaphore_mem>> -> memref<!tpu.dma_semaphore, #tpu.memory_space<semaphore_mem>>
    %dma_start3A_20 = arith.constant 0 : i32
    %dma_start3A_21 = tpu.memref_slice %arg7[%dma_start3A, %dma_start3A_12, %dma_start3A_20] : memref<2x2x80xi32, #tpu.memory_space<vmem>> -> memref<1x1x80xi32, #tpu.memory_space<vmem>>
    %dma_start3A_22 = tpu.memref_squeeze %dma_start3A_21 : memref<1x1x80xi32, #tpu.memory_space<vmem>> -> memref<80xi32, #tpu.memory_space<vmem>>
    %dma_start3A_23 = tpu.memref_slice %arg4[%add3A_11] : memref<100000xi32, #tpu.memory_space<hbm>> -> memref<80xi32, #tpu.memory_space<hbm>>
    tpu.enqueue_dma source(%dma_start3A_23 : memref<80xi32, #tpu.memory_space<hbm>>) target(%dma_start3A_22 : memref<80xi32, #tpu.memory_space<vmem>>) target_semaphore(%dma_start3A_19 : memref<!tpu.dma_semaphore, #tpu.memory_space<semaphore_mem>>)
    %add3A_24 = arith.constant 0 : i32
    %add3A_25 = arith.addi %mul3A_2, %add3A_24 : i32
    %mul3A_26 = arith.constant 160 : i32
    %mul3A_27 = arith.muli %add3A_25, %mul3A_26 : i32
    %add3A_28 = arith.constant 80 : i32
    %add3A_29 = arith.addi %mul3A_27, %add3A_28 : i32
    %dma_start3A_30 = arith.constant 0 : i32
    %dma_start3A_31 = arith.constant 1 : i32
    %dma_start3A_32 = arith.constant 0 : i32
    %dma_start3A_33 = arith.constant 0 : i32
    %dma_start3A_34 = tpu.memref_slice %arg7[%dma_start3A_30, %dma_start3A_31, %dma_start3A_33] : memref<2x2x80xi32, #tpu.memory_space<vmem>> -> memref<1x1x80xi32, #tpu.memory_space<vmem>>
    %dma_start3A_35 = tpu.memref_squeeze %dma_start3A_34 : memref<1x1x80xi32, #tpu.memory_space<vmem>> -> memref<80xi32, #tpu.memory_space<vmem>>
    %dma_start3A_36 = tpu.memref_slice %arg4[%add3A_29] : memref<100000xi32, #tpu.memory_space<hbm>> -> memref<80xi32, #tpu.memory_space<hbm>>
    %dma_start3A_37 = tpu.memref_slice %arg10[%dma_start3A_32] : memref<2x!tpu.dma_semaphore, #tpu.memory_space<semaphore_mem>> -> memref<1x!tpu.dma_semaphore, #tpu.memory_space<semaphore_mem>>
    %dma_start3A_38 = tpu.memref_squeeze %dma_start3A_37 : memref<1x!tpu.dma_semaphore, #tpu.memory_space<semaphore_mem>> -> memref<!tpu.dma_semaphore, #tpu.memory_space<semaphore_mem>>
    %dma_start3A_39 = arith.constant 0 : i32
    %dma_start3A_40 = tpu.memref_slice %arg7[%dma_start3A_30, %dma_start3A_31, %dma_start3A_39] : memref<2x2x80xi32, #tpu.memory_space<vmem>> -> memref<1x1x80xi32, #tpu.memory_space<vmem>>
    %dma_start3A_41 = tpu.memref_squeeze %dma_start3A_40 : memref<1x1x80xi32, #tpu.memory_space<vmem>> -> memref<80xi32, #tpu.memory_space<vmem>>
    %dma_start3A_42 = tpu.memref_slice %arg4[%add3A_29] : memref<100000xi32, #tpu.memory_space<hbm>> -> memref<80xi32, #tpu.memory_space<hbm>>
    tpu.enqueue_dma source(%dma_start3A_42 : memref<80xi32, #tpu.memory_space<hbm>>) target(%dma_start3A_41 : memref<80xi32, #tpu.memory_space<vmem>>) target_semaphore(%dma_start3A_38 : memref<!tpu.dma_semaphore, #tpu.memory_space<semaphore_mem>>)
    %add3A_43 = arith.constant 0 : i32
    %add3A_44 = arith.addi %mul3A_2, %add3A_43 : i32
    %mul3A_45 = arith.constant 160 : i32
    %mul3A_46 = arith.muli %add3A_44, %mul3A_45 : i32
    %add3A_47 = arith.constant 0 : i32
    %add3A_48 = arith.addi %mul3A_46, %add3A_47 : i32
    %dma_start3A_49 = arith.constant 0 : i32
    %dma_start3A_50 = arith.constant 0 : i32
    %dma_start3A_51 = arith.constant 0 : i32
    %dma_start3A_52 = arith.constant 0 : i32
    %dma_start3A_53 = tpu.memref_slice %arg8[%dma_start3A_49, %dma_start3A_51, %dma_start3A_52] : memref<3x160x128xf32, #tpu.memory_space<vmem>> -> memref<1x80x128xf32, #tpu.memory_space<vmem>>
    %dma_start3A_54 = tpu.memref_squeeze %dma_start3A_53 : memref<1x80x128xf32, #tpu.memory_space<vmem>> -> memref<80x128xf32, #tpu.memory_space<vmem>>
    %dma_start3A_55 = arith.constant 0 : i32
    %dma_start3A_56 = tpu.memref_slice %arg3[%add3A_48, %dma_start3A_55] : memref<100000x128xf32, #tpu.memory_space<hbm>> -> memref<80x128xf32, #tpu.memory_space<hbm>>
    %dma_start3A_57 = tpu.memref_slice %arg11[%dma_start3A_50] : memref<3x!tpu.dma_semaphore, #tpu.memory_space<semaphore_mem>> -> memref<1x!tpu.dma_semaphore, #tpu.memory_space<semaphore_mem>>
    %dma_start3A_58 = tpu.memref_squeeze %dma_start3A_57 : memref<1x!tpu.dma_semaphore, #tpu.memory_space<semaphore_mem>> -> memref<!tpu.dma_semaphore, #tpu.memory_space<semaphore_mem>>
    %dma_start3A_59 = arith.constant 0 : i32
    %dma_start3A_60 = arith.constant 0 : i32
    %dma_start3A_61 = tpu.memref_slice %arg8[%dma_start3A_49, %dma_start3A_59, %dma_start3A_60] : memref<3x160x128xf32, #tpu.memory_space<vmem>> -> memref<1x80x128xf32, #tpu.memory_space<vmem>>
    %dma_start3A_62 = tpu.memref_squeeze %dma_start3A_61 : memref<1x80x128xf32, #tpu.memory_space<vmem>> -> memref<80x128xf32, #tpu.memory_space<vmem>>
    %dma_start3A_63 = arith.constant 0 : i32
    %dma_start3A_64 = tpu.memref_slice %arg3[%add3A_48, %dma_start3A_63] : memref<100000x128xf32, #tpu.memory_space<hbm>> -> memref<80x128xf32, #tpu.memory_space<hbm>>
    tpu.enqueue_dma source(%dma_start3A_64 : memref<80x128xf32, #tpu.memory_space<hbm>>) target(%dma_start3A_62 : memref<80x128xf32, #tpu.memory_space<vmem>>) target_semaphore(%dma_start3A_58 : memref<!tpu.dma_semaphore, #tpu.memory_space<semaphore_mem>>)
    %add3A_65 = arith.constant 0 : i32
    %add3A_66 = arith.addi %mul3A_2, %add3A_65 : i32
    %mul3A_67 = arith.constant 160 : i32
    %mul3A_68 = arith.muli %add3A_66, %mul3A_67 : i32
    %add3A_69 = arith.constant 80 : i32
    %add3A_70 = arith.addi %mul3A_68, %add3A_69 : i32
    %dma_start3A_71 = arith.constant 0 : i32
    %dma_start3A_72 = arith.constant 0 : i32
    %dma_start3A_73 = arith.constant 80 : i32
    %dma_start3A_74 = arith.constant 0 : i32
    %dma_start3A_75 = tpu.memref_slice %arg8[%dma_start3A_71, %dma_start3A_73, %dma_start3A_74] : memref<3x160x128xf32, #tpu.memory_space<vmem>> -> memref<1x80x128xf32, #tpu.memory_space<vmem>>
    %dma_start3A_76 = tpu.memref_squeeze %dma_start3A_75 : memref<1x80x128xf32, #tpu.memory_space<vmem>> -> memref<80x128xf32, #tpu.memory_space<vmem>>
    %dma_start3A_77 = arith.constant 0 : i32
    %dma_start3A_78 = tpu.memref_slice %arg3[%add3A_70, %dma_start3A_77] : memref<100000x128xf32, #tpu.memory_space<hbm>> -> memref<80x128xf32, #tpu.memory_space<hbm>>
    %dma_start3A_79 = tpu.memref_slice %arg11[%dma_start3A_72] : memref<3x!tpu.dma_semaphore, #tpu.memory_space<semaphore_mem>> -> memref<1x!tpu.dma_semaphore, #tpu.memory_space<semaphore_mem>>
    %dma_start3A_80 = tpu.memref_squeeze %dma_start3A_79 : memref<1x!tpu.dma_semaphore, #tpu.memory_space<semaphore_mem>> -> memref<!tpu.dma_semaphore, #tpu.memory_space<semaphore_mem>>
    %dma_start3A_81 = arith.constant 80 : i32
    %dma_start3A_82 = arith.constant 0 : i32
    %dma_start3A_83 = tpu.memref_slice %arg8[%dma_start3A_71, %dma_start3A_81, %dma_start3A_82] : memref<3x160x128xf32, #tpu.memory_space<vmem>> -> memref<1x80x128xf32, #tpu.memory_space<vmem>>
    %dma_start3A_84 = tpu.memref_squeeze %dma_start3A_83 : memref<1x80x128xf32, #tpu.memory_space<vmem>> -> memref<80x128xf32, #tpu.memory_space<vmem>>
    %dma_start3A_85 = arith.constant 0 : i32
    %dma_start3A_86 = tpu.memref_slice %arg3[%add3A_70, %dma_start3A_85] : memref<100000x128xf32, #tpu.memory_space<hbm>> -> memref<80x128xf32, #tpu.memory_space<hbm>>
    tpu.enqueue_dma source(%dma_start3A_86 : memref<80x128xf32, #tpu.memory_space<hbm>>) target(%dma_start3A_84 : memref<80x128xf32, #tpu.memory_space<vmem>>) target_semaphore(%dma_start3A_80 : memref<!tpu.dma_semaphore, #tpu.memory_space<semaphore_mem>>)
    "tpu.region"() ({
      %run_scoped3A = tpu.sem_alloc : memref<!tpu.dma_semaphore, #tpu.memory_space<semaphore_mem>>
      tpu.enqueue_dma source(%arg2 : memref<100x128xi32, #tpu.memory_space<hbm>>) target(%arg6 : memref<100x128xi32, #tpu.memory_space<vmem>>) target_semaphore(%run_scoped3A : memref<!tpu.dma_semaphore, #tpu.memory_space<semaphore_mem>>)
      tpu.wait_dma2 semaphore(%run_scoped3A : memref<!tpu.dma_semaphore, #tpu.memory_space<semaphore_mem>>) src(%arg2 : memref<100x128xi32, #tpu.memory_space<hbm>>) dst(%arg6 : memref<100x128xi32, #tpu.memory_space<vmem>>)
      tpu.yield
    }) : () -> ()
    %gt3A = arith.constant 1 : i32
    %gt3A_87 = arith.cmpi sgt, %max3A_5, %gt3A : i32
    %convert_element_type3A = arith.extui %gt3A_87 : i1 to i32
    %cond3A = arith.constant 0 : i32
    %cond3A_88 = arith.cmpi ne, %convert_element_type3A, %cond3A : i32
    scf.if %cond3A_88 {
      %add3A_232 = arith.constant 1 : i32
      %add3A_233 = arith.addi %mul3A_2, %add3A_232 : i32
      %mul3A_234 = arith.constant 160 : i32
      %mul3A_235 = arith.muli %add3A_233, %mul3A_234 : i32
      %add3A_236 = arith.constant 0 : i32
      %add3A_237 = arith.addi %mul3A_235, %add3A_236 : i32
      %dma_start3A_238 = arith.constant 1 : i32
      %dma_start3A_239 = arith.constant 0 : i32
      %dma_start3A_240 = arith.constant 1 : i32
      %dma_start3A_241 = arith.constant 0 : i32
      %dma_start3A_242 = tpu.memref_slice %arg7[%dma_start3A_238, %dma_start3A_239, %dma_start3A_241] : memref<2x2x80xi32, #tpu.memory_space<vmem>> -> memref<1x1x80xi32, #tpu.memory_space<vmem>>
      %dma_start3A_243 = tpu.memref_squeeze %dma_start3A_242 : memref<1x1x80xi32, #tpu.memory_space<vmem>> -> memref<80xi32, #tpu.memory_space<vmem>>
      %dma_start3A_244 = tpu.memref_slice %arg4[%add3A_237] : memref<100000xi32, #tpu.memory_space<hbm>> -> memref<80xi32, #tpu.memory_space<hbm>>
      %dma_start3A_245 = tpu.memref_slice %arg10[%dma_start3A_240] : memref<2x!tpu.dma_semaphore, #tpu.memory_space<semaphore_mem>> -> memref<1x!tpu.dma_semaphore, #tpu.memory_space<semaphore_mem>>
      %dma_start3A_246 = tpu.memref_squeeze %dma_start3A_245 : memref<1x!tpu.dma_semaphore, #tpu.memory_space<semaphore_mem>> -> memref<!tpu.dma_semaphore, #tpu.memory_space<semaphore_mem>>
      %dma_start3A_247 = arith.constant 0 : i32
      %dma_start3A_248 = tpu.memref_slice %arg7[%dma_start3A_238, %dma_start3A_239, %dma_start3A_247] : memref<2x2x80xi32, #tpu.memory_space<vmem>> -> memref<1x1x80xi32, #tpu.memory_space<vmem>>
      %dma_start3A_249 = tpu.memref_squeeze %dma_start3A_248 : memref<1x1x80xi32, #tpu.memory_space<vmem>> -> memref<80xi32, #tpu.memory_space<vmem>>
      %dma_start3A_250 = tpu.memref_slice %arg4[%add3A_237] : memref<100000xi32, #tpu.memory_space<hbm>> -> memref<80xi32, #tpu.memory_space<hbm>>
      tpu.enqueue_dma source(%dma_start3A_250 : memref<80xi32, #tpu.memory_space<hbm>>) target(%dma_start3A_249 : memref<80xi32, #tpu.memory_space<vmem>>) target_semaphore(%dma_start3A_246 : memref<!tpu.dma_semaphore, #tpu.memory_space<semaphore_mem>>)
      %add3A_251 = arith.constant 1 : i32
      %add3A_252 = arith.addi %mul3A_2, %add3A_251 : i32
      %mul3A_253 = arith.constant 160 : i32
      %mul3A_254 = arith.muli %add3A_252, %mul3A_253 : i32
      %add3A_255 = arith.constant 80 : i32
      %add3A_256 = arith.addi %mul3A_254, %add3A_255 : i32
      %dma_start3A_257 = arith.constant 1 : i32
      %dma_start3A_258 = arith.constant 1 : i32
      %dma_start3A_259 = arith.constant 1 : i32
      %dma_start3A_260 = arith.constant 0 : i32
      %dma_start3A_261 = tpu.memref_slice %arg7[%dma_start3A_257, %dma_start3A_258, %dma_start3A_260] : memref<2x2x80xi32, #tpu.memory_space<vmem>> -> memref<1x1x80xi32, #tpu.memory_space<vmem>>
      %dma_start3A_262 = tpu.memref_squeeze %dma_start3A_261 : memref<1x1x80xi32, #tpu.memory_space<vmem>> -> memref<80xi32, #tpu.memory_space<vmem>>
      %dma_start3A_263 = tpu.memref_slice %arg4[%add3A_256] : memref<100000xi32, #tpu.memory_space<hbm>> -> memref<80xi32, #tpu.memory_space<hbm>>
      %dma_start3A_264 = tpu.memref_slice %arg10[%dma_start3A_259] : memref<2x!tpu.dma_semaphore, #tpu.memory_space<semaphore_mem>> -> memref<1x!tpu.dma_semaphore, #tpu.memory_space<semaphore_mem>>
      %dma_start3A_265 = tpu.memref_squeeze %dma_start3A_264 : memref<1x!tpu.dma_semaphore, #tpu.memory_space<semaphore_mem>> -> memref<!tpu.dma_semaphore, #tpu.memory_space<semaphore_mem>>
      %dma_start3A_266 = arith.constant 0 : i32
      %dma_start3A_267 = tpu.memref_slice %arg7[%dma_start3A_257, %dma_start3A_258, %dma_start3A_266] : memref<2x2x80xi32, #tpu.memory_space<vmem>> -> memref<1x1x80xi32, #tpu.memory_space<vmem>>
      %dma_start3A_268 = tpu.memref_squeeze %dma_start3A_267 : memref<1x1x80xi32, #tpu.memory_space<vmem>> -> memref<80xi32, #tpu.memory_space<vmem>>
      %dma_start3A_269 = tpu.memref_slice %arg4[%add3A_256] : memref<100000xi32, #tpu.memory_space<hbm>> -> memref<80xi32, #tpu.memory_space<hbm>>
      tpu.enqueue_dma source(%dma_start3A_269 : memref<80xi32, #tpu.memory_space<hbm>>) target(%dma_start3A_268 : memref<80xi32, #tpu.memory_space<vmem>>) target_semaphore(%dma_start3A_265 : memref<!tpu.dma_semaphore, #tpu.memory_space<semaphore_mem>>)
      %add3A_270 = arith.constant 1 : i32
      %add3A_271 = arith.addi %mul3A_2, %add3A_270 : i32
      %mul3A_272 = arith.constant 160 : i32
      %mul3A_273 = arith.muli %add3A_271, %mul3A_272 : i32
      %add3A_274 = arith.constant 0 : i32
      %add3A_275 = arith.addi %mul3A_273, %add3A_274 : i32
      %dma_start3A_276 = arith.constant 1 : i32
      %dma_start3A_277 = arith.constant 1 : i32
      %dma_start3A_278 = arith.constant 0 : i32
      %dma_start3A_279 = arith.constant 0 : i32
      %dma_start3A_280 = tpu.memref_slice %arg8[%dma_start3A_276, %dma_start3A_278, %dma_start3A_279] : memref<3x160x128xf32, #tpu.memory_space<vmem>> -> memref<1x80x128xf32, #tpu.memory_space<vmem>>
      %dma_start3A_281 = tpu.memref_squeeze %dma_start3A_280 : memref<1x80x128xf32, #tpu.memory_space<vmem>> -> memref<80x128xf32, #tpu.memory_space<vmem>>
      %dma_start3A_282 = arith.constant 0 : i32
      %dma_start3A_283 = tpu.memref_slice %arg3[%add3A_275, %dma_start3A_282] : memref<100000x128xf32, #tpu.memory_space<hbm>> -> memref<80x128xf32, #tpu.memory_space<hbm>>
      %dma_start3A_284 = tpu.memref_slice %arg11[%dma_start3A_277] : memref<3x!tpu.dma_semaphore, #tpu.memory_space<semaphore_mem>> -> memref<1x!tpu.dma_semaphore, #tpu.memory_space<semaphore_mem>>
      %dma_start3A_285 = tpu.memref_squeeze %dma_start3A_284 : memref<1x!tpu.dma_semaphore, #tpu.memory_space<semaphore_mem>> -> memref<!tpu.dma_semaphore, #tpu.memory_space<semaphore_mem>>
      %dma_start3A_286 = arith.constant 0 : i32
      %dma_start3A_287 = arith.constant 0 : i32
      %dma_start3A_288 = tpu.memref_slice %arg8[%dma_start3A_276, %dma_start3A_286, %dma_start3A_287] : memref<3x160x128xf32, #tpu.memory_space<vmem>> -> memref<1x80x128xf32, #tpu.memory_space<vmem>>
      %dma_start3A_289 = tpu.memref_squeeze %dma_start3A_288 : memref<1x80x128xf32, #tpu.memory_space<vmem>> -> memref<80x128xf32, #tpu.memory_space<vmem>>
      %dma_start3A_290 = arith.constant 0 : i32
      %dma_start3A_291 = tpu.memref_slice %arg3[%add3A_275, %dma_start3A_290] : memref<100000x128xf32, #tpu.memory_space<hbm>> -> memref<80x128xf32, #tpu.memory_space<hbm>>
      tpu.enqueue_dma source(%dma_start3A_291 : memref<80x128xf32, #tpu.memory_space<hbm>>) target(%dma_start3A_289 : memref<80x128xf32, #tpu.memory_space<vmem>>) target_semaphore(%dma_start3A_285 : memref<!tpu.dma_semaphore, #tpu.memory_space<semaphore_mem>>)
      %add3A_292 = arith.constant 1 : i32
      %add3A_293 = arith.addi %mul3A_2, %add3A_292 : i32
      %mul3A_294 = arith.constant 160 : i32
      %mul3A_295 = arith.muli %add3A_293, %mul3A_294 : i32
      %add3A_296 = arith.constant 80 : i32
      %add3A_297 = arith.addi %mul3A_295, %add3A_296 : i32
      %dma_start3A_298 = arith.constant 1 : i32
      %dma_start3A_299 = arith.constant 1 : i32
      %dma_start3A_300 = arith.constant 80 : i32
      %dma_start3A_301 = arith.constant 0 : i32
      %dma_start3A_302 = tpu.memref_slice %arg8[%dma_start3A_298, %dma_start3A_300, %dma_start3A_301] : memref<3x160x128xf32, #tpu.memory_space<vmem>> -> memref<1x80x128xf32, #tpu.memory_space<vmem>>
      %dma_start3A_303 = tpu.memref_squeeze %dma_start3A_302 : memref<1x80x128xf32, #tpu.memory_space<vmem>> -> memref<80x128xf32, #tpu.memory_space<vmem>>
      %dma_start3A_304 = arith.constant 0 : i32
      %dma_start3A_305 = tpu.memref_slice %arg3[%add3A_297, %dma_start3A_304] : memref<100000x128xf32, #tpu.memory_space<hbm>> -> memref<80x128xf32, #tpu.memory_space<hbm>>
      %dma_start3A_306 = tpu.memref_slice %arg11[%dma_start3A_299] : memref<3x!tpu.dma_semaphore, #tpu.memory_space<semaphore_mem>> -> memref<1x!tpu.dma_semaphore, #tpu.memory_space<semaphore_mem>>
      %dma_start3A_307 = tpu.memref_squeeze %dma_start3A_306 : memref<1x!tpu.dma_semaphore, #tpu.memory_space<semaphore_mem>> -> memref<!tpu.dma_semaphore, #tpu.memory_space<semaphore_mem>>
      %dma_start3A_308 = arith.constant 80 : i32
      %dma_start3A_309 = arith.constant 0 : i32
      %dma_start3A_310 = tpu.memref_slice %arg8[%dma_start3A_298, %dma_start3A_308, %dma_start3A_309] : memref<3x160x128xf32, #tpu.memory_space<vmem>> -> memref<1x80x128xf32, #tpu.memory_space<vmem>>
      %dma_start3A_311 = tpu.memref_squeeze %dma_start3A_310 : memref<1x80x128xf32, #tpu.memory_space<vmem>> -> memref<80x128xf32, #tpu.memory_space<vmem>>
      %dma_start3A_312 = arith.constant 0 : i32
      %dma_start3A_313 = tpu.memref_slice %arg3[%add3A_297, %dma_start3A_312] : memref<100000x128xf32, #tpu.memory_space<hbm>> -> memref<80x128xf32, #tpu.memory_space<hbm>>
      tpu.enqueue_dma source(%dma_start3A_313 : memref<80x128xf32, #tpu.memory_space<hbm>>) target(%dma_start3A_311 : memref<80x128xf32, #tpu.memory_space<vmem>>) target_semaphore(%dma_start3A_307 : memref<!tpu.dma_semaphore, #tpu.memory_space<semaphore_mem>>)
    } else {
    }
    %iota3A = tpu.iota {dimensions = array<i32: 0>} : vector<16xi32>
    %broadcast_in_dim3A = arith.constant 0 : i32
    %broadcast_in_dim3A_89 = vector.broadcast %broadcast_in_dim3A : i32 to vector<16xi32>
    %add3A_90 = arith.addi %iota3A, %broadcast_in_dim3A_89 : vector<16xi32>
    %iota3A_91 = tpu.iota {dimensions = array<i32: 0>} : vector<16xi32>
    %broadcast_in_dim3A_92 = arith.constant 16 : i32
    %broadcast_in_dim3A_93 = vector.broadcast %broadcast_in_dim3A_92 : i32 to vector<16xi32>
    %add3A_94 = arith.addi %iota3A_91, %broadcast_in_dim3A_93 : vector<16xi32>
    %iota3A_95 = tpu.iota {dimensions = array<i32: 0>} : vector<16xi32>
    %broadcast_in_dim3A_96 = arith.constant 32 : i32
    %broadcast_in_dim3A_97 = vector.broadcast %broadcast_in_dim3A_96 : i32 to vector<16xi32>
    %add3A_98 = arith.addi %iota3A_95, %broadcast_in_dim3A_97 : vector<16xi32>
    %iota3A_99 = tpu.iota {dimensions = array<i32: 0>} : vector<16xi32>
    %broadcast_in_dim3A_100 = arith.constant 48 : i32
    %broadcast_in_dim3A_101 = vector.broadcast %broadcast_in_dim3A_100 : i32 to vector<16xi32>
    %add3A_102 = arith.addi %iota3A_99, %broadcast_in_dim3A_101 : vector<16xi32>
    %iota3A_103 = tpu.iota {dimensions = array<i32: 0>} : vector<16xi32>
    %broadcast_in_dim3A_104 = arith.constant 64 : i32
    %broadcast_in_dim3A_105 = vector.broadcast %broadcast_in_dim3A_104 : i32 to vector<16xi32>
    %add3A_106 = arith.addi %iota3A_103, %broadcast_in_dim3A_105 : vector<16xi32>
    %iota3A_107 = tpu.iota {dimensions = array<i32: 0>} : vector<16xi32>
    %broadcast_in_dim3A_108 = arith.constant 80 : i32
    %broadcast_in_dim3A_109 = vector.broadcast %broadcast_in_dim3A_108 : i32 to vector<16xi32>
    %add3A_110 = arith.addi %iota3A_107, %broadcast_in_dim3A_109 : vector<16xi32>
    %iota3A_111 = tpu.iota {dimensions = array<i32: 0>} : vector<16xi32>
    %broadcast_in_dim3A_112 = arith.constant 96 : i32
    %broadcast_in_dim3A_113 = vector.broadcast %broadcast_in_dim3A_112 : i32 to vector<16xi32>
    %add3A_114 = arith.addi %iota3A_111, %broadcast_in_dim3A_113 : vector<16xi32>
    %iota3A_115 = tpu.iota {dimensions = array<i32: 0>} : vector<16xi32>
    %broadcast_in_dim3A_116 = arith.constant 112 : i32
    %broadcast_in_dim3A_117 = vector.broadcast %broadcast_in_dim3A_116 : i32 to vector<16xi32>
    %add3A_118 = arith.addi %iota3A_115, %broadcast_in_dim3A_117 : vector<16xi32>
    %broadcast_in_dim3A_119 = arith.constant 16 : i32
    %broadcast_in_dim3A_120 = vector.broadcast %broadcast_in_dim3A_119 : i32 to vector<16xi32>
    %broadcast_in_dim3A_121 = arith.constant -65536 : i32
    %broadcast_in_dim3A_122 = vector.broadcast %broadcast_in_dim3A_121 : i32 to vector<16xi32>
    %while3A = arith.constant 0 : i32
    %while3A_123 = arith.constant 0 : i32
    %while3A_124 = arith.subi %max3A_5, %while3A_123 : i32
    %while3A_125 = arith.addi %while3A_123, %while3A_124 : i32
    %while3A_126 = arith.constant 1 : i32
    %while3A_127 = arith.divsi %while3A_124, %while3A_126 : i32
    %while3A_128 = arith.muli %while3A_127, %while3A_126 : i32
    %while3A_129 = arith.addi %while3A_123, %while3A_128 : i32
    %while3A_130 = arith.constant 1 : i32
    scf.for %while3A_232 = %while3A_123 to %while3A_129 step %while3A_130  : i32 {
      %add3A_233 = arith.constant 2 : i32
      %add3A_234 = arith.addi %while3A_232, %add3A_233 : i32
      %lt3A_235 = arith.cmpi slt, %add3A_234, %max3A_5 : i32
      %convert_element_type3A_236 = arith.extui %lt3A_235 : i1 to i32
      %cond3A_237 = arith.constant 0 : i32
      %cond3A_238 = arith.cmpi ne, %convert_element_type3A_236, %cond3A_237 : i32
      scf.if %cond3A_238 {
        %add3A_592 = arith.constant 2 : i32
        %add3A_593 = arith.addi %while3A_232, %add3A_592 : i32
        %add3A_594 = arith.addi %mul3A_2, %add3A_593 : i32
        %mul3A_595 = arith.constant 160 : i32
        %mul3A_596 = arith.muli %add3A_594, %mul3A_595 : i32
        %add3A_597 = arith.constant 0 : i32
        %add3A_598 = arith.addi %mul3A_596, %add3A_597 : i32
        %jit3A_599 = arith.constant 3 : i32
        %eq3A_600 = arith.constant 0 : i32
        %eq3A_601 = arith.cmpi eq, %jit3A_599, %eq3A_600 : i32
        %jit3A_602 = arith.constant 1 : i32
        %select_n3A_603 = arith.select %eq3A_601, %jit3A_602, %jit3A_599 : i32
        %rem3A_604 = arith.remsi %add3A_593, %select_n3A_603 : i32
        %ne3A_605 = arith.constant 0 : i32
        %ne3A_606 = arith.cmpi ne, %rem3A_604, %ne3A_605 : i32
        %lt3A_607 = arith.constant 0 : i32
        %lt3A_608 = arith.cmpi slt, %rem3A_604, %lt3A_607 : i32
        %lt3A_609 = arith.constant 0 : i32
        %lt3A_610 = arith.cmpi slt, %select_n3A_603, %lt3A_609 : i32
        %ne3A_611 = arith.xori %lt3A_608, %lt3A_610 : i1
        %and3A_612 = arith.andi %ne3A_611, %ne3A_606 : i1
        %add3A_613 = arith.addi %rem3A_604, %select_n3A_603 : i32
        %select_n3A_614 = arith.select %and3A_612, %add3A_613, %rem3A_604 : i32
        %jit3A_615 = arith.constant 3 : i32
        %eq3A_616 = arith.constant 0 : i32
        %eq3A_617 = arith.cmpi eq, %jit3A_615, %eq3A_616 : i32
        %jit3A_618 = arith.constant 1 : i32
        %select_n3A_619 = arith.select %eq3A_617, %jit3A_618, %jit3A_615 : i32
        %rem3A_620 = arith.remsi %add3A_593, %select_n3A_619 : i32
        %ne3A_621 = arith.constant 0 : i32
        %ne3A_622 = arith.cmpi ne, %rem3A_620, %ne3A_621 : i32
        %lt3A_623 = arith.constant 0 : i32
        %lt3A_624 = arith.cmpi slt, %rem3A_620, %lt3A_623 : i32
        %lt3A_625 = arith.constant 0 : i32
        %lt3A_626 = arith.cmpi slt, %select_n3A_619, %lt3A_625 : i32
        %ne3A_627 = arith.xori %lt3A_624, %lt3A_626 : i1
        %and3A_628 = arith.andi %ne3A_627, %ne3A_622 : i1
        %add3A_629 = arith.addi %rem3A_620, %select_n3A_619 : i32
        %select_n3A_630 = arith.select %and3A_628, %add3A_629, %rem3A_620 : i32
        %dma_start3A_631 = arith.constant 0 : i32
        %dma_start3A_632 = arith.constant 0 : i32
        %dma_start3A_633 = tpu.memref_slice %arg8[%select_n3A_614, %dma_start3A_631, %dma_start3A_632] : memref<3x160x128xf32, #tpu.memory_space<vmem>> -> memref<1x80x128xf32, #tpu.memory_space<vmem>>
        %dma_start3A_634 = tpu.memref_squeeze %dma_start3A_633 : memref<1x80x128xf32, #tpu.memory_space<vmem>> -> memref<80x128xf32, #tpu.memory_space<vmem>>
        %dma_start3A_635 = arith.constant 0 : i32
        %dma_start3A_636 = tpu.memref_slice %arg3[%add3A_598, %dma_start3A_635] : memref<100000x128xf32, #tpu.memory_space<hbm>> -> memref<80x128xf32, #tpu.memory_space<hbm>>
        %dma_start3A_637 = tpu.memref_slice %arg11[%select_n3A_630] : memref<3x!tpu.dma_semaphore, #tpu.memory_space<semaphore_mem>> -> memref<1x!tpu.dma_semaphore, #tpu.memory_space<semaphore_mem>>
        %dma_start3A_638 = tpu.memref_squeeze %dma_start3A_637 : memref<1x!tpu.dma_semaphore, #tpu.memory_space<semaphore_mem>> -> memref<!tpu.dma_semaphore, #tpu.memory_space<semaphore_mem>>
        %dma_start3A_639 = arith.constant 0 : i32
        %dma_start3A_640 = arith.constant 0 : i32
        %dma_start3A_641 = tpu.memref_slice %arg8[%select_n3A_614, %dma_start3A_639, %dma_start3A_640] : memref<3x160x128xf32, #tpu.memory_space<vmem>> -> memref<1x80x128xf32, #tpu.memory_space<vmem>>
        %dma_start3A_642 = tpu.memref_squeeze %dma_start3A_641 : memref<1x80x128xf32, #tpu.memory_space<vmem>> -> memref<80x128xf32, #tpu.memory_space<vmem>>
        %dma_start3A_643 = arith.constant 0 : i32
        %dma_start3A_644 = tpu.memref_slice %arg3[%add3A_598, %dma_start3A_643] : memref<100000x128xf32, #tpu.memory_space<hbm>> -> memref<80x128xf32, #tpu.memory_space<hbm>>
        tpu.enqueue_dma source(%dma_start3A_644 : memref<80x128xf32, #tpu.memory_space<hbm>>) target(%dma_start3A_642 : memref<80x128xf32, #tpu.memory_space<vmem>>) target_semaphore(%dma_start3A_638 : memref<!tpu.dma_semaphore, #tpu.memory_space<semaphore_mem>>)
        %add3A_645 = arith.addi %mul3A_2, %add3A_593 : i32
        %mul3A_646 = arith.constant 160 : i32
        %mul3A_647 = arith.muli %add3A_645, %mul3A_646 : i32
        %add3A_648 = arith.constant 80 : i32
        %add3A_649 = arith.addi %mul3A_647, %add3A_648 : i32
        %jit3A_650 = arith.constant 3 : i32
        %eq3A_651 = arith.constant 0 : i32
        %eq3A_652 = arith.cmpi eq, %jit3A_650, %eq3A_651 : i32
        %jit3A_653 = arith.constant 1 : i32
        %select_n3A_654 = arith.select %eq3A_652, %jit3A_653, %jit3A_650 : i32
        %rem3A_655 = arith.remsi %add3A_593, %select_n3A_654 : i32
        %ne3A_656 = arith.constant 0 : i32
        %ne3A_657 = arith.cmpi ne, %rem3A_655, %ne3A_656 : i32
        %lt3A_658 = arith.constant 0 : i32
        %lt3A_659 = arith.cmpi slt, %rem3A_655, %lt3A_658 : i32
        %lt3A_660 = arith.constant 0 : i32
        %lt3A_661 = arith.cmpi slt, %select_n3A_654, %lt3A_660 : i32
        %ne3A_662 = arith.xori %lt3A_659, %lt3A_661 : i1
        %and3A_663 = arith.andi %ne3A_662, %ne3A_657 : i1
        %add3A_664 = arith.addi %rem3A_655, %select_n3A_654 : i32
        %select_n3A_665 = arith.select %and3A_663, %add3A_664, %rem3A_655 : i32
        %jit3A_666 = arith.constant 3 : i32
        %eq3A_667 = arith.constant 0 : i32
        %eq3A_668 = arith.cmpi eq, %jit3A_666, %eq3A_667 : i32
        %jit3A_669 = arith.constant 1 : i32
        %select_n3A_670 = arith.select %eq3A_668, %jit3A_669, %jit3A_666 : i32
        %rem3A_671 = arith.remsi %add3A_593, %select_n3A_670 : i32
        %ne3A_672 = arith.constant 0 : i32
        %ne3A_673 = arith.cmpi ne, %rem3A_671, %ne3A_672 : i32
        %lt3A_674 = arith.constant 0 : i32
        %lt3A_675 = arith.cmpi slt, %rem3A_671, %lt3A_674 : i32
        %lt3A_676 = arith.constant 0 : i32
        %lt3A_677 = arith.cmpi slt, %select_n3A_670, %lt3A_676 : i32
        %ne3A_678 = arith.xori %lt3A_675, %lt3A_677 : i1
        %and3A_679 = arith.andi %ne3A_678, %ne3A_673 : i1
        %add3A_680 = arith.addi %rem3A_671, %select_n3A_670 : i32
        %select_n3A_681 = arith.select %and3A_679, %add3A_680, %rem3A_671 : i32
        %dma_start3A_682 = arith.constant 80 : i32
        %dma_start3A_683 = arith.constant 0 : i32
        %dma_start3A_684 = tpu.memref_slice %arg8[%select_n3A_665, %dma_start3A_682, %dma_start3A_683] : memref<3x160x128xf32, #tpu.memory_space<vmem>> -> memref<1x80x128xf32, #tpu.memory_space<vmem>>
        %dma_start3A_685 = tpu.memref_squeeze %dma_start3A_684 : memref<1x80x128xf32, #tpu.memory_space<vmem>> -> memref<80x128xf32, #tpu.memory_space<vmem>>
        %dma_start3A_686 = arith.constant 0 : i32
        %dma_start3A_687 = tpu.memref_slice %arg3[%add3A_649, %dma_start3A_686] : memref<100000x128xf32, #tpu.memory_space<hbm>> -> memref<80x128xf32, #tpu.memory_space<hbm>>
        %dma_start3A_688 = tpu.memref_slice %arg11[%select_n3A_681] : memref<3x!tpu.dma_semaphore, #tpu.memory_space<semaphore_mem>> -> memref<1x!tpu.dma_semaphore, #tpu.memory_space<semaphore_mem>>
        %dma_start3A_689 = tpu.memref_squeeze %dma_start3A_688 : memref<1x!tpu.dma_semaphore, #tpu.memory_space<semaphore_mem>> -> memref<!tpu.dma_semaphore, #tpu.memory_space<semaphore_mem>>
        %dma_start3A_690 = arith.constant 80 : i32
        %dma_start3A_691 = arith.constant 0 : i32
        %dma_start3A_692 = tpu.memref_slice %arg8[%select_n3A_665, %dma_start3A_690, %dma_start3A_691] : memref<3x160x128xf32, #tpu.memory_space<vmem>> -> memref<1x80x128xf32, #tpu.memory_space<vmem>>
        %dma_start3A_693 = tpu.memref_squeeze %dma_start3A_692 : memref<1x80x128xf32, #tpu.memory_space<vmem>> -> memref<80x128xf32, #tpu.memory_space<vmem>>
        %dma_start3A_694 = arith.constant 0 : i32
        %dma_start3A_695 = tpu.memref_slice %arg3[%add3A_649, %dma_start3A_694] : memref<100000x128xf32, #tpu.memory_space<hbm>> -> memref<80x128xf32, #tpu.memory_space<hbm>>
        tpu.enqueue_dma source(%dma_start3A_695 : memref<80x128xf32, #tpu.memory_space<hbm>>) target(%dma_start3A_693 : memref<80x128xf32, #tpu.memory_space<vmem>>) target_semaphore(%dma_start3A_689 : memref<!tpu.dma_semaphore, #tpu.memory_space<semaphore_mem>>)
      } else {
      }
      %ge3A_239 = arith.constant 2 : i32
      %ge3A_240 = arith.cmpi sge, %while3A_232, %ge3A_239 : i32
      %convert_element_type3A_241 = arith.extui %ge3A_240 : i1 to i32
      %cond3A_242 = arith.constant 0 : i32
      %cond3A_243 = arith.cmpi ne, %convert_element_type3A_241, %cond3A_242 : i32
      scf.if %cond3A_243 {
        %sub3A_592 = arith.constant 2 : i32
        %sub3A_593 = arith.subi %while3A_232, %sub3A_592 : i32
        %jit3A_594 = arith.constant 2 : i32
        %eq3A_595 = arith.constant 0 : i32
        %eq3A_596 = arith.cmpi eq, %jit3A_594, %eq3A_595 : i32
        %jit3A_597 = arith.constant 1 : i32
        %select_n3A_598 = arith.select %eq3A_596, %jit3A_597, %jit3A_594 : i32
        %rem3A_599 = arith.remsi %sub3A_593, %select_n3A_598 : i32
        %ne3A_600 = arith.constant 0 : i32
        %ne3A_601 = arith.cmpi ne, %rem3A_599, %ne3A_600 : i32
        %lt3A_602 = arith.constant 0 : i32
        %lt3A_603 = arith.cmpi slt, %rem3A_599, %lt3A_602 : i32
        %lt3A_604 = arith.constant 0 : i32
        %lt3A_605 = arith.cmpi slt, %select_n3A_598, %lt3A_604 : i32
        %ne3A_606 = arith.xori %lt3A_603, %lt3A_605 : i1
        %and3A_607 = arith.andi %ne3A_606, %ne3A_601 : i1
        %add3A_608 = arith.addi %rem3A_599, %select_n3A_598 : i32
        %select_n3A_609 = arith.select %and3A_607, %add3A_608, %rem3A_599 : i32
        %add3A_610 = arith.addi %mul3A_2, %sub3A_593 : i32
        %mul3A_611 = arith.constant 160 : i32
        %mul3A_612 = arith.muli %add3A_610, %mul3A_611 : i32
        %add3A_613 = arith.constant 0 : i32
        %add3A_614 = arith.addi %mul3A_612, %add3A_613 : i32
        %jit3A_615 = arith.constant 2 : i32
        %eq3A_616 = arith.constant 0 : i32
        %eq3A_617 = arith.cmpi eq, %jit3A_615, %eq3A_616 : i32
        %jit3A_618 = arith.constant 1 : i32
        %select_n3A_619 = arith.select %eq3A_617, %jit3A_618, %jit3A_615 : i32
        %rem3A_620 = arith.remsi %sub3A_593, %select_n3A_619 : i32
        %ne3A_621 = arith.constant 0 : i32
        %ne3A_622 = arith.cmpi ne, %rem3A_620, %ne3A_621 : i32
        %lt3A_623 = arith.constant 0 : i32
        %lt3A_624 = arith.cmpi slt, %rem3A_620, %lt3A_623 : i32
        %lt3A_625 = arith.constant 0 : i32
        %lt3A_626 = arith.cmpi slt, %select_n3A_619, %lt3A_625 : i32
        %ne3A_627 = arith.xori %lt3A_624, %lt3A_626 : i1
        %and3A_628 = arith.andi %ne3A_627, %ne3A_622 : i1
        %add3A_629 = arith.addi %rem3A_620, %select_n3A_619 : i32
        %select_n3A_630 = arith.select %and3A_628, %add3A_629, %rem3A_620 : i32
        %dma_wait3A_631 = arith.constant 0 : i32
        %dma_wait3A_632 = arith.constant 0 : i32
        %dma_wait3A_633 = tpu.memref_slice %arg9[%select_n3A_609, %dma_wait3A_631, %dma_wait3A_632] : memref<2x160x128xf32, #tpu.memory_space<vmem>> -> memref<1x80x128xf32, #tpu.memory_space<vmem>>
        %dma_wait3A_634 = tpu.memref_squeeze %dma_wait3A_633 : memref<1x80x128xf32, #tpu.memory_space<vmem>> -> memref<80x128xf32, #tpu.memory_space<vmem>>
        %dma_wait3A_635 = arith.constant 0 : i32
        %dma_wait3A_636 = tpu.memref_slice %arg5[%add3A_614, %dma_wait3A_635] : memref<100000x128xf32, #tpu.memory_space<hbm>> -> memref<80x128xf32, #tpu.memory_space<hbm>>
        %dma_wait3A_637 = tpu.memref_slice %arg12[%select_n3A_630] : memref<2x!tpu.dma_semaphore, #tpu.memory_space<semaphore_mem>> -> memref<1x!tpu.dma_semaphore, #tpu.memory_space<semaphore_mem>>
        %dma_wait3A_638 = tpu.memref_squeeze %dma_wait3A_637 : memref<1x!tpu.dma_semaphore, #tpu.memory_space<semaphore_mem>> -> memref<!tpu.dma_semaphore, #tpu.memory_space<semaphore_mem>>
        %dma_wait3A_639 = arith.constant 0 : i32
        %dma_wait3A_640 = tpu.memref_slice %arg5[%add3A_614, %dma_wait3A_639] : memref<100000x128xf32, #tpu.memory_space<hbm>> -> memref<80x128xf32, #tpu.memory_space<hbm>>
        %dma_wait3A_641 = arith.constant 0 : i32
        %dma_wait3A_642 = arith.constant 0 : i32
        %dma_wait3A_643 = tpu.memref_slice %arg9[%select_n3A_609, %dma_wait3A_641, %dma_wait3A_642] : memref<2x160x128xf32, #tpu.memory_space<vmem>> -> memref<1x80x128xf32, #tpu.memory_space<vmem>>
        %dma_wait3A_644 = tpu.memref_squeeze %dma_wait3A_643 : memref<1x80x128xf32, #tpu.memory_space<vmem>> -> memref<80x128xf32, #tpu.memory_space<vmem>>
        tpu.wait_dma2 semaphore(%dma_wait3A_638 : memref<!tpu.dma_semaphore, #tpu.memory_space<semaphore_mem>>) src(%dma_wait3A_644 : memref<80x128xf32, #tpu.memory_space<vmem>>) dst(%dma_wait3A_640 : memref<80x128xf32, #tpu.memory_space<hbm>>)
        %jit3A_645 = arith.constant 2 : i32
        %eq3A_646 = arith.constant 0 : i32
        %eq3A_647 = arith.cmpi eq, %jit3A_645, %eq3A_646 : i32
        %jit3A_648 = arith.constant 1 : i32
        %select_n3A_649 = arith.select %eq3A_647, %jit3A_648, %jit3A_645 : i32
        %rem3A_650 = arith.remsi %sub3A_593, %select_n3A_649 : i32
        %ne3A_651 = arith.constant 0 : i32
        %ne3A_652 = arith.cmpi ne, %rem3A_650, %ne3A_651 : i32
        %lt3A_653 = arith.constant 0 : i32
        %lt3A_654 = arith.cmpi slt, %rem3A_650, %lt3A_653 : i32
        %lt3A_655 = arith.constant 0 : i32
        %lt3A_656 = arith.cmpi slt, %select_n3A_649, %lt3A_655 : i32
        %ne3A_657 = arith.xori %lt3A_654, %lt3A_656 : i1
        %and3A_658 = arith.andi %ne3A_657, %ne3A_652 : i1
        %add3A_659 = arith.addi %rem3A_650, %select_n3A_649 : i32
        %select_n3A_660 = arith.select %and3A_658, %add3A_659, %rem3A_650 : i32
        %add3A_661 = arith.addi %mul3A_2, %sub3A_593 : i32
        %mul3A_662 = arith.constant 160 : i32
        %mul3A_663 = arith.muli %add3A_661, %mul3A_662 : i32
        %add3A_664 = arith.constant 80 : i32
        %add3A_665 = arith.addi %mul3A_663, %add3A_664 : i32
        %jit3A_666 = arith.constant 2 : i32
        %eq3A_667 = arith.constant 0 : i32
        %eq3A_668 = arith.cmpi eq, %jit3A_666, %eq3A_667 : i32
        %jit3A_669 = arith.constant 1 : i32
        %select_n3A_670 = arith.select %eq3A_668, %jit3A_669, %jit3A_666 : i32
        %rem3A_671 = arith.remsi %sub3A_593, %select_n3A_670 : i32
        %ne3A_672 = arith.constant 0 : i32
        %ne3A_673 = arith.cmpi ne, %rem3A_671, %ne3A_672 : i32
        %lt3A_674 = arith.constant 0 : i32
        %lt3A_675 = arith.cmpi slt, %rem3A_671, %lt3A_674 : i32
        %lt3A_676 = arith.constant 0 : i32
        %lt3A_677 = arith.cmpi slt, %select_n3A_670, %lt3A_676 : i32
        %ne3A_678 = arith.xori %lt3A_675, %lt3A_677 : i1
        %and3A_679 = arith.andi %ne3A_678, %ne3A_673 : i1
        %add3A_680 = arith.addi %rem3A_671, %select_n3A_670 : i32
        %select_n3A_681 = arith.select %and3A_679, %add3A_680, %rem3A_671 : i32
        %dma_wait3A_682 = arith.constant 80 : i32
        %dma_wait3A_683 = arith.constant 0 : i32
        %dma_wait3A_684 = tpu.memref_slice %arg9[%select_n3A_660, %dma_wait3A_682, %dma_wait3A_683] : memref<2x160x128xf32, #tpu.memory_space<vmem>> -> memref<1x80x128xf32, #tpu.memory_space<vmem>>
        %dma_wait3A_685 = tpu.memref_squeeze %dma_wait3A_684 : memref<1x80x128xf32, #tpu.memory_space<vmem>> -> memref<80x128xf32, #tpu.memory_space<vmem>>
        %dma_wait3A_686 = arith.constant 0 : i32
        %dma_wait3A_687 = tpu.memref_slice %arg5[%add3A_665, %dma_wait3A_686] : memref<100000x128xf32, #tpu.memory_space<hbm>> -> memref<80x128xf32, #tpu.memory_space<hbm>>
        %dma_wait3A_688 = tpu.memref_slice %arg12[%select_n3A_681] : memref<2x!tpu.dma_semaphore, #tpu.memory_space<semaphore_mem>> -> memref<1x!tpu.dma_semaphore, #tpu.memory_space<semaphore_mem>>
        %dma_wait3A_689 = tpu.memref_squeeze %dma_wait3A_688 : memref<1x!tpu.dma_semaphore, #tpu.memory_space<semaphore_mem>> -> memref<!tpu.dma_semaphore, #tpu.memory_space<semaphore_mem>>
        %dma_wait3A_690 = arith.constant 0 : i32
        %dma_wait3A_691 = tpu.memref_slice %arg5[%add3A_665, %dma_wait3A_690] : memref<100000x128xf32, #tpu.memory_space<hbm>> -> memref<80x128xf32, #tpu.memory_space<hbm>>
        %dma_wait3A_692 = arith.constant 80 : i32
        %dma_wait3A_693 = arith.constant 0 : i32
        %dma_wait3A_694 = tpu.memref_slice %arg9[%select_n3A_660, %dma_wait3A_692, %dma_wait3A_693] : memref<2x160x128xf32, #tpu.memory_space<vmem>> -> memref<1x80x128xf32, #tpu.memory_space<vmem>>
        %dma_wait3A_695 = tpu.memref_squeeze %dma_wait3A_694 : memref<1x80x128xf32, #tpu.memory_space<vmem>> -> memref<80x128xf32, #tpu.memory_space<vmem>>
        tpu.wait_dma2 semaphore(%dma_wait3A_689 : memref<!tpu.dma_semaphore, #tpu.memory_space<semaphore_mem>>) src(%dma_wait3A_695 : memref<80x128xf32, #tpu.memory_space<vmem>>) dst(%dma_wait3A_691 : memref<80x128xf32, #tpu.memory_space<hbm>>)
      } else {
      }
      %add3A_244 = arith.addi %mul3A_2, %while3A_232 : i32
      %mul3A_245 = arith.constant 160 : i32
      %mul3A_246 = arith.muli %add3A_244, %mul3A_245 : i32
      %add3A_247 = arith.constant 0 : i32
      %add3A_248 = arith.addi %mul3A_246, %add3A_247 : i32
      %jit3A_249 = arith.constant 2 : i32
      %eq3A_250 = arith.constant 0 : i32
      %eq3A_251 = arith.cmpi eq, %jit3A_249, %eq3A_250 : i32
      %jit3A_252 = arith.constant 1 : i32
      %select_n3A_253 = arith.select %eq3A_251, %jit3A_252, %jit3A_249 : i32
      %rem3A_254 = arith.remsi %while3A_232, %select_n3A_253 : i32
      %ne3A_255 = arith.constant 0 : i32
      %ne3A_256 = arith.cmpi ne, %rem3A_254, %ne3A_255 : i32
      %lt3A_257 = arith.constant 0 : i32
      %lt3A_258 = arith.cmpi slt, %rem3A_254, %lt3A_257 : i32
      %lt3A_259 = arith.constant 0 : i32
      %lt3A_260 = arith.cmpi slt, %select_n3A_253, %lt3A_259 : i32
      %ne3A_261 = arith.xori %lt3A_258, %lt3A_260 : i1
      %and3A_262 = arith.andi %ne3A_261, %ne3A_256 : i1
      %add3A_263 = arith.addi %rem3A_254, %select_n3A_253 : i32
      %select_n3A_264 = arith.select %and3A_262, %add3A_263, %rem3A_254 : i32
      %jit3A_265 = arith.constant 2 : i32
      %eq3A_266 = arith.constant 0 : i32
      %eq3A_267 = arith.cmpi eq, %jit3A_265, %eq3A_266 : i32
      %jit3A_268 = arith.constant 1 : i32
      %select_n3A_269 = arith.select %eq3A_267, %jit3A_268, %jit3A_265 : i32
      %rem3A_270 = arith.remsi %while3A_232, %select_n3A_269 : i32
      %ne3A_271 = arith.constant 0 : i32
      %ne3A_272 = arith.cmpi ne, %rem3A_270, %ne3A_271 : i32
      %lt3A_273 = arith.constant 0 : i32
      %lt3A_274 = arith.cmpi slt, %rem3A_270, %lt3A_273 : i32
      %lt3A_275 = arith.constant 0 : i32
      %lt3A_276 = arith.cmpi slt, %select_n3A_269, %lt3A_275 : i32
      %ne3A_277 = arith.xori %lt3A_274, %lt3A_276 : i1
      %and3A_278 = arith.andi %ne3A_277, %ne3A_272 : i1
      %add3A_279 = arith.addi %rem3A_270, %select_n3A_269 : i32
      %select_n3A_280 = arith.select %and3A_278, %add3A_279, %rem3A_270 : i32
      %dma_wait3A_281 = arith.constant 0 : i32
      %dma_wait3A_282 = arith.constant 0 : i32
      %dma_wait3A_283 = tpu.memref_slice %arg7[%select_n3A_264, %dma_wait3A_281, %dma_wait3A_282] : memref<2x2x80xi32, #tpu.memory_space<vmem>> -> memref<1x1x80xi32, #tpu.memory_space<vmem>>
      %dma_wait3A_284 = tpu.memref_squeeze %dma_wait3A_283 : memref<1x1x80xi32, #tpu.memory_space<vmem>> -> memref<80xi32, #tpu.memory_space<vmem>>
      %dma_wait3A_285 = tpu.memref_slice %arg4[%add3A_248] : memref<100000xi32, #tpu.memory_space<hbm>> -> memref<80xi32, #tpu.memory_space<hbm>>
      %dma_wait3A_286 = tpu.memref_slice %arg10[%select_n3A_280] : memref<2x!tpu.dma_semaphore, #tpu.memory_space<semaphore_mem>> -> memref<1x!tpu.dma_semaphore, #tpu.memory_space<semaphore_mem>>
      %dma_wait3A_287 = tpu.memref_squeeze %dma_wait3A_286 : memref<1x!tpu.dma_semaphore, #tpu.memory_space<semaphore_mem>> -> memref<!tpu.dma_semaphore, #tpu.memory_space<semaphore_mem>>
      %dma_wait3A_288 = arith.constant 0 : i32
      %dma_wait3A_289 = tpu.memref_slice %arg7[%select_n3A_264, %dma_wait3A_281, %dma_wait3A_288] : memref<2x2x80xi32, #tpu.memory_space<vmem>> -> memref<1x1x80xi32, #tpu.memory_space<vmem>>
      %dma_wait3A_290 = tpu.memref_squeeze %dma_wait3A_289 : memref<1x1x80xi32, #tpu.memory_space<vmem>> -> memref<80xi32, #tpu.memory_space<vmem>>
      %dma_wait3A_291 = tpu.memref_slice %arg4[%add3A_248] : memref<100000xi32, #tpu.memory_space<hbm>> -> memref<80xi32, #tpu.memory_space<hbm>>
      tpu.wait_dma2 semaphore(%dma_wait3A_287 : memref<!tpu.dma_semaphore, #tpu.memory_space<semaphore_mem>>) src(%dma_wait3A_291 : memref<80xi32, #tpu.memory_space<hbm>>) dst(%dma_wait3A_290 : memref<80xi32, #tpu.memory_space<vmem>>)
      %add3A_292 = arith.addi %mul3A_2, %while3A_232 : i32
      %mul3A_293 = arith.constant 160 : i32
      %mul3A_294 = arith.muli %add3A_292, %mul3A_293 : i32
      %add3A_295 = arith.constant 80 : i32
      %add3A_296 = arith.addi %mul3A_294, %add3A_295 : i32
      %jit3A_297 = arith.constant 2 : i32
      %eq3A_298 = arith.constant 0 : i32
      %eq3A_299 = arith.cmpi eq, %jit3A_297, %eq3A_298 : i32
      %jit3A_300 = arith.constant 1 : i32
      %select_n3A_301 = arith.select %eq3A_299, %jit3A_300, %jit3A_297 : i32
      %rem3A_302 = arith.remsi %while3A_232, %select_n3A_301 : i32
      %ne3A_303 = arith.constant 0 : i32
      %ne3A_304 = arith.cmpi ne, %rem3A_302, %ne3A_303 : i32
      %lt3A_305 = arith.constant 0 : i32
      %lt3A_306 = arith.cmpi slt, %rem3A_302, %lt3A_305 : i32
      %lt3A_307 = arith.constant 0 : i32
      %lt3A_308 = arith.cmpi slt, %select_n3A_301, %lt3A_307 : i32
      %ne3A_309 = arith.xori %lt3A_306, %lt3A_308 : i1
      %and3A_310 = arith.andi %ne3A_309, %ne3A_304 : i1
      %add3A_311 = arith.addi %rem3A_302, %select_n3A_301 : i32
      %select_n3A_312 = arith.select %and3A_310, %add3A_311, %rem3A_302 : i32
      %jit3A_313 = arith.constant 2 : i32
      %eq3A_314 = arith.constant 0 : i32
      %eq3A_315 = arith.cmpi eq, %jit3A_313, %eq3A_314 : i32
      %jit3A_316 = arith.constant 1 : i32
      %select_n3A_317 = arith.select %eq3A_315, %jit3A_316, %jit3A_313 : i32
      %rem3A_318 = arith.remsi %while3A_232, %select_n3A_317 : i32
      %ne3A_319 = arith.constant 0 : i32
      %ne3A_320 = arith.cmpi ne, %rem3A_318, %ne3A_319 : i32
      %lt3A_321 = arith.constant 0 : i32
      %lt3A_322 = arith.cmpi slt, %rem3A_318, %lt3A_321 : i32
      %lt3A_323 = arith.constant 0 : i32
      %lt3A_324 = arith.cmpi slt, %select_n3A_317, %lt3A_323 : i32
      %ne3A_325 = arith.xori %lt3A_322, %lt3A_324 : i1
      %and3A_326 = arith.andi %ne3A_325, %ne3A_320 : i1
      %add3A_327 = arith.addi %rem3A_318, %select_n3A_317 : i32
      %select_n3A_328 = arith.select %and3A_326, %add3A_327, %rem3A_318 : i32
      %dma_wait3A_329 = arith.constant 1 : i32
      %dma_wait3A_330 = arith.constant 0 : i32
      %dma_wait3A_331 = tpu.memref_slice %arg7[%select_n3A_312, %dma_wait3A_329, %dma_wait3A_330] : memref<2x2x80xi32, #tpu.memory_space<vmem>> -> memref<1x1x80xi32, #tpu.memory_space<vmem>>
      %dma_wait3A_332 = tpu.memref_squeeze %dma_wait3A_331 : memref<1x1x80xi32, #tpu.memory_space<vmem>> -> memref<80xi32, #tpu.memory_space<vmem>>
      %dma_wait3A_333 = tpu.memref_slice %arg4[%add3A_296] : memref<100000xi32, #tpu.memory_space<hbm>> -> memref<80xi32, #tpu.memory_space<hbm>>
      %dma_wait3A_334 = tpu.memref_slice %arg10[%select_n3A_328] : memref<2x!tpu.dma_semaphore, #tpu.memory_space<semaphore_mem>> -> memref<1x!tpu.dma_semaphore, #tpu.memory_space<semaphore_mem>>
      %dma_wait3A_335 = tpu.memref_squeeze %dma_wait3A_334 : memref<1x!tpu.dma_semaphore, #tpu.memory_space<semaphore_mem>> -> memref<!tpu.dma_semaphore, #tpu.memory_space<semaphore_mem>>
      %dma_wait3A_336 = arith.constant 0 : i32
      %dma_wait3A_337 = tpu.memref_slice %arg7[%select_n3A_312, %dma_wait3A_329, %dma_wait3A_336] : memref<2x2x80xi32, #tpu.memory_space<vmem>> -> memref<1x1x80xi32, #tpu.memory_space<vmem>>
      %dma_wait3A_338 = tpu.memref_squeeze %dma_wait3A_337 : memref<1x1x80xi32, #tpu.memory_space<vmem>> -> memref<80xi32, #tpu.memory_space<vmem>>
      %dma_wait3A_339 = tpu.memref_slice %arg4[%add3A_296] : memref<100000xi32, #tpu.memory_space<hbm>> -> memref<80xi32, #tpu.memory_space<hbm>>
      tpu.wait_dma2 semaphore(%dma_wait3A_335 : memref<!tpu.dma_semaphore, #tpu.memory_space<semaphore_mem>>) src(%dma_wait3A_339 : memref<80xi32, #tpu.memory_space<hbm>>) dst(%dma_wait3A_338 : memref<80xi32, #tpu.memory_space<vmem>>)
      %jit3A_340 = arith.constant 2 : i32
      %eq3A_341 = arith.constant 0 : i32
      %eq3A_342 = arith.cmpi eq, %jit3A_340, %eq3A_341 : i32
      %jit3A_343 = arith.constant 1 : i32
      %select_n3A_344 = arith.select %eq3A_342, %jit3A_343, %jit3A_340 : i32
      %rem3A_345 = arith.remsi %while3A_232, %select_n3A_344 : i32
      %ne3A_346 = arith.constant 0 : i32
      %ne3A_347 = arith.cmpi ne, %rem3A_345, %ne3A_346 : i32
      %lt3A_348 = arith.constant 0 : i32
      %lt3A_349 = arith.cmpi slt, %rem3A_345, %lt3A_348 : i32
      %lt3A_350 = arith.constant 0 : i32
      %lt3A_351 = arith.cmpi slt, %select_n3A_344, %lt3A_350 : i32
      %ne3A_352 = arith.xori %lt3A_349, %lt3A_351 : i1
      %and3A_353 = arith.andi %ne3A_352, %ne3A_347 : i1
      %add3A_354 = arith.addi %rem3A_345, %select_n3A_344 : i32
      %select_n3A_355 = arith.select %and3A_353, %add3A_354, %rem3A_345 : i32
      %broadcast_in_dim3A_356 = vector.broadcast %select_n3A_355 : i32 to vector<16xi32>
      %jit3A_357 = arith.constant 3 : i32
      %eq3A_358 = arith.constant 0 : i32
      %eq3A_359 = arith.cmpi eq, %jit3A_357, %eq3A_358 : i32
      %jit3A_360 = arith.constant 1 : i32
      %select_n3A_361 = arith.select %eq3A_359, %jit3A_360, %jit3A_357 : i32
      %rem3A_362 = arith.remsi %while3A_232, %select_n3A_361 : i32
      %ne3A_363 = arith.constant 0 : i32
      %ne3A_364 = arith.cmpi ne, %rem3A_362, %ne3A_363 : i32
      %lt3A_365 = arith.constant 0 : i32
      %lt3A_366 = arith.cmpi slt, %rem3A_362, %lt3A_365 : i32
      %lt3A_367 = arith.constant 0 : i32
      %lt3A_368 = arith.cmpi slt, %select_n3A_361, %lt3A_367 : i32
      %ne3A_369 = arith.xori %lt3A_366, %lt3A_368 : i1
      %and3A_370 = arith.andi %ne3A_369, %ne3A_364 : i1
      %add3A_371 = arith.addi %rem3A_362, %select_n3A_361 : i32
      %select_n3A_372 = arith.select %and3A_370, %add3A_371, %rem3A_362 : i32
      %add3A_373 = arith.addi %mul3A_2, %while3A_232 : i32
      %mul3A_374 = arith.constant 160 : i32
      %mul3A_375 = arith.muli %add3A_373, %mul3A_374 : i32
      %add3A_376 = arith.constant 0 : i32
      %add3A_377 = arith.addi %mul3A_375, %add3A_376 : i32
      %jit3A_378 = arith.constant 3 : i32
      %eq3A_379 = arith.constant 0 : i32
      %eq3A_380 = arith.cmpi eq, %jit3A_378, %eq3A_379 : i32
      %jit3A_381 = arith.constant 1 : i32
      %select_n3A_382 = arith.select %eq3A_380, %jit3A_381, %jit3A_378 : i32
      %rem3A_383 = arith.remsi %while3A_232, %select_n3A_382 : i32
      %ne3A_384 = arith.constant 0 : i32
      %ne3A_385 = arith.cmpi ne, %rem3A_383, %ne3A_384 : i32
      %lt3A_386 = arith.constant 0 : i32
      %lt3A_387 = arith.cmpi slt, %rem3A_383, %lt3A_386 : i32
      %lt3A_388 = arith.constant 0 : i32
      %lt3A_389 = arith.cmpi slt, %select_n3A_382, %lt3A_388 : i32
      %ne3A_390 = arith.xori %lt3A_387, %lt3A_389 : i1
      %and3A_391 = arith.andi %ne3A_390, %ne3A_385 : i1
      %add3A_392 = arith.addi %rem3A_383, %select_n3A_382 : i32
      %select_n3A_393 = arith.select %and3A_391, %add3A_392, %rem3A_383 : i32
      %jit3A_394 = arith.constant 3 : i32
      %eq3A_395 = arith.constant 0 : i32
      %eq3A_396 = arith.cmpi eq, %jit3A_394, %eq3A_395 : i32
      %jit3A_397 = arith.constant 1 : i32
      %select_n3A_398 = arith.select %eq3A_396, %jit3A_397, %jit3A_394 : i32
      %rem3A_399 = arith.remsi %while3A_232, %select_n3A_398 : i32
      %ne3A_400 = arith.constant 0 : i32
      %ne3A_401 = arith.cmpi ne, %rem3A_399, %ne3A_400 : i32
      %lt3A_402 = arith.constant 0 : i32
      %lt3A_403 = arith.cmpi slt, %rem3A_399, %lt3A_402 : i32
      %lt3A_404 = arith.constant 0 : i32
      %lt3A_405 = arith.cmpi slt, %select_n3A_398, %lt3A_404 : i32
      %ne3A_406 = arith.xori %lt3A_403, %lt3A_405 : i1
      %and3A_407 = arith.andi %ne3A_406, %ne3A_401 : i1
      %add3A_408 = arith.addi %rem3A_399, %select_n3A_398 : i32
      %select_n3A_409 = arith.select %and3A_407, %add3A_408, %rem3A_399 : i32
      %dma_wait3A_410 = arith.constant 0 : i32
      %dma_wait3A_411 = arith.constant 0 : i32
      %dma_wait3A_412 = tpu.memref_slice %arg8[%select_n3A_393, %dma_wait3A_410, %dma_wait3A_411] : memref<3x160x128xf32, #tpu.memory_space<vmem>> -> memref<1x80x128xf32, #tpu.memory_space<vmem>>
      %dma_wait3A_413 = tpu.memref_squeeze %dma_wait3A_412 : memref<1x80x128xf32, #tpu.memory_space<vmem>> -> memref<80x128xf32, #tpu.memory_space<vmem>>
      %dma_wait3A_414 = arith.constant 0 : i32
      %dma_wait3A_415 = tpu.memref_slice %arg3[%add3A_377, %dma_wait3A_414] : memref<100000x128xf32, #tpu.memory_space<hbm>> -> memref<80x128xf32, #tpu.memory_space<hbm>>
      %dma_wait3A_416 = tpu.memref_slice %arg11[%select_n3A_409] : memref<3x!tpu.dma_semaphore, #tpu.memory_space<semaphore_mem>> -> memref<1x!tpu.dma_semaphore, #tpu.memory_space<semaphore_mem>>
      %dma_wait3A_417 = tpu.memref_squeeze %dma_wait3A_416 : memref<1x!tpu.dma_semaphore, #tpu.memory_space<semaphore_mem>> -> memref<!tpu.dma_semaphore, #tpu.memory_space<semaphore_mem>>
      %dma_wait3A_418 = arith.constant 0 : i32
      %dma_wait3A_419 = arith.constant 0 : i32
      %dma_wait3A_420 = tpu.memref_slice %arg8[%select_n3A_393, %dma_wait3A_418, %dma_wait3A_419] : memref<3x160x128xf32, #tpu.memory_space<vmem>> -> memref<1x80x128xf32, #tpu.memory_space<vmem>>
      %dma_wait3A_421 = tpu.memref_squeeze %dma_wait3A_420 : memref<1x80x128xf32, #tpu.memory_space<vmem>> -> memref<80x128xf32, #tpu.memory_space<vmem>>
      %dma_wait3A_422 = arith.constant 0 : i32
      %dma_wait3A_423 = tpu.memref_slice %arg3[%add3A_377, %dma_wait3A_422] : memref<100000x128xf32, #tpu.memory_space<hbm>> -> memref<80x128xf32, #tpu.memory_space<hbm>>
      tpu.wait_dma2 semaphore(%dma_wait3A_417 : memref<!tpu.dma_semaphore, #tpu.memory_space<semaphore_mem>>) src(%dma_wait3A_423 : memref<80x128xf32, #tpu.memory_space<hbm>>) dst(%dma_wait3A_421 : memref<80x128xf32, #tpu.memory_space<vmem>>)
      %broadcast_in_dim3A_424 = arith.constant 0 : i32
      %broadcast_in_dim3A_425 = vector.broadcast %broadcast_in_dim3A_424 : i32 to vector<16xi32>
      %parallel_loop3A = arith.constant 0 : i32
      %parallel_loop3A_426 = arith.constant 80 : i32
      %parallel_loop3A_427 = arith.constant 1 : i32
      scf.for %parallel_loop3A_592 = %parallel_loop3A to %parallel_loop3A_426 step %parallel_loop3A_427  : i32 {
        %parallel_loop3A_593 = vector.broadcast %parallel_loop3A_592 : i32 to vector<16xi32>
        %parallel_loop3A_594 = tpu.vector_load_idx %arg7[%broadcast_in_dim3A_356, %broadcast_in_dim3A_425, %parallel_loop3A_593] : memref<2x2x80xi32, #tpu.memory_space<vmem>>[vector<16xi32>, vector<16xi32>, vector<16xi32>], vector<16xi32>,
        %parallel_loop3A_595 = arith.constant 0 : i32
        %parallel_loop3A_596 = arith.addi %parallel_loop3A_592, %parallel_loop3A_595 : i32
        %parallel_loop3A_597 = tpu.vector_load_idx %arg6[%parallel_loop3A_594, %add3A_90] : memref<100x128xi32, #tpu.memory_space<vmem>>[vector<16xi32>, vector<16xi32>], vector<16xi32>,
        %parallel_loop3A_598 = arith.shli %parallel_loop3A_597, %broadcast_in_dim3A_120 : vector<16xi32>
        %parallel_loop3A_599 = vector.bitcast %parallel_loop3A_598 : vector<16xi32> to vector<16xf32>
        %parallel_loop3A_600 = arith.andi %parallel_loop3A_597, %broadcast_in_dim3A_122 : vector<16xi32>
        %parallel_loop3A_601 = vector.bitcast %parallel_loop3A_600 : vector<16xi32> to vector<16xf32>
        %parallel_loop3A_602 = arith.constant 0 : i32
        %parallel_loop3A_603 = arith.constant 0 : i32
        %parallel_loop3A_604 = tpu.memref_slice %arg8[%select_n3A_372, %parallel_loop3A_602, %parallel_loop3A_603] : memref<3x160x128xf32, #tpu.memory_space<vmem>> -> memref<1x160x128xf32, #tpu.memory_space<vmem>>
        %parallel_loop3A_605 = tpu.memref_squeeze %parallel_loop3A_604 : memref<1x160x128xf32, #tpu.memory_space<vmem>> -> memref<160x128xf32, #tpu.memory_space<vmem>>
        %parallel_loop3A_606 = arith.index_cast %parallel_loop3A_596 : i32 to index
        %parallel_loop3A_607 = arith.constant 0 : index
        %parallel_loop3A_608 = tpu.vector_load %parallel_loop3A_605[%parallel_loop3A_606, %parallel_loop3A_607] {strides = array<i32>} : memref<160x128xf32, #tpu.memory_space<vmem>>, vector<16xf32>,
        %parallel_loop3A_609 = arith.mulf %parallel_loop3A_608, %parallel_loop3A_599 : vector<16xf32>
        %parallel_loop3A_610 = arith.addf %parallel_loop3A_609, %parallel_loop3A_601 : vector<16xf32>
        %parallel_loop3A_611 = arith.constant 0 : i32
        %parallel_loop3A_612 = arith.constant 0 : i32
        %parallel_loop3A_613 = tpu.memref_slice %arg9[%select_n3A_355, %parallel_loop3A_611, %parallel_loop3A_612] : memref<2x160x128xf32, #tpu.memory_space<vmem>> -> memref<1x160x128xf32, #tpu.memory_space<vmem>>
        %parallel_loop3A_614 = tpu.memref_squeeze %parallel_loop3A_613 : memref<1x160x128xf32, #tpu.memory_space<vmem>> -> memref<160x128xf32, #tpu.memory_space<vmem>>
        %parallel_loop3A_615 = arith.index_cast %parallel_loop3A_596 : i32 to index
        %parallel_loop3A_616 = arith.constant 0 : index
        %parallel_loop3A_617 = tpu.vector_load %parallel_loop3A_614[%parallel_loop3A_615, %parallel_loop3A_616] {strides = array<i32>} : memref<160x128xf32, #tpu.memory_space<vmem>>, vector<16xf32>,
        tpu.vector_store %parallel_loop3A_614[%parallel_loop3A_615, %parallel_loop3A_616], %parallel_loop3A_610 {strides = array<i32>} : memref<160x128xf32, #tpu.memory_space<vmem>>, vector<16xf32>,
        %parallel_loop3A_618 = tpu.vector_load_idx %arg6[%parallel_loop3A_594, %add3A_94] : memref<100x128xi32, #tpu.memory_space<vmem>>[vector<16xi32>, vector<16xi32>], vector<16xi32>,
        %parallel_loop3A_619 = arith.shli %parallel_loop3A_618, %broadcast_in_dim3A_120 : vector<16xi32>
        %parallel_loop3A_620 = vector.bitcast %parallel_loop3A_619 : vector<16xi32> to vector<16xf32>
        %parallel_loop3A_621 = arith.andi %parallel_loop3A_618, %broadcast_in_dim3A_122 : vector<16xi32>
        %parallel_loop3A_622 = vector.bitcast %parallel_loop3A_621 : vector<16xi32> to vector<16xf32>
        %parallel_loop3A_623 = arith.constant 0 : i32
        %parallel_loop3A_624 = arith.constant 0 : i32
        %parallel_loop3A_625 = tpu.memref_slice %arg8[%select_n3A_372, %parallel_loop3A_623, %parallel_loop3A_624] : memref<3x160x128xf32, #tpu.memory_space<vmem>> -> memref<1x160x128xf32, #tpu.memory_space<vmem>>
        %parallel_loop3A_626 = tpu.memref_squeeze %parallel_loop3A_625 : memref<1x160x128xf32, #tpu.memory_space<vmem>> -> memref<160x128xf32, #tpu.memory_space<vmem>>
        %parallel_loop3A_627 = arith.index_cast %parallel_loop3A_596 : i32 to index
        %parallel_loop3A_628 = arith.constant 16 : index
        %parallel_loop3A_629 = tpu.vector_load %parallel_loop3A_626[%parallel_loop3A_627, %parallel_loop3A_628] {strides = array<i32>} : memref<160x128xf32, #tpu.memory_space<vmem>>, vector<16xf32>,
        %parallel_loop3A_630 = arith.mulf %parallel_loop3A_629, %parallel_loop3A_620 : vector<16xf32>
        %parallel_loop3A_631 = arith.addf %parallel_loop3A_630, %parallel_loop3A_622 : vector<16xf32>
        %parallel_loop3A_632 = arith.constant 0 : i32
        %parallel_loop3A_633 = arith.constant 0 : i32
        %parallel_loop3A_634 = tpu.memref_slice %arg9[%select_n3A_355, %parallel_loop3A_632, %parallel_loop3A_633] : memref<2x160x128xf32, #tpu.memory_space<vmem>> -> memref<1x160x128xf32, #tpu.memory_space<vmem>>
        %parallel_loop3A_635 = tpu.memref_squeeze %parallel_loop3A_634 : memref<1x160x128xf32, #tpu.memory_space<vmem>> -> memref<160x128xf32, #tpu.memory_space<vmem>>
        %parallel_loop3A_636 = arith.index_cast %parallel_loop3A_596 : i32 to index
        %parallel_loop3A_637 = arith.constant 16 : index
        %parallel_loop3A_638 = tpu.vector_load %parallel_loop3A_635[%parallel_loop3A_636, %parallel_loop3A_637] {strides = array<i32>} : memref<160x128xf32, #tpu.memory_space<vmem>>, vector<16xf32>,
        tpu.vector_store %parallel_loop3A_635[%parallel_loop3A_636, %parallel_loop3A_637], %parallel_loop3A_631 {strides = array<i32>} : memref<160x128xf32, #tpu.memory_space<vmem>>, vector<16xf32>,
        %parallel_loop3A_639 = tpu.vector_load_idx %arg6[%parallel_loop3A_594, %add3A_98] : memref<100x128xi32, #tpu.memory_space<vmem>>[vector<16xi32>, vector<16xi32>], vector<16xi32>,
        %parallel_loop3A_640 = arith.shli %parallel_loop3A_639, %broadcast_in_dim3A_120 : vector<16xi32>
        %parallel_loop3A_641 = vector.bitcast %parallel_loop3A_640 : vector<16xi32> to vector<16xf32>
        %parallel_loop3A_642 = arith.andi %parallel_loop3A_639, %broadcast_in_dim3A_122 : vector<16xi32>
        %parallel_loop3A_643 = vector.bitcast %parallel_loop3A_642 : vector<16xi32> to vector<16xf32>
        %parallel_loop3A_644 = arith.constant 0 : i32
        %parallel_loop3A_645 = arith.constant 0 : i32
        %parallel_loop3A_646 = tpu.memref_slice %arg8[%select_n3A_372, %parallel_loop3A_644, %parallel_loop3A_645] : memref<3x160x128xf32, #tpu.memory_space<vmem>> -> memref<1x160x128xf32, #tpu.memory_space<vmem>>
        %parallel_loop3A_647 = tpu.memref_squeeze %parallel_loop3A_646 : memref<1x160x128xf32, #tpu.memory_space<vmem>> -> memref<160x128xf32, #tpu.memory_space<vmem>>
        %parallel_loop3A_648 = arith.index_cast %parallel_loop3A_596 : i32 to index
        %parallel_loop3A_649 = arith.constant 32 : index
        %parallel_loop3A_650 = tpu.vector_load %parallel_loop3A_647[%parallel_loop3A_648, %parallel_loop3A_649] {strides = array<i32>} : memref<160x128xf32, #tpu.memory_space<vmem>>, vector<16xf32>,
        %parallel_loop3A_651 = arith.mulf %parallel_loop3A_650, %parallel_loop3A_641 : vector<16xf32>
        %parallel_loop3A_652 = arith.addf %parallel_loop3A_651, %parallel_loop3A_643 : vector<16xf32>
        %parallel_loop3A_653 = arith.constant 0 : i32
        %parallel_loop3A_654 = arith.constant 0 : i32
        %parallel_loop3A_655 = tpu.memref_slice %arg9[%select_n3A_355, %parallel_loop3A_653, %parallel_loop3A_654] : memref<2x160x128xf32, #tpu.memory_space<vmem>> -> memref<1x160x128xf32, #tpu.memory_space<vmem>>
        %parallel_loop3A_656 = tpu.memref_squeeze %parallel_loop3A_655 : memref<1x160x128xf32, #tpu.memory_space<vmem>> -> memref<160x128xf32, #tpu.memory_space<vmem>>
        %parallel_loop3A_657 = arith.index_cast %parallel_loop3A_596 : i32 to index
        %parallel_loop3A_658 = arith.constant 32 : index
        %parallel_loop3A_659 = tpu.vector_load %parallel_loop3A_656[%parallel_loop3A_657, %parallel_loop3A_658] {strides = array<i32>} : memref<160x128xf32, #tpu.memory_space<vmem>>, vector<16xf32>,
        tpu.vector_store %parallel_loop3A_656[%parallel_loop3A_657, %parallel_loop3A_658], %parallel_loop3A_652 {strides = array<i32>} : memref<160x128xf32, #tpu.memory_space<vmem>>, vector<16xf32>,
        %parallel_loop3A_660 = tpu.vector_load_idx %arg6[%parallel_loop3A_594, %add3A_102] : memref<100x128xi32, #tpu.memory_space<vmem>>[vector<16xi32>, vector<16xi32>], vector<16xi32>,
        %parallel_loop3A_661 = arith.shli %parallel_loop3A_660, %broadcast_in_dim3A_120 : vector<16xi32>
        %parallel_loop3A_662 = vector.bitcast %parallel_loop3A_661 : vector<16xi32> to vector<16xf32>
        %parallel_loop3A_663 = arith.andi %parallel_loop3A_660, %broadcast_in_dim3A_122 : vector<16xi32>
        %parallel_loop3A_664 = vector.bitcast %parallel_loop3A_663 : vector<16xi32> to vector<16xf32>
        %parallel_loop3A_665 = arith.constant 0 : i32
        %parallel_loop3A_666 = arith.constant 0 : i32
        %parallel_loop3A_667 = tpu.memref_slice %arg8[%select_n3A_372, %parallel_loop3A_665, %parallel_loop3A_666] : memref<3x160x128xf32, #tpu.memory_space<vmem>> -> memref<1x160x128xf32, #tpu.memory_space<vmem>>
        %parallel_loop3A_668 = tpu.memref_squeeze %parallel_loop3A_667 : memref<1x160x128xf32, #tpu.memory_space<vmem>> -> memref<160x128xf32, #tpu.memory_space<vmem>>
        %parallel_loop3A_669 = arith.index_cast %parallel_loop3A_596 : i32 to index
        %parallel_loop3A_670 = arith.constant 48 : index
        %parallel_loop3A_671 = tpu.vector_load %parallel_loop3A_668[%parallel_loop3A_669, %parallel_loop3A_670] {strides = array<i32>} : memref<160x128xf32, #tpu.memory_space<vmem>>, vector<16xf32>,
        %parallel_loop3A_672 = arith.mulf %parallel_loop3A_671, %parallel_loop3A_662 : vector<16xf32>
        %parallel_loop3A_673 = arith.addf %parallel_loop3A_672, %parallel_loop3A_664 : vector<16xf32>
        %parallel_loop3A_674 = arith.constant 0 : i32
        %parallel_loop3A_675 = arith.constant 0 : i32
        %parallel_loop3A_676 = tpu.memref_slice %arg9[%select_n3A_355, %parallel_loop3A_674, %parallel_loop3A_675] : memref<2x160x128xf32, #tpu.memory_space<vmem>> -> memref<1x160x128xf32, #tpu.memory_space<vmem>>
        %parallel_loop3A_677 = tpu.memref_squeeze %parallel_loop3A_676 : memref<1x160x128xf32, #tpu.memory_space<vmem>> -> memref<160x128xf32, #tpu.memory_space<vmem>>
        %parallel_loop3A_678 = arith.index_cast %parallel_loop3A_596 : i32 to index
        %parallel_loop3A_679 = arith.constant 48 : index
        %parallel_loop3A_680 = tpu.vector_load %parallel_loop3A_677[%parallel_loop3A_678, %parallel_loop3A_679] {strides = array<i32>} : memref<160x128xf32, #tpu.memory_space<vmem>>, vector<16xf32>,
        tpu.vector_store %parallel_loop3A_677[%parallel_loop3A_678, %parallel_loop3A_679], %parallel_loop3A_673 {strides = array<i32>} : memref<160x128xf32, #tpu.memory_space<vmem>>, vector<16xf32>,
        %parallel_loop3A_681 = tpu.vector_load_idx %arg6[%parallel_loop3A_594, %add3A_106] : memref<100x128xi32, #tpu.memory_space<vmem>>[vector<16xi32>, vector<16xi32>], vector<16xi32>,
        %parallel_loop3A_682 = arith.shli %parallel_loop3A_681, %broadcast_in_dim3A_120 : vector<16xi32>
        %parallel_loop3A_683 = vector.bitcast %parallel_loop3A_682 : vector<16xi32> to vector<16xf32>
        %parallel_loop3A_684 = arith.andi %parallel_loop3A_681, %broadcast_in_dim3A_122 : vector<16xi32>
        %parallel_loop3A_685 = vector.bitcast %parallel_loop3A_684 : vector<16xi32> to vector<16xf32>
        %parallel_loop3A_686 = arith.constant 0 : i32
        %parallel_loop3A_687 = arith.constant 0 : i32
        %parallel_loop3A_688 = tpu.memref_slice %arg8[%select_n3A_372, %parallel_loop3A_686, %parallel_loop3A_687] : memref<3x160x128xf32, #tpu.memory_space<vmem>> -> memref<1x160x128xf32, #tpu.memory_space<vmem>>
        %parallel_loop3A_689 = tpu.memref_squeeze %parallel_loop3A_688 : memref<1x160x128xf32, #tpu.memory_space<vmem>> -> memref<160x128xf32, #tpu.memory_space<vmem>>
        %parallel_loop3A_690 = arith.index_cast %parallel_loop3A_596 : i32 to index
        %parallel_loop3A_691 = arith.constant 64 : index
        %parallel_loop3A_692 = tpu.vector_load %parallel_loop3A_689[%parallel_loop3A_690, %parallel_loop3A_691] {strides = array<i32>} : memref<160x128xf32, #tpu.memory_space<vmem>>, vector<16xf32>,
        %parallel_loop3A_693 = arith.mulf %parallel_loop3A_692, %parallel_loop3A_683 : vector<16xf32>
        %parallel_loop3A_694 = arith.addf %parallel_loop3A_693, %parallel_loop3A_685 : vector<16xf32>
        %parallel_loop3A_695 = arith.constant 0 : i32
        %parallel_loop3A_696 = arith.constant 0 : i32
        %parallel_loop3A_697 = tpu.memref_slice %arg9[%select_n3A_355, %parallel_loop3A_695, %parallel_loop3A_696] : memref<2x160x128xf32, #tpu.memory_space<vmem>> -> memref<1x160x128xf32, #tpu.memory_space<vmem>>
        %parallel_loop3A_698 = tpu.memref_squeeze %parallel_loop3A_697 : memref<1x160x128xf32, #tpu.memory_space<vmem>> -> memref<160x128xf32, #tpu.memory_space<vmem>>
        %parallel_loop3A_699 = arith.index_cast %parallel_loop3A_596 : i32 to index
        %parallel_loop3A_700 = arith.constant 64 : index
        %parallel_loop3A_701 = tpu.vector_load %parallel_loop3A_698[%parallel_loop3A_699, %parallel_loop3A_700] {strides = array<i32>} : memref<160x128xf32, #tpu.memory_space<vmem>>, vector<16xf32>,
        tpu.vector_store %parallel_loop3A_698[%parallel_loop3A_699, %parallel_loop3A_700], %parallel_loop3A_694 {strides = array<i32>} : memref<160x128xf32, #tpu.memory_space<vmem>>, vector<16xf32>,
        %parallel_loop3A_702 = tpu.vector_load_idx %arg6[%parallel_loop3A_594, %add3A_110] : memref<100x128xi32, #tpu.memory_space<vmem>>[vector<16xi32>, vector<16xi32>], vector<16xi32>,
        %parallel_loop3A_703 = arith.shli %parallel_loop3A_702, %broadcast_in_dim3A_120 : vector<16xi32>
        %parallel_loop3A_704 = vector.bitcast %parallel_loop3A_703 : vector<16xi32> to vector<16xf32>
        %parallel_loop3A_705 = arith.andi %parallel_loop3A_702, %broadcast_in_dim3A_122 : vector<16xi32>
        %parallel_loop3A_706 = vector.bitcast %parallel_loop3A_705 : vector<16xi32> to vector<16xf32>
        %parallel_loop3A_707 = arith.constant 0 : i32
        %parallel_loop3A_708 = arith.constant 0 : i32
        %parallel_loop3A_709 = tpu.memref_slice %arg8[%select_n3A_372, %parallel_loop3A_707, %parallel_loop3A_708] : memref<3x160x128xf32, #tpu.memory_space<vmem>> -> memref<1x160x128xf32, #tpu.memory_space<vmem>>
        %parallel_loop3A_710 = tpu.memref_squeeze %parallel_loop3A_709 : memref<1x160x128xf32, #tpu.memory_space<vmem>> -> memref<160x128xf32, #tpu.memory_space<vmem>>
        %parallel_loop3A_711 = arith.index_cast %parallel_loop3A_596 : i32 to index
        %parallel_loop3A_712 = arith.constant 80 : index
        %parallel_loop3A_713 = tpu.vector_load %parallel_loop3A_710[%parallel_loop3A_711, %parallel_loop3A_712] {strides = array<i32>} : memref<160x128xf32, #tpu.memory_space<vmem>>, vector<16xf32>,
        %parallel_loop3A_714 = arith.mulf %parallel_loop3A_713, %parallel_loop3A_704 : vector<16xf32>
        %parallel_loop3A_715 = arith.addf %parallel_loop3A_714, %parallel_loop3A_706 : vector<16xf32>
        %parallel_loop3A_716 = arith.constant 0 : i32
        %parallel_loop3A_717 = arith.constant 0 : i32
        %parallel_loop3A_718 = tpu.memref_slice %arg9[%select_n3A_355, %parallel_loop3A_716, %parallel_loop3A_717] : memref<2x160x128xf32, #tpu.memory_space<vmem>> -> memref<1x160x128xf32, #tpu.memory_space<vmem>>
        %parallel_loop3A_719 = tpu.memref_squeeze %parallel_loop3A_718 : memref<1x160x128xf32, #tpu.memory_space<vmem>> -> memref<160x128xf32, #tpu.memory_space<vmem>>
        %parallel_loop3A_720 = arith.index_cast %parallel_loop3A_596 : i32 to index
        %parallel_loop3A_721 = arith.constant 80 : index
        %parallel_loop3A_722 = tpu.vector_load %parallel_loop3A_719[%parallel_loop3A_720, %parallel_loop3A_721] {strides = array<i32>} : memref<160x128xf32, #tpu.memory_space<vmem>>, vector<16xf32>,
        tpu.vector_store %parallel_loop3A_719[%parallel_loop3A_720, %parallel_loop3A_721], %parallel_loop3A_715 {strides = array<i32>} : memref<160x128xf32, #tpu.memory_space<vmem>>, vector<16xf32>,
        %parallel_loop3A_723 = tpu.vector_load_idx %arg6[%parallel_loop3A_594, %add3A_114] : memref<100x128xi32, #tpu.memory_space<vmem>>[vector<16xi32>, vector<16xi32>], vector<16xi32>,
        %parallel_loop3A_724 = arith.shli %parallel_loop3A_723, %broadcast_in_dim3A_120 : vector<16xi32>
        %parallel_loop3A_725 = vector.bitcast %parallel_loop3A_724 : vector<16xi32> to vector<16xf32>
        %parallel_loop3A_726 = arith.andi %parallel_loop3A_723, %broadcast_in_dim3A_122 : vector<16xi32>
        %parallel_loop3A_727 = vector.bitcast %parallel_loop3A_726 : vector<16xi32> to vector<16xf32>
        %parallel_loop3A_728 = arith.constant 0 : i32
        %parallel_loop3A_729 = arith.constant 0 : i32
        %parallel_loop3A_730 = tpu.memref_slice %arg8[%select_n3A_372, %parallel_loop3A_728, %parallel_loop3A_729] : memref<3x160x128xf32, #tpu.memory_space<vmem>> -> memref<1x160x128xf32, #tpu.memory_space<vmem>>
        %parallel_loop3A_731 = tpu.memref_squeeze %parallel_loop3A_730 : memref<1x160x128xf32, #tpu.memory_space<vmem>> -> memref<160x128xf32, #tpu.memory_space<vmem>>
        %parallel_loop3A_732 = arith.index_cast %parallel_loop3A_596 : i32 to index
        %parallel_loop3A_733 = arith.constant 96 : index
        %parallel_loop3A_734 = tpu.vector_load %parallel_loop3A_731[%parallel_loop3A_732, %parallel_loop3A_733] {strides = array<i32>} : memref<160x128xf32, #tpu.memory_space<vmem>>, vector<16xf32>,
        %parallel_loop3A_735 = arith.mulf %parallel_loop3A_734, %parallel_loop3A_725 : vector<16xf32>
        %parallel_loop3A_736 = arith.addf %parallel_loop3A_735, %parallel_loop3A_727 : vector<16xf32>
        %parallel_loop3A_737 = arith.constant 0 : i32
        %parallel_loop3A_738 = arith.constant 0 : i32
        %parallel_loop3A_739 = tpu.memref_slice %arg9[%select_n3A_355, %parallel_loop3A_737, %parallel_loop3A_738] : memref<2x160x128xf32, #tpu.memory_space<vmem>> -> memref<1x160x128xf32, #tpu.memory_space<vmem>>
        %parallel_loop3A_740 = tpu.memref_squeeze %parallel_loop3A_739 : memref<1x160x128xf32, #tpu.memory_space<vmem>> -> memref<160x128xf32, #tpu.memory_space<vmem>>
        %parallel_loop3A_741 = arith.index_cast %parallel_loop3A_596 : i32 to index
        %parallel_loop3A_742 = arith.constant 96 : index
        %parallel_loop3A_743 = tpu.vector_load %parallel_loop3A_740[%parallel_loop3A_741, %parallel_loop3A_742] {strides = array<i32>} : memref<160x128xf32, #tpu.memory_space<vmem>>, vector<16xf32>,
        tpu.vector_store %parallel_loop3A_740[%parallel_loop3A_741, %parallel_loop3A_742], %parallel_loop3A_736 {strides = array<i32>} : memref<160x128xf32, #tpu.memory_space<vmem>>, vector<16xf32>,
        %parallel_loop3A_744 = tpu.vector_load_idx %arg6[%parallel_loop3A_594, %add3A_118] : memref<100x128xi32, #tpu.memory_space<vmem>>[vector<16xi32>, vector<16xi32>], vector<16xi32>,
        %parallel_loop3A_745 = arith.shli %parallel_loop3A_744, %broadcast_in_dim3A_120 : vector<16xi32>
        %parallel_loop3A_746 = vector.bitcast %parallel_loop3A_745 : vector<16xi32> to vector<16xf32>
        %parallel_loop3A_747 = arith.andi %parallel_loop3A_744, %broadcast_in_dim3A_122 : vector<16xi32>
        %parallel_loop3A_748 = vector.bitcast %parallel_loop3A_747 : vector<16xi32> to vector<16xf32>
        %parallel_loop3A_749 = arith.constant 0 : i32
        %parallel_loop3A_750 = arith.constant 0 : i32
        %parallel_loop3A_751 = tpu.memref_slice %arg8[%select_n3A_372, %parallel_loop3A_749, %parallel_loop3A_750] : memref<3x160x128xf32, #tpu.memory_space<vmem>> -> memref<1x160x128xf32, #tpu.memory_space<vmem>>
        %parallel_loop3A_752 = tpu.memref_squeeze %parallel_loop3A_751 : memref<1x160x128xf32, #tpu.memory_space<vmem>> -> memref<160x128xf32, #tpu.memory_space<vmem>>
        %parallel_loop3A_753 = arith.index_cast %parallel_loop3A_596 : i32 to index
        %parallel_loop3A_754 = arith.constant 112 : index
        %parallel_loop3A_755 = tpu.vector_load %parallel_loop3A_752[%parallel_loop3A_753, %parallel_loop3A_754] {strides = array<i32>} : memref<160x128xf32, #tpu.memory_space<vmem>>, vector<16xf32>,
        %parallel_loop3A_756 = arith.mulf %parallel_loop3A_755, %parallel_loop3A_746 : vector<16xf32>
        %parallel_loop3A_757 = arith.addf %parallel_loop3A_756, %parallel_loop3A_748 : vector<16xf32>
        %parallel_loop3A_758 = arith.constant 0 : i32
        %parallel_loop3A_759 = arith.constant 0 : i32
        %parallel_loop3A_760 = tpu.memref_slice %arg9[%select_n3A_355, %parallel_loop3A_758, %parallel_loop3A_759] : memref<2x160x128xf32, #tpu.memory_space<vmem>> -> memref<1x160x128xf32, #tpu.memory_space<vmem>>
        %parallel_loop3A_761 = tpu.memref_squeeze %parallel_loop3A_760 : memref<1x160x128xf32, #tpu.memory_space<vmem>> -> memref<160x128xf32, #tpu.memory_space<vmem>>
        %parallel_loop3A_762 = arith.index_cast %parallel_loop3A_596 : i32 to index
        %parallel_loop3A_763 = arith.constant 112 : index
        %parallel_loop3A_764 = tpu.vector_load %parallel_loop3A_761[%parallel_loop3A_762, %parallel_loop3A_763] {strides = array<i32>} : memref<160x128xf32, #tpu.memory_space<vmem>>, vector<16xf32>,
        tpu.vector_store %parallel_loop3A_761[%parallel_loop3A_762, %parallel_loop3A_763], %parallel_loop3A_757 {strides = array<i32>} : memref<160x128xf32, #tpu.memory_space<vmem>>, vector<16xf32>,
      } {sc.loop_unroll_factor = 4 : i64, sc.parallel_access}
      %jit3A_428 = arith.constant 2 : i32
      %eq3A_429 = arith.constant 0 : i32
      %eq3A_430 = arith.cmpi eq, %jit3A_428, %eq3A_429 : i32
      %jit3A_431 = arith.constant 1 : i32
      %select_n3A_432 = arith.select %eq3A_430, %jit3A_431, %jit3A_428 : i32
      %rem3A_433 = arith.remsi %while3A_232, %select_n3A_432 : i32
      %ne3A_434 = arith.constant 0 : i32
      %ne3A_435 = arith.cmpi ne, %rem3A_433, %ne3A_434 : i32
      %lt3A_436 = arith.constant 0 : i32
      %lt3A_437 = arith.cmpi slt, %rem3A_433, %lt3A_436 : i32
      %lt3A_438 = arith.constant 0 : i32
      %lt3A_439 = arith.cmpi slt, %select_n3A_432, %lt3A_438 : i32
      %ne3A_440 = arith.xori %lt3A_437, %lt3A_439 : i1
      %and3A_441 = arith.andi %ne3A_440, %ne3A_435 : i1
      %add3A_442 = arith.addi %rem3A_433, %select_n3A_432 : i32
      %select_n3A_443 = arith.select %and3A_441, %add3A_442, %rem3A_433 : i32
      %add3A_444 = arith.addi %mul3A_2, %while3A_232 : i32
      %mul3A_445 = arith.constant 160 : i32
      %mul3A_446 = arith.muli %add3A_444, %mul3A_445 : i32
      %add3A_447 = arith.constant 0 : i32
      %add3A_448 = arith.addi %mul3A_446, %add3A_447 : i32
      %jit3A_449 = arith.constant 2 : i32
      %eq3A_450 = arith.constant 0 : i32
      %eq3A_451 = arith.cmpi eq, %jit3A_449, %eq3A_450 : i32
      %jit3A_452 = arith.constant 1 : i32
      %select_n3A_453 = arith.select %eq3A_451, %jit3A_452, %jit3A_449 : i32
      %rem3A_454 = arith.remsi %while3A_232, %select_n3A_453 : i32
      %ne3A_455 = arith.constant 0 : i32
      %ne3A_456 = arith.cmpi ne, %rem3A_454, %ne3A_455 : i32
      %lt3A_457 = arith.constant 0 : i32
      %lt3A_458 = arith.cmpi slt, %rem3A_454, %lt3A_457 : i32
      %lt3A_459 = arith.constant 0 : i32
      %lt3A_460 = arith.cmpi slt, %select_n3A_453, %lt3A_459 : i32
      %ne3A_461 = arith.xori %lt3A_458, %lt3A_460 : i1
      %and3A_462 = arith.andi %ne3A_461, %ne3A_456 : i1
      %add3A_463 = arith.addi %rem3A_454, %select_n3A_453 : i32
      %select_n3A_464 = arith.select %and3A_462, %add3A_463, %rem3A_454 : i32
      %dma_start3A_465 = arith.constant 0 : i32
      %dma_start3A_466 = arith.constant 0 : i32
      %dma_start3A_467 = tpu.memref_slice %arg9[%select_n3A_443, %dma_start3A_465, %dma_start3A_466] : memref<2x160x128xf32, #tpu.memory_space<vmem>> -> memref<1x80x128xf32, #tpu.memory_space<vmem>>
      %dma_start3A_468 = tpu.memref_squeeze %dma_start3A_467 : memref<1x80x128xf32, #tpu.memory_space<vmem>> -> memref<80x128xf32, #tpu.memory_space<vmem>>
      %dma_start3A_469 = arith.constant 0 : i32
      %dma_start3A_470 = tpu.memref_slice %arg5[%add3A_448, %dma_start3A_469] : memref<100000x128xf32, #tpu.memory_space<hbm>> -> memref<80x128xf32, #tpu.memory_space<hbm>>
      %dma_start3A_471 = tpu.memref_slice %arg12[%select_n3A_464] : memref<2x!tpu.dma_semaphore, #tpu.memory_space<semaphore_mem>> -> memref<1x!tpu.dma_semaphore, #tpu.memory_space<semaphore_mem>>
      %dma_start3A_472 = tpu.memref_squeeze %dma_start3A_471 : memref<1x!tpu.dma_semaphore, #tpu.memory_space<semaphore_mem>> -> memref<!tpu.dma_semaphore, #tpu.memory_space<semaphore_mem>>
      %dma_start3A_473 = arith.constant 0 : i32
      %dma_start3A_474 = tpu.memref_slice %arg5[%add3A_448, %dma_start3A_473] : memref<100000x128xf32, #tpu.memory_space<hbm>> -> memref<80x128xf32, #tpu.memory_space<hbm>>
      %dma_start3A_475 = arith.constant 0 : i32
      %dma_start3A_476 = arith.constant 0 : i32
      %dma_start3A_477 = tpu.memref_slice %arg9[%select_n3A_443, %dma_start3A_475, %dma_start3A_476] : memref<2x160x128xf32, #tpu.memory_space<vmem>> -> memref<1x80x128xf32, #tpu.memory_space<vmem>>
      %dma_start3A_478 = tpu.memref_squeeze %dma_start3A_477 : memref<1x80x128xf32, #tpu.memory_space<vmem>> -> memref<80x128xf32, #tpu.memory_space<vmem>>
      tpu.enqueue_dma source(%dma_start3A_478 : memref<80x128xf32, #tpu.memory_space<vmem>>) target(%dma_start3A_474 : memref<80x128xf32, #tpu.memory_space<hbm>>) target_semaphore(%dma_start3A_472 : memref<!tpu.dma_semaphore, #tpu.memory_space<semaphore_mem>>)
      %add3A_479 = arith.addi %mul3A_2, %while3A_232 : i32
      %mul3A_480 = arith.constant 160 : i32
      %mul3A_481 = arith.muli %add3A_479, %mul3A_480 : i32
      %add3A_482 = arith.constant 80 : i32
      %add3A_483 = arith.addi %mul3A_481, %add3A_482 : i32
      %jit3A_484 = arith.constant 3 : i32
      %eq3A_485 = arith.constant 0 : i32
      %eq3A_486 = arith.cmpi eq, %jit3A_484, %eq3A_485 : i32
      %jit3A_487 = arith.constant 1 : i32
      %select_n3A_488 = arith.select %eq3A_486, %jit3A_487, %jit3A_484 : i32
      %rem3A_489 = arith.remsi %while3A_232, %select_n3A_488 : i32
      %ne3A_490 = arith.constant 0 : i32
      %ne3A_491 = arith.cmpi ne, %rem3A_489, %ne3A_490 : i32
      %lt3A_492 = arith.constant 0 : i32
      %lt3A_493 = arith.cmpi slt, %rem3A_489, %lt3A_492 : i32
      %lt3A_494 = arith.constant 0 : i32
      %lt3A_495 = arith.cmpi slt, %select_n3A_488, %lt3A_494 : i32
      %ne3A_496 = arith.xori %lt3A_493, %lt3A_495 : i1
      %and3A_497 = arith.andi %ne3A_496, %ne3A_491 : i1
      %add3A_498 = arith.addi %rem3A_489, %select_n3A_488 : i32
      %select_n3A_499 = arith.select %and3A_497, %add3A_498, %rem3A_489 : i32
      %jit3A_500 = arith.constant 3 : i32
      %eq3A_501 = arith.constant 0 : i32
      %eq3A_502 = arith.cmpi eq, %jit3A_500, %eq3A_501 : i32
      %jit3A_503 = arith.constant 1 : i32
      %select_n3A_504 = arith.select %eq3A_502, %jit3A_503, %jit3A_500 : i32
      %rem3A_505 = arith.remsi %while3A_232, %select_n3A_504 : i32
      %ne3A_506 = arith.constant 0 : i32
      %ne3A_507 = arith.cmpi ne, %rem3A_505, %ne3A_506 : i32
      %lt3A_508 = arith.constant 0 : i32
      %lt3A_509 = arith.cmpi slt, %rem3A_505, %lt3A_508 : i32
      %lt3A_510 = arith.constant 0 : i32
      %lt3A_511 = arith.cmpi slt, %select_n3A_504, %lt3A_510 : i32
      %ne3A_512 = arith.xori %lt3A_509, %lt3A_511 : i1
      %and3A_513 = arith.andi %ne3A_512, %ne3A_507 : i1
      %add3A_514 = arith.addi %rem3A_505, %select_n3A_504 : i32
      %select_n3A_515 = arith.select %and3A_513, %add3A_514, %rem3A_505 : i32
      %dma_wait3A_516 = arith.constant 80 : i32
      %dma_wait3A_517 = arith.constant 0 : i32
      %dma_wait3A_518 = tpu.memref_slice %arg8[%select_n3A_499, %dma_wait3A_516, %dma_wait3A_517] : memref<3x160x128xf32, #tpu.memory_space<vmem>> -> memref<1x80x128xf32, #tpu.memory_space<vmem>>
      %dma_wait3A_519 = tpu.memref_squeeze %dma_wait3A_518 : memref<1x80x128xf32, #tpu.memory_space<vmem>> -> memref<80x128xf32, #tpu.memory_space<vmem>>
      %dma_wait3A_520 = arith.constant 0 : i32
      %dma_wait3A_521 = tpu.memref_slice %arg3[%add3A_483, %dma_wait3A_520] : memref<100000x128xf32, #tpu.memory_space<hbm>> -> memref<80x128xf32, #tpu.memory_space<hbm>>
      %dma_wait3A_522 = tpu.memref_slice %arg11[%select_n3A_515] : memref<3x!tpu.dma_semaphore, #tpu.memory_space<semaphore_mem>> -> memref<1x!tpu.dma_semaphore, #tpu.memory_space<semaphore_mem>>
      %dma_wait3A_523 = tpu.memref_squeeze %dma_wait3A_522 : memref<1x!tpu.dma_semaphore, #tpu.memory_space<semaphore_mem>> -> memref<!tpu.dma_semaphore, #tpu.memory_space<semaphore_mem>>
      %dma_wait3A_524 = arith.constant 80 : i32
      %dma_wait3A_525 = arith.constant 0 : i32
      %dma_wait3A_526 = tpu.memref_slice %arg8[%select_n3A_499, %dma_wait3A_524, %dma_wait3A_525] : memref<3x160x128xf32, #tpu.memory_space<vmem>> -> memref<1x80x128xf32, #tpu.memory_space<vmem>>
      %dma_wait3A_527 = tpu.memref_squeeze %dma_wait3A_526 : memref<1x80x128xf32, #tpu.memory_space<vmem>> -> memref<80x128xf32, #tpu.memory_space<vmem>>
      %dma_wait3A_528 = arith.constant 0 : i32
      %dma_wait3A_529 = tpu.memref_slice %arg3[%add3A_483, %dma_wait3A_528] : memref<100000x128xf32, #tpu.memory_space<hbm>> -> memref<80x128xf32, #tpu.memory_space<hbm>>
      tpu.wait_dma2 semaphore(%dma_wait3A_523 : memref<!tpu.dma_semaphore, #tpu.memory_space<semaphore_mem>>) src(%dma_wait3A_529 : memref<80x128xf32, #tpu.memory_space<hbm>>) dst(%dma_wait3A_527 : memref<80x128xf32, #tpu.memory_space<vmem>>)
      %broadcast_in_dim3A_530 = arith.constant 1 : i32
      %broadcast_in_dim3A_531 = vector.broadcast %broadcast_in_dim3A_530 : i32 to vector<16xi32>
      %parallel_loop3A_532 = arith.constant 0 : i32
      %parallel_loop3A_533 = arith.constant 80 : i32
      %parallel_loop3A_534 = arith.constant 1 : i32
      scf.for %parallel_loop3A_592 = %parallel_loop3A_532 to %parallel_loop3A_533 step %parallel_loop3A_534  : i32 {
        %parallel_loop3A_593 = vector.broadcast %parallel_loop3A_592 : i32 to vector<16xi32>
        %parallel_loop3A_594 = tpu.vector_load_idx %arg7[%broadcast_in_dim3A_356, %broadcast_in_dim3A_531, %parallel_loop3A_593] : memref<2x2x80xi32, #tpu.memory_space<vmem>>[vector<16xi32>, vector<16xi32>, vector<16xi32>], vector<16xi32>,
        %parallel_loop3A_595 = arith.constant 80 : i32
        %parallel_loop3A_596 = arith.addi %parallel_loop3A_592, %parallel_loop3A_595 : i32
        %parallel_loop3A_597 = tpu.vector_load_idx %arg6[%parallel_loop3A_594, %add3A_90] : memref<100x128xi32, #tpu.memory_space<vmem>>[vector<16xi32>, vector<16xi32>], vector<16xi32>,
        %parallel_loop3A_598 = arith.shli %parallel_loop3A_597, %broadcast_in_dim3A_120 : vector<16xi32>
        %parallel_loop3A_599 = vector.bitcast %parallel_loop3A_598 : vector<16xi32> to vector<16xf32>
        %parallel_loop3A_600 = arith.andi %parallel_loop3A_597, %broadcast_in_dim3A_122 : vector<16xi32>
        %parallel_loop3A_601 = vector.bitcast %parallel_loop3A_600 : vector<16xi32> to vector<16xf32>
        %parallel_loop3A_602 = arith.constant 0 : i32
        %parallel_loop3A_603 = arith.constant 0 : i32
        %parallel_loop3A_604 = tpu.memref_slice %arg8[%select_n3A_372, %parallel_loop3A_602, %parallel_loop3A_603] : memref<3x160x128xf32, #tpu.memory_space<vmem>> -> memref<1x160x128xf32, #tpu.memory_space<vmem>>
        %parallel_loop3A_605 = tpu.memref_squeeze %parallel_loop3A_604 : memref<1x160x128xf32, #tpu.memory_space<vmem>> -> memref<160x128xf32, #tpu.memory_space<vmem>>
        %parallel_loop3A_606 = arith.index_cast %parallel_loop3A_596 : i32 to index
        %parallel_loop3A_607 = arith.constant 0 : index
        %parallel_loop3A_608 = tpu.vector_load %parallel_loop3A_605[%parallel_loop3A_606, %parallel_loop3A_607] {strides = array<i32>} : memref<160x128xf32, #tpu.memory_space<vmem>>, vector<16xf32>,
        %parallel_loop3A_609 = arith.mulf %parallel_loop3A_608, %parallel_loop3A_599 : vector<16xf32>
        %parallel_loop3A_610 = arith.addf %parallel_loop3A_609, %parallel_loop3A_601 : vector<16xf32>
        %parallel_loop3A_611 = arith.constant 0 : i32
        %parallel_loop3A_612 = arith.constant 0 : i32
        %parallel_loop3A_613 = tpu.memref_slice %arg9[%select_n3A_355, %parallel_loop3A_611, %parallel_loop3A_612] : memref<2x160x128xf32, #tpu.memory_space<vmem>> -> memref<1x160x128xf32, #tpu.memory_space<vmem>>
        %parallel_loop3A_614 = tpu.memref_squeeze %parallel_loop3A_613 : memref<1x160x128xf32, #tpu.memory_space<vmem>> -> memref<160x128xf32, #tpu.memory_space<vmem>>
        %parallel_loop3A_615 = arith.index_cast %parallel_loop3A_596 : i32 to index
        %parallel_loop3A_616 = arith.constant 0 : index
        %parallel_loop3A_617 = tpu.vector_load %parallel_loop3A_614[%parallel_loop3A_615, %parallel_loop3A_616] {strides = array<i32>} : memref<160x128xf32, #tpu.memory_space<vmem>>, vector<16xf32>,
        tpu.vector_store %parallel_loop3A_614[%parallel_loop3A_615, %parallel_loop3A_616], %parallel_loop3A_610 {strides = array<i32>} : memref<160x128xf32, #tpu.memory_space<vmem>>, vector<16xf32>,
        %parallel_loop3A_618 = tpu.vector_load_idx %arg6[%parallel_loop3A_594, %add3A_94] : memref<100x128xi32, #tpu.memory_space<vmem>>[vector<16xi32>, vector<16xi32>], vector<16xi32>,
        %parallel_loop3A_619 = arith.shli %parallel_loop3A_618, %broadcast_in_dim3A_120 : vector<16xi32>
        %parallel_loop3A_620 = vector.bitcast %parallel_loop3A_619 : vector<16xi32> to vector<16xf32>
        %parallel_loop3A_621 = arith.andi %parallel_loop3A_618, %broadcast_in_dim3A_122 : vector<16xi32>
        %parallel_loop3A_622 = vector.bitcast %parallel_loop3A_621 : vector<16xi32> to vector<16xf32>
        %parallel_loop3A_623 = arith.constant 0 : i32
        %parallel_loop3A_624 = arith.constant 0 : i32
        %parallel_loop3A_625 = tpu.memref_slice %arg8[%select_n3A_372, %parallel_loop3A_623, %parallel_loop3A_624] : memref<3x160x128xf32, #tpu.memory_space<vmem>> -> memref<1x160x128xf32, #tpu.memory_space<vmem>>
        %parallel_loop3A_626 = tpu.memref_squeeze %parallel_loop3A_625 : memref<1x160x128xf32, #tpu.memory_space<vmem>> -> memref<160x128xf32, #tpu.memory_space<vmem>>
        %parallel_loop3A_627 = arith.index_cast %parallel_loop3A_596 : i32 to index
        %parallel_loop3A_628 = arith.constant 16 : index
        %parallel_loop3A_629 = tpu.vector_load %parallel_loop3A_626[%parallel_loop3A_627, %parallel_loop3A_628] {strides = array<i32>} : memref<160x128xf32, #tpu.memory_space<vmem>>, vector<16xf32>,
        %parallel_loop3A_630 = arith.mulf %parallel_loop3A_629, %parallel_loop3A_620 : vector<16xf32>
        %parallel_loop3A_631 = arith.addf %parallel_loop3A_630, %parallel_loop3A_622 : vector<16xf32>
        %parallel_loop3A_632 = arith.constant 0 : i32
        %parallel_loop3A_633 = arith.constant 0 : i32
        %parallel_loop3A_634 = tpu.memref_slice %arg9[%select_n3A_355, %parallel_loop3A_632, %parallel_loop3A_633] : memref<2x160x128xf32, #tpu.memory_space<vmem>> -> memref<1x160x128xf32, #tpu.memory_space<vmem>>
        %parallel_loop3A_635 = tpu.memref_squeeze %parallel_loop3A_634 : memref<1x160x128xf32, #tpu.memory_space<vmem>> -> memref<160x128xf32, #tpu.memory_space<vmem>>
        %parallel_loop3A_636 = arith.index_cast %parallel_loop3A_596 : i32 to index
        %parallel_loop3A_637 = arith.constant 16 : index
        %parallel_loop3A_638 = tpu.vector_load %parallel_loop3A_635[%parallel_loop3A_636, %parallel_loop3A_637] {strides = array<i32>} : memref<160x128xf32, #tpu.memory_space<vmem>>, vector<16xf32>,
        tpu.vector_store %parallel_loop3A_635[%parallel_loop3A_636, %parallel_loop3A_637], %parallel_loop3A_631 {strides = array<i32>} : memref<160x128xf32, #tpu.memory_space<vmem>>, vector<16xf32>,
        %parallel_loop3A_639 = tpu.vector_load_idx %arg6[%parallel_loop3A_594, %add3A_98] : memref<100x128xi32, #tpu.memory_space<vmem>>[vector<16xi32>, vector<16xi32>], vector<16xi32>,
        %parallel_loop3A_640 = arith.shli %parallel_loop3A_639, %broadcast_in_dim3A_120 : vector<16xi32>
        %parallel_loop3A_641 = vector.bitcast %parallel_loop3A_640 : vector<16xi32> to vector<16xf32>
        %parallel_loop3A_642 = arith.andi %parallel_loop3A_639, %broadcast_in_dim3A_122 : vector<16xi32>
        %parallel_loop3A_643 = vector.bitcast %parallel_loop3A_642 : vector<16xi32> to vector<16xf32>
        %parallel_loop3A_644 = arith.constant 0 : i32
        %parallel_loop3A_645 = arith.constant 0 : i32
        %parallel_loop3A_646 = tpu.memref_slice %arg8[%select_n3A_372, %parallel_loop3A_644, %parallel_loop3A_645] : memref<3x160x128xf32, #tpu.memory_space<vmem>> -> memref<1x160x128xf32, #tpu.memory_space<vmem>>
        %parallel_loop3A_647 = tpu.memref_squeeze %parallel_loop3A_646 : memref<1x160x128xf32, #tpu.memory_space<vmem>> -> memref<160x128xf32, #tpu.memory_space<vmem>>
        %parallel_loop3A_648 = arith.index_cast %parallel_loop3A_596 : i32 to index
        %parallel_loop3A_649 = arith.constant 32 : index
        %parallel_loop3A_650 = tpu.vector_load %parallel_loop3A_647[%parallel_loop3A_648, %parallel_loop3A_649] {strides = array<i32>} : memref<160x128xf32, #tpu.memory_space<vmem>>, vector<16xf32>,
        %parallel_loop3A_651 = arith.mulf %parallel_loop3A_650, %parallel_loop3A_641 : vector<16xf32>
        %parallel_loop3A_652 = arith.addf %parallel_loop3A_651, %parallel_loop3A_643 : vector<16xf32>
        %parallel_loop3A_653 = arith.constant 0 : i32
        %parallel_loop3A_654 = arith.constant 0 : i32
        %parallel_loop3A_655 = tpu.memref_slice %arg9[%select_n3A_355, %parallel_loop3A_653, %parallel_loop3A_654] : memref<2x160x128xf32, #tpu.memory_space<vmem>> -> memref<1x160x128xf32, #tpu.memory_space<vmem>>
        %parallel_loop3A_656 = tpu.memref_squeeze %parallel_loop3A_655 : memref<1x160x128xf32, #tpu.memory_space<vmem>> -> memref<160x128xf32, #tpu.memory_space<vmem>>
        %parallel_loop3A_657 = arith.index_cast %parallel_loop3A_596 : i32 to index
        %parallel_loop3A_658 = arith.constant 32 : index
        %parallel_loop3A_659 = tpu.vector_load %parallel_loop3A_656[%parallel_loop3A_657, %parallel_loop3A_658] {strides = array<i32>} : memref<160x128xf32, #tpu.memory_space<vmem>>, vector<16xf32>,
        tpu.vector_store %parallel_loop3A_656[%parallel_loop3A_657, %parallel_loop3A_658], %parallel_loop3A_652 {strides = array<i32>} : memref<160x128xf32, #tpu.memory_space<vmem>>, vector<16xf32>,
        %parallel_loop3A_660 = tpu.vector_load_idx %arg6[%parallel_loop3A_594, %add3A_102] : memref<100x128xi32, #tpu.memory_space<vmem>>[vector<16xi32>, vector<16xi32>], vector<16xi32>,
        %parallel_loop3A_661 = arith.shli %parallel_loop3A_660, %broadcast_in_dim3A_120 : vector<16xi32>
        %parallel_loop3A_662 = vector.bitcast %parallel_loop3A_661 : vector<16xi32> to vector<16xf32>
        %parallel_loop3A_663 = arith.andi %parallel_loop3A_660, %broadcast_in_dim3A_122 : vector<16xi32>
        %parallel_loop3A_664 = vector.bitcast %parallel_loop3A_663 : vector<16xi32> to vector<16xf32>
        %parallel_loop3A_665 = arith.constant 0 : i32
        %parallel_loop3A_666 = arith.constant 0 : i32
        %parallel_loop3A_667 = tpu.memref_slice %arg8[%select_n3A_372, %parallel_loop3A_665, %parallel_loop3A_666] : memref<3x160x128xf32, #tpu.memory_space<vmem>> -> memref<1x160x128xf32, #tpu.memory_space<vmem>>
        %parallel_loop3A_668 = tpu.memref_squeeze %parallel_loop3A_667 : memref<1x160x128xf32, #tpu.memory_space<vmem>> -> memref<160x128xf32, #tpu.memory_space<vmem>>
        %parallel_loop3A_669 = arith.index_cast %parallel_loop3A_596 : i32 to index
        %parallel_loop3A_670 = arith.constant 48 : index
        %parallel_loop3A_671 = tpu.vector_load %parallel_loop3A_668[%parallel_loop3A_669, %parallel_loop3A_670] {strides = array<i32>} : memref<160x128xf32, #tpu.memory_space<vmem>>, vector<16xf32>,
        %parallel_loop3A_672 = arith.mulf %parallel_loop3A_671, %parallel_loop3A_662 : vector<16xf32>
        %parallel_loop3A_673 = arith.addf %parallel_loop3A_672, %parallel_loop3A_664 : vector<16xf32>
        %parallel_loop3A_674 = arith.constant 0 : i32
        %parallel_loop3A_675 = arith.constant 0 : i32
        %parallel_loop3A_676 = tpu.memref_slice %arg9[%select_n3A_355, %parallel_loop3A_674, %parallel_loop3A_675] : memref<2x160x128xf32, #tpu.memory_space<vmem>> -> memref<1x160x128xf32, #tpu.memory_space<vmem>>
        %parallel_loop3A_677 = tpu.memref_squeeze %parallel_loop3A_676 : memref<1x160x128xf32, #tpu.memory_space<vmem>> -> memref<160x128xf32, #tpu.memory_space<vmem>>
        %parallel_loop3A_678 = arith.index_cast %parallel_loop3A_596 : i32 to index
        %parallel_loop3A_679 = arith.constant 48 : index
        %parallel_loop3A_680 = tpu.vector_load %parallel_loop3A_677[%parallel_loop3A_678, %parallel_loop3A_679] {strides = array<i32>} : memref<160x128xf32, #tpu.memory_space<vmem>>, vector<16xf32>,
        tpu.vector_store %parallel_loop3A_677[%parallel_loop3A_678, %parallel_loop3A_679], %parallel_loop3A_673 {strides = array<i32>} : memref<160x128xf32, #tpu.memory_space<vmem>>, vector<16xf32>,
        %parallel_loop3A_681 = tpu.vector_load_idx %arg6[%parallel_loop3A_594, %add3A_106] : memref<100x128xi32, #tpu.memory_space<vmem>>[vector<16xi32>, vector<16xi32>], vector<16xi32>,
        %parallel_loop3A_682 = arith.shli %parallel_loop3A_681, %broadcast_in_dim3A_120 : vector<16xi32>
        %parallel_loop3A_683 = vector.bitcast %parallel_loop3A_682 : vector<16xi32> to vector<16xf32>
        %parallel_loop3A_684 = arith.andi %parallel_loop3A_681, %broadcast_in_dim3A_122 : vector<16xi32>
        %parallel_loop3A_685 = vector.bitcast %parallel_loop3A_684 : vector<16xi32> to vector<16xf32>
        %parallel_loop3A_686 = arith.constant 0 : i32
        %parallel_loop3A_687 = arith.constant 0 : i32
        %parallel_loop3A_688 = tpu.memref_slice %arg8[%select_n3A_372, %parallel_loop3A_686, %parallel_loop3A_687] : memref<3x160x128xf32, #tpu.memory_space<vmem>> -> memref<1x160x128xf32, #tpu.memory_space<vmem>>
        %parallel_loop3A_689 = tpu.memref_squeeze %parallel_loop3A_688 : memref<1x160x128xf32, #tpu.memory_space<vmem>> -> memref<160x128xf32, #tpu.memory_space<vmem>>
        %parallel_loop3A_690 = arith.index_cast %parallel_loop3A_596 : i32 to index
        %parallel_loop3A_691 = arith.constant 64 : index
        %parallel_loop3A_692 = tpu.vector_load %parallel_loop3A_689[%parallel_loop3A_690, %parallel_loop3A_691] {strides = array<i32>} : memref<160x128xf32, #tpu.memory_space<vmem>>, vector<16xf32>,
        %parallel_loop3A_693 = arith.mulf %parallel_loop3A_692, %parallel_loop3A_683 : vector<16xf32>
        %parallel_loop3A_694 = arith.addf %parallel_loop3A_693, %parallel_loop3A_685 : vector<16xf32>
        %parallel_loop3A_695 = arith.constant 0 : i32
        %parallel_loop3A_696 = arith.constant 0 : i32
        %parallel_loop3A_697 = tpu.memref_slice %arg9[%select_n3A_355, %parallel_loop3A_695, %parallel_loop3A_696] : memref<2x160x128xf32, #tpu.memory_space<vmem>> -> memref<1x160x128xf32, #tpu.memory_space<vmem>>
        %parallel_loop3A_698 = tpu.memref_squeeze %parallel_loop3A_697 : memref<1x160x128xf32, #tpu.memory_space<vmem>> -> memref<160x128xf32, #tpu.memory_space<vmem>>
        %parallel_loop3A_699 = arith.index_cast %parallel_loop3A_596 : i32 to index
        %parallel_loop3A_700 = arith.constant 64 : index
        %parallel_loop3A_701 = tpu.vector_load %parallel_loop3A_698[%parallel_loop3A_699, %parallel_loop3A_700] {strides = array<i32>} : memref<160x128xf32, #tpu.memory_space<vmem>>, vector<16xf32>,
        tpu.vector_store %parallel_loop3A_698[%parallel_loop3A_699, %parallel_loop3A_700], %parallel_loop3A_694 {strides = array<i32>} : memref<160x128xf32, #tpu.memory_space<vmem>>, vector<16xf32>,
        %parallel_loop3A_702 = tpu.vector_load_idx %arg6[%parallel_loop3A_594, %add3A_110] : memref<100x128xi32, #tpu.memory_space<vmem>>[vector<16xi32>, vector<16xi32>], vector<16xi32>,
        %parallel_loop3A_703 = arith.shli %parallel_loop3A_702, %broadcast_in_dim3A_120 : vector<16xi32>
        %parallel_loop3A_704 = vector.bitcast %parallel_loop3A_703 : vector<16xi32> to vector<16xf32>
        %parallel_loop3A_705 = arith.andi %parallel_loop3A_702, %broadcast_in_dim3A_122 : vector<16xi32>
        %parallel_loop3A_706 = vector.bitcast %parallel_loop3A_705 : vector<16xi32> to vector<16xf32>
        %parallel_loop3A_707 = arith.constant 0 : i32
        %parallel_loop3A_708 = arith.constant 0 : i32
        %parallel_loop3A_709 = tpu.memref_slice %arg8[%select_n3A_372, %parallel_loop3A_707, %parallel_loop3A_708] : memref<3x160x128xf32, #tpu.memory_space<vmem>> -> memref<1x160x128xf32, #tpu.memory_space<vmem>>
        %parallel_loop3A_710 = tpu.memref_squeeze %parallel_loop3A_709 : memref<1x160x128xf32, #tpu.memory_space<vmem>> -> memref<160x128xf32, #tpu.memory_space<vmem>>
        %parallel_loop3A_711 = arith.index_cast %parallel_loop3A_596 : i32 to index
        %parallel_loop3A_712 = arith.constant 80 : index
        %parallel_loop3A_713 = tpu.vector_load %parallel_loop3A_710[%parallel_loop3A_711, %parallel_loop3A_712] {strides = array<i32>} : memref<160x128xf32, #tpu.memory_space<vmem>>, vector<16xf32>,
        %parallel_loop3A_714 = arith.mulf %parallel_loop3A_713, %parallel_loop3A_704 : vector<16xf32>
        %parallel_loop3A_715 = arith.addf %parallel_loop3A_714, %parallel_loop3A_706 : vector<16xf32>
        %parallel_loop3A_716 = arith.constant 0 : i32
        %parallel_loop3A_717 = arith.constant 0 : i32
        %parallel_loop3A_718 = tpu.memref_slice %arg9[%select_n3A_355, %parallel_loop3A_716, %parallel_loop3A_717] : memref<2x160x128xf32, #tpu.memory_space<vmem>> -> memref<1x160x128xf32, #tpu.memory_space<vmem>>
        %parallel_loop3A_719 = tpu.memref_squeeze %parallel_loop3A_718 : memref<1x160x128xf32, #tpu.memory_space<vmem>> -> memref<160x128xf32, #tpu.memory_space<vmem>>
        %parallel_loop3A_720 = arith.index_cast %parallel_loop3A_596 : i32 to index
        %parallel_loop3A_721 = arith.constant 80 : index
        %parallel_loop3A_722 = tpu.vector_load %parallel_loop3A_719[%parallel_loop3A_720, %parallel_loop3A_721] {strides = array<i32>} : memref<160x128xf32, #tpu.memory_space<vmem>>, vector<16xf32>,
        tpu.vector_store %parallel_loop3A_719[%parallel_loop3A_720, %parallel_loop3A_721], %parallel_loop3A_715 {strides = array<i32>} : memref<160x128xf32, #tpu.memory_space<vmem>>, vector<16xf32>,
        %parallel_loop3A_723 = tpu.vector_load_idx %arg6[%parallel_loop3A_594, %add3A_114] : memref<100x128xi32, #tpu.memory_space<vmem>>[vector<16xi32>, vector<16xi32>], vector<16xi32>,
        %parallel_loop3A_724 = arith.shli %parallel_loop3A_723, %broadcast_in_dim3A_120 : vector<16xi32>
        %parallel_loop3A_725 = vector.bitcast %parallel_loop3A_724 : vector<16xi32> to vector<16xf32>
        %parallel_loop3A_726 = arith.andi %parallel_loop3A_723, %broadcast_in_dim3A_122 : vector<16xi32>
        %parallel_loop3A_727 = vector.bitcast %parallel_loop3A_726 : vector<16xi32> to vector<16xf32>
        %parallel_loop3A_728 = arith.constant 0 : i32
        %parallel_loop3A_729 = arith.constant 0 : i32
        %parallel_loop3A_730 = tpu.memref_slice %arg8[%select_n3A_372, %parallel_loop3A_728, %parallel_loop3A_729] : memref<3x160x128xf32, #tpu.memory_space<vmem>> -> memref<1x160x128xf32, #tpu.memory_space<vmem>>
        %parallel_loop3A_731 = tpu.memref_squeeze %parallel_loop3A_730 : memref<1x160x128xf32, #tpu.memory_space<vmem>> -> memref<160x128xf32, #tpu.memory_space<vmem>>
        %parallel_loop3A_732 = arith.index_cast %parallel_loop3A_596 : i32 to index
        %parallel_loop3A_733 = arith.constant 96 : index
        %parallel_loop3A_734 = tpu.vector_load %parallel_loop3A_731[%parallel_loop3A_732, %parallel_loop3A_733] {strides = array<i32>} : memref<160x128xf32, #tpu.memory_space<vmem>>, vector<16xf32>,
        %parallel_loop3A_735 = arith.mulf %parallel_loop3A_734, %parallel_loop3A_725 : vector<16xf32>
        %parallel_loop3A_736 = arith.addf %parallel_loop3A_735, %parallel_loop3A_727 : vector<16xf32>
        %parallel_loop3A_737 = arith.constant 0 : i32
        %parallel_loop3A_738 = arith.constant 0 : i32
        %parallel_loop3A_739 = tpu.memref_slice %arg9[%select_n3A_355, %parallel_loop3A_737, %parallel_loop3A_738] : memref<2x160x128xf32, #tpu.memory_space<vmem>> -> memref<1x160x128xf32, #tpu.memory_space<vmem>>
        %parallel_loop3A_740 = tpu.memref_squeeze %parallel_loop3A_739 : memref<1x160x128xf32, #tpu.memory_space<vmem>> -> memref<160x128xf32, #tpu.memory_space<vmem>>
        %parallel_loop3A_741 = arith.index_cast %parallel_loop3A_596 : i32 to index
        %parallel_loop3A_742 = arith.constant 96 : index
        %parallel_loop3A_743 = tpu.vector_load %parallel_loop3A_740[%parallel_loop3A_741, %parallel_loop3A_742] {strides = array<i32>} : memref<160x128xf32, #tpu.memory_space<vmem>>, vector<16xf32>,
        tpu.vector_store %parallel_loop3A_740[%parallel_loop3A_741, %parallel_loop3A_742], %parallel_loop3A_736 {strides = array<i32>} : memref<160x128xf32, #tpu.memory_space<vmem>>, vector<16xf32>,
        %parallel_loop3A_744 = tpu.vector_load_idx %arg6[%parallel_loop3A_594, %add3A_118] : memref<100x128xi32, #tpu.memory_space<vmem>>[vector<16xi32>, vector<16xi32>], vector<16xi32>,
        %parallel_loop3A_745 = arith.shli %parallel_loop3A_744, %broadcast_in_dim3A_120 : vector<16xi32>
        %parallel_loop3A_746 = vector.bitcast %parallel_loop3A_745 : vector<16xi32> to vector<16xf32>
        %parallel_loop3A_747 = arith.andi %parallel_loop3A_744, %broadcast_in_dim3A_122 : vector<16xi32>
        %parallel_loop3A_748 = vector.bitcast %parallel_loop3A_747 : vector<16xi32> to vector<16xf32>
        %parallel_loop3A_749 = arith.constant 0 : i32
        %parallel_loop3A_750 = arith.constant 0 : i32
        %parallel_loop3A_751 = tpu.memref_slice %arg8[%select_n3A_372, %parallel_loop3A_749, %parallel_loop3A_750] : memref<3x160x128xf32, #tpu.memory_space<vmem>> -> memref<1x160x128xf32, #tpu.memory_space<vmem>>
        %parallel_loop3A_752 = tpu.memref_squeeze %parallel_loop3A_751 : memref<1x160x128xf32, #tpu.memory_space<vmem>> -> memref<160x128xf32, #tpu.memory_space<vmem>>
        %parallel_loop3A_753 = arith.index_cast %parallel_loop3A_596 : i32 to index
        %parallel_loop3A_754 = arith.constant 112 : index
        %parallel_loop3A_755 = tpu.vector_load %parallel_loop3A_752[%parallel_loop3A_753, %parallel_loop3A_754] {strides = array<i32>} : memref<160x128xf32, #tpu.memory_space<vmem>>, vector<16xf32>,
        %parallel_loop3A_756 = arith.mulf %parallel_loop3A_755, %parallel_loop3A_746 : vector<16xf32>
        %parallel_loop3A_757 = arith.addf %parallel_loop3A_756, %parallel_loop3A_748 : vector<16xf32>
        %parallel_loop3A_758 = arith.constant 0 : i32
        %parallel_loop3A_759 = arith.constant 0 : i32
        %parallel_loop3A_760 = tpu.memref_slice %arg9[%select_n3A_355, %parallel_loop3A_758, %parallel_loop3A_759] : memref<2x160x128xf32, #tpu.memory_space<vmem>> -> memref<1x160x128xf32, #tpu.memory_space<vmem>>
        %parallel_loop3A_761 = tpu.memref_squeeze %parallel_loop3A_760 : memref<1x160x128xf32, #tpu.memory_space<vmem>> -> memref<160x128xf32, #tpu.memory_space<vmem>>
        %parallel_loop3A_762 = arith.index_cast %parallel_loop3A_596 : i32 to index
        %parallel_loop3A_763 = arith.constant 112 : index
        %parallel_loop3A_764 = tpu.vector_load %parallel_loop3A_761[%parallel_loop3A_762, %parallel_loop3A_763] {strides = array<i32>} : memref<160x128xf32, #tpu.memory_space<vmem>>, vector<16xf32>,
        tpu.vector_store %parallel_loop3A_761[%parallel_loop3A_762, %parallel_loop3A_763], %parallel_loop3A_757 {strides = array<i32>} : memref<160x128xf32, #tpu.memory_space<vmem>>, vector<16xf32>,
      } {sc.loop_unroll_factor = 4 : i64, sc.parallel_access}
      %jit3A_535 = arith.constant 2 : i32
      %eq3A_536 = arith.constant 0 : i32
      %eq3A_537 = arith.cmpi eq, %jit3A_535, %eq3A_536 : i32
      %jit3A_538 = arith.constant 1 : i32
      %select_n3A_539 = arith.select %eq3A_537, %jit3A_538, %jit3A_535 : i32
      %rem3A_540 = arith.remsi %while3A_232, %select_n3A_539 : i32
      %ne3A_541 = arith.constant 0 : i32
      %ne3A_542 = arith.cmpi ne, %rem3A_540, %ne3A_541 : i32
      %lt3A_543 = arith.constant 0 : i32
      %lt3A_544 = arith.cmpi slt, %rem3A_540, %lt3A_543 : i32
      %lt3A_545 = arith.constant 0 : i32
      %lt3A_546 = arith.cmpi slt, %select_n3A_539, %lt3A_545 : i32
      %ne3A_547 = arith.xori %lt3A_544, %lt3A_546 : i1
      %and3A_548 = arith.andi %ne3A_547, %ne3A_542 : i1
      %add3A_549 = arith.addi %rem3A_540, %select_n3A_539 : i32
      %select_n3A_550 = arith.select %and3A_548, %add3A_549, %rem3A_540 : i32
      %add3A_551 = arith.addi %mul3A_2, %while3A_232 : i32
      %mul3A_552 = arith.constant 160 : i32
      %mul3A_553 = arith.muli %add3A_551, %mul3A_552 : i32
      %add3A_554 = arith.constant 80 : i32
      %add3A_555 = arith.addi %mul3A_553, %add3A_554 : i32
      %jit3A_556 = arith.constant 2 : i32
      %eq3A_557 = arith.constant 0 : i32
      %eq3A_558 = arith.cmpi eq, %jit3A_556, %eq3A_557 : i32
      %jit3A_559 = arith.constant 1 : i32
      %select_n3A_560 = arith.select %eq3A_558, %jit3A_559, %jit3A_556 : i32
      %rem3A_561 = arith.remsi %while3A_232, %select_n3A_560 : i32
      %ne3A_562 = arith.constant 0 : i32
      %ne3A_563 = arith.cmpi ne, %rem3A_561, %ne3A_562 : i32
      %lt3A_564 = arith.constant 0 : i32
      %lt3A_565 = arith.cmpi slt, %rem3A_561, %lt3A_564 : i32
      %lt3A_566 = arith.constant 0 : i32
      %lt3A_567 = arith.cmpi slt, %select_n3A_560, %lt3A_566 : i32
      %ne3A_568 = arith.xori %lt3A_565, %lt3A_567 : i1
      %and3A_569 = arith.andi %ne3A_568, %ne3A_563 : i1
      %add3A_570 = arith.addi %rem3A_561, %select_n3A_560 : i32
      %select_n3A_571 = arith.select %and3A_569, %add3A_570, %rem3A_561 : i32
      %dma_start3A_572 = arith.constant 80 : i32
      %dma_start3A_573 = arith.constant 0 : i32
      %dma_start3A_574 = tpu.memref_slice %arg9[%select_n3A_550, %dma_start3A_572, %dma_start3A_573] : memref<2x160x128xf32, #tpu.memory_space<vmem>> -> memref<1x80x128xf32, #tpu.memory_space<vmem>>
      %dma_start3A_575 = tpu.memref_squeeze %dma_start3A_574 : memref<1x80x128xf32, #tpu.memory_space<vmem>> -> memref<80x128xf32, #tpu.memory_space<vmem>>
      %dma_start3A_576 = arith.constant 0 : i32
      %dma_start3A_577 = tpu.memref_slice %arg5[%add3A_555, %dma_start3A_576] : memref<100000x128xf32, #tpu.memory_space<hbm>> -> memref<80x128xf32, #tpu.memory_space<hbm>>
      %dma_start3A_578 = tpu.memref_slice %arg12[%select_n3A_571] : memref<2x!tpu.dma_semaphore, #tpu.memory_space<semaphore_mem>> -> memref<1x!tpu.dma_semaphore, #tpu.memory_space<semaphore_mem>>
      %dma_start3A_579 = tpu.memref_squeeze %dma_start3A_578 : memref<1x!tpu.dma_semaphore, #tpu.memory_space<semaphore_mem>> -> memref<!tpu.dma_semaphore, #tpu.memory_space<semaphore_mem>>
      %dma_start3A_580 = arith.constant 0 : i32
      %dma_start3A_581 = tpu.memref_slice %arg5[%add3A_555, %dma_start3A_580] : memref<100000x128xf32, #tpu.memory_space<hbm>> -> memref<80x128xf32, #tpu.memory_space<hbm>>
      %dma_start3A_582 = arith.constant 80 : i32
      %dma_start3A_583 = arith.constant 0 : i32
      %dma_start3A_584 = tpu.memref_slice %arg9[%select_n3A_550, %dma_start3A_582, %dma_start3A_583] : memref<2x160x128xf32, #tpu.memory_space<vmem>> -> memref<1x80x128xf32, #tpu.memory_space<vmem>>
      %dma_start3A_585 = tpu.memref_squeeze %dma_start3A_584 : memref<1x80x128xf32, #tpu.memory_space<vmem>> -> memref<80x128xf32, #tpu.memory_space<vmem>>
      tpu.enqueue_dma source(%dma_start3A_585 : memref<80x128xf32, #tpu.memory_space<vmem>>) target(%dma_start3A_581 : memref<80x128xf32, #tpu.memory_space<hbm>>) target_semaphore(%dma_start3A_579 : memref<!tpu.dma_semaphore, #tpu.memory_space<semaphore_mem>>)
      %add3A_586 = arith.constant 2 : i32
      %add3A_587 = arith.addi %while3A_232, %add3A_586 : i32
      %lt3A_588 = arith.cmpi slt, %add3A_587, %max3A_5 : i32
      %convert_element_type3A_589 = arith.extui %lt3A_588 : i1 to i32
      %cond3A_590 = arith.constant 0 : i32
      %cond3A_591 = arith.cmpi ne, %convert_element_type3A_589, %cond3A_590 : i32
      scf.if %cond3A_591 {
        %add3A_592 = arith.constant 2 : i32
        %add3A_593 = arith.addi %while3A_232, %add3A_592 : i32
        %add3A_594 = arith.addi %mul3A_2, %add3A_593 : i32
        %mul3A_595 = arith.constant 160 : i32
        %mul3A_596 = arith.muli %add3A_594, %mul3A_595 : i32
        %add3A_597 = arith.constant 0 : i32
        %add3A_598 = arith.addi %mul3A_596, %add3A_597 : i32
        %jit3A_599 = arith.constant 2 : i32
        %eq3A_600 = arith.constant 0 : i32
        %eq3A_601 = arith.cmpi eq, %jit3A_599, %eq3A_600 : i32
        %jit3A_602 = arith.constant 1 : i32
        %select_n3A_603 = arith.select %eq3A_601, %jit3A_602, %jit3A_599 : i32
        %rem3A_604 = arith.remsi %add3A_593, %select_n3A_603 : i32
        %ne3A_605 = arith.constant 0 : i32
        %ne3A_606 = arith.cmpi ne, %rem3A_604, %ne3A_605 : i32
        %lt3A_607 = arith.constant 0 : i32
        %lt3A_608 = arith.cmpi slt, %rem3A_604, %lt3A_607 : i32
        %lt3A_609 = arith.constant 0 : i32
        %lt3A_610 = arith.cmpi slt, %select_n3A_603, %lt3A_609 : i32
        %ne3A_611 = arith.xori %lt3A_608, %lt3A_610 : i1
        %and3A_612 = arith.andi %ne3A_611, %ne3A_606 : i1
        %add3A_613 = arith.addi %rem3A_604, %select_n3A_603 : i32
        %select_n3A_614 = arith.select %and3A_612, %add3A_613, %rem3A_604 : i32
        %jit3A_615 = arith.constant 2 : i32
        %eq3A_616 = arith.constant 0 : i32
        %eq3A_617 = arith.cmpi eq, %jit3A_615, %eq3A_616 : i32
        %jit3A_618 = arith.constant 1 : i32
        %select_n3A_619 = arith.select %eq3A_617, %jit3A_618, %jit3A_615 : i32
        %rem3A_620 = arith.remsi %add3A_593, %select_n3A_619 : i32
        %ne3A_621 = arith.constant 0 : i32
        %ne3A_622 = arith.cmpi ne, %rem3A_620, %ne3A_621 : i32
        %lt3A_623 = arith.constant 0 : i32
        %lt3A_624 = arith.cmpi slt, %rem3A_620, %lt3A_623 : i32
        %lt3A_625 = arith.constant 0 : i32
        %lt3A_626 = arith.cmpi slt, %select_n3A_619, %lt3A_625 : i32
        %ne3A_627 = arith.xori %lt3A_624, %lt3A_626 : i1
        %and3A_628 = arith.andi %ne3A_627, %ne3A_622 : i1
        %add3A_629 = arith.addi %rem3A_620, %select_n3A_619 : i32
        %select_n3A_630 = arith.select %and3A_628, %add3A_629, %rem3A_620 : i32
        %dma_start3A_631 = arith.constant 0 : i32
        %dma_start3A_632 = arith.constant 0 : i32
        %dma_start3A_633 = tpu.memref_slice %arg7[%select_n3A_614, %dma_start3A_631, %dma_start3A_632] : memref<2x2x80xi32, #tpu.memory_space<vmem>> -> memref<1x1x80xi32, #tpu.memory_space<vmem>>
        %dma_start3A_634 = tpu.memref_squeeze %dma_start3A_633 : memref<1x1x80xi32, #tpu.memory_space<vmem>> -> memref<80xi32, #tpu.memory_space<vmem>>
        %dma_start3A_635 = tpu.memref_slice %arg4[%add3A_598] : memref<100000xi32, #tpu.memory_space<hbm>> -> memref<80xi32, #tpu.memory_space<hbm>>
        %dma_start3A_636 = tpu.memref_slice %arg10[%select_n3A_630] : memref<2x!tpu.dma_semaphore, #tpu.memory_space<semaphore_mem>> -> memref<1x!tpu.dma_semaphore, #tpu.memory_space<semaphore_mem>>
        %dma_start3A_637 = tpu.memref_squeeze %dma_start3A_636 : memref<1x!tpu.dma_semaphore, #tpu.memory_space<semaphore_mem>> -> memref<!tpu.dma_semaphore, #tpu.memory_space<semaphore_mem>>
        %dma_start3A_638 = arith.constant 0 : i32
        %dma_start3A_639 = tpu.memref_slice %arg7[%select_n3A_614, %dma_start3A_631, %dma_start3A_638] : memref<2x2x80xi32, #tpu.memory_space<vmem>> -> memref<1x1x80xi32, #tpu.memory_space<vmem>>
        %dma_start3A_640 = tpu.memref_squeeze %dma_start3A_639 : memref<1x1x80xi32, #tpu.memory_space<vmem>> -> memref<80xi32, #tpu.memory_space<vmem>>
        %dma_start3A_641 = tpu.memref_slice %arg4[%add3A_598] : memref<100000xi32, #tpu.memory_space<hbm>> -> memref<80xi32, #tpu.memory_space<hbm>>
        tpu.enqueue_dma source(%dma_start3A_641 : memref<80xi32, #tpu.memory_space<hbm>>) target(%dma_start3A_640 : memref<80xi32, #tpu.memory_space<vmem>>) target_semaphore(%dma_start3A_637 : memref<!tpu.dma_semaphore, #tpu.memory_space<semaphore_mem>>)
        %add3A_642 = arith.addi %mul3A_2, %add3A_593 : i32
        %mul3A_643 = arith.constant 160 : i32
        %mul3A_644 = arith.muli %add3A_642, %mul3A_643 : i32
        %add3A_645 = arith.constant 80 : i32
        %add3A_646 = arith.addi %mul3A_644, %add3A_645 : i32
        %jit3A_647 = arith.constant 2 : i32
        %eq3A_648 = arith.constant 0 : i32
        %eq3A_649 = arith.cmpi eq, %jit3A_647, %eq3A_648 : i32
        %jit3A_650 = arith.constant 1 : i32
        %select_n3A_651 = arith.select %eq3A_649, %jit3A_650, %jit3A_647 : i32
        %rem3A_652 = arith.remsi %add3A_593, %select_n3A_651 : i32
        %ne3A_653 = arith.constant 0 : i32
        %ne3A_654 = arith.cmpi ne, %rem3A_652, %ne3A_653 : i32
        %lt3A_655 = arith.constant 0 : i32
        %lt3A_656 = arith.cmpi slt, %rem3A_652, %lt3A_655 : i32
        %lt3A_657 = arith.constant 0 : i32
        %lt3A_658 = arith.cmpi slt, %select_n3A_651, %lt3A_657 : i32
        %ne3A_659 = arith.xori %lt3A_656, %lt3A_658 : i1
        %and3A_660 = arith.andi %ne3A_659, %ne3A_654 : i1
        %add3A_661 = arith.addi %rem3A_652, %select_n3A_651 : i32
        %select_n3A_662 = arith.select %and3A_660, %add3A_661, %rem3A_652 : i32
        %jit3A_663 = arith.constant 2 : i32
        %eq3A_664 = arith.constant 0 : i32
        %eq3A_665 = arith.cmpi eq, %jit3A_663, %eq3A_664 : i32
        %jit3A_666 = arith.constant 1 : i32
        %select_n3A_667 = arith.select %eq3A_665, %jit3A_666, %jit3A_663 : i32
        %rem3A_668 = arith.remsi %add3A_593, %select_n3A_667 : i32
        %ne3A_669 = arith.constant 0 : i32
        %ne3A_670 = arith.cmpi ne, %rem3A_668, %ne3A_669 : i32
        %lt3A_671 = arith.constant 0 : i32
        %lt3A_672 = arith.cmpi slt, %rem3A_668, %lt3A_671 : i32
        %lt3A_673 = arith.constant 0 : i32
        %lt3A_674 = arith.cmpi slt, %select_n3A_667, %lt3A_673 : i32
        %ne3A_675 = arith.xori %lt3A_672, %lt3A_674 : i1
        %and3A_676 = arith.andi %ne3A_675, %ne3A_670 : i1
        %add3A_677 = arith.addi %rem3A_668, %select_n3A_667 : i32
        %select_n3A_678 = arith.select %and3A_676, %add3A_677, %rem3A_668 : i32
        %dma_start3A_679 = arith.constant 1 : i32
        %dma_start3A_680 = arith.constant 0 : i32
        %dma_start3A_681 = tpu.memref_slice %arg7[%select_n3A_662, %dma_start3A_679, %dma_start3A_680] : memref<2x2x80xi32, #tpu.memory_space<vmem>> -> memref<1x1x80xi32, #tpu.memory_space<vmem>>
        %dma_start3A_682 = tpu.memref_squeeze %dma_start3A_681 : memref<1x1x80xi32, #tpu.memory_space<vmem>> -> memref<80xi32, #tpu.memory_space<vmem>>
        %dma_start3A_683 = tpu.memref_slice %arg4[%add3A_646] : memref<100000xi32, #tpu.memory_space<hbm>> -> memref<80xi32, #tpu.memory_space<hbm>>
        %dma_start3A_684 = tpu.memref_slice %arg10[%select_n3A_678] : memref<2x!tpu.dma_semaphore, #tpu.memory_space<semaphore_mem>> -> memref<1x!tpu.dma_semaphore, #tpu.memory_space<semaphore_mem>>
        %dma_start3A_685 = tpu.memref_squeeze %dma_start3A_684 : memref<1x!tpu.dma_semaphore, #tpu.memory_space<semaphore_mem>> -> memref<!tpu.dma_semaphore, #tpu.memory_space<semaphore_mem>>
        %dma_start3A_686 = arith.constant 0 : i32
        %dma_start3A_687 = tpu.memref_slice %arg7[%select_n3A_662, %dma_start3A_679, %dma_start3A_686] : memref<2x2x80xi32, #tpu.memory_space<vmem>> -> memref<1x1x80xi32, #tpu.memory_space<vmem>>
        %dma_start3A_688 = tpu.memref_squeeze %dma_start3A_687 : memref<1x1x80xi32, #tpu.memory_space<vmem>> -> memref<80xi32, #tpu.memory_space<vmem>>
        %dma_start3A_689 = tpu.memref_slice %arg4[%add3A_646] : memref<100000xi32, #tpu.memory_space<hbm>> -> memref<80xi32, #tpu.memory_space<hbm>>
        tpu.enqueue_dma source(%dma_start3A_689 : memref<80xi32, #tpu.memory_space<hbm>>) target(%dma_start3A_688 : memref<80xi32, #tpu.memory_space<vmem>>) target_semaphore(%dma_start3A_685 : memref<!tpu.dma_semaphore, #tpu.memory_space<semaphore_mem>>)
      } else {
      }
    }
    %while3A_131 = arith.constant 1 : i32
    scf.for %while3A_232 = %while3A_129 to %while3A_125 step %while3A_131  : i32 {
      %add3A_233 = arith.constant 2 : i32
      %add3A_234 = arith.addi %while3A_232, %add3A_233 : i32
      %lt3A_235 = arith.cmpi slt, %add3A_234, %max3A_5 : i32
      %convert_element_type3A_236 = arith.extui %lt3A_235 : i1 to i32
      %cond3A_237 = arith.constant 0 : i32
      %cond3A_238 = arith.cmpi ne, %convert_element_type3A_236, %cond3A_237 : i32
      scf.if %cond3A_238 {
        %add3A_592 = arith.constant 2 : i32
        %add3A_593 = arith.addi %while3A_232, %add3A_592 : i32
        %add3A_594 = arith.addi %mul3A_2, %add3A_593 : i32
        %mul3A_595 = arith.constant 160 : i32
        %mul3A_596 = arith.muli %add3A_594, %mul3A_595 : i32
        %add3A_597 = arith.constant 0 : i32
        %add3A_598 = arith.addi %mul3A_596, %add3A_597 : i32
        %jit3A_599 = arith.constant 3 : i32
        %eq3A_600 = arith.constant 0 : i32
        %eq3A_601 = arith.cmpi eq, %jit3A_599, %eq3A_600 : i32
        %jit3A_602 = arith.constant 1 : i32
        %select_n3A_603 = arith.select %eq3A_601, %jit3A_602, %jit3A_599 : i32
        %rem3A_604 = arith.remsi %add3A_593, %select_n3A_603 : i32
        %ne3A_605 = arith.constant 0 : i32
        %ne3A_606 = arith.cmpi ne, %rem3A_604, %ne3A_605 : i32
        %lt3A_607 = arith.constant 0 : i32
        %lt3A_608 = arith.cmpi slt, %rem3A_604, %lt3A_607 : i32
        %lt3A_609 = arith.constant 0 : i32
        %lt3A_610 = arith.cmpi slt, %select_n3A_603, %lt3A_609 : i32
        %ne3A_611 = arith.xori %lt3A_608, %lt3A_610 : i1
        %and3A_612 = arith.andi %ne3A_611, %ne3A_606 : i1
        %add3A_613 = arith.addi %rem3A_604, %select_n3A_603 : i32
        %select_n3A_614 = arith.select %and3A_612, %add3A_613, %rem3A_604 : i32
        %jit3A_615 = arith.constant 3 : i32
        %eq3A_616 = arith.constant 0 : i32
        %eq3A_617 = arith.cmpi eq, %jit3A_615, %eq3A_616 : i32
        %jit3A_618 = arith.constant 1 : i32
        %select_n3A_619 = arith.select %eq3A_617, %jit3A_618, %jit3A_615 : i32
        %rem3A_620 = arith.remsi %add3A_593, %select_n3A_619 : i32
        %ne3A_621 = arith.constant 0 : i32
        %ne3A_622 = arith.cmpi ne, %rem3A_620, %ne3A_621 : i32
        %lt3A_623 = arith.constant 0 : i32
        %lt3A_624 = arith.cmpi slt, %rem3A_620, %lt3A_623 : i32
        %lt3A_625 = arith.constant 0 : i32
        %lt3A_626 = arith.cmpi slt, %select_n3A_619, %lt3A_625 : i32
        %ne3A_627 = arith.xori %lt3A_624, %lt3A_626 : i1
        %and3A_628 = arith.andi %ne3A_627, %ne3A_622 : i1
        %add3A_629 = arith.addi %rem3A_620, %select_n3A_619 : i32
        %select_n3A_630 = arith.select %and3A_628, %add3A_629, %rem3A_620 : i32
        %dma_start3A_631 = arith.constant 0 : i32
        %dma_start3A_632 = arith.constant 0 : i32
        %dma_start3A_633 = tpu.memref_slice %arg8[%select_n3A_614, %dma_start3A_631, %dma_start3A_632] : memref<3x160x128xf32, #tpu.memory_space<vmem>> -> memref<1x80x128xf32, #tpu.memory_space<vmem>>
        %dma_start3A_634 = tpu.memref_squeeze %dma_start3A_633 : memref<1x80x128xf32, #tpu.memory_space<vmem>> -> memref<80x128xf32, #tpu.memory_space<vmem>>
        %dma_start3A_635 = arith.constant 0 : i32
        %dma_start3A_636 = tpu.memref_slice %arg3[%add3A_598, %dma_start3A_635] : memref<100000x128xf32, #tpu.memory_space<hbm>> -> memref<80x128xf32, #tpu.memory_space<hbm>>
        %dma_start3A_637 = tpu.memref_slice %arg11[%select_n3A_630] : memref<3x!tpu.dma_semaphore, #tpu.memory_space<semaphore_mem>> -> memref<1x!tpu.dma_semaphore, #tpu.memory_space<semaphore_mem>>
        %dma_start3A_638 = tpu.memref_squeeze %dma_start3A_637 : memref<1x!tpu.dma_semaphore, #tpu.memory_space<semaphore_mem>> -> memref<!tpu.dma_semaphore, #tpu.memory_space<semaphore_mem>>
        %dma_start3A_639 = arith.constant 0 : i32
        %dma_start3A_640 = arith.constant 0 : i32
        %dma_start3A_641 = tpu.memref_slice %arg8[%select_n3A_614, %dma_start3A_639, %dma_start3A_640] : memref<3x160x128xf32, #tpu.memory_space<vmem>> -> memref<1x80x128xf32, #tpu.memory_space<vmem>>
        %dma_start3A_642 = tpu.memref_squeeze %dma_start3A_641 : memref<1x80x128xf32, #tpu.memory_space<vmem>> -> memref<80x128xf32, #tpu.memory_space<vmem>>
        %dma_start3A_643 = arith.constant 0 : i32
        %dma_start3A_644 = tpu.memref_slice %arg3[%add3A_598, %dma_start3A_643] : memref<100000x128xf32, #tpu.memory_space<hbm>> -> memref<80x128xf32, #tpu.memory_space<hbm>>
        tpu.enqueue_dma source(%dma_start3A_644 : memref<80x128xf32, #tpu.memory_space<hbm>>) target(%dma_start3A_642 : memref<80x128xf32, #tpu.memory_space<vmem>>) target_semaphore(%dma_start3A_638 : memref<!tpu.dma_semaphore, #tpu.memory_space<semaphore_mem>>)
        %add3A_645 = arith.addi %mul3A_2, %add3A_593 : i32
        %mul3A_646 = arith.constant 160 : i32
        %mul3A_647 = arith.muli %add3A_645, %mul3A_646 : i32
        %add3A_648 = arith.constant 80 : i32
        %add3A_649 = arith.addi %mul3A_647, %add3A_648 : i32
        %jit3A_650 = arith.constant 3 : i32
        %eq3A_651 = arith.constant 0 : i32
        %eq3A_652 = arith.cmpi eq, %jit3A_650, %eq3A_651 : i32
        %jit3A_653 = arith.constant 1 : i32
        %select_n3A_654 = arith.select %eq3A_652, %jit3A_653, %jit3A_650 : i32
        %rem3A_655 = arith.remsi %add3A_593, %select_n3A_654 : i32
        %ne3A_656 = arith.constant 0 : i32
        %ne3A_657 = arith.cmpi ne, %rem3A_655, %ne3A_656 : i32
        %lt3A_658 = arith.constant 0 : i32
        %lt3A_659 = arith.cmpi slt, %rem3A_655, %lt3A_658 : i32
        %lt3A_660 = arith.constant 0 : i32
        %lt3A_661 = arith.cmpi slt, %select_n3A_654, %lt3A_660 : i32
        %ne3A_662 = arith.xori %lt3A_659, %lt3A_661 : i1
        %and3A_663 = arith.andi %ne3A_662, %ne3A_657 : i1
        %add3A_664 = arith.addi %rem3A_655, %select_n3A_654 : i32
        %select_n3A_665 = arith.select %and3A_663, %add3A_664, %rem3A_655 : i32
        %jit3A_666 = arith.constant 3 : i32
        %eq3A_667 = arith.constant 0 : i32
        %eq3A_668 = arith.cmpi eq, %jit3A_666, %eq3A_667 : i32
        %jit3A_669 = arith.constant 1 : i32
        %select_n3A_670 = arith.select %eq3A_668, %jit3A_669, %jit3A_666 : i32
        %rem3A_671 = arith.remsi %add3A_593, %select_n3A_670 : i32
        %ne3A_672 = arith.constant 0 : i32
        %ne3A_673 = arith.cmpi ne, %rem3A_671, %ne3A_672 : i32
        %lt3A_674 = arith.constant 0 : i32
        %lt3A_675 = arith.cmpi slt, %rem3A_671, %lt3A_674 : i32
        %lt3A_676 = arith.constant 0 : i32
        %lt3A_677 = arith.cmpi slt, %select_n3A_670, %lt3A_676 : i32
        %ne3A_678 = arith.xori %lt3A_675, %lt3A_677 : i1
        %and3A_679 = arith.andi %ne3A_678, %ne3A_673 : i1
        %add3A_680 = arith.addi %rem3A_671, %select_n3A_670 : i32
        %select_n3A_681 = arith.select %and3A_679, %add3A_680, %rem3A_671 : i32
        %dma_start3A_682 = arith.constant 80 : i32
        %dma_start3A_683 = arith.constant 0 : i32
        %dma_start3A_684 = tpu.memref_slice %arg8[%select_n3A_665, %dma_start3A_682, %dma_start3A_683] : memref<3x160x128xf32, #tpu.memory_space<vmem>> -> memref<1x80x128xf32, #tpu.memory_space<vmem>>
        %dma_start3A_685 = tpu.memref_squeeze %dma_start3A_684 : memref<1x80x128xf32, #tpu.memory_space<vmem>> -> memref<80x128xf32, #tpu.memory_space<vmem>>
        %dma_start3A_686 = arith.constant 0 : i32
        %dma_start3A_687 = tpu.memref_slice %arg3[%add3A_649, %dma_start3A_686] : memref<100000x128xf32, #tpu.memory_space<hbm>> -> memref<80x128xf32, #tpu.memory_space<hbm>>
        %dma_start3A_688 = tpu.memref_slice %arg11[%select_n3A_681] : memref<3x!tpu.dma_semaphore, #tpu.memory_space<semaphore_mem>> -> memref<1x!tpu.dma_semaphore, #tpu.memory_space<semaphore_mem>>
        %dma_start3A_689 = tpu.memref_squeeze %dma_start3A_688 : memref<1x!tpu.dma_semaphore, #tpu.memory_space<semaphore_mem>> -> memref<!tpu.dma_semaphore, #tpu.memory_space<semaphore_mem>>
        %dma_start3A_690 = arith.constant 80 : i32
        %dma_start3A_691 = arith.constant 0 : i32
        %dma_start3A_692 = tpu.memref_slice %arg8[%select_n3A_665, %dma_start3A_690, %dma_start3A_691] : memref<3x160x128xf32, #tpu.memory_space<vmem>> -> memref<1x80x128xf32, #tpu.memory_space<vmem>>
        %dma_start3A_693 = tpu.memref_squeeze %dma_start3A_692 : memref<1x80x128xf32, #tpu.memory_space<vmem>> -> memref<80x128xf32, #tpu.memory_space<vmem>>
        %dma_start3A_694 = arith.constant 0 : i32
        %dma_start3A_695 = tpu.memref_slice %arg3[%add3A_649, %dma_start3A_694] : memref<100000x128xf32, #tpu.memory_space<hbm>> -> memref<80x128xf32, #tpu.memory_space<hbm>>
        tpu.enqueue_dma source(%dma_start3A_695 : memref<80x128xf32, #tpu.memory_space<hbm>>) target(%dma_start3A_693 : memref<80x128xf32, #tpu.memory_space<vmem>>) target_semaphore(%dma_start3A_689 : memref<!tpu.dma_semaphore, #tpu.memory_space<semaphore_mem>>)
      } else {
      }
      %ge3A_239 = arith.constant 2 : i32
      %ge3A_240 = arith.cmpi sge, %while3A_232, %ge3A_239 : i32
      %convert_element_type3A_241 = arith.extui %ge3A_240 : i1 to i32
      %cond3A_242 = arith.constant 0 : i32
      %cond3A_243 = arith.cmpi ne, %convert_element_type3A_241, %cond3A_242 : i32
      scf.if %cond3A_243 {
        %sub3A_592 = arith.constant 2 : i32
        %sub3A_593 = arith.subi %while3A_232, %sub3A_592 : i32
        %jit3A_594 = arith.constant 2 : i32
        %eq3A_595 = arith.constant 0 : i32
        %eq3A_596 = arith.cmpi eq, %jit3A_594, %eq3A_595 : i32
        %jit3A_597 = arith.constant 1 : i32
        %select_n3A_598 = arith.select %eq3A_596, %jit3A_597, %jit3A_594 : i32
        %rem3A_599 = arith.remsi %sub3A_593, %select_n3A_598 : i32
        %ne3A_600 = arith.constant 0 : i32
        %ne3A_601 = arith.cmpi ne, %rem3A_599, %ne3A_600 : i32
        %lt3A_602 = arith.constant 0 : i32
        %lt3A_603 = arith.cmpi slt, %rem3A_599, %lt3A_602 : i32
        %lt3A_604 = arith.constant 0 : i32
        %lt3A_605 = arith.cmpi slt, %select_n3A_598, %lt3A_604 : i32
        %ne3A_606 = arith.xori %lt3A_603, %lt3A_605 : i1
        %and3A_607 = arith.andi %ne3A_606, %ne3A_601 : i1
        %add3A_608 = arith.addi %rem3A_599, %select_n3A_598 : i32
        %select_n3A_609 = arith.select %and3A_607, %add3A_608, %rem3A_599 : i32
        %add3A_610 = arith.addi %mul3A_2, %sub3A_593 : i32
        %mul3A_611 = arith.constant 160 : i32
        %mul3A_612 = arith.muli %add3A_610, %mul3A_611 : i32
        %add3A_613 = arith.constant 0 : i32
        %add3A_614 = arith.addi %mul3A_612, %add3A_613 : i32
        %jit3A_615 = arith.constant 2 : i32
        %eq3A_616 = arith.constant 0 : i32
        %eq3A_617 = arith.cmpi eq, %jit3A_615, %eq3A_616 : i32
        %jit3A_618 = arith.constant 1 : i32
        %select_n3A_619 = arith.select %eq3A_617, %jit3A_618, %jit3A_615 : i32
        %rem3A_620 = arith.remsi %sub3A_593, %select_n3A_619 : i32
        %ne3A_621 = arith.constant 0 : i32
        %ne3A_622 = arith.cmpi ne, %rem3A_620, %ne3A_621 : i32
        %lt3A_623 = arith.constant 0 : i32
        %lt3A_624 = arith.cmpi slt, %rem3A_620, %lt3A_623 : i32
        %lt3A_625 = arith.constant 0 : i32
        %lt3A_626 = arith.cmpi slt, %select_n3A_619, %lt3A_625 : i32
        %ne3A_627 = arith.xori %lt3A_624, %lt3A_626 : i1
        %and3A_628 = arith.andi %ne3A_627, %ne3A_622 : i1
        %add3A_629 = arith.addi %rem3A_620, %select_n3A_619 : i32
        %select_n3A_630 = arith.select %and3A_628, %add3A_629, %rem3A_620 : i32
        %dma_wait3A_631 = arith.constant 0 : i32
        %dma_wait3A_632 = arith.constant 0 : i32
        %dma_wait3A_633 = tpu.memref_slice %arg9[%select_n3A_609, %dma_wait3A_631, %dma_wait3A_632] : memref<2x160x128xf32, #tpu.memory_space<vmem>> -> memref<1x80x128xf32, #tpu.memory_space<vmem>>
        %dma_wait3A_634 = tpu.memref_squeeze %dma_wait3A_633 : memref<1x80x128xf32, #tpu.memory_space<vmem>> -> memref<80x128xf32, #tpu.memory_space<vmem>>
        %dma_wait3A_635 = arith.constant 0 : i32
        %dma_wait3A_636 = tpu.memref_slice %arg5[%add3A_614, %dma_wait3A_635] : memref<100000x128xf32, #tpu.memory_space<hbm>> -> memref<80x128xf32, #tpu.memory_space<hbm>>
        %dma_wait3A_637 = tpu.memref_slice %arg12[%select_n3A_630] : memref<2x!tpu.dma_semaphore, #tpu.memory_space<semaphore_mem>> -> memref<1x!tpu.dma_semaphore, #tpu.memory_space<semaphore_mem>>
        %dma_wait3A_638 = tpu.memref_squeeze %dma_wait3A_637 : memref<1x!tpu.dma_semaphore, #tpu.memory_space<semaphore_mem>> -> memref<!tpu.dma_semaphore, #tpu.memory_space<semaphore_mem>>
        %dma_wait3A_639 = arith.constant 0 : i32
        %dma_wait3A_640 = tpu.memref_slice %arg5[%add3A_614, %dma_wait3A_639] : memref<100000x128xf32, #tpu.memory_space<hbm>> -> memref<80x128xf32, #tpu.memory_space<hbm>>
        %dma_wait3A_641 = arith.constant 0 : i32
        %dma_wait3A_642 = arith.constant 0 : i32
        %dma_wait3A_643 = tpu.memref_slice %arg9[%select_n3A_609, %dma_wait3A_641, %dma_wait3A_642] : memref<2x160x128xf32, #tpu.memory_space<vmem>> -> memref<1x80x128xf32, #tpu.memory_space<vmem>>
        %dma_wait3A_644 = tpu.memref_squeeze %dma_wait3A_643 : memref<1x80x128xf32, #tpu.memory_space<vmem>> -> memref<80x128xf32, #tpu.memory_space<vmem>>
        tpu.wait_dma2 semaphore(%dma_wait3A_638 : memref<!tpu.dma_semaphore, #tpu.memory_space<semaphore_mem>>) src(%dma_wait3A_644 : memref<80x128xf32, #tpu.memory_space<vmem>>) dst(%dma_wait3A_640 : memref<80x128xf32, #tpu.memory_space<hbm>>)
        %jit3A_645 = arith.constant 2 : i32
        %eq3A_646 = arith.constant 0 : i32
        %eq3A_647 = arith.cmpi eq, %jit3A_645, %eq3A_646 : i32
        %jit3A_648 = arith.constant 1 : i32
        %select_n3A_649 = arith.select %eq3A_647, %jit3A_648, %jit3A_645 : i32
        %rem3A_650 = arith.remsi %sub3A_593, %select_n3A_649 : i32
        %ne3A_651 = arith.constant 0 : i32
        %ne3A_652 = arith.cmpi ne, %rem3A_650, %ne3A_651 : i32
        %lt3A_653 = arith.constant 0 : i32
        %lt3A_654 = arith.cmpi slt, %rem3A_650, %lt3A_653 : i32
        %lt3A_655 = arith.constant 0 : i32
        %lt3A_656 = arith.cmpi slt, %select_n3A_649, %lt3A_655 : i32
        %ne3A_657 = arith.xori %lt3A_654, %lt3A_656 : i1
        %and3A_658 = arith.andi %ne3A_657, %ne3A_652 : i1
        %add3A_659 = arith.addi %rem3A_650, %select_n3A_649 : i32
        %select_n3A_660 = arith.select %and3A_658, %add3A_659, %rem3A_650 : i32
        %add3A_661 = arith.addi %mul3A_2, %sub3A_593 : i32
        %mul3A_662 = arith.constant 160 : i32
        %mul3A_663 = arith.muli %add3A_661, %mul3A_662 : i32
        %add3A_664 = arith.constant 80 : i32
        %add3A_665 = arith.addi %mul3A_663, %add3A_664 : i32
        %jit3A_666 = arith.constant 2 : i32
        %eq3A_667 = arith.constant 0 : i32
        %eq3A_668 = arith.cmpi eq, %jit3A_666, %eq3A_667 : i32
        %jit3A_669 = arith.constant 1 : i32
        %select_n3A_670 = arith.select %eq3A_668, %jit3A_669, %jit3A_666 : i32
        %rem3A_671 = arith.remsi %sub3A_593, %select_n3A_670 : i32
        %ne3A_672 = arith.constant 0 : i32
        %ne3A_673 = arith.cmpi ne, %rem3A_671, %ne3A_672 : i32
        %lt3A_674 = arith.constant 0 : i32
        %lt3A_675 = arith.cmpi slt, %rem3A_671, %lt3A_674 : i32
        %lt3A_676 = arith.constant 0 : i32
        %lt3A_677 = arith.cmpi slt, %select_n3A_670, %lt3A_676 : i32
        %ne3A_678 = arith.xori %lt3A_675, %lt3A_677 : i1
        %and3A_679 = arith.andi %ne3A_678, %ne3A_673 : i1
        %add3A_680 = arith.addi %rem3A_671, %select_n3A_670 : i32
        %select_n3A_681 = arith.select %and3A_679, %add3A_680, %rem3A_671 : i32
        %dma_wait3A_682 = arith.constant 80 : i32
        %dma_wait3A_683 = arith.constant 0 : i32
        %dma_wait3A_684 = tpu.memref_slice %arg9[%select_n3A_660, %dma_wait3A_682, %dma_wait3A_683] : memref<2x160x128xf32, #tpu.memory_space<vmem>> -> memref<1x80x128xf32, #tpu.memory_space<vmem>>
        %dma_wait3A_685 = tpu.memref_squeeze %dma_wait3A_684 : memref<1x80x128xf32, #tpu.memory_space<vmem>> -> memref<80x128xf32, #tpu.memory_space<vmem>>
        %dma_wait3A_686 = arith.constant 0 : i32
        %dma_wait3A_687 = tpu.memref_slice %arg5[%add3A_665, %dma_wait3A_686] : memref<100000x128xf32, #tpu.memory_space<hbm>> -> memref<80x128xf32, #tpu.memory_space<hbm>>
        %dma_wait3A_688 = tpu.memref_slice %arg12[%select_n3A_681] : memref<2x!tpu.dma_semaphore, #tpu.memory_space<semaphore_mem>> -> memref<1x!tpu.dma_semaphore, #tpu.memory_space<semaphore_mem>>
        %dma_wait3A_689 = tpu.memref_squeeze %dma_wait3A_688 : memref<1x!tpu.dma_semaphore, #tpu.memory_space<semaphore_mem>> -> memref<!tpu.dma_semaphore, #tpu.memory_space<semaphore_mem>>
        %dma_wait3A_690 = arith.constant 0 : i32
        %dma_wait3A_691 = tpu.memref_slice %arg5[%add3A_665, %dma_wait3A_690] : memref<100000x128xf32, #tpu.memory_space<hbm>> -> memref<80x128xf32, #tpu.memory_space<hbm>>
        %dma_wait3A_692 = arith.constant 80 : i32
        %dma_wait3A_693 = arith.constant 0 : i32
        %dma_wait3A_694 = tpu.memref_slice %arg9[%select_n3A_660, %dma_wait3A_692, %dma_wait3A_693] : memref<2x160x128xf32, #tpu.memory_space<vmem>> -> memref<1x80x128xf32, #tpu.memory_space<vmem>>
        %dma_wait3A_695 = tpu.memref_squeeze %dma_wait3A_694 : memref<1x80x128xf32, #tpu.memory_space<vmem>> -> memref<80x128xf32, #tpu.memory_space<vmem>>
        tpu.wait_dma2 semaphore(%dma_wait3A_689 : memref<!tpu.dma_semaphore, #tpu.memory_space<semaphore_mem>>) src(%dma_wait3A_695 : memref<80x128xf32, #tpu.memory_space<vmem>>) dst(%dma_wait3A_691 : memref<80x128xf32, #tpu.memory_space<hbm>>)
      } else {
      }
      %add3A_244 = arith.addi %mul3A_2, %while3A_232 : i32
      %mul3A_245 = arith.constant 160 : i32
      %mul3A_246 = arith.muli %add3A_244, %mul3A_245 : i32
      %add3A_247 = arith.constant 0 : i32
      %add3A_248 = arith.addi %mul3A_246, %add3A_247 : i32
      %jit3A_249 = arith.constant 2 : i32
      %eq3A_250 = arith.constant 0 : i32
      %eq3A_251 = arith.cmpi eq, %jit3A_249, %eq3A_250 : i32
      %jit3A_252 = arith.constant 1 : i32
      %select_n3A_253 = arith.select %eq3A_251, %jit3A_252, %jit3A_249 : i32
      %rem3A_254 = arith.remsi %while3A_232, %select_n3A_253 : i32
      %ne3A_255 = arith.constant 0 : i32
      %ne3A_256 = arith.cmpi ne, %rem3A_254, %ne3A_255 : i32
      %lt3A_257 = arith.constant 0 : i32
      %lt3A_258 = arith.cmpi slt, %rem3A_254, %lt3A_257 : i32
      %lt3A_259 = arith.constant 0 : i32
      %lt3A_260 = arith.cmpi slt, %select_n3A_253, %lt3A_259 : i32
      %ne3A_261 = arith.xori %lt3A_258, %lt3A_260 : i1
      %and3A_262 = arith.andi %ne3A_261, %ne3A_256 : i1
      %add3A_263 = arith.addi %rem3A_254, %select_n3A_253 : i32
      %select_n3A_264 = arith.select %and3A_262, %add3A_263, %rem3A_254 : i32
      %jit3A_265 = arith.constant 2 : i32
      %eq3A_266 = arith.constant 0 : i32
      %eq3A_267 = arith.cmpi eq, %jit3A_265, %eq3A_266 : i32
      %jit3A_268 = arith.constant 1 : i32
      %select_n3A_269 = arith.select %eq3A_267, %jit3A_268, %jit3A_265 : i32
      %rem3A_270 = arith.remsi %while3A_232, %select_n3A_269 : i32
      %ne3A_271 = arith.constant 0 : i32
      %ne3A_272 = arith.cmpi ne, %rem3A_270, %ne3A_271 : i32
      %lt3A_273 = arith.constant 0 : i32
      %lt3A_274 = arith.cmpi slt, %rem3A_270, %lt3A_273 : i32
      %lt3A_275 = arith.constant 0 : i32
      %lt3A_276 = arith.cmpi slt, %select_n3A_269, %lt3A_275 : i32
      %ne3A_277 = arith.xori %lt3A_274, %lt3A_276 : i1
      %and3A_278 = arith.andi %ne3A_277, %ne3A_272 : i1
      %add3A_279 = arith.addi %rem3A_270, %select_n3A_269 : i32
      %select_n3A_280 = arith.select %and3A_278, %add3A_279, %rem3A_270 : i32
      %dma_wait3A_281 = arith.constant 0 : i32
      %dma_wait3A_282 = arith.constant 0 : i32
      %dma_wait3A_283 = tpu.memref_slice %arg7[%select_n3A_264, %dma_wait3A_281, %dma_wait3A_282] : memref<2x2x80xi32, #tpu.memory_space<vmem>> -> memref<1x1x80xi32, #tpu.memory_space<vmem>>
      %dma_wait3A_284 = tpu.memref_squeeze %dma_wait3A_283 : memref<1x1x80xi32, #tpu.memory_space<vmem>> -> memref<80xi32, #tpu.memory_space<vmem>>
      %dma_wait3A_285 = tpu.memref_slice %arg4[%add3A_248] : memref<100000xi32, #tpu.memory_space<hbm>> -> memref<80xi32, #tpu.memory_space<hbm>>
      %dma_wait3A_286 = tpu.memref_slice %arg10[%select_n3A_280] : memref<2x!tpu.dma_semaphore, #tpu.memory_space<semaphore_mem>> -> memref<1x!tpu.dma_semaphore, #tpu.memory_space<semaphore_mem>>
      %dma_wait3A_287 = tpu.memref_squeeze %dma_wait3A_286 : memref<1x!tpu.dma_semaphore, #tpu.memory_space<semaphore_mem>> -> memref<!tpu.dma_semaphore, #tpu.memory_space<semaphore_mem>>
      %dma_wait3A_288 = arith.constant 0 : i32
      %dma_wait3A_289 = tpu.memref_slice %arg7[%select_n3A_264, %dma_wait3A_281, %dma_wait3A_288] : memref<2x2x80xi32, #tpu.memory_space<vmem>> -> memref<1x1x80xi32, #tpu.memory_space<vmem>>
      %dma_wait3A_290 = tpu.memref_squeeze %dma_wait3A_289 : memref<1x1x80xi32, #tpu.memory_space<vmem>> -> memref<80xi32, #tpu.memory_space<vmem>>
      %dma_wait3A_291 = tpu.memref_slice %arg4[%add3A_248] : memref<100000xi32, #tpu.memory_space<hbm>> -> memref<80xi32, #tpu.memory_space<hbm>>
      tpu.wait_dma2 semaphore(%dma_wait3A_287 : memref<!tpu.dma_semaphore, #tpu.memory_space<semaphore_mem>>) src(%dma_wait3A_291 : memref<80xi32, #tpu.memory_space<hbm>>) dst(%dma_wait3A_290 : memref<80xi32, #tpu.memory_space<vmem>>)
      %add3A_292 = arith.addi %mul3A_2, %while3A_232 : i32
      %mul3A_293 = arith.constant 160 : i32
      %mul3A_294 = arith.muli %add3A_292, %mul3A_293 : i32
      %add3A_295 = arith.constant 80 : i32
      %add3A_296 = arith.addi %mul3A_294, %add3A_295 : i32
      %jit3A_297 = arith.constant 2 : i32
      %eq3A_298 = arith.constant 0 : i32
      %eq3A_299 = arith.cmpi eq, %jit3A_297, %eq3A_298 : i32
      %jit3A_300 = arith.constant 1 : i32
      %select_n3A_301 = arith.select %eq3A_299, %jit3A_300, %jit3A_297 : i32
      %rem3A_302 = arith.remsi %while3A_232, %select_n3A_301 : i32
      %ne3A_303 = arith.constant 0 : i32
      %ne3A_304 = arith.cmpi ne, %rem3A_302, %ne3A_303 : i32
      %lt3A_305 = arith.constant 0 : i32
      %lt3A_306 = arith.cmpi slt, %rem3A_302, %lt3A_305 : i32
      %lt3A_307 = arith.constant 0 : i32
      %lt3A_308 = arith.cmpi slt, %select_n3A_301, %lt3A_307 : i32
      %ne3A_309 = arith.xori %lt3A_306, %lt3A_308 : i1
      %and3A_310 = arith.andi %ne3A_309, %ne3A_304 : i1
      %add3A_311 = arith.addi %rem3A_302, %select_n3A_301 : i32
      %select_n3A_312 = arith.select %and3A_310, %add3A_311, %rem3A_302 : i32
      %jit3A_313 = arith.constant 2 : i32
      %eq3A_314 = arith.constant 0 : i32
      %eq3A_315 = arith.cmpi eq, %jit3A_313, %eq3A_314 : i32
      %jit3A_316 = arith.constant 1 : i32
      %select_n3A_317 = arith.select %eq3A_315, %jit3A_316, %jit3A_313 : i32
      %rem3A_318 = arith.remsi %while3A_232, %select_n3A_317 : i32
      %ne3A_319 = arith.constant 0 : i32
      %ne3A_320 = arith.cmpi ne, %rem3A_318, %ne3A_319 : i32
      %lt3A_321 = arith.constant 0 : i32
      %lt3A_322 = arith.cmpi slt, %rem3A_318, %lt3A_321 : i32
      %lt3A_323 = arith.constant 0 : i32
      %lt3A_324 = arith.cmpi slt, %select_n3A_317, %lt3A_323 : i32
      %ne3A_325 = arith.xori %lt3A_322, %lt3A_324 : i1
      %and3A_326 = arith.andi %ne3A_325, %ne3A_320 : i1
      %add3A_327 = arith.addi %rem3A_318, %select_n3A_317 : i32
      %select_n3A_328 = arith.select %and3A_326, %add3A_327, %rem3A_318 : i32
      %dma_wait3A_329 = arith.constant 1 : i32
      %dma_wait3A_330 = arith.constant 0 : i32
      %dma_wait3A_331 = tpu.memref_slice %arg7[%select_n3A_312, %dma_wait3A_329, %dma_wait3A_330] : memref<2x2x80xi32, #tpu.memory_space<vmem>> -> memref<1x1x80xi32, #tpu.memory_space<vmem>>
      %dma_wait3A_332 = tpu.memref_squeeze %dma_wait3A_331 : memref<1x1x80xi32, #tpu.memory_space<vmem>> -> memref<80xi32, #tpu.memory_space<vmem>>
      %dma_wait3A_333 = tpu.memref_slice %arg4[%add3A_296] : memref<100000xi32, #tpu.memory_space<hbm>> -> memref<80xi32, #tpu.memory_space<hbm>>
      %dma_wait3A_334 = tpu.memref_slice %arg10[%select_n3A_328] : memref<2x!tpu.dma_semaphore, #tpu.memory_space<semaphore_mem>> -> memref<1x!tpu.dma_semaphore, #tpu.memory_space<semaphore_mem>>
      %dma_wait3A_335 = tpu.memref_squeeze %dma_wait3A_334 : memref<1x!tpu.dma_semaphore, #tpu.memory_space<semaphore_mem>> -> memref<!tpu.dma_semaphore, #tpu.memory_space<semaphore_mem>>
      %dma_wait3A_336 = arith.constant 0 : i32
      %dma_wait3A_337 = tpu.memref_slice %arg7[%select_n3A_312, %dma_wait3A_329, %dma_wait3A_336] : memref<2x2x80xi32, #tpu.memory_space<vmem>> -> memref<1x1x80xi32, #tpu.memory_space<vmem>>
      %dma_wait3A_338 = tpu.memref_squeeze %dma_wait3A_337 : memref<1x1x80xi32, #tpu.memory_space<vmem>> -> memref<80xi32, #tpu.memory_space<vmem>>
      %dma_wait3A_339 = tpu.memref_slice %arg4[%add3A_296] : memref<100000xi32, #tpu.memory_space<hbm>> -> memref<80xi32, #tpu.memory_space<hbm>>
      tpu.wait_dma2 semaphore(%dma_wait3A_335 : memref<!tpu.dma_semaphore, #tpu.memory_space<semaphore_mem>>) src(%dma_wait3A_339 : memref<80xi32, #tpu.memory_space<hbm>>) dst(%dma_wait3A_338 : memref<80xi32, #tpu.memory_space<vmem>>)
      %jit3A_340 = arith.constant 2 : i32
      %eq3A_341 = arith.constant 0 : i32
      %eq3A_342 = arith.cmpi eq, %jit3A_340, %eq3A_341 : i32
      %jit3A_343 = arith.constant 1 : i32
      %select_n3A_344 = arith.select %eq3A_342, %jit3A_343, %jit3A_340 : i32
      %rem3A_345 = arith.remsi %while3A_232, %select_n3A_344 : i32
      %ne3A_346 = arith.constant 0 : i32
      %ne3A_347 = arith.cmpi ne, %rem3A_345, %ne3A_346 : i32
      %lt3A_348 = arith.constant 0 : i32
      %lt3A_349 = arith.cmpi slt, %rem3A_345, %lt3A_348 : i32
      %lt3A_350 = arith.constant 0 : i32
      %lt3A_351 = arith.cmpi slt, %select_n3A_344, %lt3A_350 : i32
      %ne3A_352 = arith.xori %lt3A_349, %lt3A_351 : i1
      %and3A_353 = arith.andi %ne3A_352, %ne3A_347 : i1
      %add3A_354 = arith.addi %rem3A_345, %select_n3A_344 : i32
      %select_n3A_355 = arith.select %and3A_353, %add3A_354, %rem3A_345 : i32
      %broadcast_in_dim3A_356 = vector.broadcast %select_n3A_355 : i32 to vector<16xi32>
      %jit3A_357 = arith.constant 3 : i32
      %eq3A_358 = arith.constant 0 : i32
      %eq3A_359 = arith.cmpi eq, %jit3A_357, %eq3A_358 : i32
      %jit3A_360 = arith.constant 1 : i32
      %select_n3A_361 = arith.select %eq3A_359, %jit3A_360, %jit3A_357 : i32
      %rem3A_362 = arith.remsi %while3A_232, %select_n3A_361 : i32
      %ne3A_363 = arith.constant 0 : i32
      %ne3A_364 = arith.cmpi ne, %rem3A_362, %ne3A_363 : i32
      %lt3A_365 = arith.constant 0 : i32
      %lt3A_366 = arith.cmpi slt, %rem3A_362, %lt3A_365 : i32
      %lt3A_367 = arith.constant 0 : i32
      %lt3A_368 = arith.cmpi slt, %select_n3A_361, %lt3A_367 : i32
      %ne3A_369 = arith.xori %lt3A_366, %lt3A_368 : i1
      %and3A_370 = arith.andi %ne3A_369, %ne3A_364 : i1
      %add3A_371 = arith.addi %rem3A_362, %select_n3A_361 : i32
      %select_n3A_372 = arith.select %and3A_370, %add3A_371, %rem3A_362 : i32
      %add3A_373 = arith.addi %mul3A_2, %while3A_232 : i32
      %mul3A_374 = arith.constant 160 : i32
      %mul3A_375 = arith.muli %add3A_373, %mul3A_374 : i32
      %add3A_376 = arith.constant 0 : i32
      %add3A_377 = arith.addi %mul3A_375, %add3A_376 : i32
      %jit3A_378 = arith.constant 3 : i32
      %eq3A_379 = arith.constant 0 : i32
      %eq3A_380 = arith.cmpi eq, %jit3A_378, %eq3A_379 : i32
      %jit3A_381 = arith.constant 1 : i32
      %select_n3A_382 = arith.select %eq3A_380, %jit3A_381, %jit3A_378 : i32
      %rem3A_383 = arith.remsi %while3A_232, %select_n3A_382 : i32
      %ne3A_384 = arith.constant 0 : i32
      %ne3A_385 = arith.cmpi ne, %rem3A_383, %ne3A_384 : i32
      %lt3A_386 = arith.constant 0 : i32
      %lt3A_387 = arith.cmpi slt, %rem3A_383, %lt3A_386 : i32
      %lt3A_388 = arith.constant 0 : i32
      %lt3A_389 = arith.cmpi slt, %select_n3A_382, %lt3A_388 : i32
      %ne3A_390 = arith.xori %lt3A_387, %lt3A_389 : i1
      %and3A_391 = arith.andi %ne3A_390, %ne3A_385 : i1
      %add3A_392 = arith.addi %rem3A_383, %select_n3A_382 : i32
      %select_n3A_393 = arith.select %and3A_391, %add3A_392, %rem3A_383 : i32
      %jit3A_394 = arith.constant 3 : i32
      %eq3A_395 = arith.constant 0 : i32
      %eq3A_396 = arith.cmpi eq, %jit3A_394, %eq3A_395 : i32
      %jit3A_397 = arith.constant 1 : i32
      %select_n3A_398 = arith.select %eq3A_396, %jit3A_397, %jit3A_394 : i32
      %rem3A_399 = arith.remsi %while3A_232, %select_n3A_398 : i32
      %ne3A_400 = arith.constant 0 : i32
      %ne3A_401 = arith.cmpi ne, %rem3A_399, %ne3A_400 : i32
      %lt3A_402 = arith.constant 0 : i32
      %lt3A_403 = arith.cmpi slt, %rem3A_399, %lt3A_402 : i32
      %lt3A_404 = arith.constant 0 : i32
      %lt3A_405 = arith.cmpi slt, %select_n3A_398, %lt3A_404 : i32
      %ne3A_406 = arith.xori %lt3A_403, %lt3A_405 : i1
      %and3A_407 = arith.andi %ne3A_406, %ne3A_401 : i1
      %add3A_408 = arith.addi %rem3A_399, %select_n3A_398 : i32
      %select_n3A_409 = arith.select %and3A_407, %add3A_408, %rem3A_399 : i32
      %dma_wait3A_410 = arith.constant 0 : i32
      %dma_wait3A_411 = arith.constant 0 : i32
      %dma_wait3A_412 = tpu.memref_slice %arg8[%select_n3A_393, %dma_wait3A_410, %dma_wait3A_411] : memref<3x160x128xf32, #tpu.memory_space<vmem>> -> memref<1x80x128xf32, #tpu.memory_space<vmem>>
      %dma_wait3A_413 = tpu.memref_squeeze %dma_wait3A_412 : memref<1x80x128xf32, #tpu.memory_space<vmem>> -> memref<80x128xf32, #tpu.memory_space<vmem>>
      %dma_wait3A_414 = arith.constant 0 : i32
      %dma_wait3A_415 = tpu.memref_slice %arg3[%add3A_377, %dma_wait3A_414] : memref<100000x128xf32, #tpu.memory_space<hbm>> -> memref<80x128xf32, #tpu.memory_space<hbm>>
      %dma_wait3A_416 = tpu.memref_slice %arg11[%select_n3A_409] : memref<3x!tpu.dma_semaphore, #tpu.memory_space<semaphore_mem>> -> memref<1x!tpu.dma_semaphore, #tpu.memory_space<semaphore_mem>>
      %dma_wait3A_417 = tpu.memref_squeeze %dma_wait3A_416 : memref<1x!tpu.dma_semaphore, #tpu.memory_space<semaphore_mem>> -> memref<!tpu.dma_semaphore, #tpu.memory_space<semaphore_mem>>
      %dma_wait3A_418 = arith.constant 0 : i32
      %dma_wait3A_419 = arith.constant 0 : i32
      %dma_wait3A_420 = tpu.memref_slice %arg8[%select_n3A_393, %dma_wait3A_418, %dma_wait3A_419] : memref<3x160x128xf32, #tpu.memory_space<vmem>> -> memref<1x80x128xf32, #tpu.memory_space<vmem>>
      %dma_wait3A_421 = tpu.memref_squeeze %dma_wait3A_420 : memref<1x80x128xf32, #tpu.memory_space<vmem>> -> memref<80x128xf32, #tpu.memory_space<vmem>>
      %dma_wait3A_422 = arith.constant 0 : i32
      %dma_wait3A_423 = tpu.memref_slice %arg3[%add3A_377, %dma_wait3A_422] : memref<100000x128xf32, #tpu.memory_space<hbm>> -> memref<80x128xf32, #tpu.memory_space<hbm>>
      tpu.wait_dma2 semaphore(%dma_wait3A_417 : memref<!tpu.dma_semaphore, #tpu.memory_space<semaphore_mem>>) src(%dma_wait3A_423 : memref<80x128xf32, #tpu.memory_space<hbm>>) dst(%dma_wait3A_421 : memref<80x128xf32, #tpu.memory_space<vmem>>)
      %broadcast_in_dim3A_424 = arith.constant 0 : i32
      %broadcast_in_dim3A_425 = vector.broadcast %broadcast_in_dim3A_424 : i32 to vector<16xi32>
      %parallel_loop3A = arith.constant 0 : i32
      %parallel_loop3A_426 = arith.constant 80 : i32
      %parallel_loop3A_427 = arith.constant 1 : i32
      scf.for %parallel_loop3A_592 = %parallel_loop3A to %parallel_loop3A_426 step %parallel_loop3A_427  : i32 {
        %parallel_loop3A_593 = vector.broadcast %parallel_loop3A_592 : i32 to vector<16xi32>
        %parallel_loop3A_594 = tpu.vector_load_idx %arg7[%broadcast_in_dim3A_356, %broadcast_in_dim3A_425, %parallel_loop3A_593] : memref<2x2x80xi32, #tpu.memory_space<vmem>>[vector<16xi32>, vector<16xi32>, vector<16xi32>], vector<16xi32>,
        %parallel_loop3A_595 = arith.constant 0 : i32
        %parallel_loop3A_596 = arith.addi %parallel_loop3A_592, %parallel_loop3A_595 : i32
        %parallel_loop3A_597 = tpu.vector_load_idx %arg6[%parallel_loop3A_594, %add3A_90] : memref<100x128xi32, #tpu.memory_space<vmem>>[vector<16xi32>, vector<16xi32>], vector<16xi32>,
        %parallel_loop3A_598 = arith.shli %parallel_loop3A_597, %broadcast_in_dim3A_120 : vector<16xi32>
        %parallel_loop3A_599 = vector.bitcast %parallel_loop3A_598 : vector<16xi32> to vector<16xf32>
        %parallel_loop3A_600 = arith.andi %parallel_loop3A_597, %broadcast_in_dim3A_122 : vector<16xi32>
        %parallel_loop3A_601 = vector.bitcast %parallel_loop3A_600 : vector<16xi32> to vector<16xf32>
        %parallel_loop3A_602 = arith.constant 0 : i32
        %parallel_loop3A_603 = arith.constant 0 : i32
        %parallel_loop3A_604 = tpu.memref_slice %arg8[%select_n3A_372, %parallel_loop3A_602, %parallel_loop3A_603] : memref<3x160x128xf32, #tpu.memory_space<vmem>> -> memref<1x160x128xf32, #tpu.memory_space<vmem>>
        %parallel_loop3A_605 = tpu.memref_squeeze %parallel_loop3A_604 : memref<1x160x128xf32, #tpu.memory_space<vmem>> -> memref<160x128xf32, #tpu.memory_space<vmem>>
        %parallel_loop3A_606 = arith.index_cast %parallel_loop3A_596 : i32 to index
        %parallel_loop3A_607 = arith.constant 0 : index
        %parallel_loop3A_608 = tpu.vector_load %parallel_loop3A_605[%parallel_loop3A_606, %parallel_loop3A_607] {strides = array<i32>} : memref<160x128xf32, #tpu.memory_space<vmem>>, vector<16xf32>,
        %parallel_loop3A_609 = arith.mulf %parallel_loop3A_608, %parallel_loop3A_599 : vector<16xf32>
        %parallel_loop3A_610 = arith.addf %parallel_loop3A_609, %parallel_loop3A_601 : vector<16xf32>
        %parallel_loop3A_611 = arith.constant 0 : i32
        %parallel_loop3A_612 = arith.constant 0 : i32
        %parallel_loop3A_613 = tpu.memref_slice %arg9[%select_n3A_355, %parallel_loop3A_611, %parallel_loop3A_612] : memref<2x160x128xf32, #tpu.memory_space<vmem>> -> memref<1x160x128xf32, #tpu.memory_space<vmem>>
        %parallel_loop3A_614 = tpu.memref_squeeze %parallel_loop3A_613 : memref<1x160x128xf32, #tpu.memory_space<vmem>> -> memref<160x128xf32, #tpu.memory_space<vmem>>
        %parallel_loop3A_615 = arith.index_cast %parallel_loop3A_596 : i32 to index
        %parallel_loop3A_616 = arith.constant 0 : index
        %parallel_loop3A_617 = tpu.vector_load %parallel_loop3A_614[%parallel_loop3A_615, %parallel_loop3A_616] {strides = array<i32>} : memref<160x128xf32, #tpu.memory_space<vmem>>, vector<16xf32>,
        tpu.vector_store %parallel_loop3A_614[%parallel_loop3A_615, %parallel_loop3A_616], %parallel_loop3A_610 {strides = array<i32>} : memref<160x128xf32, #tpu.memory_space<vmem>>, vector<16xf32>,
        %parallel_loop3A_618 = tpu.vector_load_idx %arg6[%parallel_loop3A_594, %add3A_94] : memref<100x128xi32, #tpu.memory_space<vmem>>[vector<16xi32>, vector<16xi32>], vector<16xi32>,
        %parallel_loop3A_619 = arith.shli %parallel_loop3A_618, %broadcast_in_dim3A_120 : vector<16xi32>
        %parallel_loop3A_620 = vector.bitcast %parallel_loop3A_619 : vector<16xi32> to vector<16xf32>
        %parallel_loop3A_621 = arith.andi %parallel_loop3A_618, %broadcast_in_dim3A_122 : vector<16xi32>
        %parallel_loop3A_622 = vector.bitcast %parallel_loop3A_621 : vector<16xi32> to vector<16xf32>
        %parallel_loop3A_623 = arith.constant 0 : i32
        %parallel_loop3A_624 = arith.constant 0 : i32
        %parallel_loop3A_625 = tpu.memref_slice %arg8[%select_n3A_372, %parallel_loop3A_623, %parallel_loop3A_624] : memref<3x160x128xf32, #tpu.memory_space<vmem>> -> memref<1x160x128xf32, #tpu.memory_space<vmem>>
        %parallel_loop3A_626 = tpu.memref_squeeze %parallel_loop3A_625 : memref<1x160x128xf32, #tpu.memory_space<vmem>> -> memref<160x128xf32, #tpu.memory_space<vmem>>
        %parallel_loop3A_627 = arith.index_cast %parallel_loop3A_596 : i32 to index
        %parallel_loop3A_628 = arith.constant 16 : index
        %parallel_loop3A_629 = tpu.vector_load %parallel_loop3A_626[%parallel_loop3A_627, %parallel_loop3A_628] {strides = array<i32>} : memref<160x128xf32, #tpu.memory_space<vmem>>, vector<16xf32>,
        %parallel_loop3A_630 = arith.mulf %parallel_loop3A_629, %parallel_loop3A_620 : vector<16xf32>
        %parallel_loop3A_631 = arith.addf %parallel_loop3A_630, %parallel_loop3A_622 : vector<16xf32>
        %parallel_loop3A_632 = arith.constant 0 : i32
        %parallel_loop3A_633 = arith.constant 0 : i32
        %parallel_loop3A_634 = tpu.memref_slice %arg9[%select_n3A_355, %parallel_loop3A_632, %parallel_loop3A_633] : memref<2x160x128xf32, #tpu.memory_space<vmem>> -> memref<1x160x128xf32, #tpu.memory_space<vmem>>
        %parallel_loop3A_635 = tpu.memref_squeeze %parallel_loop3A_634 : memref<1x160x128xf32, #tpu.memory_space<vmem>> -> memref<160x128xf32, #tpu.memory_space<vmem>>
        %parallel_loop3A_636 = arith.index_cast %parallel_loop3A_596 : i32 to index
        %parallel_loop3A_637 = arith.constant 16 : index
        %parallel_loop3A_638 = tpu.vector_load %parallel_loop3A_635[%parallel_loop3A_636, %parallel_loop3A_637] {strides = array<i32>} : memref<160x128xf32, #tpu.memory_space<vmem>>, vector<16xf32>,
        tpu.vector_store %parallel_loop3A_635[%parallel_loop3A_636, %parallel_loop3A_637], %parallel_loop3A_631 {strides = array<i32>} : memref<160x128xf32, #tpu.memory_space<vmem>>, vector<16xf32>,
        %parallel_loop3A_639 = tpu.vector_load_idx %arg6[%parallel_loop3A_594, %add3A_98] : memref<100x128xi32, #tpu.memory_space<vmem>>[vector<16xi32>, vector<16xi32>], vector<16xi32>,
        %parallel_loop3A_640 = arith.shli %parallel_loop3A_639, %broadcast_in_dim3A_120 : vector<16xi32>
        %parallel_loop3A_641 = vector.bitcast %parallel_loop3A_640 : vector<16xi32> to vector<16xf32>
        %parallel_loop3A_642 = arith.andi %parallel_loop3A_639, %broadcast_in_dim3A_122 : vector<16xi32>
        %parallel_loop3A_643 = vector.bitcast %parallel_loop3A_642 : vector<16xi32> to vector<16xf32>
        %parallel_loop3A_644 = arith.constant 0 : i32
        %parallel_loop3A_645 = arith.constant 0 : i32
        %parallel_loop3A_646 = tpu.memref_slice %arg8[%select_n3A_372, %parallel_loop3A_644, %parallel_loop3A_645] : memref<3x160x128xf32, #tpu.memory_space<vmem>> -> memref<1x160x128xf32, #tpu.memory_space<vmem>>
        %parallel_loop3A_647 = tpu.memref_squeeze %parallel_loop3A_646 : memref<1x160x128xf32, #tpu.memory_space<vmem>> -> memref<160x128xf32, #tpu.memory_space<vmem>>
        %parallel_loop3A_648 = arith.index_cast %parallel_loop3A_596 : i32 to index
        %parallel_loop3A_649 = arith.constant 32 : index
        %parallel_loop3A_650 = tpu.vector_load %parallel_loop3A_647[%parallel_loop3A_648, %parallel_loop3A_649] {strides = array<i32>} : memref<160x128xf32, #tpu.memory_space<vmem>>, vector<16xf32>,
        %parallel_loop3A_651 = arith.mulf %parallel_loop3A_650, %parallel_loop3A_641 : vector<16xf32>
        %parallel_loop3A_652 = arith.addf %parallel_loop3A_651, %parallel_loop3A_643 : vector<16xf32>
        %parallel_loop3A_653 = arith.constant 0 : i32
        %parallel_loop3A_654 = arith.constant 0 : i32
        %parallel_loop3A_655 = tpu.memref_slice %arg9[%select_n3A_355, %parallel_loop3A_653, %parallel_loop3A_654] : memref<2x160x128xf32, #tpu.memory_space<vmem>> -> memref<1x160x128xf32, #tpu.memory_space<vmem>>
        %parallel_loop3A_656 = tpu.memref_squeeze %parallel_loop3A_655 : memref<1x160x128xf32, #tpu.memory_space<vmem>> -> memref<160x128xf32, #tpu.memory_space<vmem>>
        %parallel_loop3A_657 = arith.index_cast %parallel_loop3A_596 : i32 to index
        %parallel_loop3A_658 = arith.constant 32 : index
        %parallel_loop3A_659 = tpu.vector_load %parallel_loop3A_656[%parallel_loop3A_657, %parallel_loop3A_658] {strides = array<i32>} : memref<160x128xf32, #tpu.memory_space<vmem>>, vector<16xf32>,
        tpu.vector_store %parallel_loop3A_656[%parallel_loop3A_657, %parallel_loop3A_658], %parallel_loop3A_652 {strides = array<i32>} : memref<160x128xf32, #tpu.memory_space<vmem>>, vector<16xf32>,
        %parallel_loop3A_660 = tpu.vector_load_idx %arg6[%parallel_loop3A_594, %add3A_102] : memref<100x128xi32, #tpu.memory_space<vmem>>[vector<16xi32>, vector<16xi32>], vector<16xi32>,
        %parallel_loop3A_661 = arith.shli %parallel_loop3A_660, %broadcast_in_dim3A_120 : vector<16xi32>
        %parallel_loop3A_662 = vector.bitcast %parallel_loop3A_661 : vector<16xi32> to vector<16xf32>
        %parallel_loop3A_663 = arith.andi %parallel_loop3A_660, %broadcast_in_dim3A_122 : vector<16xi32>
        %parallel_loop3A_664 = vector.bitcast %parallel_loop3A_663 : vector<16xi32> to vector<16xf32>
        %parallel_loop3A_665 = arith.constant 0 : i32
        %parallel_loop3A_666 = arith.constant 0 : i32
        %parallel_loop3A_667 = tpu.memref_slice %arg8[%select_n3A_372, %parallel_loop3A_665, %parallel_loop3A_666] : memref<3x160x128xf32, #tpu.memory_space<vmem>> -> memref<1x160x128xf32, #tpu.memory_space<vmem>>
        %parallel_loop3A_668 = tpu.memref_squeeze %parallel_loop3A_667 : memref<1x160x128xf32, #tpu.memory_space<vmem>> -> memref<160x128xf32, #tpu.memory_space<vmem>>
        %parallel_loop3A_669 = arith.index_cast %parallel_loop3A_596 : i32 to index
        %parallel_loop3A_670 = arith.constant 48 : index
        %parallel_loop3A_671 = tpu.vector_load %parallel_loop3A_668[%parallel_loop3A_669, %parallel_loop3A_670] {strides = array<i32>} : memref<160x128xf32, #tpu.memory_space<vmem>>, vector<16xf32>,
        %parallel_loop3A_672 = arith.mulf %parallel_loop3A_671, %parallel_loop3A_662 : vector<16xf32>
        %parallel_loop3A_673 = arith.addf %parallel_loop3A_672, %parallel_loop3A_664 : vector<16xf32>
        %parallel_loop3A_674 = arith.constant 0 : i32
        %parallel_loop3A_675 = arith.constant 0 : i32
        %parallel_loop3A_676 = tpu.memref_slice %arg9[%select_n3A_355, %parallel_loop3A_674, %parallel_loop3A_675] : memref<2x160x128xf32, #tpu.memory_space<vmem>> -> memref<1x160x128xf32, #tpu.memory_space<vmem>>
        %parallel_loop3A_677 = tpu.memref_squeeze %parallel_loop3A_676 : memref<1x160x128xf32, #tpu.memory_space<vmem>> -> memref<160x128xf32, #tpu.memory_space<vmem>>
        %parallel_loop3A_678 = arith.index_cast %parallel_loop3A_596 : i32 to index
        %parallel_loop3A_679 = arith.constant 48 : index
        %parallel_loop3A_680 = tpu.vector_load %parallel_loop3A_677[%parallel_loop3A_678, %parallel_loop3A_679] {strides = array<i32>} : memref<160x128xf32, #tpu.memory_space<vmem>>, vector<16xf32>,
        tpu.vector_store %parallel_loop3A_677[%parallel_loop3A_678, %parallel_loop3A_679], %parallel_loop3A_673 {strides = array<i32>} : memref<160x128xf32, #tpu.memory_space<vmem>>, vector<16xf32>,
        %parallel_loop3A_681 = tpu.vector_load_idx %arg6[%parallel_loop3A_594, %add3A_106] : memref<100x128xi32, #tpu.memory_space<vmem>>[vector<16xi32>, vector<16xi32>], vector<16xi32>,
        %parallel_loop3A_682 = arith.shli %parallel_loop3A_681, %broadcast_in_dim3A_120 : vector<16xi32>
        %parallel_loop3A_683 = vector.bitcast %parallel_loop3A_682 : vector<16xi32> to vector<16xf32>
        %parallel_loop3A_684 = arith.andi %parallel_loop3A_681, %broadcast_in_dim3A_122 : vector<16xi32>
        %parallel_loop3A_685 = vector.bitcast %parallel_loop3A_684 : vector<16xi32> to vector<16xf32>
        %parallel_loop3A_686 = arith.constant 0 : i32
        %parallel_loop3A_687 = arith.constant 0 : i32
        %parallel_loop3A_688 = tpu.memref_slice %arg8[%select_n3A_372, %parallel_loop3A_686, %parallel_loop3A_687] : memref<3x160x128xf32, #tpu.memory_space<vmem>> -> memref<1x160x128xf32, #tpu.memory_space<vmem>>
        %parallel_loop3A_689 = tpu.memref_squeeze %parallel_loop3A_688 : memref<1x160x128xf32, #tpu.memory_space<vmem>> -> memref<160x128xf32, #tpu.memory_space<vmem>>
        %parallel_loop3A_690 = arith.index_cast %parallel_loop3A_596 : i32 to index
        %parallel_loop3A_691 = arith.constant 64 : index
        %parallel_loop3A_692 = tpu.vector_load %parallel_loop3A_689[%parallel_loop3A_690, %parallel_loop3A_691] {strides = array<i32>} : memref<160x128xf32, #tpu.memory_space<vmem>>, vector<16xf32>,
        %parallel_loop3A_693 = arith.mulf %parallel_loop3A_692, %parallel_loop3A_683 : vector<16xf32>
        %parallel_loop3A_694 = arith.addf %parallel_loop3A_693, %parallel_loop3A_685 : vector<16xf32>
        %parallel_loop3A_695 = arith.constant 0 : i32
        %parallel_loop3A_696 = arith.constant 0 : i32
        %parallel_loop3A_697 = tpu.memref_slice %arg9[%select_n3A_355, %parallel_loop3A_695, %parallel_loop3A_696] : memref<2x160x128xf32, #tpu.memory_space<vmem>> -> memref<1x160x128xf32, #tpu.memory_space<vmem>>
        %parallel_loop3A_698 = tpu.memref_squeeze %parallel_loop3A_697 : memref<1x160x128xf32, #tpu.memory_space<vmem>> -> memref<160x128xf32, #tpu.memory_space<vmem>>
        %parallel_loop3A_699 = arith.index_cast %parallel_loop3A_596 : i32 to index
        %parallel_loop3A_700 = arith.constant 64 : index
        %parallel_loop3A_701 = tpu.vector_load %parallel_loop3A_698[%parallel_loop3A_699, %parallel_loop3A_700] {strides = array<i32>} : memref<160x128xf32, #tpu.memory_space<vmem>>, vector<16xf32>,
        tpu.vector_store %parallel_loop3A_698[%parallel_loop3A_699, %parallel_loop3A_700], %parallel_loop3A_694 {strides = array<i32>} : memref<160x128xf32, #tpu.memory_space<vmem>>, vector<16xf32>,
        %parallel_loop3A_702 = tpu.vector_load_idx %arg6[%parallel_loop3A_594, %add3A_110] : memref<100x128xi32, #tpu.memory_space<vmem>>[vector<16xi32>, vector<16xi32>], vector<16xi32>,
        %parallel_loop3A_703 = arith.shli %parallel_loop3A_702, %broadcast_in_dim3A_120 : vector<16xi32>
        %parallel_loop3A_704 = vector.bitcast %parallel_loop3A_703 : vector<16xi32> to vector<16xf32>
        %parallel_loop3A_705 = arith.andi %parallel_loop3A_702, %broadcast_in_dim3A_122 : vector<16xi32>
        %parallel_loop3A_706 = vector.bitcast %parallel_loop3A_705 : vector<16xi32> to vector<16xf32>
        %parallel_loop3A_707 = arith.constant 0 : i32
        %parallel_loop3A_708 = arith.constant 0 : i32
        %parallel_loop3A_709 = tpu.memref_slice %arg8[%select_n3A_372, %parallel_loop3A_707, %parallel_loop3A_708] : memref<3x160x128xf32, #tpu.memory_space<vmem>> -> memref<1x160x128xf32, #tpu.memory_space<vmem>>
        %parallel_loop3A_710 = tpu.memref_squeeze %parallel_loop3A_709 : memref<1x160x128xf32, #tpu.memory_space<vmem>> -> memref<160x128xf32, #tpu.memory_space<vmem>>
        %parallel_loop3A_711 = arith.index_cast %parallel_loop3A_596 : i32 to index
        %parallel_loop3A_712 = arith.constant 80 : index
        %parallel_loop3A_713 = tpu.vector_load %parallel_loop3A_710[%parallel_loop3A_711, %parallel_loop3A_712] {strides = array<i32>} : memref<160x128xf32, #tpu.memory_space<vmem>>, vector<16xf32>,
        %parallel_loop3A_714 = arith.mulf %parallel_loop3A_713, %parallel_loop3A_704 : vector<16xf32>
        %parallel_loop3A_715 = arith.addf %parallel_loop3A_714, %parallel_loop3A_706 : vector<16xf32>
        %parallel_loop3A_716 = arith.constant 0 : i32
        %parallel_loop3A_717 = arith.constant 0 : i32
        %parallel_loop3A_718 = tpu.memref_slice %arg9[%select_n3A_355, %parallel_loop3A_716, %parallel_loop3A_717] : memref<2x160x128xf32, #tpu.memory_space<vmem>> -> memref<1x160x128xf32, #tpu.memory_space<vmem>>
        %parallel_loop3A_719 = tpu.memref_squeeze %parallel_loop3A_718 : memref<1x160x128xf32, #tpu.memory_space<vmem>> -> memref<160x128xf32, #tpu.memory_space<vmem>>
        %parallel_loop3A_720 = arith.index_cast %parallel_loop3A_596 : i32 to index
        %parallel_loop3A_721 = arith.constant 80 : index
        %parallel_loop3A_722 = tpu.vector_load %parallel_loop3A_719[%parallel_loop3A_720, %parallel_loop3A_721] {strides = array<i32>} : memref<160x128xf32, #tpu.memory_space<vmem>>, vector<16xf32>,
        tpu.vector_store %parallel_loop3A_719[%parallel_loop3A_720, %parallel_loop3A_721], %parallel_loop3A_715 {strides = array<i32>} : memref<160x128xf32, #tpu.memory_space<vmem>>, vector<16xf32>,
        %parallel_loop3A_723 = tpu.vector_load_idx %arg6[%parallel_loop3A_594, %add3A_114] : memref<100x128xi32, #tpu.memory_space<vmem>>[vector<16xi32>, vector<16xi32>], vector<16xi32>,
        %parallel_loop3A_724 = arith.shli %parallel_loop3A_723, %broadcast_in_dim3A_120 : vector<16xi32>
        %parallel_loop3A_725 = vector.bitcast %parallel_loop3A_724 : vector<16xi32> to vector<16xf32>
        %parallel_loop3A_726 = arith.andi %parallel_loop3A_723, %broadcast_in_dim3A_122 : vector<16xi32>
        %parallel_loop3A_727 = vector.bitcast %parallel_loop3A_726 : vector<16xi32> to vector<16xf32>
        %parallel_loop3A_728 = arith.constant 0 : i32
        %parallel_loop3A_729 = arith.constant 0 : i32
        %parallel_loop3A_730 = tpu.memref_slice %arg8[%select_n3A_372, %parallel_loop3A_728, %parallel_loop3A_729] : memref<3x160x128xf32, #tpu.memory_space<vmem>> -> memref<1x160x128xf32, #tpu.memory_space<vmem>>
        %parallel_loop3A_731 = tpu.memref_squeeze %parallel_loop3A_730 : memref<1x160x128xf32, #tpu.memory_space<vmem>> -> memref<160x128xf32, #tpu.memory_space<vmem>>
        %parallel_loop3A_732 = arith.index_cast %parallel_loop3A_596 : i32 to index
        %parallel_loop3A_733 = arith.constant 96 : index
        %parallel_loop3A_734 = tpu.vector_load %parallel_loop3A_731[%parallel_loop3A_732, %parallel_loop3A_733] {strides = array<i32>} : memref<160x128xf32, #tpu.memory_space<vmem>>, vector<16xf32>,
        %parallel_loop3A_735 = arith.mulf %parallel_loop3A_734, %parallel_loop3A_725 : vector<16xf32>
        %parallel_loop3A_736 = arith.addf %parallel_loop3A_735, %parallel_loop3A_727 : vector<16xf32>
        %parallel_loop3A_737 = arith.constant 0 : i32
        %parallel_loop3A_738 = arith.constant 0 : i32
        %parallel_loop3A_739 = tpu.memref_slice %arg9[%select_n3A_355, %parallel_loop3A_737, %parallel_loop3A_738] : memref<2x160x128xf32, #tpu.memory_space<vmem>> -> memref<1x160x128xf32, #tpu.memory_space<vmem>>
        %parallel_loop3A_740 = tpu.memref_squeeze %parallel_loop3A_739 : memref<1x160x128xf32, #tpu.memory_space<vmem>> -> memref<160x128xf32, #tpu.memory_space<vmem>>
        %parallel_loop3A_741 = arith.index_cast %parallel_loop3A_596 : i32 to index
        %parallel_loop3A_742 = arith.constant 96 : index
        %parallel_loop3A_743 = tpu.vector_load %parallel_loop3A_740[%parallel_loop3A_741, %parallel_loop3A_742] {strides = array<i32>} : memref<160x128xf32, #tpu.memory_space<vmem>>, vector<16xf32>,
        tpu.vector_store %parallel_loop3A_740[%parallel_loop3A_741, %parallel_loop3A_742], %parallel_loop3A_736 {strides = array<i32>} : memref<160x128xf32, #tpu.memory_space<vmem>>, vector<16xf32>,
        %parallel_loop3A_744 = tpu.vector_load_idx %arg6[%parallel_loop3A_594, %add3A_118] : memref<100x128xi32, #tpu.memory_space<vmem>>[vector<16xi32>, vector<16xi32>], vector<16xi32>,
        %parallel_loop3A_745 = arith.shli %parallel_loop3A_744, %broadcast_in_dim3A_120 : vector<16xi32>
        %parallel_loop3A_746 = vector.bitcast %parallel_loop3A_745 : vector<16xi32> to vector<16xf32>
        %parallel_loop3A_747 = arith.andi %parallel_loop3A_744, %broadcast_in_dim3A_122 : vector<16xi32>
        %parallel_loop3A_748 = vector.bitcast %parallel_loop3A_747 : vector<16xi32> to vector<16xf32>
        %parallel_loop3A_749 = arith.constant 0 : i32
        %parallel_loop3A_750 = arith.constant 0 : i32
        %parallel_loop3A_751 = tpu.memref_slice %arg8[%select_n3A_372, %parallel_loop3A_749, %parallel_loop3A_750] : memref<3x160x128xf32, #tpu.memory_space<vmem>> -> memref<1x160x128xf32, #tpu.memory_space<vmem>>
        %parallel_loop3A_752 = tpu.memref_squeeze %parallel_loop3A_751 : memref<1x160x128xf32, #tpu.memory_space<vmem>> -> memref<160x128xf32, #tpu.memory_space<vmem>>
        %parallel_loop3A_753 = arith.index_cast %parallel_loop3A_596 : i32 to index
        %parallel_loop3A_754 = arith.constant 112 : index
        %parallel_loop3A_755 = tpu.vector_load %parallel_loop3A_752[%parallel_loop3A_753, %parallel_loop3A_754] {strides = array<i32>} : memref<160x128xf32, #tpu.memory_space<vmem>>, vector<16xf32>,
        %parallel_loop3A_756 = arith.mulf %parallel_loop3A_755, %parallel_loop3A_746 : vector<16xf32>
        %parallel_loop3A_757 = arith.addf %parallel_loop3A_756, %parallel_loop3A_748 : vector<16xf32>
        %parallel_loop3A_758 = arith.constant 0 : i32
        %parallel_loop3A_759 = arith.constant 0 : i32
        %parallel_loop3A_760 = tpu.memref_slice %arg9[%select_n3A_355, %parallel_loop3A_758, %parallel_loop3A_759] : memref<2x160x128xf32, #tpu.memory_space<vmem>> -> memref<1x160x128xf32, #tpu.memory_space<vmem>>
        %parallel_loop3A_761 = tpu.memref_squeeze %parallel_loop3A_760 : memref<1x160x128xf32, #tpu.memory_space<vmem>> -> memref<160x128xf32, #tpu.memory_space<vmem>>
        %parallel_loop3A_762 = arith.index_cast %parallel_loop3A_596 : i32 to index
        %parallel_loop3A_763 = arith.constant 112 : index
        %parallel_loop3A_764 = tpu.vector_load %parallel_loop3A_761[%parallel_loop3A_762, %parallel_loop3A_763] {strides = array<i32>} : memref<160x128xf32, #tpu.memory_space<vmem>>, vector<16xf32>,
        tpu.vector_store %parallel_loop3A_761[%parallel_loop3A_762, %parallel_loop3A_763], %parallel_loop3A_757 {strides = array<i32>} : memref<160x128xf32, #tpu.memory_space<vmem>>, vector<16xf32>,
      } {sc.loop_unroll_factor = 4 : i64, sc.parallel_access}
      %jit3A_428 = arith.constant 2 : i32
      %eq3A_429 = arith.constant 0 : i32
      %eq3A_430 = arith.cmpi eq, %jit3A_428, %eq3A_429 : i32
      %jit3A_431 = arith.constant 1 : i32
      %select_n3A_432 = arith.select %eq3A_430, %jit3A_431, %jit3A_428 : i32
      %rem3A_433 = arith.remsi %while3A_232, %select_n3A_432 : i32
      %ne3A_434 = arith.constant 0 : i32
      %ne3A_435 = arith.cmpi ne, %rem3A_433, %ne3A_434 : i32
      %lt3A_436 = arith.constant 0 : i32
      %lt3A_437 = arith.cmpi slt, %rem3A_433, %lt3A_436 : i32
      %lt3A_438 = arith.constant 0 : i32
      %lt3A_439 = arith.cmpi slt, %select_n3A_432, %lt3A_438 : i32
      %ne3A_440 = arith.xori %lt3A_437, %lt3A_439 : i1
      %and3A_441 = arith.andi %ne3A_440, %ne3A_435 : i1
      %add3A_442 = arith.addi %rem3A_433, %select_n3A_432 : i32
      %select_n3A_443 = arith.select %and3A_441, %add3A_442, %rem3A_433 : i32
      %add3A_444 = arith.addi %mul3A_2, %while3A_232 : i32
      %mul3A_445 = arith.constant 160 : i32
      %mul3A_446 = arith.muli %add3A_444, %mul3A_445 : i32
      %add3A_447 = arith.constant 0 : i32
      %add3A_448 = arith.addi %mul3A_446, %add3A_447 : i32
      %jit3A_449 = arith.constant 2 : i32
      %eq3A_450 = arith.constant 0 : i32
      %eq3A_451 = arith.cmpi eq, %jit3A_449, %eq3A_450 : i32
      %jit3A_452 = arith.constant 1 : i32
      %select_n3A_453 = arith.select %eq3A_451, %jit3A_452, %jit3A_449 : i32
      %rem3A_454 = arith.remsi %while3A_232, %select_n3A_453 : i32
      %ne3A_455 = arith.constant 0 : i32
      %ne3A_456 = arith.cmpi ne, %rem3A_454, %ne3A_455 : i32
      %lt3A_457 = arith.constant 0 : i32
      %lt3A_458 = arith.cmpi slt, %rem3A_454, %lt3A_457 : i32
      %lt3A_459 = arith.constant 0 : i32
      %lt3A_460 = arith.cmpi slt, %select_n3A_453, %lt3A_459 : i32
      %ne3A_461 = arith.xori %lt3A_458, %lt3A_460 : i1
      %and3A_462 = arith.andi %ne3A_461, %ne3A_456 : i1
      %add3A_463 = arith.addi %rem3A_454, %select_n3A_453 : i32
      %select_n3A_464 = arith.select %and3A_462, %add3A_463, %rem3A_454 : i32
      %dma_start3A_465 = arith.constant 0 : i32
      %dma_start3A_466 = arith.constant 0 : i32
      %dma_start3A_467 = tpu.memref_slice %arg9[%select_n3A_443, %dma_start3A_465, %dma_start3A_466] : memref<2x160x128xf32, #tpu.memory_space<vmem>> -> memref<1x80x128xf32, #tpu.memory_space<vmem>>
      %dma_start3A_468 = tpu.memref_squeeze %dma_start3A_467 : memref<1x80x128xf32, #tpu.memory_space<vmem>> -> memref<80x128xf32, #tpu.memory_space<vmem>>
      %dma_start3A_469 = arith.constant 0 : i32
      %dma_start3A_470 = tpu.memref_slice %arg5[%add3A_448, %dma_start3A_469] : memref<100000x128xf32, #tpu.memory_space<hbm>> -> memref<80x128xf32, #tpu.memory_space<hbm>>
      %dma_start3A_471 = tpu.memref_slice %arg12[%select_n3A_464] : memref<2x!tpu.dma_semaphore, #tpu.memory_space<semaphore_mem>> -> memref<1x!tpu.dma_semaphore, #tpu.memory_space<semaphore_mem>>
      %dma_start3A_472 = tpu.memref_squeeze %dma_start3A_471 : memref<1x!tpu.dma_semaphore, #tpu.memory_space<semaphore_mem>> -> memref<!tpu.dma_semaphore, #tpu.memory_space<semaphore_mem>>
      %dma_start3A_473 = arith.constant 0 : i32
      %dma_start3A_474 = tpu.memref_slice %arg5[%add3A_448, %dma_start3A_473] : memref<100000x128xf32, #tpu.memory_space<hbm>> -> memref<80x128xf32, #tpu.memory_space<hbm>>
      %dma_start3A_475 = arith.constant 0 : i32
      %dma_start3A_476 = arith.constant 0 : i32
      %dma_start3A_477 = tpu.memref_slice %arg9[%select_n3A_443, %dma_start3A_475, %dma_start3A_476] : memref<2x160x128xf32, #tpu.memory_space<vmem>> -> memref<1x80x128xf32, #tpu.memory_space<vmem>>
      %dma_start3A_478 = tpu.memref_squeeze %dma_start3A_477 : memref<1x80x128xf32, #tpu.memory_space<vmem>> -> memref<80x128xf32, #tpu.memory_space<vmem>>
      tpu.enqueue_dma source(%dma_start3A_478 : memref<80x128xf32, #tpu.memory_space<vmem>>) target(%dma_start3A_474 : memref<80x128xf32, #tpu.memory_space<hbm>>) target_semaphore(%dma_start3A_472 : memref<!tpu.dma_semaphore, #tpu.memory_space<semaphore_mem>>)
      %add3A_479 = arith.addi %mul3A_2, %while3A_232 : i32
      %mul3A_480 = arith.constant 160 : i32
      %mul3A_481 = arith.muli %add3A_479, %mul3A_480 : i32
      %add3A_482 = arith.constant 80 : i32
      %add3A_483 = arith.addi %mul3A_481, %add3A_482 : i32
      %jit3A_484 = arith.constant 3 : i32
      %eq3A_485 = arith.constant 0 : i32
      %eq3A_486 = arith.cmpi eq, %jit3A_484, %eq3A_485 : i32
      %jit3A_487 = arith.constant 1 : i32
      %select_n3A_488 = arith.select %eq3A_486, %jit3A_487, %jit3A_484 : i32
      %rem3A_489 = arith.remsi %while3A_232, %select_n3A_488 : i32
      %ne3A_490 = arith.constant 0 : i32
      %ne3A_491 = arith.cmpi ne, %rem3A_489, %ne3A_490 : i32
      %lt3A_492 = arith.constant 0 : i32
      %lt3A_493 = arith.cmpi slt, %rem3A_489, %lt3A_492 : i32
      %lt3A_494 = arith.constant 0 : i32
      %lt3A_495 = arith.cmpi slt, %select_n3A_488, %lt3A_494 : i32
      %ne3A_496 = arith.xori %lt3A_493, %lt3A_495 : i1
      %and3A_497 = arith.andi %ne3A_496, %ne3A_491 : i1
      %add3A_498 = arith.addi %rem3A_489, %select_n3A_488 : i32
      %select_n3A_499 = arith.select %and3A_497, %add3A_498, %rem3A_489 : i32
      %jit3A_500 = arith.constant 3 : i32
      %eq3A_501 = arith.constant 0 : i32
      %eq3A_502 = arith.cmpi eq, %jit3A_500, %eq3A_501 : i32
      %jit3A_503 = arith.constant 1 : i32
      %select_n3A_504 = arith.select %eq3A_502, %jit3A_503, %jit3A_500 : i32
      %rem3A_505 = arith.remsi %while3A_232, %select_n3A_504 : i32
      %ne3A_506 = arith.constant 0 : i32
      %ne3A_507 = arith.cmpi ne, %rem3A_505, %ne3A_506 : i32
      %lt3A_508 = arith.constant 0 : i32
      %lt3A_509 = arith.cmpi slt, %rem3A_505, %lt3A_508 : i32
      %lt3A_510 = arith.constant 0 : i32
      %lt3A_511 = arith.cmpi slt, %select_n3A_504, %lt3A_510 : i32
      %ne3A_512 = arith.xori %lt3A_509, %lt3A_511 : i1
      %and3A_513 = arith.andi %ne3A_512, %ne3A_507 : i1
      %add3A_514 = arith.addi %rem3A_505, %select_n3A_504 : i32
      %select_n3A_515 = arith.select %and3A_513, %add3A_514, %rem3A_505 : i32
      %dma_wait3A_516 = arith.constant 80 : i32
      %dma_wait3A_517 = arith.constant 0 : i32
      %dma_wait3A_518 = tpu.memref_slice %arg8[%select_n3A_499, %dma_wait3A_516, %dma_wait3A_517] : memref<3x160x128xf32, #tpu.memory_space<vmem>> -> memref<1x80x128xf32, #tpu.memory_space<vmem>>
      %dma_wait3A_519 = tpu.memref_squeeze %dma_wait3A_518 : memref<1x80x128xf32, #tpu.memory_space<vmem>> -> memref<80x128xf32, #tpu.memory_space<vmem>>
      %dma_wait3A_520 = arith.constant 0 : i32
      %dma_wait3A_521 = tpu.memref_slice %arg3[%add3A_483, %dma_wait3A_520] : memref<100000x128xf32, #tpu.memory_space<hbm>> -> memref<80x128xf32, #tpu.memory_space<hbm>>
      %dma_wait3A_522 = tpu.memref_slice %arg11[%select_n3A_515] : memref<3x!tpu.dma_semaphore, #tpu.memory_space<semaphore_mem>> -> memref<1x!tpu.dma_semaphore, #tpu.memory_space<semaphore_mem>>
      %dma_wait3A_523 = tpu.memref_squeeze %dma_wait3A_522 : memref<1x!tpu.dma_semaphore, #tpu.memory_space<semaphore_mem>> -> memref<!tpu.dma_semaphore, #tpu.memory_space<semaphore_mem>>
      %dma_wait3A_524 = arith.constant 80 : i32
      %dma_wait3A_525 = arith.constant 0 : i32
      %dma_wait3A_526 = tpu.memref_slice %arg8[%select_n3A_499, %dma_wait3A_524, %dma_wait3A_525] : memref<3x160x128xf32, #tpu.memory_space<vmem>> -> memref<1x80x128xf32, #tpu.memory_space<vmem>>
      %dma_wait3A_527 = tpu.memref_squeeze %dma_wait3A_526 : memref<1x80x128xf32, #tpu.memory_space<vmem>> -> memref<80x128xf32, #tpu.memory_space<vmem>>
      %dma_wait3A_528 = arith.constant 0 : i32
      %dma_wait3A_529 = tpu.memref_slice %arg3[%add3A_483, %dma_wait3A_528] : memref<100000x128xf32, #tpu.memory_space<hbm>> -> memref<80x128xf32, #tpu.memory_space<hbm>>
      tpu.wait_dma2 semaphore(%dma_wait3A_523 : memref<!tpu.dma_semaphore, #tpu.memory_space<semaphore_mem>>) src(%dma_wait3A_529 : memref<80x128xf32, #tpu.memory_space<hbm>>) dst(%dma_wait3A_527 : memref<80x128xf32, #tpu.memory_space<vmem>>)
      %broadcast_in_dim3A_530 = arith.constant 1 : i32
      %broadcast_in_dim3A_531 = vector.broadcast %broadcast_in_dim3A_530 : i32 to vector<16xi32>
      %parallel_loop3A_532 = arith.constant 0 : i32
      %parallel_loop3A_533 = arith.constant 80 : i32
      %parallel_loop3A_534 = arith.constant 1 : i32
      scf.for %parallel_loop3A_592 = %parallel_loop3A_532 to %parallel_loop3A_533 step %parallel_loop3A_534  : i32 {
        %parallel_loop3A_593 = vector.broadcast %parallel_loop3A_592 : i32 to vector<16xi32>
        %parallel_loop3A_594 = tpu.vector_load_idx %arg7[%broadcast_in_dim3A_356, %broadcast_in_dim3A_531, %parallel_loop3A_593] : memref<2x2x80xi32, #tpu.memory_space<vmem>>[vector<16xi32>, vector<16xi32>, vector<16xi32>], vector<16xi32>,
        %parallel_loop3A_595 = arith.constant 80 : i32
        %parallel_loop3A_596 = arith.addi %parallel_loop3A_592, %parallel_loop3A_595 : i32
        %parallel_loop3A_597 = tpu.vector_load_idx %arg6[%parallel_loop3A_594, %add3A_90] : memref<100x128xi32, #tpu.memory_space<vmem>>[vector<16xi32>, vector<16xi32>], vector<16xi32>,
        %parallel_loop3A_598 = arith.shli %parallel_loop3A_597, %broadcast_in_dim3A_120 : vector<16xi32>
        %parallel_loop3A_599 = vector.bitcast %parallel_loop3A_598 : vector<16xi32> to vector<16xf32>
        %parallel_loop3A_600 = arith.andi %parallel_loop3A_597, %broadcast_in_dim3A_122 : vector<16xi32>
        %parallel_loop3A_601 = vector.bitcast %parallel_loop3A_600 : vector<16xi32> to vector<16xf32>
        %parallel_loop3A_602 = arith.constant 0 : i32
        %parallel_loop3A_603 = arith.constant 0 : i32
        %parallel_loop3A_604 = tpu.memref_slice %arg8[%select_n3A_372, %parallel_loop3A_602, %parallel_loop3A_603] : memref<3x160x128xf32, #tpu.memory_space<vmem>> -> memref<1x160x128xf32, #tpu.memory_space<vmem>>
        %parallel_loop3A_605 = tpu.memref_squeeze %parallel_loop3A_604 : memref<1x160x128xf32, #tpu.memory_space<vmem>> -> memref<160x128xf32, #tpu.memory_space<vmem>>
        %parallel_loop3A_606 = arith.index_cast %parallel_loop3A_596 : i32 to index
        %parallel_loop3A_607 = arith.constant 0 : index
        %parallel_loop3A_608 = tpu.vector_load %parallel_loop3A_605[%parallel_loop3A_606, %parallel_loop3A_607] {strides = array<i32>} : memref<160x128xf32, #tpu.memory_space<vmem>>, vector<16xf32>,
        %parallel_loop3A_609 = arith.mulf %parallel_loop3A_608, %parallel_loop3A_599 : vector<16xf32>
        %parallel_loop3A_610 = arith.addf %parallel_loop3A_609, %parallel_loop3A_601 : vector<16xf32>
        %parallel_loop3A_611 = arith.constant 0 : i32
        %parallel_loop3A_612 = arith.constant 0 : i32
        %parallel_loop3A_613 = tpu.memref_slice %arg9[%select_n3A_355, %parallel_loop3A_611, %parallel_loop3A_612] : memref<2x160x128xf32, #tpu.memory_space<vmem>> -> memref<1x160x128xf32, #tpu.memory_space<vmem>>
        %parallel_loop3A_614 = tpu.memref_squeeze %parallel_loop3A_613 : memref<1x160x128xf32, #tpu.memory_space<vmem>> -> memref<160x128xf32, #tpu.memory_space<vmem>>
        %parallel_loop3A_615 = arith.index_cast %parallel_loop3A_596 : i32 to index
        %parallel_loop3A_616 = arith.constant 0 : index
        %parallel_loop3A_617 = tpu.vector_load %parallel_loop3A_614[%parallel_loop3A_615, %parallel_loop3A_616] {strides = array<i32>} : memref<160x128xf32, #tpu.memory_space<vmem>>, vector<16xf32>,
        tpu.vector_store %parallel_loop3A_614[%parallel_loop3A_615, %parallel_loop3A_616], %parallel_loop3A_610 {strides = array<i32>} : memref<160x128xf32, #tpu.memory_space<vmem>>, vector<16xf32>,
        %parallel_loop3A_618 = tpu.vector_load_idx %arg6[%parallel_loop3A_594, %add3A_94] : memref<100x128xi32, #tpu.memory_space<vmem>>[vector<16xi32>, vector<16xi32>], vector<16xi32>,
        %parallel_loop3A_619 = arith.shli %parallel_loop3A_618, %broadcast_in_dim3A_120 : vector<16xi32>
        %parallel_loop3A_620 = vector.bitcast %parallel_loop3A_619 : vector<16xi32> to vector<16xf32>
        %parallel_loop3A_621 = arith.andi %parallel_loop3A_618, %broadcast_in_dim3A_122 : vector<16xi32>
        %parallel_loop3A_622 = vector.bitcast %parallel_loop3A_621 : vector<16xi32> to vector<16xf32>
        %parallel_loop3A_623 = arith.constant 0 : i32
        %parallel_loop3A_624 = arith.constant 0 : i32
        %parallel_loop3A_625 = tpu.memref_slice %arg8[%select_n3A_372, %parallel_loop3A_623, %parallel_loop3A_624] : memref<3x160x128xf32, #tpu.memory_space<vmem>> -> memref<1x160x128xf32, #tpu.memory_space<vmem>>
        %parallel_loop3A_626 = tpu.memref_squeeze %parallel_loop3A_625 : memref<1x160x128xf32, #tpu.memory_space<vmem>> -> memref<160x128xf32, #tpu.memory_space<vmem>>
        %parallel_loop3A_627 = arith.index_cast %parallel_loop3A_596 : i32 to index
        %parallel_loop3A_628 = arith.constant 16 : index
        %parallel_loop3A_629 = tpu.vector_load %parallel_loop3A_626[%parallel_loop3A_627, %parallel_loop3A_628] {strides = array<i32>} : memref<160x128xf32, #tpu.memory_space<vmem>>, vector<16xf32>,
        %parallel_loop3A_630 = arith.mulf %parallel_loop3A_629, %parallel_loop3A_620 : vector<16xf32>
        %parallel_loop3A_631 = arith.addf %parallel_loop3A_630, %parallel_loop3A_622 : vector<16xf32>
        %parallel_loop3A_632 = arith.constant 0 : i32
        %parallel_loop3A_633 = arith.constant 0 : i32
        %parallel_loop3A_634 = tpu.memref_slice %arg9[%select_n3A_355, %parallel_loop3A_632, %parallel_loop3A_633] : memref<2x160x128xf32, #tpu.memory_space<vmem>> -> memref<1x160x128xf32, #tpu.memory_space<vmem>>
        %parallel_loop3A_635 = tpu.memref_squeeze %parallel_loop3A_634 : memref<1x160x128xf32, #tpu.memory_space<vmem>> -> memref<160x128xf32, #tpu.memory_space<vmem>>
        %parallel_loop3A_636 = arith.index_cast %parallel_loop3A_596 : i32 to index
        %parallel_loop3A_637 = arith.constant 16 : index
        %parallel_loop3A_638 = tpu.vector_load %parallel_loop3A_635[%parallel_loop3A_636, %parallel_loop3A_637] {strides = array<i32>} : memref<160x128xf32, #tpu.memory_space<vmem>>, vector<16xf32>,
        tpu.vector_store %parallel_loop3A_635[%parallel_loop3A_636, %parallel_loop3A_637], %parallel_loop3A_631 {strides = array<i32>} : memref<160x128xf32, #tpu.memory_space<vmem>>, vector<16xf32>,
        %parallel_loop3A_639 = tpu.vector_load_idx %arg6[%parallel_loop3A_594, %add3A_98] : memref<100x128xi32, #tpu.memory_space<vmem>>[vector<16xi32>, vector<16xi32>], vector<16xi32>,
        %parallel_loop3A_640 = arith.shli %parallel_loop3A_639, %broadcast_in_dim3A_120 : vector<16xi32>
        %parallel_loop3A_641 = vector.bitcast %parallel_loop3A_640 : vector<16xi32> to vector<16xf32>
        %parallel_loop3A_642 = arith.andi %parallel_loop3A_639, %broadcast_in_dim3A_122 : vector<16xi32>
        %parallel_loop3A_643 = vector.bitcast %parallel_loop3A_642 : vector<16xi32> to vector<16xf32>
        %parallel_loop3A_644 = arith.constant 0 : i32
        %parallel_loop3A_645 = arith.constant 0 : i32
        %parallel_loop3A_646 = tpu.memref_slice %arg8[%select_n3A_372, %parallel_loop3A_644, %parallel_loop3A_645] : memref<3x160x128xf32, #tpu.memory_space<vmem>> -> memref<1x160x128xf32, #tpu.memory_space<vmem>>
        %parallel_loop3A_647 = tpu.memref_squeeze %parallel_loop3A_646 : memref<1x160x128xf32, #tpu.memory_space<vmem>> -> memref<160x128xf32, #tpu.memory_space<vmem>>
        %parallel_loop3A_648 = arith.index_cast %parallel_loop3A_596 : i32 to index
        %parallel_loop3A_649 = arith.constant 32 : index
        %parallel_loop3A_650 = tpu.vector_load %parallel_loop3A_647[%parallel_loop3A_648, %parallel_loop3A_649] {strides = array<i32>} : memref<160x128xf32, #tpu.memory_space<vmem>>, vector<16xf32>,
        %parallel_loop3A_651 = arith.mulf %parallel_loop3A_650, %parallel_loop3A_641 : vector<16xf32>
        %parallel_loop3A_652 = arith.addf %parallel_loop3A_651, %parallel_loop3A_643 : vector<16xf32>
        %parallel_loop3A_653 = arith.constant 0 : i32
        %parallel_loop3A_654 = arith.constant 0 : i32
        %parallel_loop3A_655 = tpu.memref_slice %arg9[%select_n3A_355, %parallel_loop3A_653, %parallel_loop3A_654] : memref<2x160x128xf32, #tpu.memory_space<vmem>> -> memref<1x160x128xf32, #tpu.memory_space<vmem>>
        %parallel_loop3A_656 = tpu.memref_squeeze %parallel_loop3A_655 : memref<1x160x128xf32, #tpu.memory_space<vmem>> -> memref<160x128xf32, #tpu.memory_space<vmem>>
        %parallel_loop3A_657 = arith.index_cast %parallel_loop3A_596 : i32 to index
        %parallel_loop3A_658 = arith.constant 32 : index
        %parallel_loop3A_659 = tpu.vector_load %parallel_loop3A_656[%parallel_loop3A_657, %parallel_loop3A_658] {strides = array<i32>} : memref<160x128xf32, #tpu.memory_space<vmem>>, vector<16xf32>,
        tpu.vector_store %parallel_loop3A_656[%parallel_loop3A_657, %parallel_loop3A_658], %parallel_loop3A_652 {strides = array<i32>} : memref<160x128xf32, #tpu.memory_space<vmem>>, vector<16xf32>,
        %parallel_loop3A_660 = tpu.vector_load_idx %arg6[%parallel_loop3A_594, %add3A_102] : memref<100x128xi32, #tpu.memory_space<vmem>>[vector<16xi32>, vector<16xi32>], vector<16xi32>,
        %parallel_loop3A_661 = arith.shli %parallel_loop3A_660, %broadcast_in_dim3A_120 : vector<16xi32>
        %parallel_loop3A_662 = vector.bitcast %parallel_loop3A_661 : vector<16xi32> to vector<16xf32>
        %parallel_loop3A_663 = arith.andi %parallel_loop3A_660, %broadcast_in_dim3A_122 : vector<16xi32>
        %parallel_loop3A_664 = vector.bitcast %parallel_loop3A_663 : vector<16xi32> to vector<16xf32>
        %parallel_loop3A_665 = arith.constant 0 : i32
        %parallel_loop3A_666 = arith.constant 0 : i32
        %parallel_loop3A_667 = tpu.memref_slice %arg8[%select_n3A_372, %parallel_loop3A_665, %parallel_loop3A_666] : memref<3x160x128xf32, #tpu.memory_space<vmem>> -> memref<1x160x128xf32, #tpu.memory_space<vmem>>
        %parallel_loop3A_668 = tpu.memref_squeeze %parallel_loop3A_667 : memref<1x160x128xf32, #tpu.memory_space<vmem>> -> memref<160x128xf32, #tpu.memory_space<vmem>>
        %parallel_loop3A_669 = arith.index_cast %parallel_loop3A_596 : i32 to index
        %parallel_loop3A_670 = arith.constant 48 : index
        %parallel_loop3A_671 = tpu.vector_load %parallel_loop3A_668[%parallel_loop3A_669, %parallel_loop3A_670] {strides = array<i32>} : memref<160x128xf32, #tpu.memory_space<vmem>>, vector<16xf32>,
        %parallel_loop3A_672 = arith.mulf %parallel_loop3A_671, %parallel_loop3A_662 : vector<16xf32>
        %parallel_loop3A_673 = arith.addf %parallel_loop3A_672, %parallel_loop3A_664 : vector<16xf32>
        %parallel_loop3A_674 = arith.constant 0 : i32
        %parallel_loop3A_675 = arith.constant 0 : i32
        %parallel_loop3A_676 = tpu.memref_slice %arg9[%select_n3A_355, %parallel_loop3A_674, %parallel_loop3A_675] : memref<2x160x128xf32, #tpu.memory_space<vmem>> -> memref<1x160x128xf32, #tpu.memory_space<vmem>>
        %parallel_loop3A_677 = tpu.memref_squeeze %parallel_loop3A_676 : memref<1x160x128xf32, #tpu.memory_space<vmem>> -> memref<160x128xf32, #tpu.memory_space<vmem>>
        %parallel_loop3A_678 = arith.index_cast %parallel_loop3A_596 : i32 to index
        %parallel_loop3A_679 = arith.constant 48 : index
        %parallel_loop3A_680 = tpu.vector_load %parallel_loop3A_677[%parallel_loop3A_678, %parallel_loop3A_679] {strides = array<i32>} : memref<160x128xf32, #tpu.memory_space<vmem>>, vector<16xf32>,
        tpu.vector_store %parallel_loop3A_677[%parallel_loop3A_678, %parallel_loop3A_679], %parallel_loop3A_673 {strides = array<i32>} : memref<160x128xf32, #tpu.memory_space<vmem>>, vector<16xf32>,
        %parallel_loop3A_681 = tpu.vector_load_idx %arg6[%parallel_loop3A_594, %add3A_106] : memref<100x128xi32, #tpu.memory_space<vmem>>[vector<16xi32>, vector<16xi32>], vector<16xi32>,
        %parallel_loop3A_682 = arith.shli %parallel_loop3A_681, %broadcast_in_dim3A_120 : vector<16xi32>
        %parallel_loop3A_683 = vector.bitcast %parallel_loop3A_682 : vector<16xi32> to vector<16xf32>
        %parallel_loop3A_684 = arith.andi %parallel_loop3A_681, %broadcast_in_dim3A_122 : vector<16xi32>
        %parallel_loop3A_685 = vector.bitcast %parallel_loop3A_684 : vector<16xi32> to vector<16xf32>
        %parallel_loop3A_686 = arith.constant 0 : i32
        %parallel_loop3A_687 = arith.constant 0 : i32
        %parallel_loop3A_688 = tpu.memref_slice %arg8[%select_n3A_372, %parallel_loop3A_686, %parallel_loop3A_687] : memref<3x160x128xf32, #tpu.memory_space<vmem>> -> memref<1x160x128xf32, #tpu.memory_space<vmem>>
        %parallel_loop3A_689 = tpu.memref_squeeze %parallel_loop3A_688 : memref<1x160x128xf32, #tpu.memory_space<vmem>> -> memref<160x128xf32, #tpu.memory_space<vmem>>
        %parallel_loop3A_690 = arith.index_cast %parallel_loop3A_596 : i32 to index
        %parallel_loop3A_691 = arith.constant 64 : index
        %parallel_loop3A_692 = tpu.vector_load %parallel_loop3A_689[%parallel_loop3A_690, %parallel_loop3A_691] {strides = array<i32>} : memref<160x128xf32, #tpu.memory_space<vmem>>, vector<16xf32>,
        %parallel_loop3A_693 = arith.mulf %parallel_loop3A_692, %parallel_loop3A_683 : vector<16xf32>
        %parallel_loop3A_694 = arith.addf %parallel_loop3A_693, %parallel_loop3A_685 : vector<16xf32>
        %parallel_loop3A_695 = arith.constant 0 : i32
        %parallel_loop3A_696 = arith.constant 0 : i32
        %parallel_loop3A_697 = tpu.memref_slice %arg9[%select_n3A_355, %parallel_loop3A_695, %parallel_loop3A_696] : memref<2x160x128xf32, #tpu.memory_space<vmem>> -> memref<1x160x128xf32, #tpu.memory_space<vmem>>
        %parallel_loop3A_698 = tpu.memref_squeeze %parallel_loop3A_697 : memref<1x160x128xf32, #tpu.memory_space<vmem>> -> memref<160x128xf32, #tpu.memory_space<vmem>>
        %parallel_loop3A_699 = arith.index_cast %parallel_loop3A_596 : i32 to index
        %parallel_loop3A_700 = arith.constant 64 : index
        %parallel_loop3A_701 = tpu.vector_load %parallel_loop3A_698[%parallel_loop3A_699, %parallel_loop3A_700] {strides = array<i32>} : memref<160x128xf32, #tpu.memory_space<vmem>>, vector<16xf32>,
        tpu.vector_store %parallel_loop3A_698[%parallel_loop3A_699, %parallel_loop3A_700], %parallel_loop3A_694 {strides = array<i32>} : memref<160x128xf32, #tpu.memory_space<vmem>>, vector<16xf32>,
        %parallel_loop3A_702 = tpu.vector_load_idx %arg6[%parallel_loop3A_594, %add3A_110] : memref<100x128xi32, #tpu.memory_space<vmem>>[vector<16xi32>, vector<16xi32>], vector<16xi32>,
        %parallel_loop3A_703 = arith.shli %parallel_loop3A_702, %broadcast_in_dim3A_120 : vector<16xi32>
        %parallel_loop3A_704 = vector.bitcast %parallel_loop3A_703 : vector<16xi32> to vector<16xf32>
        %parallel_loop3A_705 = arith.andi %parallel_loop3A_702, %broadcast_in_dim3A_122 : vector<16xi32>
        %parallel_loop3A_706 = vector.bitcast %parallel_loop3A_705 : vector<16xi32> to vector<16xf32>
        %parallel_loop3A_707 = arith.constant 0 : i32
        %parallel_loop3A_708 = arith.constant 0 : i32
        %parallel_loop3A_709 = tpu.memref_slice %arg8[%select_n3A_372, %parallel_loop3A_707, %parallel_loop3A_708] : memref<3x160x128xf32, #tpu.memory_space<vmem>> -> memref<1x160x128xf32, #tpu.memory_space<vmem>>
        %parallel_loop3A_710 = tpu.memref_squeeze %parallel_loop3A_709 : memref<1x160x128xf32, #tpu.memory_space<vmem>> -> memref<160x128xf32, #tpu.memory_space<vmem>>
        %parallel_loop3A_711 = arith.index_cast %parallel_loop3A_596 : i32 to index
        %parallel_loop3A_712 = arith.constant 80 : index
        %parallel_loop3A_713 = tpu.vector_load %parallel_loop3A_710[%parallel_loop3A_711, %parallel_loop3A_712] {strides = array<i32>} : memref<160x128xf32, #tpu.memory_space<vmem>>, vector<16xf32>,
        %parallel_loop3A_714 = arith.mulf %parallel_loop3A_713, %parallel_loop3A_704 : vector<16xf32>
        %parallel_loop3A_715 = arith.addf %parallel_loop3A_714, %parallel_loop3A_706 : vector<16xf32>
        %parallel_loop3A_716 = arith.constant 0 : i32
        %parallel_loop3A_717 = arith.constant 0 : i32
        %parallel_loop3A_718 = tpu.memref_slice %arg9[%select_n3A_355, %parallel_loop3A_716, %parallel_loop3A_717] : memref<2x160x128xf32, #tpu.memory_space<vmem>> -> memref<1x160x128xf32, #tpu.memory_space<vmem>>
        %parallel_loop3A_719 = tpu.memref_squeeze %parallel_loop3A_718 : memref<1x160x128xf32, #tpu.memory_space<vmem>> -> memref<160x128xf32, #tpu.memory_space<vmem>>
        %parallel_loop3A_720 = arith.index_cast %parallel_loop3A_596 : i32 to index
        %parallel_loop3A_721 = arith.constant 80 : index
        %parallel_loop3A_722 = tpu.vector_load %parallel_loop3A_719[%parallel_loop3A_720, %parallel_loop3A_721] {strides = array<i32>} : memref<160x128xf32, #tpu.memory_space<vmem>>, vector<16xf32>,
        tpu.vector_store %parallel_loop3A_719[%parallel_loop3A_720, %parallel_loop3A_721], %parallel_loop3A_715 {strides = array<i32>} : memref<160x128xf32, #tpu.memory_space<vmem>>, vector<16xf32>,
        %parallel_loop3A_723 = tpu.vector_load_idx %arg6[%parallel_loop3A_594, %add3A_114] : memref<100x128xi32, #tpu.memory_space<vmem>>[vector<16xi32>, vector<16xi32>], vector<16xi32>,
        %parallel_loop3A_724 = arith.shli %parallel_loop3A_723, %broadcast_in_dim3A_120 : vector<16xi32>
        %parallel_loop3A_725 = vector.bitcast %parallel_loop3A_724 : vector<16xi32> to vector<16xf32>
        %parallel_loop3A_726 = arith.andi %parallel_loop3A_723, %broadcast_in_dim3A_122 : vector<16xi32>
        %parallel_loop3A_727 = vector.bitcast %parallel_loop3A_726 : vector<16xi32> to vector<16xf32>
        %parallel_loop3A_728 = arith.constant 0 : i32
        %parallel_loop3A_729 = arith.constant 0 : i32
        %parallel_loop3A_730 = tpu.memref_slice %arg8[%select_n3A_372, %parallel_loop3A_728, %parallel_loop3A_729] : memref<3x160x128xf32, #tpu.memory_space<vmem>> -> memref<1x160x128xf32, #tpu.memory_space<vmem>>
        %parallel_loop3A_731 = tpu.memref_squeeze %parallel_loop3A_730 : memref<1x160x128xf32, #tpu.memory_space<vmem>> -> memref<160x128xf32, #tpu.memory_space<vmem>>
        %parallel_loop3A_732 = arith.index_cast %parallel_loop3A_596 : i32 to index
        %parallel_loop3A_733 = arith.constant 96 : index
        %parallel_loop3A_734 = tpu.vector_load %parallel_loop3A_731[%parallel_loop3A_732, %parallel_loop3A_733] {strides = array<i32>} : memref<160x128xf32, #tpu.memory_space<vmem>>, vector<16xf32>,
        %parallel_loop3A_735 = arith.mulf %parallel_loop3A_734, %parallel_loop3A_725 : vector<16xf32>
        %parallel_loop3A_736 = arith.addf %parallel_loop3A_735, %parallel_loop3A_727 : vector<16xf32>
        %parallel_loop3A_737 = arith.constant 0 : i32
        %parallel_loop3A_738 = arith.constant 0 : i32
        %parallel_loop3A_739 = tpu.memref_slice %arg9[%select_n3A_355, %parallel_loop3A_737, %parallel_loop3A_738] : memref<2x160x128xf32, #tpu.memory_space<vmem>> -> memref<1x160x128xf32, #tpu.memory_space<vmem>>
        %parallel_loop3A_740 = tpu.memref_squeeze %parallel_loop3A_739 : memref<1x160x128xf32, #tpu.memory_space<vmem>> -> memref<160x128xf32, #tpu.memory_space<vmem>>
        %parallel_loop3A_741 = arith.index_cast %parallel_loop3A_596 : i32 to index
        %parallel_loop3A_742 = arith.constant 96 : index
        %parallel_loop3A_743 = tpu.vector_load %parallel_loop3A_740[%parallel_loop3A_741, %parallel_loop3A_742] {strides = array<i32>} : memref<160x128xf32, #tpu.memory_space<vmem>>, vector<16xf32>,
        tpu.vector_store %parallel_loop3A_740[%parallel_loop3A_741, %parallel_loop3A_742], %parallel_loop3A_736 {strides = array<i32>} : memref<160x128xf32, #tpu.memory_space<vmem>>, vector<16xf32>,
        %parallel_loop3A_744 = tpu.vector_load_idx %arg6[%parallel_loop3A_594, %add3A_118] : memref<100x128xi32, #tpu.memory_space<vmem>>[vector<16xi32>, vector<16xi32>], vector<16xi32>,
        %parallel_loop3A_745 = arith.shli %parallel_loop3A_744, %broadcast_in_dim3A_120 : vector<16xi32>
        %parallel_loop3A_746 = vector.bitcast %parallel_loop3A_745 : vector<16xi32> to vector<16xf32>
        %parallel_loop3A_747 = arith.andi %parallel_loop3A_744, %broadcast_in_dim3A_122 : vector<16xi32>
        %parallel_loop3A_748 = vector.bitcast %parallel_loop3A_747 : vector<16xi32> to vector<16xf32>
        %parallel_loop3A_749 = arith.constant 0 : i32
        %parallel_loop3A_750 = arith.constant 0 : i32
        %parallel_loop3A_751 = tpu.memref_slice %arg8[%select_n3A_372, %parallel_loop3A_749, %parallel_loop3A_750] : memref<3x160x128xf32, #tpu.memory_space<vmem>> -> memref<1x160x128xf32, #tpu.memory_space<vmem>>
        %parallel_loop3A_752 = tpu.memref_squeeze %parallel_loop3A_751 : memref<1x160x128xf32, #tpu.memory_space<vmem>> -> memref<160x128xf32, #tpu.memory_space<vmem>>
        %parallel_loop3A_753 = arith.index_cast %parallel_loop3A_596 : i32 to index
        %parallel_loop3A_754 = arith.constant 112 : index
        %parallel_loop3A_755 = tpu.vector_load %parallel_loop3A_752[%parallel_loop3A_753, %parallel_loop3A_754] {strides = array<i32>} : memref<160x128xf32, #tpu.memory_space<vmem>>, vector<16xf32>,
        %parallel_loop3A_756 = arith.mulf %parallel_loop3A_755, %parallel_loop3A_746 : vector<16xf32>
        %parallel_loop3A_757 = arith.addf %parallel_loop3A_756, %parallel_loop3A_748 : vector<16xf32>
        %parallel_loop3A_758 = arith.constant 0 : i32
        %parallel_loop3A_759 = arith.constant 0 : i32
        %parallel_loop3A_760 = tpu.memref_slice %arg9[%select_n3A_355, %parallel_loop3A_758, %parallel_loop3A_759] : memref<2x160x128xf32, #tpu.memory_space<vmem>> -> memref<1x160x128xf32, #tpu.memory_space<vmem>>
        %parallel_loop3A_761 = tpu.memref_squeeze %parallel_loop3A_760 : memref<1x160x128xf32, #tpu.memory_space<vmem>> -> memref<160x128xf32, #tpu.memory_space<vmem>>
        %parallel_loop3A_762 = arith.index_cast %parallel_loop3A_596 : i32 to index
        %parallel_loop3A_763 = arith.constant 112 : index
        %parallel_loop3A_764 = tpu.vector_load %parallel_loop3A_761[%parallel_loop3A_762, %parallel_loop3A_763] {strides = array<i32>} : memref<160x128xf32, #tpu.memory_space<vmem>>, vector<16xf32>,
        tpu.vector_store %parallel_loop3A_761[%parallel_loop3A_762, %parallel_loop3A_763], %parallel_loop3A_757 {strides = array<i32>} : memref<160x128xf32, #tpu.memory_space<vmem>>, vector<16xf32>,
      } {sc.loop_unroll_factor = 4 : i64, sc.parallel_access}
      %jit3A_535 = arith.constant 2 : i32
      %eq3A_536 = arith.constant 0 : i32
      %eq3A_537 = arith.cmpi eq, %jit3A_535, %eq3A_536 : i32
      %jit3A_538 = arith.constant 1 : i32
      %select_n3A_539 = arith.select %eq3A_537, %jit3A_538, %jit3A_535 : i32
      %rem3A_540 = arith.remsi %while3A_232, %select_n3A_539 : i32
      %ne3A_541 = arith.constant 0 : i32
      %ne3A_542 = arith.cmpi ne, %rem3A_540, %ne3A_541 : i32
      %lt3A_543 = arith.constant 0 : i32
      %lt3A_544 = arith.cmpi slt, %rem3A_540, %lt3A_543 : i32
      %lt3A_545 = arith.constant 0 : i32
      %lt3A_546 = arith.cmpi slt, %select_n3A_539, %lt3A_545 : i32
      %ne3A_547 = arith.xori %lt3A_544, %lt3A_546 : i1
      %and3A_548 = arith.andi %ne3A_547, %ne3A_542 : i1
      %add3A_549 = arith.addi %rem3A_540, %select_n3A_539 : i32
      %select_n3A_550 = arith.select %and3A_548, %add3A_549, %rem3A_540 : i32
      %add3A_551 = arith.addi %mul3A_2, %while3A_232 : i32
      %mul3A_552 = arith.constant 160 : i32
      %mul3A_553 = arith.muli %add3A_551, %mul3A_552 : i32
      %add3A_554 = arith.constant 80 : i32
      %add3A_555 = arith.addi %mul3A_553, %add3A_554 : i32
      %jit3A_556 = arith.constant 2 : i32
      %eq3A_557 = arith.constant 0 : i32
      %eq3A_558 = arith.cmpi eq, %jit3A_556, %eq3A_557 : i32
      %jit3A_559 = arith.constant 1 : i32
      %select_n3A_560 = arith.select %eq3A_558, %jit3A_559, %jit3A_556 : i32
      %rem3A_561 = arith.remsi %while3A_232, %select_n3A_560 : i32
      %ne3A_562 = arith.constant 0 : i32
      %ne3A_563 = arith.cmpi ne, %rem3A_561, %ne3A_562 : i32
      %lt3A_564 = arith.constant 0 : i32
      %lt3A_565 = arith.cmpi slt, %rem3A_561, %lt3A_564 : i32
      %lt3A_566 = arith.constant 0 : i32
      %lt3A_567 = arith.cmpi slt, %select_n3A_560, %lt3A_566 : i32
      %ne3A_568 = arith.xori %lt3A_565, %lt3A_567 : i1
      %and3A_569 = arith.andi %ne3A_568, %ne3A_563 : i1
      %add3A_570 = arith.addi %rem3A_561, %select_n3A_560 : i32
      %select_n3A_571 = arith.select %and3A_569, %add3A_570, %rem3A_561 : i32
      %dma_start3A_572 = arith.constant 80 : i32
      %dma_start3A_573 = arith.constant 0 : i32
      %dma_start3A_574 = tpu.memref_slice %arg9[%select_n3A_550, %dma_start3A_572, %dma_start3A_573] : memref<2x160x128xf32, #tpu.memory_space<vmem>> -> memref<1x80x128xf32, #tpu.memory_space<vmem>>
      %dma_start3A_575 = tpu.memref_squeeze %dma_start3A_574 : memref<1x80x128xf32, #tpu.memory_space<vmem>> -> memref<80x128xf32, #tpu.memory_space<vmem>>
      %dma_start3A_576 = arith.constant 0 : i32
      %dma_start3A_577 = tpu.memref_slice %arg5[%add3A_555, %dma_start3A_576] : memref<100000x128xf32, #tpu.memory_space<hbm>> -> memref<80x128xf32, #tpu.memory_space<hbm>>
      %dma_start3A_578 = tpu.memref_slice %arg12[%select_n3A_571] : memref<2x!tpu.dma_semaphore, #tpu.memory_space<semaphore_mem>> -> memref<1x!tpu.dma_semaphore, #tpu.memory_space<semaphore_mem>>
      %dma_start3A_579 = tpu.memref_squeeze %dma_start3A_578 : memref<1x!tpu.dma_semaphore, #tpu.memory_space<semaphore_mem>> -> memref<!tpu.dma_semaphore, #tpu.memory_space<semaphore_mem>>
      %dma_start3A_580 = arith.constant 0 : i32
      %dma_start3A_581 = tpu.memref_slice %arg5[%add3A_555, %dma_start3A_580] : memref<100000x128xf32, #tpu.memory_space<hbm>> -> memref<80x128xf32, #tpu.memory_space<hbm>>
      %dma_start3A_582 = arith.constant 80 : i32
      %dma_start3A_583 = arith.constant 0 : i32
      %dma_start3A_584 = tpu.memref_slice %arg9[%select_n3A_550, %dma_start3A_582, %dma_start3A_583] : memref<2x160x128xf32, #tpu.memory_space<vmem>> -> memref<1x80x128xf32, #tpu.memory_space<vmem>>
      %dma_start3A_585 = tpu.memref_squeeze %dma_start3A_584 : memref<1x80x128xf32, #tpu.memory_space<vmem>> -> memref<80x128xf32, #tpu.memory_space<vmem>>
      tpu.enqueue_dma source(%dma_start3A_585 : memref<80x128xf32, #tpu.memory_space<vmem>>) target(%dma_start3A_581 : memref<80x128xf32, #tpu.memory_space<hbm>>) target_semaphore(%dma_start3A_579 : memref<!tpu.dma_semaphore, #tpu.memory_space<semaphore_mem>>)
      %add3A_586 = arith.constant 2 : i32
      %add3A_587 = arith.addi %while3A_232, %add3A_586 : i32
      %lt3A_588 = arith.cmpi slt, %add3A_587, %max3A_5 : i32
      %convert_element_type3A_589 = arith.extui %lt3A_588 : i1 to i32
      %cond3A_590 = arith.constant 0 : i32
      %cond3A_591 = arith.cmpi ne, %convert_element_type3A_589, %cond3A_590 : i32
      scf.if %cond3A_591 {
        %add3A_592 = arith.constant 2 : i32
        %add3A_593 = arith.addi %while3A_232, %add3A_592 : i32
        %add3A_594 = arith.addi %mul3A_2, %add3A_593 : i32
        %mul3A_595 = arith.constant 160 : i32
        %mul3A_596 = arith.muli %add3A_594, %mul3A_595 : i32
        %add3A_597 = arith.constant 0 : i32
        %add3A_598 = arith.addi %mul3A_596, %add3A_597 : i32
        %jit3A_599 = arith.constant 2 : i32
        %eq3A_600 = arith.constant 0 : i32
        %eq3A_601 = arith.cmpi eq, %jit3A_599, %eq3A_600 : i32
        %jit3A_602 = arith.constant 1 : i32
        %select_n3A_603 = arith.select %eq3A_601, %jit3A_602, %jit3A_599 : i32
        %rem3A_604 = arith.remsi %add3A_593, %select_n3A_603 : i32
        %ne3A_605 = arith.constant 0 : i32
        %ne3A_606 = arith.cmpi ne, %rem3A_604, %ne3A_605 : i32
        %lt3A_607 = arith.constant 0 : i32
        %lt3A_608 = arith.cmpi slt, %rem3A_604, %lt3A_607 : i32
        %lt3A_609 = arith.constant 0 : i32
        %lt3A_610 = arith.cmpi slt, %select_n3A_603, %lt3A_609 : i32
        %ne3A_611 = arith.xori %lt3A_608, %lt3A_610 : i1
        %and3A_612 = arith.andi %ne3A_611, %ne3A_606 : i1
        %add3A_613 = arith.addi %rem3A_604, %select_n3A_603 : i32
        %select_n3A_614 = arith.select %and3A_612, %add3A_613, %rem3A_604 : i32
        %jit3A_615 = arith.constant 2 : i32
        %eq3A_616 = arith.constant 0 : i32
        %eq3A_617 = arith.cmpi eq, %jit3A_615, %eq3A_616 : i32
        %jit3A_618 = arith.constant 1 : i32
        %select_n3A_619 = arith.select %eq3A_617, %jit3A_618, %jit3A_615 : i32
        %rem3A_620 = arith.remsi %add3A_593, %select_n3A_619 : i32
        %ne3A_621 = arith.constant 0 : i32
        %ne3A_622 = arith.cmpi ne, %rem3A_620, %ne3A_621 : i32
        %lt3A_623 = arith.constant 0 : i32
        %lt3A_624 = arith.cmpi slt, %rem3A_620, %lt3A_623 : i32
        %lt3A_625 = arith.constant 0 : i32
        %lt3A_626 = arith.cmpi slt, %select_n3A_619, %lt3A_625 : i32
        %ne3A_627 = arith.xori %lt3A_624, %lt3A_626 : i1
        %and3A_628 = arith.andi %ne3A_627, %ne3A_622 : i1
        %add3A_629 = arith.addi %rem3A_620, %select_n3A_619 : i32
        %select_n3A_630 = arith.select %and3A_628, %add3A_629, %rem3A_620 : i32
        %dma_start3A_631 = arith.constant 0 : i32
        %dma_start3A_632 = arith.constant 0 : i32
        %dma_start3A_633 = tpu.memref_slice %arg7[%select_n3A_614, %dma_start3A_631, %dma_start3A_632] : memref<2x2x80xi32, #tpu.memory_space<vmem>> -> memref<1x1x80xi32, #tpu.memory_space<vmem>>
        %dma_start3A_634 = tpu.memref_squeeze %dma_start3A_633 : memref<1x1x80xi32, #tpu.memory_space<vmem>> -> memref<80xi32, #tpu.memory_space<vmem>>
        %dma_start3A_635 = tpu.memref_slice %arg4[%add3A_598] : memref<100000xi32, #tpu.memory_space<hbm>> -> memref<80xi32, #tpu.memory_space<hbm>>
        %dma_start3A_636 = tpu.memref_slice %arg10[%select_n3A_630] : memref<2x!tpu.dma_semaphore, #tpu.memory_space<semaphore_mem>> -> memref<1x!tpu.dma_semaphore, #tpu.memory_space<semaphore_mem>>
        %dma_start3A_637 = tpu.memref_squeeze %dma_start3A_636 : memref<1x!tpu.dma_semaphore, #tpu.memory_space<semaphore_mem>> -> memref<!tpu.dma_semaphore, #tpu.memory_space<semaphore_mem>>
        %dma_start3A_638 = arith.constant 0 : i32
        %dma_start3A_639 = tpu.memref_slice %arg7[%select_n3A_614, %dma_start3A_631, %dma_start3A_638] : memref<2x2x80xi32, #tpu.memory_space<vmem>> -> memref<1x1x80xi32, #tpu.memory_space<vmem>>
        %dma_start3A_640 = tpu.memref_squeeze %dma_start3A_639 : memref<1x1x80xi32, #tpu.memory_space<vmem>> -> memref<80xi32, #tpu.memory_space<vmem>>
        %dma_start3A_641 = tpu.memref_slice %arg4[%add3A_598] : memref<100000xi32, #tpu.memory_space<hbm>> -> memref<80xi32, #tpu.memory_space<hbm>>
        tpu.enqueue_dma source(%dma_start3A_641 : memref<80xi32, #tpu.memory_space<hbm>>) target(%dma_start3A_640 : memref<80xi32, #tpu.memory_space<vmem>>) target_semaphore(%dma_start3A_637 : memref<!tpu.dma_semaphore, #tpu.memory_space<semaphore_mem>>)
        %add3A_642 = arith.addi %mul3A_2, %add3A_593 : i32
        %mul3A_643 = arith.constant 160 : i32
        %mul3A_644 = arith.muli %add3A_642, %mul3A_643 : i32
        %add3A_645 = arith.constant 80 : i32
        %add3A_646 = arith.addi %mul3A_644, %add3A_645 : i32
        %jit3A_647 = arith.constant 2 : i32
        %eq3A_648 = arith.constant 0 : i32
        %eq3A_649 = arith.cmpi eq, %jit3A_647, %eq3A_648 : i32
        %jit3A_650 = arith.constant 1 : i32
        %select_n3A_651 = arith.select %eq3A_649, %jit3A_650, %jit3A_647 : i32
        %rem3A_652 = arith.remsi %add3A_593, %select_n3A_651 : i32
        %ne3A_653 = arith.constant 0 : i32
        %ne3A_654 = arith.cmpi ne, %rem3A_652, %ne3A_653 : i32
        %lt3A_655 = arith.constant 0 : i32
        %lt3A_656 = arith.cmpi slt, %rem3A_652, %lt3A_655 : i32
        %lt3A_657 = arith.constant 0 : i32
        %lt3A_658 = arith.cmpi slt, %select_n3A_651, %lt3A_657 : i32
        %ne3A_659 = arith.xori %lt3A_656, %lt3A_658 : i1
        %and3A_660 = arith.andi %ne3A_659, %ne3A_654 : i1
        %add3A_661 = arith.addi %rem3A_652, %select_n3A_651 : i32
        %select_n3A_662 = arith.select %and3A_660, %add3A_661, %rem3A_652 : i32
        %jit3A_663 = arith.constant 2 : i32
        %eq3A_664 = arith.constant 0 : i32
        %eq3A_665 = arith.cmpi eq, %jit3A_663, %eq3A_664 : i32
        %jit3A_666 = arith.constant 1 : i32
        %select_n3A_667 = arith.select %eq3A_665, %jit3A_666, %jit3A_663 : i32
        %rem3A_668 = arith.remsi %add3A_593, %select_n3A_667 : i32
        %ne3A_669 = arith.constant 0 : i32
        %ne3A_670 = arith.cmpi ne, %rem3A_668, %ne3A_669 : i32
        %lt3A_671 = arith.constant 0 : i32
        %lt3A_672 = arith.cmpi slt, %rem3A_668, %lt3A_671 : i32
        %lt3A_673 = arith.constant 0 : i32
        %lt3A_674 = arith.cmpi slt, %select_n3A_667, %lt3A_673 : i32
        %ne3A_675 = arith.xori %lt3A_672, %lt3A_674 : i1
        %and3A_676 = arith.andi %ne3A_675, %ne3A_670 : i1
        %add3A_677 = arith.addi %rem3A_668, %select_n3A_667 : i32
        %select_n3A_678 = arith.select %and3A_676, %add3A_677, %rem3A_668 : i32
        %dma_start3A_679 = arith.constant 1 : i32
        %dma_start3A_680 = arith.constant 0 : i32
        %dma_start3A_681 = tpu.memref_slice %arg7[%select_n3A_662, %dma_start3A_679, %dma_start3A_680] : memref<2x2x80xi32, #tpu.memory_space<vmem>> -> memref<1x1x80xi32, #tpu.memory_space<vmem>>
        %dma_start3A_682 = tpu.memref_squeeze %dma_start3A_681 : memref<1x1x80xi32, #tpu.memory_space<vmem>> -> memref<80xi32, #tpu.memory_space<vmem>>
        %dma_start3A_683 = tpu.memref_slice %arg4[%add3A_646] : memref<100000xi32, #tpu.memory_space<hbm>> -> memref<80xi32, #tpu.memory_space<hbm>>
        %dma_start3A_684 = tpu.memref_slice %arg10[%select_n3A_678] : memref<2x!tpu.dma_semaphore, #tpu.memory_space<semaphore_mem>> -> memref<1x!tpu.dma_semaphore, #tpu.memory_space<semaphore_mem>>
        %dma_start3A_685 = tpu.memref_squeeze %dma_start3A_684 : memref<1x!tpu.dma_semaphore, #tpu.memory_space<semaphore_mem>> -> memref<!tpu.dma_semaphore, #tpu.memory_space<semaphore_mem>>
        %dma_start3A_686 = arith.constant 0 : i32
        %dma_start3A_687 = tpu.memref_slice %arg7[%select_n3A_662, %dma_start3A_679, %dma_start3A_686] : memref<2x2x80xi32, #tpu.memory_space<vmem>> -> memref<1x1x80xi32, #tpu.memory_space<vmem>>
        %dma_start3A_688 = tpu.memref_squeeze %dma_start3A_687 : memref<1x1x80xi32, #tpu.memory_space<vmem>> -> memref<80xi32, #tpu.memory_space<vmem>>
        %dma_start3A_689 = tpu.memref_slice %arg4[%add3A_646] : memref<100000xi32, #tpu.memory_space<hbm>> -> memref<80xi32, #tpu.memory_space<hbm>>
        tpu.enqueue_dma source(%dma_start3A_689 : memref<80xi32, #tpu.memory_space<hbm>>) target(%dma_start3A_688 : memref<80xi32, #tpu.memory_space<vmem>>) target_semaphore(%dma_start3A_685 : memref<!tpu.dma_semaphore, #tpu.memory_space<semaphore_mem>>)
      } else {
      }
    }
    %ge3A = arith.constant 2 : i32
    %ge3A_132 = arith.cmpi sge, %max3A_5, %ge3A : i32
    %convert_element_type3A_133 = arith.extui %ge3A_132 : i1 to i32
    %cond3A_134 = arith.constant 0 : i32
    %cond3A_135 = arith.cmpi ne, %convert_element_type3A_133, %cond3A_134 : i32
    scf.if %cond3A_135 {
      %sub3A_232 = arith.constant 2 : i32
      %sub3A_233 = arith.subi %max3A_5, %sub3A_232 : i32
      %jit3A_234 = arith.constant 2 : i32
      %eq3A_235 = arith.constant 0 : i32
      %eq3A_236 = arith.cmpi eq, %jit3A_234, %eq3A_235 : i32
      %jit3A_237 = arith.constant 1 : i32
      %select_n3A_238 = arith.select %eq3A_236, %jit3A_237, %jit3A_234 : i32
      %rem3A_239 = arith.remsi %sub3A_233, %select_n3A_238 : i32
      %ne3A_240 = arith.constant 0 : i32
      %ne3A_241 = arith.cmpi ne, %rem3A_239, %ne3A_240 : i32
      %lt3A_242 = arith.constant 0 : i32
      %lt3A_243 = arith.cmpi slt, %rem3A_239, %lt3A_242 : i32
      %lt3A_244 = arith.constant 0 : i32
      %lt3A_245 = arith.cmpi slt, %select_n3A_238, %lt3A_244 : i32
      %ne3A_246 = arith.xori %lt3A_243, %lt3A_245 : i1
      %and3A_247 = arith.andi %ne3A_246, %ne3A_241 : i1
      %add3A_248 = arith.addi %rem3A_239, %select_n3A_238 : i32
      %select_n3A_249 = arith.select %and3A_247, %add3A_248, %rem3A_239 : i32
      %add3A_250 = arith.addi %mul3A_2, %sub3A_233 : i32
      %mul3A_251 = arith.constant 160 : i32
      %mul3A_252 = arith.muli %add3A_250, %mul3A_251 : i32
      %add3A_253 = arith.constant 0 : i32
      %add3A_254 = arith.addi %mul3A_252, %add3A_253 : i32
      %jit3A_255 = arith.constant 2 : i32
      %eq3A_256 = arith.constant 0 : i32
      %eq3A_257 = arith.cmpi eq, %jit3A_255, %eq3A_256 : i32
      %jit3A_258 = arith.constant 1 : i32
      %select_n3A_259 = arith.select %eq3A_257, %jit3A_258, %jit3A_255 : i32
      %rem3A_260 = arith.remsi %sub3A_233, %select_n3A_259 : i32
      %ne3A_261 = arith.constant 0 : i32
      %ne3A_262 = arith.cmpi ne, %rem3A_260, %ne3A_261 : i32
      %lt3A_263 = arith.constant 0 : i32
      %lt3A_264 = arith.cmpi slt, %rem3A_260, %lt3A_263 : i32
      %lt3A_265 = arith.constant 0 : i32
      %lt3A_266 = arith.cmpi slt, %select_n3A_259, %lt3A_265 : i32
      %ne3A_267 = arith.xori %lt3A_264, %lt3A_266 : i1
      %and3A_268 = arith.andi %ne3A_267, %ne3A_262 : i1
      %add3A_269 = arith.addi %rem3A_260, %select_n3A_259 : i32
      %select_n3A_270 = arith.select %and3A_268, %add3A_269, %rem3A_260 : i32
      %dma_wait3A_271 = arith.constant 0 : i32
      %dma_wait3A_272 = arith.constant 0 : i32
      %dma_wait3A_273 = tpu.memref_slice %arg9[%select_n3A_249, %dma_wait3A_271, %dma_wait3A_272] : memref<2x160x128xf32, #tpu.memory_space<vmem>> -> memref<1x80x128xf32, #tpu.memory_space<vmem>>
      %dma_wait3A_274 = tpu.memref_squeeze %dma_wait3A_273 : memref<1x80x128xf32, #tpu.memory_space<vmem>> -> memref<80x128xf32, #tpu.memory_space<vmem>>
      %dma_wait3A_275 = arith.constant 0 : i32
      %dma_wait3A_276 = tpu.memref_slice %arg5[%add3A_254, %dma_wait3A_275] : memref<100000x128xf32, #tpu.memory_space<hbm>> -> memref<80x128xf32, #tpu.memory_space<hbm>>
      %dma_wait3A_277 = tpu.memref_slice %arg12[%select_n3A_270] : memref<2x!tpu.dma_semaphore, #tpu.memory_space<semaphore_mem>> -> memref<1x!tpu.dma_semaphore, #tpu.memory_space<semaphore_mem>>
      %dma_wait3A_278 = tpu.memref_squeeze %dma_wait3A_277 : memref<1x!tpu.dma_semaphore, #tpu.memory_space<semaphore_mem>> -> memref<!tpu.dma_semaphore, #tpu.memory_space<semaphore_mem>>
      %dma_wait3A_279 = arith.constant 0 : i32
      %dma_wait3A_280 = tpu.memref_slice %arg5[%add3A_254, %dma_wait3A_279] : memref<100000x128xf32, #tpu.memory_space<hbm>> -> memref<80x128xf32, #tpu.memory_space<hbm>>
      %dma_wait3A_281 = arith.constant 0 : i32
      %dma_wait3A_282 = arith.constant 0 : i32
      %dma_wait3A_283 = tpu.memref_slice %arg9[%select_n3A_249, %dma_wait3A_281, %dma_wait3A_282] : memref<2x160x128xf32, #tpu.memory_space<vmem>> -> memref<1x80x128xf32, #tpu.memory_space<vmem>>
      %dma_wait3A_284 = tpu.memref_squeeze %dma_wait3A_283 : memref<1x80x128xf32, #tpu.memory_space<vmem>> -> memref<80x128xf32, #tpu.memory_space<vmem>>
      tpu.wait_dma2 semaphore(%dma_wait3A_278 : memref<!tpu.dma_semaphore, #tpu.memory_space<semaphore_mem>>) src(%dma_wait3A_284 : memref<80x128xf32, #tpu.memory_space<vmem>>) dst(%dma_wait3A_280 : memref<80x128xf32, #tpu.memory_space<hbm>>)
      %jit3A_285 = arith.constant 2 : i32
      %eq3A_286 = arith.constant 0 : i32
      %eq3A_287 = arith.cmpi eq, %jit3A_285, %eq3A_286 : i32
      %jit3A_288 = arith.constant 1 : i32
      %select_n3A_289 = arith.select %eq3A_287, %jit3A_288, %jit3A_285 : i32
      %rem3A_290 = arith.remsi %sub3A_233, %select_n3A_289 : i32
      %ne3A_291 = arith.constant 0 : i32
      %ne3A_292 = arith.cmpi ne, %rem3A_290, %ne3A_291 : i32
      %lt3A_293 = arith.constant 0 : i32
      %lt3A_294 = arith.cmpi slt, %rem3A_290, %lt3A_293 : i32
      %lt3A_295 = arith.constant 0 : i32
      %lt3A_296 = arith.cmpi slt, %select_n3A_289, %lt3A_295 : i32
      %ne3A_297 = arith.xori %lt3A_294, %lt3A_296 : i1
      %and3A_298 = arith.andi %ne3A_297, %ne3A_292 : i1
      %add3A_299 = arith.addi %rem3A_290, %select_n3A_289 : i32
      %select_n3A_300 = arith.select %and3A_298, %add3A_299, %rem3A_290 : i32
      %add3A_301 = arith.addi %mul3A_2, %sub3A_233 : i32
      %mul3A_302 = arith.constant 160 : i32
      %mul3A_303 = arith.muli %add3A_301, %mul3A_302 : i32
      %add3A_304 = arith.constant 80 : i32
      %add3A_305 = arith.addi %mul3A_303, %add3A_304 : i32
      %jit3A_306 = arith.constant 2 : i32
      %eq3A_307 = arith.constant 0 : i32
      %eq3A_308 = arith.cmpi eq, %jit3A_306, %eq3A_307 : i32
      %jit3A_309 = arith.constant 1 : i32
      %select_n3A_310 = arith.select %eq3A_308, %jit3A_309, %jit3A_306 : i32
      %rem3A_311 = arith.remsi %sub3A_233, %select_n3A_310 : i32
      %ne3A_312 = arith.constant 0 : i32
      %ne3A_313 = arith.cmpi ne, %rem3A_311, %ne3A_312 : i32
      %lt3A_314 = arith.constant 0 : i32
      %lt3A_315 = arith.cmpi slt, %rem3A_311, %lt3A_314 : i32
      %lt3A_316 = arith.constant 0 : i32
      %lt3A_317 = arith.cmpi slt, %select_n3A_310, %lt3A_316 : i32
      %ne3A_318 = arith.xori %lt3A_315, %lt3A_317 : i1
      %and3A_319 = arith.andi %ne3A_318, %ne3A_313 : i1
      %add3A_320 = arith.addi %rem3A_311, %select_n3A_310 : i32
      %select_n3A_321 = arith.select %and3A_319, %add3A_320, %rem3A_311 : i32
      %dma_wait3A_322 = arith.constant 80 : i32
      %dma_wait3A_323 = arith.constant 0 : i32
      %dma_wait3A_324 = tpu.memref_slice %arg9[%select_n3A_300, %dma_wait3A_322, %dma_wait3A_323] : memref<2x160x128xf32, #tpu.memory_space<vmem>> -> memref<1x80x128xf32, #tpu.memory_space<vmem>>
      %dma_wait3A_325 = tpu.memref_squeeze %dma_wait3A_324 : memref<1x80x128xf32, #tpu.memory_space<vmem>> -> memref<80x128xf32, #tpu.memory_space<vmem>>
      %dma_wait3A_326 = arith.constant 0 : i32
      %dma_wait3A_327 = tpu.memref_slice %arg5[%add3A_305, %dma_wait3A_326] : memref<100000x128xf32, #tpu.memory_space<hbm>> -> memref<80x128xf32, #tpu.memory_space<hbm>>
      %dma_wait3A_328 = tpu.memref_slice %arg12[%select_n3A_321] : memref<2x!tpu.dma_semaphore, #tpu.memory_space<semaphore_mem>> -> memref<1x!tpu.dma_semaphore, #tpu.memory_space<semaphore_mem>>
      %dma_wait3A_329 = tpu.memref_squeeze %dma_wait3A_328 : memref<1x!tpu.dma_semaphore, #tpu.memory_space<semaphore_mem>> -> memref<!tpu.dma_semaphore, #tpu.memory_space<semaphore_mem>>
      %dma_wait3A_330 = arith.constant 0 : i32
      %dma_wait3A_331 = tpu.memref_slice %arg5[%add3A_305, %dma_wait3A_330] : memref<100000x128xf32, #tpu.memory_space<hbm>> -> memref<80x128xf32, #tpu.memory_space<hbm>>
      %dma_wait3A_332 = arith.constant 80 : i32
      %dma_wait3A_333 = arith.constant 0 : i32
      %dma_wait3A_334 = tpu.memref_slice %arg9[%select_n3A_300, %dma_wait3A_332, %dma_wait3A_333] : memref<2x160x128xf32, #tpu.memory_space<vmem>> -> memref<1x80x128xf32, #tpu.memory_space<vmem>>
      %dma_wait3A_335 = tpu.memref_squeeze %dma_wait3A_334 : memref<1x80x128xf32, #tpu.memory_space<vmem>> -> memref<80x128xf32, #tpu.memory_space<vmem>>
      tpu.wait_dma2 semaphore(%dma_wait3A_329 : memref<!tpu.dma_semaphore, #tpu.memory_space<semaphore_mem>>) src(%dma_wait3A_335 : memref<80x128xf32, #tpu.memory_space<vmem>>) dst(%dma_wait3A_331 : memref<80x128xf32, #tpu.memory_space<hbm>>)
    } else {
    }
    %sub3A_136 = arith.constant 1 : i32
    %sub3A_137 = arith.subi %max3A_5, %sub3A_136 : i32
    %jit3A = arith.constant 2 : i32
    %eq3A = arith.constant 0 : i32
    %eq3A_138 = arith.cmpi eq, %jit3A, %eq3A : i32
    %jit3A_139 = arith.constant 1 : i32
    %select_n3A = arith.select %eq3A_138, %jit3A_139, %jit3A : i32
    %rem3A = arith.remsi %sub3A_137, %select_n3A : i32
    %ne3A = arith.constant 0 : i32
    %ne3A_140 = arith.cmpi ne, %rem3A, %ne3A : i32
    %lt3A = arith.constant 0 : i32
    %lt3A_141 = arith.cmpi slt, %rem3A, %lt3A : i32
    %lt3A_142 = arith.constant 0 : i32
    %lt3A_143 = arith.cmpi slt, %select_n3A, %lt3A_142 : i32
    %ne3A_144 = arith.xori %lt3A_141, %lt3A_143 : i1
    %and3A = arith.andi %ne3A_144, %ne3A_140 : i1
    %add3A_145 = arith.addi %rem3A, %select_n3A : i32
    %select_n3A_146 = arith.select %and3A, %add3A_145, %rem3A : i32
    %add3A_147 = arith.addi %mul3A_2, %sub3A_137 : i32
    %mul3A_148 = arith.constant 160 : i32
    %mul3A_149 = arith.muli %add3A_147, %mul3A_148 : i32
    %add3A_150 = arith.constant 0 : i32
    %add3A_151 = arith.addi %mul3A_149, %add3A_150 : i32
    %jit3A_152 = arith.constant 2 : i32
    %eq3A_153 = arith.constant 0 : i32
    %eq3A_154 = arith.cmpi eq, %jit3A_152, %eq3A_153 : i32
    %jit3A_155 = arith.constant 1 : i32
    %select_n3A_156 = arith.select %eq3A_154, %jit3A_155, %jit3A_152 : i32
    %rem3A_157 = arith.remsi %sub3A_137, %select_n3A_156 : i32
    %ne3A_158 = arith.constant 0 : i32
    %ne3A_159 = arith.cmpi ne, %rem3A_157, %ne3A_158 : i32
    %lt3A_160 = arith.constant 0 : i32
    %lt3A_161 = arith.cmpi slt, %rem3A_157, %lt3A_160 : i32
    %lt3A_162 = arith.constant 0 : i32
    %lt3A_163 = arith.cmpi slt, %select_n3A_156, %lt3A_162 : i32
    %ne3A_164 = arith.xori %lt3A_161, %lt3A_163 : i1
    %and3A_165 = arith.andi %ne3A_164, %ne3A_159 : i1
    %add3A_166 = arith.addi %rem3A_157, %select_n3A_156 : i32
    %select_n3A_167 = arith.select %and3A_165, %add3A_166, %rem3A_157 : i32
    %dma_wait3A = arith.constant 0 : i32
    %dma_wait3A_168 = arith.constant 0 : i32
    %dma_wait3A_169 = tpu.memref_slice %arg9[%select_n3A_146, %dma_wait3A, %dma_wait3A_168] : memref<2x160x128xf32, #tpu.memory_space<vmem>> -> memref<1x80x128xf32, #tpu.memory_space<vmem>>
    %dma_wait3A_170 = tpu.memref_squeeze %dma_wait3A_169 : memref<1x80x128xf32, #tpu.memory_space<vmem>> -> memref<80x128xf32, #tpu.memory_space<vmem>>
    %dma_wait3A_171 = arith.constant 0 : i32
    %dma_wait3A_172 = tpu.memref_slice %arg5[%add3A_151, %dma_wait3A_171] : memref<100000x128xf32, #tpu.memory_space<hbm>> -> memref<80x128xf32, #tpu.memory_space<hbm>>
    %dma_wait3A_173 = tpu.memref_slice %arg12[%select_n3A_167] : memref<2x!tpu.dma_semaphore, #tpu.memory_space<semaphore_mem>> -> memref<1x!tpu.dma_semaphore, #tpu.memory_space<semaphore_mem>>
    %dma_wait3A_174 = tpu.memref_squeeze %dma_wait3A_173 : memref<1x!tpu.dma_semaphore, #tpu.memory_space<semaphore_mem>> -> memref<!tpu.dma_semaphore, #tpu.memory_space<semaphore_mem>>
    %dma_wait3A_175 = arith.constant 0 : i32
    %dma_wait3A_176 = tpu.memref_slice %arg5[%add3A_151, %dma_wait3A_175] : memref<100000x128xf32, #tpu.memory_space<hbm>> -> memref<80x128xf32, #tpu.memory_space<hbm>>
    %dma_wait3A_177 = arith.constant 0 : i32
    %dma_wait3A_178 = arith.constant 0 : i32
    %dma_wait3A_179 = tpu.memref_slice %arg9[%select_n3A_146, %dma_wait3A_177, %dma_wait3A_178] : memref<2x160x128xf32, #tpu.memory_space<vmem>> -> memref<1x80x128xf32, #tpu.memory_space<vmem>>
    %dma_wait3A_180 = tpu.memref_squeeze %dma_wait3A_179 : memref<1x80x128xf32, #tpu.memory_space<vmem>> -> memref<80x128xf32, #tpu.memory_space<vmem>>
    tpu.wait_dma2 semaphore(%dma_wait3A_174 : memref<!tpu.dma_semaphore, #tpu.memory_space<semaphore_mem>>) src(%dma_wait3A_180 : memref<80x128xf32, #tpu.memory_space<vmem>>) dst(%dma_wait3A_176 : memref<80x128xf32, #tpu.memory_space<hbm>>)
    %jit3A_181 = arith.constant 2 : i32
    %eq3A_182 = arith.constant 0 : i32
    %eq3A_183 = arith.cmpi eq, %jit3A_181, %eq3A_182 : i32
    %jit3A_184 = arith.constant 1 : i32
    %select_n3A_185 = arith.select %eq3A_183, %jit3A_184, %jit3A_181 : i32
    %rem3A_186 = arith.remsi %sub3A_137, %select_n3A_185 : i32
    %ne3A_187 = arith.constant 0 : i32
    %ne3A_188 = arith.cmpi ne, %rem3A_186, %ne3A_187 : i32
    %lt3A_189 = arith.constant 0 : i32
    %lt3A_190 = arith.cmpi slt, %rem3A_186, %lt3A_189 : i32
    %lt3A_191 = arith.constant 0 : i32
    %lt3A_192 = arith.cmpi slt, %select_n3A_185, %lt3A_191 : i32
    %ne3A_193 = arith.xori %lt3A_190, %lt3A_192 : i1
    %and3A_194 = arith.andi %ne3A_193, %ne3A_188 : i1
    %add3A_195 = arith.addi %rem3A_186, %select_n3A_185 : i32
    %select_n3A_196 = arith.select %and3A_194, %add3A_195, %rem3A_186 : i32
    %add3A_197 = arith.addi %mul3A_2, %sub3A_137 : i32
    %mul3A_198 = arith.constant 160 : i32
    %mul3A_199 = arith.muli %add3A_197, %mul3A_198 : i32
    %add3A_200 = arith.constant 80 : i32
    %add3A_201 = arith.addi %mul3A_199, %add3A_200 : i32
    %jit3A_202 = arith.constant 2 : i32
    %eq3A_203 = arith.constant 0 : i32
    %eq3A_204 = arith.cmpi eq, %jit3A_202, %eq3A_203 : i32
    %jit3A_205 = arith.constant 1 : i32
    %select_n3A_206 = arith.select %eq3A_204, %jit3A_205, %jit3A_202 : i32
    %rem3A_207 = arith.remsi %sub3A_137, %select_n3A_206 : i32
    %ne3A_208 = arith.constant 0 : i32
    %ne3A_209 = arith.cmpi ne, %rem3A_207, %ne3A_208 : i32
    %lt3A_210 = arith.constant 0 : i32
    %lt3A_211 = arith.cmpi slt, %rem3A_207, %lt3A_210 : i32
    %lt3A_212 = arith.constant 0 : i32
    %lt3A_213 = arith.cmpi slt, %select_n3A_206, %lt3A_212 : i32
    %ne3A_214 = arith.xori %lt3A_211, %lt3A_213 : i1
    %and3A_215 = arith.andi %ne3A_214, %ne3A_209 : i1
    %add3A_216 = arith.addi %rem3A_207, %select_n3A_206 : i32
    %select_n3A_217 = arith.select %and3A_215, %add3A_216, %rem3A_207 : i32
    %dma_wait3A_218 = arith.constant 80 : i32
    %dma_wait3A_219 = arith.constant 0 : i32
    %dma_wait3A_220 = tpu.memref_slice %arg9[%select_n3A_196, %dma_wait3A_218, %dma_wait3A_219] : memref<2x160x128xf32, #tpu.memory_space<vmem>> -> memref<1x80x128xf32, #tpu.memory_space<vmem>>
    %dma_wait3A_221 = tpu.memref_squeeze %dma_wait3A_220 : memref<1x80x128xf32, #tpu.memory_space<vmem>> -> memref<80x128xf32, #tpu.memory_space<vmem>>
    %dma_wait3A_222 = arith.constant 0 : i32
    %dma_wait3A_223 = tpu.memref_slice %arg5[%add3A_201, %dma_wait3A_222] : memref<100000x128xf32, #tpu.memory_space<hbm>> -> memref<80x128xf32, #tpu.memory_space<hbm>>
    %dma_wait3A_224 = tpu.memref_slice %arg12[%select_n3A_217] : memref<2x!tpu.dma_semaphore, #tpu.memory_space<semaphore_mem>> -> memref<1x!tpu.dma_semaphore, #tpu.memory_space<semaphore_mem>>
    %dma_wait3A_225 = tpu.memref_squeeze %dma_wait3A_224 : memref<1x!tpu.dma_semaphore, #tpu.memory_space<semaphore_mem>> -> memref<!tpu.dma_semaphore, #tpu.memory_space<semaphore_mem>>
    %dma_wait3A_226 = arith.constant 0 : i32
    %dma_wait3A_227 = tpu.memref_slice %arg5[%add3A_201, %dma_wait3A_226] : memref<100000x128xf32, #tpu.memory_space<hbm>> -> memref<80x128xf32, #tpu.memory_space<hbm>>
    %dma_wait3A_228 = arith.constant 80 : i32
    %dma_wait3A_229 = arith.constant 0 : i32
    %dma_wait3A_230 = tpu.memref_slice %arg9[%select_n3A_196, %dma_wait3A_228, %dma_wait3A_229] : memref<2x160x128xf32, #tpu.memory_space<vmem>> -> memref<1x80x128xf32, #tpu.memory_space<vmem>>
    %dma_wait3A_231 = tpu.memref_squeeze %dma_wait3A_230 : memref<1x80x128xf32, #tpu.memory_space<vmem>> -> memref<80x128xf32, #tpu.memory_space<vmem>>
    tpu.wait_dma2 semaphore(%dma_wait3A_225 : memref<!tpu.dma_semaphore, #tpu.memory_space<semaphore_mem>>) src(%dma_wait3A_231 : memref<80x128xf32, #tpu.memory_space<vmem>>) dst(%dma_wait3A_227 : memref<80x128xf32, #tpu.memory_space<hbm>>)
    return
  }
}

</mosaic_0001>

<sc_bundles>
// kernel: kernel.3.cloned.1.call-start
scs
__scs_entry_jumppad:
0x0: {  	(pc) =	sbr.rel $0x88, $3  }
0x1: {  	(tag) =	ssettag $0x0;
	lr =	simm.s32 $0x1  }
0x2: {  	[smem:$0x3F9D] =	sst lr;
	_ =	strace $0xD0000000  }
0x3: {  	_ = 	snop  }
0x4: {  	_ = 	snop  }
0x5: {  	_ = 	snop  }
0x6: {  	_ = 	snop  }
0x7: {  	_ = 	snop  }
__scs_overlays_trampoline_lowered:
0x8: {  	[smem:$0x3FAC] =	sst s0  }
0x9: {  	[smem:$0x3FAD] =	sst s1  }
0xa: {  	[smem:$0x3FAE] =	sst s2  }
0xb: {  	[smem:$0x3FAF] =	sst s3  }
0xc: {  	[smem:$0x3FB0] =	sst s4  }
0xd: {  	[smem:$0x3FB1] =	sst s5  }
0xe: {  	[smem:$0x3FB2] =	sst s6  }
0xf: {  	[smem:$0x3FB3] =	sst s7  }
0x10: {  	[smem:$0x3FB4] =	sst s8  }
0x11: {  	[smem:$0x3FB5] =	sst s9;
	s0 =	simm.s32 @!p0 $0x0  }
0x12: {  	s1 =	sld [smem:$0x3F9B];
	s0 =	simm.s32 @p0 $0x1  }
0x13: {  	[smem:$0x3FB6] =	sst s0;
	s0 =	simm.s32 @!p1 $0x0  }
0x14: {  	s2 =	sld [smem:$0x3F9A];
	s0 =	simm.s32 @p1 $0x1  }
0x15: {  	[smem:$0x3FB7] =	sst s0;
	s0 =	simm.s32 @!p2 $0x0  }
0x16: {  	s3 =	sld [smem:$0x3FDB];
	s0 =	simm.s32 @p2 $0x1  }
0x17: {  	s4 =	simm.s32 $0x1BF5;
	[smem:$0x3FB9] =	sst s0  }
0x18: {  	s0 =	sld [smem:$0x3F9C];
	_ =	swait.ge [sflag:s4], $0x0  }
0x19: {  	s7 =	sld [smem:$0x3F9D]  }
0x1a: {  	s8 =	sadd.s32 $0xFFFFE003, lr  }
0x1b: {  	s9 =	sadd.s32 $0xFFFFFEF7, lr;
	s5 =	simm.s32 $0xFFFFFFFF;
	p2 =	slt.u32 s8, $0xFFFFF086  }
0x1c: {  	p1 =	slt.u32 s9, $0xF7A;
	s5 =	simm.s32 @!p2 $0x0  }
0x1d: {  	s5 =	simm.s32 @p1 $0x1;
	p0 =	seq.s32 s7, s2  }
0x1e: {  	s7 =	smul.u32 @!p0 $0xF7A, s2;
	p2 =	seq.s32 @!p0 s5, $0x0  }
0x1f: {  	s9 =	smul.u32 $0xF7A, s1;
	s8 =	simm.s32 @!p0 $0x1BF5;
	p2 =	por !p2, p0  }
0x20: {  	[sflag:s8] =	ssyncset.s32 @!p0 $0xFFFFF086;
	s6 =	sadd.s32 @!p0 s3, s7;
	s7 =	simm.s32 @!p0 $0x108  }
0x21: {  	s3 =	sadd.s32 s3, s9;
	s6 =	sadd.s32 @!p0 $0x88, s6;
	s7 =	simm.s32 @p2 $0x1082  }
0x22: {  	[simem:s7], [sflag:s8] =	dma.local @!p0 [hbm:s6], $0xF7A  }
0x23: {  	s9 =	sor.u32 $0xD0000000, s2;
	s6 =	simm.s32 $0x108;
	_ =	swait.ge @!p0 [sflag:s8], $0x0  }
0x24: {  	s3 =	sadd.s32 $0x88, s3;
	s6 =	simm.s32 @!p1 $0x1082;
	[sflag:s4] =	ssyncset.s32 $0xFFFFF086  }
0x25: {  	[simem:s6], [sflag:s4] =	dma.local [hbm:s3], $0xF7A  }
0x26: {  	[smem:$0x3F9D] =	sst s1;
	(tag) =	ssettag s2;
	_ =	strace s9  }
0x27: {  	s1 =	sld [smem:$0x3FAD]  }
0x28: {  	s2 =	sld [smem:$0x3FAE]  }
0x29: {  	s4 =	sld [smem:$0x3FB0]  }
0x2a: {  	p0 =	seq.s32 s5, $0x0;
	s5 =	sld [smem:$0x3FB1]  }
0x2b: {  	s6 =	sld [smem:$0x3FB2]  }
0x2c: {  	s7 =	sld [smem:$0x3FB3]  }
0x2d: {  	s3 =	simm.s32 $0x108;
	s8 =	sld [smem:$0x3FB4]  }
0x2e: {  	s3 =	simm.s32 @!p0 $0x1082;
	s9 =	sld [smem:$0x3FB5]  }
0x2f: {  	lr =	sadd.s32 s0, s3;
	s0 =	sld [smem:$0x3FAC]  }
0x30: {  	s3 =	sld [smem:$0x3FAF]  }
0x31: {  	[smem:$0x3FB8] =	sst s10  }
0x32: {  	s10 =	sld [smem:$0x3FB6];
	_ =	sdelay $0x3  }
0x33: {  	p0 =	seq.s32 s10, $0x1;
	s10 =	sld [smem:$0x3FB8];
	_ =	sdelay $0x3  }
0x34: {  	[smem:$0x3FB8] =	sst s10  }
0x35: {  	s10 =	sld [smem:$0x3FB7];
	_ =	sdelay $0x3  }
0x36: {  	p1 =	seq.s32 s10, $0x1;
	s10 =	sld [smem:$0x3FB8];
	_ =	sdelay $0x3  }
0x37: {  	[smem:$0x3FB8] =	sst s10  }
0x38: {  	s10 =	sld [smem:$0x3FB9]  }
0x39: {  	_ = 	snop;
	(pc) =	sbr.ind lr, $3  }
0x3a: {  	_ = 	snop  }
0x3b: {  	_ = 	snop  }
0x3c: {  	p2 =	seq.s32 s10, $0x1;
	s10 =	sld [smem:$0x3FB8]  }
0x3d: {  	_ =	shalt  }
0x3e: {  	_ =	shalt  }
0x3f: {  	_ =	shalt  }
0x40: {  	_ =	shalt  }
0x41: {  	_ =	shalt  }
0x42: {  	_ =	shalt  }
0x43: {  	_ =	shalt  }
0x44: {  	_ =	shalt  }
0x45: {  	_ =	shalt  }
0x46: {  	_ =	shalt  }
0x47: {  	_ =	shalt  }
0x48: {  	_ =	shalt  }
0x49: {  	_ =	shalt  }
0x4a: {  	_ =	shalt  }
0x4b: {  	_ =	shalt  }
0x4c: {  	_ =	shalt  }
0x4d: {  	_ =	shalt  }
0x4e: {  	_ =	shalt  }
0x4f: {  	_ =	shalt  }
0x50: {  	_ =	shalt  }
0x51: {  	_ =	shalt  }
0x52: {  	_ =	shalt  }
0x53: {  	_ =	shalt  }
0x54: {  	_ =	shalt  }
0x55: {  	_ =	shalt  }
0x56: {  	_ =	shalt  }
0x57: {  	_ =	shalt  }
0x58: {  	_ =	shalt  }
0x59: {  	_ =	shalt  }
0x5a: {  	_ =	shalt  }
0x5b: {  	_ =	shalt  }
0x5c: {  	_ =	shalt  }
0x5d: {  	_ =	shalt  }
0x5e: {  	_ =	shalt  }
0x5f: {  	_ =	shalt  }
0x60: {  	_ =	shalt  }
0x61: {  	_ =	shalt  }
0x62: {  	_ =	shalt  }
0x63: {  	_ =	shalt  }
0x64: {  	_ =	shalt  }
0x65: {  	_ =	shalt  }
0x66: {  	_ =	shalt  }
0x67: {  	_ =	shalt  }
0x68: {  	_ =	shalt  }
0x69: {  	_ =	shalt  }
0x6a: {  	_ =	shalt  }
0x6b: {  	_ =	shalt  }
0x6c: {  	_ =	shalt  }
0x6d: {  	_ =	shalt  }
0x6e: {  	_ =	shalt  }
0x6f: {  	_ =	shalt  }
0x70: {  	_ =	shalt  }
0x71: {  	_ =	shalt  }
0x72: {  	_ =	shalt  }
0x73: {  	_ =	shalt  }
0x74: {  	_ =	shalt  }
0x75: {  	_ =	shalt  }
0x76: {  	_ =	shalt  }
0x77: {  	_ =	shalt  }
0x78: {  	_ =	shalt  }
0x79: {  	_ =	shalt  }
0x7a: {  	_ =	shalt  }
0x7b: {  	_ =	shalt  }
0x7c: {  	_ =	shalt  }
0x7d: {  	_ =	shalt  }
0x7e: {  	_ =	shalt  }
0x7f: {  	_ =	shalt  }
0x80: {  	_ =	shalt  }
0x81: {  	_ =	shalt  }
0x82: {  	_ =	shalt  }
0x83: {  	_ =	shalt  }
0x84: {  	_ =	shalt  }
0x85: {  	_ =	shalt  }
0x86: {  	_ =	shalt  }
0x87: {  	_ =	shalt  }
.Lfunc_end0:
.L_simem_size_0:
called_computation_lowered:
.L_overlay_start_0:
0x88: {  	s2 =	sld [smem:$0x3FD9]  }
0x89: {  	s3 =	sld [smem:$0x3FFE];
	_ =	sdelay $0x1  }
0x8a: {  	s1 =	srdreg.scid  }
0x8b: {  	s0 =	sand.u32 $0x1, s1  }
0x8c: {  	s17 =	sshll.u32 s0, $0xA;
	s2 =	sadd.s32 s3, s2  }
0x8d: {  	s2 =	sadd.s32 s2, s17  }
0x8e: {  	[smem:$0x3FC4] =	sst s2  }
0x8f: {  	_ = 	snop  }
0x90: {  	s2 =	sld [smem:$0x3FC9]  }
0x91: {  	s18 =	sld [smem:$0x3FC8]  }
0x92: {  	s4 =	sld [smem:$0x3FD0];
	(tm) =	ssettm $0x1  }
0x93: {  	s5 =	sld [smem:$0x3FFB];
	_ =	sdelay $0x3  }
0x94: {  	_ =	strace s5  }
0x95: {  	s5 =	sld [smem:$0x3FFC];
	_ =	sdelay $0x3  }
0x96: {  	_ =	strace s5  }
0x97: {  	s5 =	sld [smem:$0x3FFD];
	_ =	sdelay $0x3  }
0x98: {  	_ =	strace s5  }
0x99: {  	_ =	strace $0x8FFFFFFF  }
0x9a: {  	s19 =	sld [smem:$0x3FDB];
	_ =	sdelay $0x1  }
0x9b: {  	s6 =	simm.s32 $_scs_section_size  }
0x9c: {  	s7 =	simm.s32 $_size__tile_overlayer_lowered;
	s8 =	simm.s32 $_tile_overlayer_lowered  }
0x9d: {  	s22 =	simm.s32 $0x1BFF;
	s21 =	sshll.u32 s8, $0x1;
	s5 =	sadd.s32 s6, s19  }
0x9e: {  	s9 =	simm.s32 $0x0;
	s20 =	sshll.u32 s7, $0x1;
	s7 =	sadd.s32 s21, s5  }
0x9f: {  	[timem:s9], [sflag:s22] =	dma.local [hbm:s7], s20  }
0xa0: {  	_ =	swait.ge [sflag:s22], s20  }
0xa1: {  	s6 =	ssub.s32 $0x0, s20;
	[sflag:s22] =	ssyncset.done $0x0  }
0xa2: {  	[sflag:s22] =	ssyncadd.s32 s6;
	_ =	sdelay $0x1  }
0xa3: {  	s23 =	simm.s32 $0x1B8B  }
0xa4: {  	_ =	swait.ge [sflag:s23], $0x1  }
0xa5: {  	[sflag:s23] =	ssyncset.done $0x0  }
0xa6: {  	s25 =	simm.s32 $0x1B8E;
	s24 =	sld [smem:$0x3FFE];
	[sflag:s23] =	ssyncadd.s32 $0xFFFFFFFF  }
0xa7: {  	s26 =	simm.s32 $execute0_lowered;
	[smem:$0x3FD2] =	sst s25  }
0xa8: {  	s7 =	sshll.u32 s26, $0x1;
	_ =	strace $0x80000046;
	[dreg:$0x1] =	wrdreg $0xFFFFFFFF  }
0xa9: {  	s28 =	simm.s32 $_size_execute0_lowered;
	s5 =	sadd.s32 s5, s7;
	[dreg:$0x0] =	wrdreg $0x0  }
0xaa: {  	s7 =	sshll.u32 s28, $0x1;
	[dreg:$0x2] =	wrdreg s5  }
0xab: {  	[dreg:$0x3] =	wrdreg s7  }
0xac: {  	[dreg:$0x4] =	wrdreg $0xC0  }
0xad: {  	_ =	task [dreg:s9], $0x5FFFF  }
0xae: {  	[dreg:$0x1] =	wrdreg $0xFFFFFFFF  }
0xaf: {  	[dreg:$0x0] =	wrdreg $0x60  }
0xb0: {  	[dreg:$0x2] =	wrdreg s24  }
0xb1: {  	[dreg:$0x3] =	wrdreg s2  }
0xb2: {  	[dreg:$0x4] =	wrdreg s18  }
0xb3: {  	[dreg:$0x5] =	wrdreg s4  }
0xb4: {  	[dreg:$0x6] =	wrdreg $0x9  }
0xb5: {  	_ =	task.clear_ibuf [dreg:s9], $0x7FFFF;
	_ =	strace $0x90000046  }
0xb6: {  	s29 =	simm.s32 $0x9;
	_ =	strace $0x80000048  }
0xb7: {  	_ =	swait.ge [sflag:s29], $0x1  }
0xb8: {  	[sflag:s29] =	ssyncadd.s32 $0xFFFFFFFF  }
0xb9: {  	_ =	strace $0x90000048  }
0xba: {  	_ =	sfence  }
0xbb: {  	s30 =	sld [smem:$0x0];
	_ =	sdelay $0x2  }
0xbc: {  	s31 =	sshll.u32 s1, $0xD;
	s1 =	sshrl.u32 s1, $0x2  }
0xbd: {  	s3 =	sand.u32 $0x4000, s31;
	s1 =	sadd.s32 s1, s30  }
0xbe: {  	s0 =	sor.u32 s3, s0;
	s1 =	sshll.u32 s1, $0x11  }
0xbf: {  	s0 =	sor.u32 s1, s0  }
0xc0: {  	s0 =	sadd.s32 $0x8F2B, s0  }
0xc1: {  	[sflag:s0] =	ssyncadd.remote.s32 $0x1  }
0xc2: {  	_ =	sfence.sel $0xFFFF  }
0xc3: {  	[dreg:$0x0] =	wrdreg $0xFFFFFFFF;
	(pc) =	sbr.abs _section_cstart, $3  }
0xc4: {  	[dreg:$0x1] =	wrdreg $0xFFFFFFFF  }
0xc5: {  	_ =	task.clear_ibuf [dreg:s9], $0x2FFFF;
	_ =	strace $0x9FFFFFFF  }
0xc6: {  	(tm) =	ssettm $0x7FFFFFFF  }
0xc7: {  	_ =	shalt  }
tec
execute0_lowered:
.L_overlay_start_1:
0x0: {  	(tag) =	ssettag $0x1  }
0x1: {  	s0 =	rddreg [dreg:$0x0]  }
0x2: {  	s1 =	rddreg [dreg:$0x1]  }
0x3: {  	s3 =	rddreg [dreg:$0x2];
	s2 =	srdreg.scid  }
0x4: {  	s12 =	stileid.u32;
	s4 =	rddreg [dreg:$0x3];
	s5 =	simm.s32 $0x0  }
0x5: {  	s2 =	sand.u32 $0x1, s2;
	s6 =	sshll.u32 s12, $0x1;
	s29 =	smul.u32 $0xFFFFFFD8, s12  }
0x6: {  	s7 =	sor.u32 s2, s6;
	s8 =	ssub.s32 $0x2, s2;
	s2 =	smul.u32 $0xFFFFFFEC, s2  }
0x7: {  	s30 =	simm.s32 $0x0;
	[smem:$0x7FF] =	sst s5;
	s6 =	smul.u32 $0x14, s7  }
0x8: {  	s0 =	sadd.s32 $0x400, s0;
	_ =	strace $0x80000047;
	s10 =	smul.u32 $0xC80, s7  }
0x9: {  	[dreg:$0x5] =	wrdreg s0;
	s9 =	sshrl.u32 s8, $0x1;
	s7 =	smul.u32 $0xC800, s7  }
0xa: {  	s13 =	ssub.s32 s8, s9;
	s2 =	sadd.s32 s29, s2;
	s18 =	ssub.s32 $0x271, s6  }
0xb: {  	s19 =	sshrl.u32 s10, $0x3;
	s11 =	sor.u32 $0x50, s10;
	s22 =	sadd.s32 $0xA0, s10  }
0xc: {  	s7 =	sadd.s32 s1, s7;
	s25 =	sadd.s32 $0xF0, s10;
	s2 =	sadd.s32 $0x271, s2  }
0xd: {  	s8 =	smin.u32 s18, $0x14;
	s9 =	sadd.s32 s3, s19;
	s20 =	sshrl.u32 s11, $0x3  }
0xe: {  	s21 =	sshll.u32 s11, $0x4;
	[dreg:$0x8] =	wrdreg s7;
	s24 =	sshrl.u32 s22, $0x3  }
0xf: {  	s26 =	sshrl.u32 s25, $0x3;
	s28 =	sshll.u32 s22, $0x4;
	s19 =	smin.u32 s2, $0x14  }
0x10: {  	[dreg:$0x6] =	wrdreg s9;
	s9 =	sadd.s32 s3, s20;
	s23 =	sadd.s32 s1, s21  }
0x11: {  	s7 =	sadd.s32 s3, s24;
	s14 =	sadd.s32 s3, s26;
	s15 =	sadd.s32 s1, s28  }
0x12: {  	v0 =	vlaneseq.u32;
	s31 =	sand.u32 $0x1, s8;
	s20 =	smax.u32 s13, $0x1;
	s21 =	simm.s32 $0x3400  }
0x13: {  	v1 =	vor.u32 $0x10, v0;
	s24 =	simm.s32 $0x8;
	[dreg:$0xa] =	wrdreg s7;
	s7 =	sshll.u32 s25, $0x4  }
0x14: {  	v2 =	vor.u32 $0x20, v0;
	v3 =	vor.u32 $0x30, v0;
	v4 =	vor.u32 $0x40, v0;
	[dreg:$0x7] =	wrdreg s9;
	s16 =	sadd.s32 s1, s7;
	s7 =	sxor.u32 $0x1, s31  }
0x15: {  	v5 =	vor.u32 $0x50, v0;
	v6 =	vor.u32 $0x60, v0;
	v7 =	vor.u32 $0x70, v0;
	[dreg:$0x9] =	wrdreg s23;
	s17 =	sor.u32 $0x6, s31;
	s18 =	sor.u32 $0x6, s7  }
.LBB2_1:
0x16: {  	s0 =	rddreg [dreg:$0x6]  }
0x17: {  	[tilespmem:s21], [sflag:$0x1] =	stream.linear.gather [hbm4b:s0+s5], $0x50, $0x38;
	[tilespmem:$0x1C600] =	vst v63  }
0x18: {  	s10 =	rddreg [dreg:$0x7];
	s2 =	simm.s32 $0x3480  }
0x19: {  	[tilespmem:s2], [sflag:$0x1] =	stream.linear.gather [hbm4b:s10+s5], $0x50, $0x38;
	[tilespmem:$0x1C600] =	vst v63  }
0x1a: {  	s31 =	simm.s32 $0x3600;
	s11 =	rddreg [dreg:$0x8]  }
0x1b: {  	[tilespmem:s31], [sflag:$0x3] =	stream.linear.gather [hbm4b:s11+s5], $0x2800, $0x38;
	[tilespmem:$0x1C600] =	vst v63  }
0x1c: {  	s12 =	rddreg [dreg:$0x9];
	s13 =	simm.s32 $0x5E00  }
0x1d: {  	[tilespmem:s13], [sflag:$0x3] =	stream.linear.gather [hbm4b:s12+s5], $0x2800, $0x38;
	[tilespmem:$0x1C600] =	vst v63  }
0x1e: {  	s22 =	rddreg [dreg:$0x5]  }
0x1f: {  	[tilespmem:s5], [sflag:$0x8] =	stream.linear.gather [hbm4b:s22+s5], $0x3200, $0x38;
	[tilespmem:$0x1C600] =	vst v63  }
0x20: {  	_ =	swait.ge [sflag:s24], $0x3200  }
0x21: {  	[sflag:s24] =	ssyncset.done $0x0  }
0x22: {  	s25 =	simm.s32 $0x3500;
	s23 =	rddreg [dreg:$0xa];
	[sflag:s24] =	ssyncadd.s32 $0xFFFFCE00  }
0x23: {  	[tilespmem:s25], [sflag:$0x2] =	stream.linear.gather [hbm4b:s23+s5], $0x50, $0x38;
	[tilespmem:$0x1C600] =	vst v63  }
0x24: {  	s26 =	simm.s32 $0x3580  }
0x25: {  	[tilespmem:s26], [sflag:$0x2] =	stream.linear.gather [hbm4b:s14+s5], $0x50, $0x38;
	[tilespmem:$0x1C600] =	vst v63  }
0x26: {  	s28 =	simm.s32 $0x8600  }
0x27: {  	[tilespmem:s28], [sflag:$0x4] =	stream.linear.gather [hbm4b:s15+s5], $0x2800, $0x38;
	[tilespmem:$0x1C600] =	vst v63  }
0x28: {  	s29 =	simm.s32 $0xAE00;
	s0 =	simm.s32 $0x0;
	s2 =	simm.s32 $0x5FF0  }
0x29: {  	[tilespmem:s29], [sflag:$0x4] =	stream.linear.gather [hbm4b:s16+s5], $0x2800, $0x38;
	[tilespmem:$0x1C600] =	vst v63  }
.LBB2_2:
0x2a: {  	s7 =	sadd.s32 $0x2, s0  }
0x2b: {  	p0 =	sge.u32 s7, s8  }
0x2c: {  	s9 =	smulhi.u32 @!p0 $0xAAAAAAAB, s7;
	_ =	sdelay $0x1  }
0x2d: {  	s9 =	sshrl.u32 @!p0 s9, $0x1  }
0x2e: {  	s9 =	smul.u32 @!p0 $0x3, s9  }
0x2f: {  	s22 =	sadd.s32 @!p0 s6, s7  }
0x30: {  	s7 =	ssub.s32 @!p0 s7, s9;
	s9 =	smul.u32 @!p0 $0x5000, s22  }
0x31: {  	s10 =	smul.u32 @!p0 $0x14000, s7  }
0x32: {  	p1 =	slt.u32 s0, $0x2  }
0x33: {  	s12 =	simm.s32 @!p0 $0x0;
	s9 =	sshrl.u32 @!p0 s9, $0x3;
	s10 =	sshrl.u32 @!p0 s10, $0x2  }
0x34: {  	s7 =	sadd.s32 @!p0 $0x3, s7;
	s9 =	sadd.s32 @!p0 s1, s9;
	s11 =	sadd.s32 @!p0 $0x3600, s10  }
0x35: {  	[tilespmem:s11], [sflag:s7] =	stream.linear.gather @!p0 [hbm4b:s9+s12], $0x2800, $0x38;
	[tilespmem:$0x1C600] =	vst v63  }
0x36: {  	s23 =	sand.u32 @!p1 $0x1, s0;
	s10 =	sadd.s32 @!p0 $0x5E00, s10;
	s9 =	sadd.s32 @!p0 $0x500, s9  }
0x37: {  	[tilespmem:s10], [sflag:s7] =	stream.linear.gather @!p0 [hbm4b:s9+s12], $0x2800, $0x38;
	[tilespmem:$0x1C600] =	vst v63  }
0x38: {  	s7 =	sor.u32 @!p1 $0x6, s23  }
0x39: {  	_ =	swait.ge @!p1 [sflag:s7], $0x2800  }
0x3a: {  	[sflag:s7] =	ssyncset.done @!p1 $0x0  }
0x3b: {  	[sflag:s7] =	ssyncadd.s32 @!p1 $0xFFFFD800  }
0x3c: {  	_ =	swait.ge @!p1 [sflag:s7], $0x2800  }
0x3d: {  	s11 =	simm.s32 $0x3;
	s23 =	smov.u32 @p1 s0;
	[sflag:s7] =	ssyncset.done @!p1 $0x0  }
0x3e: {  	s10 =	smulhi.u32 $0xAAAAAAAB, s0;
	s25 =	sadd.s32 $0x1, s23;
	[sflag:s7] =	ssyncadd.s32 @!p1 $0xFFFFD800  }
0x3f: {  	v9 =	vmov s11;
	v8 =	vmov s23;
	_ =	swait.ge [sflag:s25], $0x50  }
0x40: {  	s12 =	simm.s32 $0x0;
	v9 =	vand.u32 $0x7F, v9;
	v8 =	vshll.u32 v8, $0x8;
	s7 =	sshrl.u32 s10, $0x1;
	[sflag:s25] =	ssyncset.done $0x0  }
0x41: {  	s26 =	simm.s32 $0x1;
	v10 =	vmov s12;
	v9 =	vor.u32 v8, v9;
	s13 =	smul.u32 $0x3, s7;
	[sflag:s25] =	ssyncadd.s32 $0xFFFFFFB0  }
0x42: {  	v11 =	vmov s26;
	v10 =	vand.u32 $0x7C, v10;
	v9 =	vbroadcast v9, $0x0;
	_ =	swait.ge [sflag:s25], $0x50  }
0x43: {  	v11 =	vand.u32 $0x7D, v11;
	v10 =	vor.u32 v8, v10;
	s10 =	ssub.s32 s0, s13;
	[sflag:s25] =	ssyncset.done $0x0  }
0x44: {  	s11 =	simm.s32 $0x2;
	v11 =	vor.u32 v8, v11;
	v10 =	vbroadcast v10, $0x0;
	s29 =	sadd.s32 $0x3, s10;
	[sflag:s25] =	ssyncadd.s32 $0xFFFFFFB0  }
0x45: {  	v12 =	vmov s11;
	v11 =	vbroadcast v11, $0x0;
	_ =	swait.ge [sflag:s29], $0x2800  }
0x46: {  	v12 =	vand.u32 $0x7E, v12;
	[sflag:s29] =	ssyncset.done $0x0  }
0x47: {  	v12 =	vor.u32 v8, v12;
	[sflag:s29] =	ssyncadd.s32 $0xFFFFD800  }
0x48: {  	v12 =	vbroadcast v12, $0x0;
	v9 =	vld.idx.msk [tilespmem:v9+s21+$0x0], $0xffff  }
0x49: {  	s7 =	smul.u32 $0xFFFC4000, s7  }
0x4a: {  	v13 =	vld.idx.msk [tilespmem:v10+s21+$0x0], $0xffff  }
0x4b: {  	s10 =	sshra.s32 s7, $0x2;
	v11 =	vld.idx.msk [tilespmem:v11+s21+$0x0], $0xffff  }
0x4c: {  	s7 =	sadd.s32 s10, s31  }
0x4d: {  	v10 =	vmov s7;
	v18 =	vshll.u32 v9, $0x7  }
0x4e: {  	v12 =	vld.idx.msk [tilespmem:v12+s21+$0x0], $0xffff;
	v9 =	vor.u32 v0, v18  }
0x4f: {  	v14 =	vshll.u32 v13, $0x7  }
0x50: {  	v16 =	vshll.u32 v11, $0x7;
	v13 =	vor.u32 v0, v14  }
0x51: {  	s7 =	simm.s32 $0x0;
	v11 =	vor.u32 v0, v16  }
0x52: {  	v19 =	vld.idx.msk [tilespmem:v10+s7+$0x180 ss:$0x1], $0xffff  }
0x53: {  	v17 =	vshll.u32 v12, $0x7;
	v15 =	vld.idx.msk [tilespmem:v9+s5+$0x0], $0xffff  }
0x54: {  	s12 =	smul.u32 $0x14000, s23;
	v20 =	vld.idx.msk [tilespmem:v10+s7+$0x0 ss:$0x1], $0xffff;
	v12 =	vor.u32 v0, v17  }
0x55: {  	v13 =	vld.idx.msk [tilespmem:v13+s5+$0x0], $0xffff  }
0x56: {  	s26 =	sshra.s32 s12, $0x2;
	v11 =	vld.idx.msk [tilespmem:v11+s5+$0x0], $0xffff  }
0x57: {  	s9 =	sadd.s32 $0x12700, s26;
	v22 =	vld.idx.msk [tilespmem:v10+s7+$0x80 ss:$0x1], $0xffff  }
0x58: {  	v9 =	vmov s9;
	v21 =	vshll.u32 v15, $0x10  }
0x59: {  	v12 =	vld.idx.msk [tilespmem:v12+s5+$0x0], $0xffff;
	v19 =	vmul.f32 v21, v19;
	v21 =	vor.u32 v1, v18  }
0x5a: {  	v23 =	vld.idx.msk [tilespmem:v10+s7+$0x100 ss:$0x1], $0xffff;
	v15 =	vand.u32 $0xFFFF0000, v15;
	v25 =	vshll.u32 v13, $0x10  }
0x5b: {  	v20 =	vmul.f32 v25, v20;
	v25 =	vshll.u32 v11, $0x10;
	v15 =	vadd.f32 v15, v19  }
0x5c: {  	v24 =	vor.u32 v1, v16;
	v22 =	vmul.f32 v25, v22  }
0x5d: {  	v13 =	vand.u32 $0xFFFF0000, v13;
	v11 =	vand.u32 $0xFFFF0000, v11;
	[tilespmem:v9+s7+$0x80 ss:$0x1] =	vst.idx.msk $0xffff, v15  }
0x5e: {  	v25 =	vshll.u32 v12, $0x10;
	v19 =	vor.u32 v1, v14;
	v11 =	vadd.f32 v11, v22;
	v21 =	vld.idx.msk [tilespmem:v21+s5+$0x0], $0xffff  }
0x5f: {  	v13 =	vadd.f32 v13, v20;
	v20 =	vmul.f32 v25, v23;
	v15 =	vor.u32 v1, v17;
	v23 =	vld.idx.msk [tilespmem:v10+s7+$0x190 ss:$0x1], $0xffff  }
0x60: {  	v12 =	vand.u32 $0xFFFF0000, v12;
	[tilespmem:v9+s7+$0xFFFFFF80 ss:$0x1] =	vst.idx.msk $0xffff, v11  }
0x61: {  	v12 =	vadd.f32 v12, v20;
	v11 =	vld.idx.msk [tilespmem:v24+s5+$0x0], $0xffff  }
0x62: {  	[tilespmem:v9+s7+$0xFFFFFF00 ss:$0x1] =	vst.idx.msk $0xffff, v13;
	v20 =	vld.idx.msk [tilespmem:v10+s7+$0x90 ss:$0x1], $0xffff  }
0x63: {  	[tilespmem:v9+s7+$0x0 ss:$0x1] =	vst.idx.msk $0xffff, v12;
	v13 =	vld.idx.msk [tilespmem:v19+s5+$0x0], $0xffff;
	v12 =	vshll.u32 v21, $0x10  }
0x64: {  	v19 =	vor.u32 v2, v18;
	v15 =	vld.idx.msk [tilespmem:v15+s5+$0x0], $0xffff;
	v12 =	vmul.f32 v12, v23  }
0x65: {  	v22 =	vld.idx.msk [tilespmem:v10+s7+$0x110 ss:$0x1], $0xffff;
	v21 =	vand.u32 $0xFFFF0000, v21  }
0x66: {  	v12 =	vadd.f32 v21, v12;
	_ =	sdelay $0x1  }
0x67: {  	v23 =	vshll.u32 v11, $0x10;
	v21 =	vld.idx.msk [tilespmem:v10+s7+$0x10 ss:$0x1], $0xffff;
	[tilespmem:v9+s7+$0x90 ss:$0x1] =	vst.idx.msk $0xffff, v12  }
0x68: {  	v20 =	vmul.f32 v23, v20;
	v24 =	vshll.u32 v15, $0x10;
	v19 =	vld.idx.msk [tilespmem:v19+s5+$0x0], $0xffff  }
0x69: {  	v11 =	vand.u32 $0xFFFF0000, v11;
	v23 =	vor.u32 v2, v16;
	v22 =	vmul.f32 v24, v22;
	v25 =	vld.idx.msk [tilespmem:v10+s7+$0x1A0 ss:$0x1], $0xffff  }
0x6a: {  	v15 =	vand.u32 $0xFFFF0000, v15;
	v11 =	vadd.f32 v11, v20  }
0x6b: {  	v12 =	vshll.u32 v13, $0x10;
	v24 =	vor.u32 v2, v17;
	v15 =	vadd.f32 v15, v22  }
0x6c: {  	[tilespmem:v9+s7+$0xFFFFFF90 ss:$0x1] =	vst.idx.msk $0xffff, v11;
	v12 =	vmul.f32 v12, v21  }
0x6d: {  	v26 =	vor.u32 v2, v14;
	v13 =	vand.u32 $0xFFFF0000, v13;
	[tilespmem:v9+s7+$0x10 ss:$0x1] =	vst.idx.msk $0xffff, v15;
	v11 =	vshll.u32 v19, $0x10  }
0x6e: {  	s13 =	simm.s32 $0x4;
	v15 =	vor.u32 v3, v18;
	v12 =	vadd.f32 v13, v12;
	v13 =	vld.idx.msk [tilespmem:v23+s5+$0x0], $0xffff;
	v11 =	vmul.f32 v11, v25  }
0x6f: {  	s11 =	simm.s32 $0x5;
	v20 =	vmov s13;
	v22 =	vld.idx.msk [tilespmem:v10+s7+$0xA0 ss:$0x1], $0xffff;
	v19 =	vand.u32 $0xFFFF0000, v19  }
0x70: {  	v20 =	vand.u32 $0x7C, v20;
	[tilespmem:v9+s7+$0xFFFFFF10 ss:$0x1] =	vst.idx.msk $0xffff, v12;
	v12 =	vld.idx.msk [tilespmem:v24+s5+$0x0], $0xffff;
	v11 =	vadd.f32 v19, v11;
	v19 =	vmov s11  }
0x71: {  	s12 =	simm.s32 $0x6;
	v20 =	vor.u32 v8, v20;
	v24 =	vld.idx.msk [tilespmem:v10+s7+$0x120 ss:$0x1], $0xffff;
	v19 =	vand.u32 $0x7D, v19  }
0x72: {  	v20 =	vbroadcast v20, $0x0;
	v23 =	vmov s12;
	v21 =	vld.idx.msk [tilespmem:v26+s5+$0x0], $0xffff;
	[tilespmem:v9+s7+$0xA0 ss:$0x1] =	vst.idx.msk $0xffff, v11;
	v11 =	vor.u32 v8, v19  }
0x73: {  	v26 =	vshll.u32 v13, $0x10;
	v19 =	vand.u32 $0x7E, v23;
	v15 =	vld.idx.msk [tilespmem:v15+s5+$0x0], $0xffff;
	v11 =	vbroadcast v11, $0x0  }
0x74: {  	v22 =	vmul.f32 v26, v22;
	v19 =	vor.u32 v8, v19;
	v23 =	vld.idx.msk [tilespmem:v10+s7+$0x1B0 ss:$0x1], $0xffff  }
0x75: {  	v25 =	vld.idx.msk [tilespmem:v10+s7+$0x20 ss:$0x1], $0xffff;
	v13 =	vand.u32 $0xFFFF0000, v13;
	v26 =	vor.u32 v3, v16;
	v19 =	vbroadcast v19, $0x0  }
0x76: {  	v27 =	vshll.u32 v12, $0x10;
	v13 =	vadd.f32 v13, v22  }
0x77: {  	v24 =	vmul.f32 v27, v24;
	v27 =	vor.u32 v3, v17  }
0x78: {  	v20 =	vld.idx.msk [tilespmem:v20+s21+$0x0], $0xffff;
	v12 =	vand.u32 $0xFFFF0000, v12;
	v28 =	vshll.u32 v21, $0x10;
	[tilespmem:v9+s7+$0xFFFFFFA0 ss:$0x1] =	vst.idx.msk $0xffff, v13;
	v29 =	vshll.u32 v15, $0x10  }
0x79: {  	v22 =	vmul.f32 v29, v23;
	v23 =	vor.u32 v4, v18;
	v29 =	vld.idx.msk [tilespmem:v11+s21+$0x0], $0xffff;
	v11 =	vadd.f32 v12, v24  }
0x7a: {  	v25 =	vmul.f32 v28, v25;
	v13 =	vand.u32 $0xFFFF0000, v21;
	v21 =	vld.idx.msk [tilespmem:v26+s5+$0x0], $0xffff;
	v12 =	vand.u32 $0xFFFF0000, v15  }
0x7b: {  	v15 =	vld.idx.msk [tilespmem:v19+s21+$0x0], $0xffff;
	v19 =	vor.u32 v3, v14;
	v12 =	vadd.f32 v12, v22;
	[tilespmem:v9+s7+$0x20 ss:$0x1] =	vst.idx.msk $0xffff, v11  }
0x7c: {  	v22 =	vld.idx.msk [tilespmem:v27+s5+$0x0], $0xffff  }
0x7d: {  	s13 =	simm.s32 $0x7;
	v11 =	vshll.u32 v20, $0x7;
	v20 =	vadd.f32 v13, v25;
	v28 =	vld.idx.msk [tilespmem:v10+s7+$0x130 ss:$0x1], $0xffff;
	[tilespmem:v9+s7+$0xB0 ss:$0x1] =	vst.idx.msk $0xffff, v12  }
0x7e: {  	v13 =	vmov s13;
	v23 =	vld.idx.msk [tilespmem:v23+s5+$0x0], $0xffff  }
0x7f: {  	v12 =	vand.u32 $0x7F, v13;
	[tilespmem:v9+s7+$0xFFFFFF20 ss:$0x1] =	vst.idx.msk $0xffff, v20;
	v20 =	vld.idx.msk [tilespmem:v10+s7+$0x1C0 ss:$0x1], $0xffff  }
0x80: {  	v12 =	vor.u32 v8, v12;
	v19 =	vld.idx.msk [tilespmem:v19+s5+$0x0], $0xffff  }
0x81: {  	v24 =	vor.u32 v0, v11;
	v26 =	vbroadcast v12, $0x0;
	v12 =	vshll.u32 v15, $0x7;
	v15 =	vld.idx.msk [tilespmem:v10+s7+$0xB0 ss:$0x1], $0xffff  }
0x82: {  	v60 =	vor.u32 v4, v17;
	v30 =	vld.idx.msk [tilespmem:v10+s7+$0x30 ss:$0x1], $0xffff  }
0x83: {  	s9 =	simm.s32 $0x200;
	v13 =	vshll.u32 v29, $0x7;
	v27 =	vor.u32 v0, v12;
	v31 =	vshll.u32 v23, $0x10  }
0x84: {  	v38 =	vld.idx.msk [tilespmem:v10+s9+$0x180 ss:$0x1], $0xffff;
	v29 =	vshll.u32 v21, $0x10;
	v20 =	vmul.f32 v31, v20;
	v31 =	vor.u32 v5, v18  }
0x85: {  	v42 =	vld.idx.msk [tilespmem:v10+s9+$0x80 ss:$0x1], $0xffff;
	v21 =	vand.u32 $0xFFFF0000, v21;
	v32 =	vshll.u32 v22, $0x10;
	v23 =	vand.u32 $0xFFFF0000, v23  }
0x86: {  	v24 =	vld.idx.msk [tilespmem:v24+s5+$0x0], $0xffff;
	v33 =	vshll.u32 v19, $0x10;
	v15 =	vmul.f32 v29, v15;
	v20 =	vadd.f32 v23, v20  }
0x87: {  	v28 =	vmul.f32 v32, v28;
	v29 =	vor.u32 v4, v16;
	v26 =	vld.idx.msk [tilespmem:v26+s21+$0x0], $0xffff;
	v30 =	vmul.f32 v33, v30  }
0x88: {  	v19 =	vand.u32 $0xFFFF0000, v19;
	v23 =	vld.idx.msk [tilespmem:v27+s5+$0x0], $0xffff;
	v15 =	vadd.f32 v21, v15;
	[tilespmem:v9+s7+$0xC0 ss:$0x1] =	vst.idx.msk $0xffff, v20  }
0x89: {  	v22 =	vand.u32 $0xFFFF0000, v22;
	v27 =	vor.u32 v4, v14;
	v19 =	vadd.f32 v19, v30;
	v21 =	vld.idx.msk [tilespmem:v31+s5+$0x0], $0xffff  }
0x8a: {  	s11 =	simm.s32 $0x8;
	v20 =	vadd.f32 v22, v28;
	[tilespmem:v9+s7+$0xFFFFFFB0 ss:$0x1] =	vst.idx.msk $0xffff, v15;
	v22 =	vld.idx.msk [tilespmem:v10+s7+$0x1D0 ss:$0x1], $0xffff  }
0x8b: {  	s12 =	simm.s32 $0x9;
	v25 =	vor.u32 v0, v13;
	v28 =	vmov s11;
	[tilespmem:v9+s7+$0xFFFFFF30 ss:$0x1] =	vst.idx.msk $0xffff, v19;
	v30 =	vld.idx.msk [tilespmem:v10+s7+$0xC0 ss:$0x1], $0xffff  }
0x8c: {  	[tilespmem:v9+s7+$0x30 ss:$0x1] =	vst.idx.msk $0xffff, v20;
	v15 =	vshll.u32 v26, $0x7;
	v20 =	vld.idx.msk [tilespmem:v29+s5+$0x0], $0xffff;
	v26 =	vand.u32 $0x7C, v28;
	v28 =	vmov s12  }
0x8d: {  	v19 =	vor.u32 v0, v15;
	v29 =	vld.idx.msk [tilespmem:v60+s5+$0x0], $0xffff;
	v26 =	vor.u32 v8, v26;
	v28 =	vand.u32 $0x7D, v28  }
0x8e: {  	v27 =	vld.idx.msk [tilespmem:v27+s5+$0x0], $0xffff;
	v26 =	vbroadcast v26, $0x0;
	v28 =	vor.u32 v8, v28  }
0x8f: {  	v61 =	vld.idx.msk [tilespmem:v10+s7+$0x140 ss:$0x1], $0xffff;
	v28 =	vbroadcast v28, $0x0  }
0x90: {  	v63 =	vor.u32 v6, v18;
	v36 =	vor.u32 v5, v16;
	v35 =	vld.idx.msk [tilespmem:v10+s7+$0x40 ss:$0x1], $0xffff;
	v62 =	vshll.u32 v21, $0x10  }
0x91: {  	v41 =	vor.u32 v5, v17;
	v25 =	vld.idx.msk [tilespmem:v25+s5+$0x0], $0xffff;
	v31 =	vor.u32 v5, v14;
	v22 =	vmul.f32 v62, v22  }
0x92: {  	v49 =	vor.u32 v1, v15;
	v21 =	vand.u32 $0xFFFF0000, v21;
	v37 =	vshll.u32 v20, $0x10;
	v19 =	vld.idx.msk [tilespmem:v19+s5+$0x0], $0xffff  }
0x93: {  	v39 =	vshll.u32 v29, $0x10;
	v21 =	vadd.f32 v21, v22;
	v22 =	vand.u32 $0xFFFF0000, v29;
	v29 =	vld.idx.msk [tilespmem:v10+s9+$0x0 ss:$0x1], $0xffff  }
0x94: {  	v20 =	vand.u32 $0xFFFF0000, v20;
	v40 =	vshll.u32 v27, $0x10;
	v32 =	vmul.f32 v39, v61;
	v26 =	vld.idx.msk [tilespmem:v26+s21+$0x0], $0xffff  }
0x95: {  	v35 =	vmul.f32 v40, v35;
	[tilespmem:v9+s7+$0xD0 ss:$0x1] =	vst.idx.msk $0xffff, v21;
	v21 =	vmul.f32 v37, v30;
	v28 =	vld.idx.msk [tilespmem:v28+s21+$0x0], $0xffff  }
0x96: {  	v27 =	vand.u32 $0xFFFF0000, v27;
	v30 =	vand.u32 $0xFFFF0000, v24;
	v22 =	vadd.f32 v22, v32;
	v33 =	vld.idx.msk [tilespmem:v63+s5+$0x0], $0xffff  }
0x97: {  	v27 =	vadd.f32 v27, v35;
	v46 =	vld.idx.msk [tilespmem:v10+s7+$0x1E0 ss:$0x1], $0xffff;
	v20 =	vadd.f32 v20, v21;
	v47 =	vshll.u32 v19, $0x10  }
0x98: {  	v24 =	vshll.u32 v24, $0x10;
	v21 =	vld.idx.msk [tilespmem:v10+s9+$0x100 ss:$0x1], $0xffff;
	v19 =	vand.u32 $0xFFFF0000, v19;
	[tilespmem:v9+s7+$0x40 ss:$0x1] =	vst.idx.msk $0xffff, v22;
	v48 =	vmul.f32 v47, v38  }
0x99: {  	v22 =	vand.u32 $0xFFFF0000, v25;
	[tilespmem:v9+s7+$0xFFFFFF40 ss:$0x1] =	vst.idx.msk $0xffff, v27;
	v24 =	vmul.f32 v24, v29;
	v29 =	vshll.u32 v25, $0x10;
	v25 =	vld.idx.msk [tilespmem:v41+s5+$0x0], $0xffff  }
0x9a: {  	v34 =	vor.u32 v1, v11;
	v61 =	vld.idx.msk [tilespmem:v10+s7+$0x50 ss:$0x1], $0xffff;
	[tilespmem:v9+s7+$0xFFFFFFC0 ss:$0x1] =	vst.idx.msk $0xffff, v20;
	v19 =	vadd.f32 v19, v48  }
0x9b: {  	v20 =	vmul.f32 v29, v42;
	v29 =	vld.idx.msk [tilespmem:v36+s5+$0x0], $0xffff  }
0x9c: {  	v43 =	vor.u32 v1, v13;
	v24 =	vadd.f32 v30, v24;
	v30 =	vld.idx.msk [tilespmem:v31+s5+$0x0], $0xffff;
	[tilespmem:v9+s9+$0x80 ss:$0x1] =	vst.idx.msk $0xffff, v19  }
0x9d: {  	v18 =	vor.u32 v7, v18;
	v27 =	vshll.u32 v33, $0x10;
	v20 =	vadd.f32 v22, v20;
	v22 =	vld.idx.msk [tilespmem:v49+s5+$0x0], $0xffff  }
0x9e: {  	v19 =	vmul.f32 v27, v46;
	v27 =	vshll.u32 v23, $0x10;
	[tilespmem:v9+s9+$0xFFFFFF00 ss:$0x1] =	vst.idx.msk $0xffff, v24;
	v24 =	vld.idx.msk [tilespmem:v10+s9+$0x190 ss:$0x1], $0xffff  }
0x9f: {  	v31 =	vand.u32 $0xFFFF0000, v33;
	v21 =	vmul.f32 v27, v21;
	v27 =	vld.idx.msk [tilespmem:v34+s5+$0x0], $0xffff  }
0xa0: {  	v45 =	vor.u32 v1, v12;
	[tilespmem:v9+s9+$0xFFFFFF80 ss:$0x1] =	vst.idx.msk $0xffff, v20;
	v53 =	vld.idx.msk [tilespmem:v10+s9+$0x10 ss:$0x1], $0xffff;
	v19 =	vadd.f32 v31, v19  }
0xa1: {  	v23 =	vand.u32 $0xFFFF0000, v23;
	v50 =	vld.idx.msk [tilespmem:v10+s9+$0x90 ss:$0x1], $0xffff  }
0xa2: {  	v58 =	vor.u32 v2, v13;
	v20 =	vadd.f32 v23, v21;
	v21 =	vld.idx.msk [tilespmem:v43+s5+$0x0], $0xffff;
	[tilespmem:v9+s7+$0xE0 ss:$0x1] =	vst.idx.msk $0xffff, v19  }
0xa3: {  	s13 =	simm.s32 $0xA;
	v60 =	vor.u32 v2, v12;
	v62 =	vor.u32 v2, v11;
	v23 =	vld.idx.msk [tilespmem:v18+s5+$0x0], $0xffff;
	v19 =	vshll.u32 v22, $0x10  }
0xa4: {  	[tilespmem:v9+s9+$0x0 ss:$0x1] =	vst.idx.msk $0xffff, v20;
	v20 =	vld.idx.msk [tilespmem:v10+s7+$0x1F0 ss:$0x1], $0xffff;
	v18 =	vmov s13;
	v19 =	vmul.f32 v19, v24;
	v24 =	vor.u32 v2, v15  }
0xa5: {  	v31 =	vld.idx.msk [tilespmem:v45+s5+$0x0], $0xffff;
	v18 =	vand.u32 $0x7E, v18;
	v22 =	vand.u32 $0xFFFF0000, v22;
	v54 =	vshll.u32 v27, $0x10  }
0xa6: {  	v51 =	vld.idx.msk [tilespmem:v10+s9+$0x110 ss:$0x1], $0xffff;
	v18 =	vor.u32 v8, v18;
	v35 =	vmul.f32 v54, v53;
	v22 =	vadd.f32 v22, v19  }
0xa7: {  	v27 =	vand.u32 $0xFFFF0000, v27;
	v52 =	vbroadcast v18, $0x0;
	v18 =	vshll.u32 v26, $0x7;
	v26 =	vld.idx.msk [tilespmem:v10+s7+$0xD0 ss:$0x1], $0xffff  }
0xa8: {  	v44 =	vshll.u32 v25, $0x10;
	v19 =	vshll.u32 v28, $0x7;
	v28 =	vld.idx.msk [tilespmem:v10+s7+$0x150 ss:$0x1], $0xffff;
	v27 =	vadd.f32 v27, v35;
	[tilespmem:v9+s9+$0x90 ss:$0x1] =	vst.idx.msk $0xffff, v22  }
0xa9: {  	v25 =	vand.u32 $0xFFFF0000, v25;
	v55 =	vor.u32 v0, v18;
	v22 =	vshll.u32 v21, $0x10;
	v24 =	vld.idx.msk [tilespmem:v24+s5+$0x0], $0xffff  }
0xaa: {  	v36 =	vshll.u32 v29, $0x10;
	v57 =	vshll.u32 v31, $0x10;
	[tilespmem:v9+s9+$0xFFFFFF10 ss:$0x1] =	vst.idx.msk $0xffff, v27;
	v22 =	vmul.f32 v22, v50;
	v59 =	vld.idx.msk [tilespmem:v10+s9+$0x1A0 ss:$0x1], $0xffff  }
0xab: {  	v48 =	vshll.u32 v23, $0x10;
	v21 =	vand.u32 $0xFFFF0000, v21;
	v33 =	vmul.f32 v57, v51;
	v51 =	vld.idx.msk [tilespmem:v62+s5+$0x0], $0xffff  }
0xac: {  	v31 =	vand.u32 $0xFFFF0000, v31;
	v20 =	vmul.f32 v48, v20;
	v53 =	vld.idx.msk [tilespmem:v10+s9+$0x20 ss:$0x1], $0xffff;
	v63 =	vadd.f32 v21, v22  }
0xad: {  	v56 =	vor.u32 v0, v19;
	v23 =	vand.u32 $0xFFFF0000, v23;
	v34 =	vld.idx.msk [tilespmem:v52+s21+$0x0], $0xffff;
	v31 =	vadd.f32 v31, v33  }
0xae: {  	v20 =	vadd.f32 v23, v20;
	v22 =	vld.idx.msk [tilespmem:v55+s5+$0x0], $0xffff;
	v28 =	vmul.f32 v44, v28;
	[tilespmem:v9+s9+$0xFFFFFF90 ss:$0x1] =	vst.idx.msk $0xffff, v63  }
0xaf: {  	v29 =	vand.u32 $0xFFFF0000, v29;
	v52 =	vor.u32 v6, v17;
	[tilespmem:v9+s9+$0x10 ss:$0x1] =	vst.idx.msk $0xffff, v31;
	v32 =	vld.idx.msk [tilespmem:v58+s5+$0x0], $0xffff;
	v31 =	vshll.u32 v24, $0x10  }
0xb0: {  	v50 =	vor.u32 v3, v15;
	v26 =	vmul.f32 v36, v26;
	v27 =	vld.idx.msk [tilespmem:v60+s5+$0x0], $0xffff;
	v31 =	vmul.f32 v31, v59  }
0xb1: {  	v49 =	vshll.u32 v30, $0x10;
	[tilespmem:v9+s7+$0xF0 ss:$0x1] =	vst.idx.msk $0xffff, v20;
	v20 =	vadd.f32 v25, v28;
	v24 =	vand.u32 $0xFFFF0000, v24;
	v23 =	vld.idx.msk [tilespmem:v10+s9+$0xA0 ss:$0x1], $0xffff  }
0xb2: {  	v35 =	vmul.f32 v49, v61;
	v26 =	vadd.f32 v29, v26;
	v29 =	vld.idx.msk [tilespmem:v10+s9+$0x120 ss:$0x1], $0xffff;
	v24 =	vadd.f32 v24, v31  }
0xb3: {  	v30 =	vand.u32 $0xFFFF0000, v30;
	v21 =	vld.idx.msk [tilespmem:v56+s5+$0x0], $0xffff;
	[tilespmem:v9+s7+$0x50 ss:$0x1] =	vst.idx.msk $0xffff, v20;
	v31 =	vor.u32 v6, v16  }
0xb4: {  	v25 =	vadd.f32 v30, v35;
	v57 =	vld.idx.msk [tilespmem:v52+s5+$0x0], $0xffff;
	[tilespmem:v9+s9+$0xA0 ss:$0x1] =	vst.idx.msk $0xffff, v24;
	v24 =	vor.u32 v6, v14  }
0xb5: {  	[tilespmem:v9+s7+$0xFFFFFFD0 ss:$0x1] =	vst.idx.msk $0xffff, v26;
	v36 =	vand.u32 $0xFFFF0000, v51;
	v58 =	vor.u32 v3, v13;
	v26 =	vshll.u32 v32, $0x10;
	v28 =	vld.idx.msk [tilespmem:v50+s5+$0x0], $0xffff  }
0xb6: {  	[tilespmem:v9+s7+$0xFFFFFF50 ss:$0x1] =	vst.idx.msk $0xffff, v25;
	v25 =	vshll.u32 v51, $0x10;
	v54 =	vshll.u32 v27, $0x10;
	v30 =	vld.idx.msk [tilespmem:v10+s9+$0x1B0 ss:$0x1], $0xffff;
	v23 =	vmul.f32 v26, v23  }
0xb7: {  	v20 =	vshll.u32 v34, $0x7;
	v26 =	vmul.f32 v54, v29;
	v29 =	vmul.f32 v25, v53;
	v25 =	vld.idx.msk [tilespmem:v10+s7+$0x160 ss:$0x1], $0xffff  }
0xb8: {  	v60 =	vor.u32 v3, v12;
	v56 =	vor.u32 v0, v20;
	v32 =	vand.u32 $0xFFFF0000, v32;
	v31 =	vld.idx.msk [tilespmem:v31+s5+$0x0], $0xffff  }
0xb9: {  	v55 =	vand.u32 $0xFFFF0000, v27;
	v27 =	vor.u32 v3, v11;
	v32 =	vadd.f32 v32, v23;
	v59 =	vld.idx.msk [tilespmem:v24+s5+$0x0], $0xffff  }
0xba: {  	v61 =	vadd.f32 v55, v26;
	v29 =	vadd.f32 v36, v29;
	v24 =	vld.idx.msk [tilespmem:v10+s7+$0xE0 ss:$0x1], $0xffff;
	v23 =	vshll.u32 v28, $0x10  }
0xbb: {  	v26 =	vld.idx.msk [tilespmem:v10+s7+$0x60 ss:$0x1], $0xffff;
	[tilespmem:v9+s9+$0xFFFFFFA0 ss:$0x1] =	vst.idx.msk $0xffff, v32;
	v62 =	vmul.f32 v23, v30;
	v30 =	vor.u32 v4, v15  }
0xbc: {  	v35 =	vshll.u32 v57, $0x10;
	[tilespmem:v9+s9+$0x20 ss:$0x1] =	vst.idx.msk $0xffff, v61;
	v63 =	vand.u32 $0xFFFF0000, v28;
	v28 =	vld.idx.msk [tilespmem:v58+s5+$0x0], $0xffff  }
0xbd: {  	s28 =	sadd.s32 s10, s2;
	s10 =	sadd.s32 $0x12600, s26;
	v32 =	vand.u32 $0xFFFF0000, v57;
	[tilespmem:v9+s9+$0xFFFFFF20 ss:$0x1] =	vst.idx.msk $0xffff, v29;
	v29 =	vld.idx.msk [tilespmem:v60+s5+$0x0], $0xffff;
	v34 =	vshll.u32 v31, $0x10;
	v37 =	vadd.f32 v63, v62  }
0xbe: {  	s11 =	simm.s32 $0x800;
	s12 =	simm.s32 $0xC;
	s13 =	simm.s32 $0xB;
	v23 =	vld.idx.msk [tilespmem:v56+s5+$0x0], $0xffff;
	v31 =	vand.u32 $0xFFFF0000, v31;
	v36 =	vshll.u32 v59, $0x10;
	v33 =	vand.u32 $0xFFFF0000, v59  }
.LBB2_3:
0xbf: {  	p1 =	slt.u32 s12, $0x4C;
	v38 =	vmov s13;
	v27 =	vld.idx.msk [tilespmem:v27+s5+$0x0], $0xffff;
	[tilespmem:v9+s9+$0xB0 ss:$0x1] =	vst.idx.msk $0xffff, v37;
	v24 =	vmul.f32 v34, v24;
	v34 =	vor.u32 v7, v16  }
0xc0: {  	v25 =	vmul.f32 v35, v25;
	v35 =	vor.u32 v7, v17;
	v16 =	vmovc v13;
	v37 =	vand.u32 $0x7F, v38;
	v30 =	vld.idx.msk [tilespmem:v30+s5+$0x0], $0xffff  }
0xc1: {  	v17 =	vmul.f32 v36, v26;
	v13 =	vor.u32 v8, v37;
	v37 =	vld.idx.msk [tilespmem:v10+s9+$0x1C0 ss:$0x1], $0xffff;
	v24 =	vadd.f32 v31, v24  }
0xc2: {  	v36 =	vor.u32 v7, v14;
	v14 =	vmovc v11;
	v38 =	vadd.f32 v32, v25;
	v26 =	vbroadcast v13, $0x0;
	v31 =	vld.idx.msk [tilespmem:v10+s9+$0xB0 ss:$0x1], $0xffff  }
0xc3: {  	v25 =	vshll.u32 v28, $0x10;
	v28 =	vand.u32 $0xFFFF0000, v28;
	v39 =	vadd.f32 v33, v17;
	v32 =	vld.idx.msk [tilespmem:v10+s9+$0x130 ss:$0x1], $0xffff;
	[tilespmem:v9+s7+$0xFFFFFFE0 ss:$0x1] =	vst.idx.msk $0xffff, v24  }
0xc4: {  	v11 =	vmovc v18;
	v33 =	vshll.u32 v29, $0x10;
	v29 =	vand.u32 $0xFFFF0000, v29;
	v24 =	vld.idx.msk [tilespmem:v10+s9+$0x30 ss:$0x1], $0xffff;
	[tilespmem:v9+s7+$0x60 ss:$0x1] =	vst.idx.msk $0xffff, v38;
	v13 =	vmov v19  }
0xc5: {  	v18 =	vmov s12;
	v19 =	vshll.u32 v27, $0x10;
	v27 =	vand.u32 $0xFFFF0000, v27;
	v17 =	vmovc v12;
	v12 =	vmovc v20;
	[tilespmem:v9+s7+$0xFFFFFF60 ss:$0x1] =	vst.idx.msk $0xffff, v39;
	v34 =	vld.idx.msk [tilespmem:v34+s5+$0x0], $0xffff  }
0xc6: {  	s13 =	sadd.s32 $0x1, s12;
	v18 =	vand.u32 $0x7C, v18;
	v20 =	vshll.u32 v30, $0x10;
	v35 =	vld.idx.msk [tilespmem:v35+s5+$0x0], $0xffff  }
0xc7: {  	v38 =	vmov s13;
	v20 =	vmul.f32 v20, v37;
	v37 =	vor.u32 v5, v15;
	v36 =	vld.idx.msk [tilespmem:v36+s5+$0x0], $0xffff  }
0xc8: {  	v39 =	vor.u32 v4, v14;
	v30 =	vand.u32 $0xFFFF0000, v30;
	v25 =	vmul.f32 v25, v31;
	v26 =	vld.idx.msk [tilespmem:v26+s21+$0x0], $0xffff  }
0xc9: {  	v31 =	vor.u32 v4, v16;
	v32 =	vmul.f32 v33, v32;
	v20 =	vadd.f32 v30, v20;
	v30 =	vld.idx.msk [tilespmem:v10+s7+$0xF0 ss:$0x1], $0xffff  }
0xca: {  	v19 =	vmul.f32 v19, v24;
	v24 =	vadd.f32 v28, v25;
	v25 =	vor.u32 v4, v17;
	v28 =	vld.idx.msk [tilespmem:v10+s7+$0x170 ss:$0x1], $0xffff  }
0xcb: {  	v29 =	vadd.f32 v29, v32;
	v32 =	vshll.u32 v34, $0x10;
	v33 =	vand.u32 $0xFFFF0000, v34;
	[tilespmem:v9+s9+$0xC0 ss:$0x1] =	vst.idx.msk $0xffff, v20;
	v20 =	vld.idx.msk [tilespmem:v10+s7+$0x70 ss:$0x1], $0xffff  }
0xcc: {  	v19 =	vadd.f32 v27, v19;
	v27 =	vshll.u32 v35, $0x10;
	v34 =	vand.u32 $0xFFFF0000, v35;
	[tilespmem:v9+s9+$0xFFFFFFB0 ss:$0x1] =	vst.idx.msk $0xffff, v24;
	v24 =	vld.idx.msk [tilespmem:v37+s5+$0x0], $0xffff  }
0xcd: {  	v18 =	vor.u32 v8, v18;
	v35 =	vshll.u32 v36, $0x10;
	v36 =	vand.u32 $0xFFFF0000, v36;
	[tilespmem:v9+s9+$0x30 ss:$0x1] =	vst.idx.msk $0xffff, v29;
	v29 =	vld.idx.msk [tilespmem:v10+s9+$0x1D0 ss:$0x1], $0xffff  }
0xce: {  	v18 =	vbroadcast v18, $0x0;
	v37 =	vand.u32 $0x7D, v38;
	v26 =	vshll.u32 v26, $0x7;
	[tilespmem:v9+s9+$0xFFFFFF30 ss:$0x1] =	vst.idx.msk $0xffff, v19;
	v19 =	vld.idx.msk [tilespmem:v31+s5+$0x0], $0xffff  }
0xcf: {  	v31 =	vor.u32 v8, v37;
	v37 =	vor.u32 v0, v26;
	v30 =	vmul.f32 v32, v30;
	v25 =	vld.idx.msk [tilespmem:v25+s5+$0x0], $0xffff  }
0xd0: {  	v38 =	vor.u32 v5, v14;
	v31 =	vbroadcast v31, $0x0;
	v27 =	vmul.f32 v27, v28;
	v32 =	vld.idx.msk [tilespmem:v39+s5+$0x0], $0xffff  }
0xd1: {  	v28 =	vor.u32 v1, v11;
	v20 =	vmul.f32 v35, v20;
	v30 =	vadd.f32 v33, v30;
	v39 =	vld.idx.msk [tilespmem:v10+s9+$0xC0 ss:$0x1], $0xffff  }
0xd2: {  	v33 =	vor.u32 v5, v16;
	v40 =	vshll.u32 v24, $0x10;
	v27 =	vadd.f32 v34, v27;
	v35 =	vld.idx.msk [tilespmem:v10+s9+$0x140 ss:$0x1], $0xffff  }
0xd3: {  	s11 =	sadd.s32 $0x800, s11;
	v29 =	vmul.f32 v40, v29;
	v40 =	vor.u32 v6, v15;
	v20 =	vadd.f32 v36, v20;
	v34 =	vld.idx.msk [tilespmem:v10+s9+$0x40 ss:$0x1], $0xffff  }
0xd4: {  	s13 =	sshra.s32 s11, $0x2;
	v24 =	vand.u32 $0xFFFF0000, v24;
	v36 =	vld.idx.msk [tilespmem:v37+s5+$0x0], $0xffff;
	v37 =	vshll.u32 v19, $0x10;
	v19 =	vand.u32 $0xFFFF0000, v19;
	[tilespmem:v9+s7+$0xFFFFFFF0 ss:$0x1] =	vst.idx.msk $0xffff, v30  }
0xd5: {  	v41 =	vshll.u32 v25, $0x10;
	v25 =	vand.u32 $0xFFFF0000, v25;
	v24 =	vadd.f32 v24, v29;
	v30 =	vld.idx.msk [tilespmem:v10+s13+$0x180 ss:$0x1], $0xffff;
	[tilespmem:v9+s7+$0x70 ss:$0x1] =	vst.idx.msk $0xffff, v27  }
0xd6: {  	v42 =	vor.u32 v5, v17;
	v29 =	vshll.u32 v32, $0x10;
	v32 =	vand.u32 $0xFFFF0000, v32;
	v27 =	vld.idx.msk [tilespmem:v10+s13+$0x0 ss:$0x1], $0xffff;
	[tilespmem:v9+s7+$0xFFFFFF70 ss:$0x1] =	vst.idx.msk $0xffff, v20;
	s7 =	smov.u32 s9;
	s9 =	smov.u32 s13  }
0xd7: {  	v43 =	vor.u32 v1, v13;
	v37 =	vmul.f32 v37, v39;
	v20 =	vld.idx.msk [tilespmem:v10+s9+$0x80 ss:$0x1], $0xffff;
	[tilespmem:v9+s7+$0xD0 ss:$0x1] =	vst.idx.msk $0xffff, v24  }
0xd8: {  	v39 =	vor.u32 v1, v12;
	v24 =	vand.u32 $0xFFFF0000, v22;
	v35 =	vmul.f32 v41, v35;
	v40 =	vld.idx.msk [tilespmem:v40+s5+$0x0], $0xffff  }
0xd9: {  	v22 =	vshll.u32 v22, $0x10;
	v29 =	vmul.f32 v29, v34;
	v19 =	vadd.f32 v19, v37;
	v34 =	vld.idx.msk [tilespmem:v10+s7+$0x1E0 ss:$0x1], $0xffff  }
0xda: {  	v37 =	vand.u32 $0xFFFF0000, v21;
	v44 =	vshll.u32 v36, $0x10;
	v25 =	vadd.f32 v25, v35;
	v41 =	vld.idx.msk [tilespmem:v10+s9+$0x100 ss:$0x1], $0xffff  }
0xdb: {  	v35 =	vor.u32 v1, v26;
	v30 =	vmul.f32 v44, v30;
	v29 =	vadd.f32 v32, v29;
	v18 =	vld.idx.msk [tilespmem:v18+s21+$0x0], $0xffff  }
0xdc: {  	v21 =	vshll.u32 v21, $0x10;
	v22 =	vmul.f32 v22, v27;
	v27 =	vand.u32 $0xFFFF0000, v36;
	v31 =	vld.idx.msk [tilespmem:v31+s21+$0x0], $0xffff;
	[tilespmem:v9+s7+$0xFFFFFFC0 ss:$0x1] =	vst.idx.msk $0xffff, v19  }
0xdd: {  	v19 =	vmul.f32 v21, v20;
	v20 =	vadd.f32 v27, v30;
	v21 =	vld.idx.msk [tilespmem:v33+s5+$0x0], $0xffff;
	[tilespmem:v9+s7+$0x40 ss:$0x1] =	vst.idx.msk $0xffff, v25  }
0xde: {  	v22 =	vadd.f32 v24, v22;
	v24 =	vshll.u32 v23, $0x10;
	v27 =	vshll.u32 v40, $0x10;
	[tilespmem:v9+s7+$0xFFFFFF40 ss:$0x1] =	vst.idx.msk $0xffff, v29;
	v25 =	vld.idx.msk [tilespmem:v42+s5+$0x0], $0xffff  }
0xdf: {  	v27 =	vmul.f32 v27, v34;
	v29 =	vor.u32 v7, v15;
	[tilespmem:v9+s9+$0x80 ss:$0x1] =	vst.idx.msk $0xffff, v20;
	v20 =	vld.idx.msk [tilespmem:v38+s5+$0x0], $0xffff  }
0xe0: {  	v32 =	vand.u32 $0xFFFF0000, v40;
	v19 =	vadd.f32 v37, v19;
	v15 =	vmovc v26;
	v24 =	vmul.f32 v24, v41;
	v30 =	vld.idx.msk [tilespmem:v35+s5+$0x0], $0xffff  }
0xe1: {  	v26 =	vadd.f32 v32, v27;
	[tilespmem:v9+s9+$0xFFFFFF00 ss:$0x1] =	vst.idx.msk $0xffff, v22;
	v22 =	vand.u32 $0xFFFF0000, v23;
	v23 =	vld.idx.msk [tilespmem:v10+s9+$0x190 ss:$0x1], $0xffff  }
0xe2: {  	s13 =	sadd.s32 $0x2, s12;
	v27 =	vld.idx.msk [tilespmem:v28+s5+$0x0], $0xffff;
	[tilespmem:v9+s9+$0xFFFFFF80 ss:$0x1] =	vst.idx.msk $0xffff, v19;
	v19 =	vadd.f32 v22, v24  }
0xe3: {  	v22 =	vmov s13;
	v28 =	vshll.u32 v21, $0x10;
	v32 =	vand.u32 $0xFFFF0000, v21;
	v24 =	vld.idx.msk [tilespmem:v43+s5+$0x0], $0xffff;
	[tilespmem:v9+s7+$0xE0 ss:$0x1] =	vst.idx.msk $0xffff, v26  }
0xe4: {  	v21 =	vand.u32 $0x7E, v22;
	v26 =	vshll.u32 v25, $0x10;
	v25 =	vand.u32 $0xFFFF0000, v25;
	[tilespmem:v9+s9+$0x0 ss:$0x1] =	vst.idx.msk $0xffff, v19;
	v22 =	vld.idx.msk [tilespmem:v29+s5+$0x0], $0xffff  }
0xe5: {  	v19 =	vor.u32 v8, v21;
	v29 =	vshll.u32 v20, $0x10;
	v20 =	vand.u32 $0xFFFF0000, v20;
	v21 =	vld.idx.msk [tilespmem:v10+s7+$0x1F0 ss:$0x1], $0xffff  }
0xe6: {  	v33 =	vbroadcast v19, $0x0;
	v19 =	vshll.u32 v30, $0x10;
	v34 =	vld.idx.msk [tilespmem:v39+s5+$0x0], $0xffff  }
0xe7: {  	v18 =	vshll.u32 v18, $0x7;
	v19 =	vmul.f32 v19, v23;
	v23 =	vor.u32 v2, v15;
	v35 =	vld.idx.msk [tilespmem:v10+s9+$0x90 ss:$0x1], $0xffff  }
0xe8: {  	v30 =	vand.u32 $0xFFFF0000, v30;
	v36 =	vshll.u32 v27, $0x10;
	v27 =	vand.u32 $0xFFFF0000, v27;
	v37 =	vld.idx.msk [tilespmem:v10+s9+$0x110 ss:$0x1], $0xffff  }
0xe9: {  	v39 =	vshll.u32 v24, $0x10;
	v24 =	vand.u32 $0xFFFF0000, v24;
	v30 =	vadd.f32 v30, v19;
	v38 =	vld.idx.msk [tilespmem:v10+s9+$0x10 ss:$0x1], $0xffff  }
0xea: {  	v40 =	vor.u32 v0, v18;
	v19 =	vshll.u32 v31, $0x7;
	v41 =	vshll.u32 v22, $0x10;
	v31 =	vld.idx.msk [tilespmem:v10+s7+$0xD0 ss:$0x1], $0xffff  }
0xeb: {  	v42 =	vor.u32 v0, v19;
	v21 =	vmul.f32 v41, v21;
	[tilespmem:v9+s9+$0x90 ss:$0x1] =	vst.idx.msk $0xffff, v30;
	v30 =	vld.idx.msk [tilespmem:v10+s7+$0x150 ss:$0x1], $0xffff  }
0xec: {  	v22 =	vand.u32 $0xFFFF0000, v22;
	v41 =	vshll.u32 v34, $0x10;
	v34 =	vand.u32 $0xFFFF0000, v34;
	v23 =	vld.idx.msk [tilespmem:v23+s5+$0x0], $0xffff  }
0xed: {  	v35 =	vmul.f32 v39, v35;
	v39 =	vor.u32 v2, v13;
	v21 =	vadd.f32 v22, v21;
	v43 =	vld.idx.msk [tilespmem:v10+s9+$0x1A0 ss:$0x1], $0xffff  }
0xee: {  	v44 =	vor.u32 v2, v11;
	v37 =	vmul.f32 v41, v37;
	v41 =	vor.u32 v2, v12;
	v45 =	vld.idx.msk [tilespmem:v10+s7+$0x50 ss:$0x1], $0xffff  }
0xef: {  	v36 =	vmul.f32 v36, v38;
	v24 =	vadd.f32 v24, v35;
	v33 =	vld.idx.msk [tilespmem:v33+s21+$0x0], $0xffff;
	[tilespmem:v9+s7+$0xF0 ss:$0x1] =	vst.idx.msk $0xffff, v21  }
0xf0: {  	v34 =	vadd.f32 v34, v37;
	v28 =	vmul.f32 v28, v31;
	v22 =	vld.idx.msk [tilespmem:v40+s5+$0x0], $0xffff  }
0xf1: {  	v27 =	vadd.f32 v27, v36;
	v21 =	vld.idx.msk [tilespmem:v42+s5+$0x0], $0xffff;
	[tilespmem:v9+s9+$0xFFFFFF90 ss:$0x1] =	vst.idx.msk $0xffff, v24;
	v24 =	vmul.f32 v26, v30  }
0xf2: {  	v30 =	vshll.u32 v23, $0x10;
	v28 =	vadd.f32 v32, v28;
	v26 =	vld.idx.msk [tilespmem:v39+s5+$0x0], $0xffff;
	[tilespmem:v9+s9+$0x10 ss:$0x1] =	vst.idx.msk $0xffff, v34  }
0xf3: {  	v31 =	vor.u32 v3, v15;
	v30 =	vmul.f32 v30, v43;
	[tilespmem:v9+s9+$0xFFFFFF10 ss:$0x1] =	vst.idx.msk $0xffff, v27;
	v27 =	vld.idx.msk [tilespmem:v41+s5+$0x0], $0xffff  }
0xf4: {  	v23 =	vand.u32 $0xFFFF0000, v23;
	v29 =	vmul.f32 v29, v45;
	v24 =	vadd.f32 v25, v24;
	v32 =	vld.idx.msk [tilespmem:v44+s5+$0x0], $0xffff  }
0xf5: {  	v23 =	vadd.f32 v23, v30;
	v25 =	vld.idx.msk [tilespmem:v10+s9+$0xA0 ss:$0x1], $0xffff;
	[tilespmem:v9+s7+$0xFFFFFFD0 ss:$0x1] =	vst.idx.msk $0xffff, v28;
	v28 =	vor.u32 v6, v16  }
0xf6: {  	v20 =	vadd.f32 v20, v29;
	v30 =	vld.idx.msk [tilespmem:v10+s9+$0x120 ss:$0x1], $0xffff;
	[tilespmem:v9+s7+$0x50 ss:$0x1] =	vst.idx.msk $0xffff, v24;
	v24 =	vor.u32 v6, v17  }
0xf7: {  	v29 =	vld.idx.msk [tilespmem:v10+s9+$0x20 ss:$0x1], $0xffff;
	[tilespmem:v9+s9+$0xA0 ss:$0x1] =	vst.idx.msk $0xffff, v23;
	v23 =	vor.u32 v6, v14  }
0xf8: {  	v34 =	vshll.u32 v26, $0x10;
	v26 =	vand.u32 $0xFFFF0000, v26;
	v31 =	vld.idx.msk [tilespmem:v31+s5+$0x0], $0xffff;
	[tilespmem:v9+s7+$0xFFFFFF50 ss:$0x1] =	vst.idx.msk $0xffff, v20  }
0xf9: {  	v35 =	vshll.u32 v27, $0x10;
	v36 =	vand.u32 $0xFFFF0000, v27;
	v37 =	vld.idx.msk [tilespmem:v10+s9+$0x1B0 ss:$0x1], $0xffff  }
0xfa: {  	v20 =	vshll.u32 v33, $0x7;
	v27 =	vshll.u32 v32, $0x10;
	v32 =	vand.u32 $0xFFFF0000, v32;
	v28 =	vld.idx.msk [tilespmem:v28+s5+$0x0], $0xffff  }
0xfb: {  	v33 =	vor.u32 v0, v20;
	v25 =	vmul.f32 v34, v25;
	v38 =	vld.idx.msk [tilespmem:v24+s5+$0x0], $0xffff  }
0xfc: {  	v39 =	vor.u32 v3, v13;
	v30 =	vmul.f32 v35, v30;
	v40 =	vld.idx.msk [tilespmem:v23+s5+$0x0], $0xffff  }
0xfd: {  	v41 =	vor.u32 v3, v12;
	v23 =	vmul.f32 v27, v29;
	v29 =	vadd.f32 v26, v25;
	v24 =	vld.idx.msk [tilespmem:v10+s7+$0xE0 ss:$0x1], $0xffff  }
.Ltmp0:
0xfe: {  	v27 =	vor.u32 v3, v11;
	v35 =	vadd.f32 v36, v30;
	v26 =	vshll.u32 v31, $0x10;
	v25 =	vld.idx.msk [tilespmem:v10+s7+$0x160 ss:$0x1], $0xffff;
	(pc) =	sbr.rel @p1 .LBB2_3-.Ltmp0, $4  }
0xff: {  	v30 =	vor.u32 v4, v15;
	v36 =	vadd.f32 v32, v23;
	v32 =	vmul.f32 v26, v37;
	v26 =	vld.idx.msk [tilespmem:v10+s7+$0x60 ss:$0x1], $0xffff  }
0x100: {  	v34 =	vshll.u32 v28, $0x10;
	v23 =	vld.idx.msk [tilespmem:v33+s5+$0x0], $0xffff;
	[tilespmem:v9+s9+$0xFFFFFFA0 ss:$0x1] =	vst.idx.msk $0xffff, v29;
	v29 =	vand.u32 $0xFFFF0000, v31;
	v31 =	vand.u32 $0xFFFF0000, v28  }
0x101: {  	v28 =	vld.idx.msk [tilespmem:v39+s5+$0x0], $0xffff;
	[tilespmem:v9+s9+$0x20 ss:$0x1] =	vst.idx.msk $0xffff, v35;
	v37 =	vadd.f32 v29, v32;
	v35 =	vshll.u32 v38, $0x10;
	v32 =	vand.u32 $0xFFFF0000, v38  }
0x102: {  	s13 =	sadd.s32 $0x3, s12;
	s12 =	sadd.s32 $0x4, s12;
	v33 =	vand.u32 $0xFFFF0000, v40;
	[tilespmem:v9+s9+$0xFFFFFF20 ss:$0x1] =	vst.idx.msk $0xffff, v36;
	v29 =	vld.idx.msk [tilespmem:v41+s5+$0x0], $0xffff;
	v36 =	vshll.u32 v40, $0x10  }
0x103: {  	v38 =	vmov s13  }
0x104: {  	v38 =	vand.u32 $0x7F, v38  }
0x105: {  	v38 =	vor.u32 v8, v38  }
0x106: {  	v38 =	vbroadcast v38, $0x0;
	_ =	sdelay $0x2  }
0x107: {  	v39 =	vld.idx.msk [tilespmem:v27+s5+$0x0], $0xffff;
	[tilespmem:v9+s9+$0xB0 ss:$0x1] =	vst.idx.msk $0xffff, v37  }
0x108: {  	v27 =	vld.idx.msk [tilespmem:v30+s5+$0x0], $0xffff  }
0x109: {  	v24 =	vmul.f32 v34, v24;
	v16 =	vor.u32 v7, v16;
	v45 =	vld.idx.msk [tilespmem:v10+s9+$0x1C0 ss:$0x1], $0xffff  }
0x10a: {  	v46 =	vld.idx.msk [tilespmem:v38+s21+$0x0], $0xffff  }
0x10b: {  	v25 =	vmul.f32 v35, v25;
	v47 =	vld.idx.msk [tilespmem:v10+s9+$0xB0 ss:$0x1], $0xffff;
	v24 =	vadd.f32 v31, v24  }
0x10c: {  	v48 =	vld.idx.msk [tilespmem:v10+s9+$0x130 ss:$0x1], $0xffff  }
0x10d: {  	v49 =	vld.idx.msk [tilespmem:v10+s9+$0x30 ss:$0x1], $0xffff;
	v25 =	vadd.f32 v32, v25;
	[tilespmem:v9+s7+$0xFFFFFFE0 ss:$0x1] =	vst.idx.msk $0xffff, v24  }
0x10e: {  	v17 =	vor.u32 v7, v17;
	v14 =	vor.u32 v7, v14;
	s11 =	sadd.s32 $0x800, s11;
	v24 =	vld.idx.msk [tilespmem:v16+s5+$0x0], $0xffff;
	v16 =	vshll.u32 v27, $0x10  }
0x10f: {  	v26 =	vmul.f32 v36, v26;
	s11 =	sshra.s32 s11, $0x2;
	[tilespmem:v9+s7+$0x60 ss:$0x1] =	vst.idx.msk $0xffff, v25;
	v25 =	vmul.f32 v16, v45;
	v16 =	vshll.u32 v46, $0x7  }
0x110: {  	v55 =	vld.idx.msk [tilespmem:v10+s11+$0x180 ss:$0x1], $0xffff;
	v31 =	vor.u32 v0, v16  }
0x111: {  	v60 =	vld.idx.msk [tilespmem:v10+s11+$0x0 ss:$0x1], $0xffff;
	v26 =	vadd.f32 v33, v26  }
0x112: {  	v50 =	vor.u32 v5, v15;
	v54 =	vor.u32 v4, v13;
	v61 =	vld.idx.msk [tilespmem:v10+s11+$0x100 ss:$0x1], $0xffff  }
0x113: {  	v56 =	vor.u32 v4, v12;
	v51 =	vshll.u32 v28, $0x10;
	v28 =	vand.u32 $0xFFFF0000, v28;
	[tilespmem:v9+s7+$0xFFFFFF60 ss:$0x1] =	vst.idx.msk $0xffff, v26;
	v17 =	vld.idx.msk [tilespmem:v17+s5+$0x0], $0xffff  }
0x114: {  	v52 =	vshll.u32 v29, $0x10;
	v29 =	vand.u32 $0xFFFF0000, v29;
	v34 =	vmul.f32 v51, v47;
	v14 =	vld.idx.msk [tilespmem:v14+s5+$0x0], $0xffff  }
0x115: {  	v53 =	vshll.u32 v39, $0x10;
	v32 =	vmul.f32 v52, v48;
	v58 =	vand.u32 $0xFFFF0000, v39;
	v31 =	vld.idx.msk [tilespmem:v31+s5+$0x0], $0xffff  }
0x116: {  	v26 =	vand.u32 $0xFFFF0000, v27;
	v27 =	vld.idx.msk [tilespmem:v10+s7+$0xF0 ss:$0x1], $0xffff;
	v33 =	vmul.f32 v53, v49;
	v28 =	vadd.f32 v28, v34  }
0x117: {  	v47 =	vshll.u32 v23, $0x10;
	v29 =	vadd.f32 v29, v32;
	v25 =	vadd.f32 v26, v25;
	v26 =	vld.idx.msk [tilespmem:v10+s7+$0x170 ss:$0x1], $0xffff  }
0x118: {  	v48 =	vmul.f32 v47, v61;
	v33 =	vadd.f32 v58, v33;
	[tilespmem:v9+s9+$0xFFFFFFB0 ss:$0x1] =	vst.idx.msk $0xffff, v28;
	v28 =	vld.idx.msk [tilespmem:v10+s11+$0x80 ss:$0x1], $0xffff  }
0x119: {  	v63 =	vand.u32 $0xFFFF0000, v22;
	v42 =	vor.u32 v1, v20;
	v23 =	vand.u32 $0xFFFF0000, v23;
	[tilespmem:v9+s9+$0x30 ss:$0x1] =	vst.idx.msk $0xffff, v29;
	v37 =	vld.idx.msk [tilespmem:v54+s5+$0x0], $0xffff  }
0x11a: {  	v22 =	vshll.u32 v22, $0x10;
	v23 =	vadd.f32 v23, v48;
	[tilespmem:v9+s9+$0xFFFFFF30 ss:$0x1] =	vst.idx.msk $0xffff, v33;
	v33 =	vld.idx.msk [tilespmem:v56+s5+$0x0], $0xffff;
	v40 =	vshll.u32 v31, $0x10  }
0x11b: {  	[tilespmem:v9+s9+$0xC0 ss:$0x1] =	vst.idx.msk $0xffff, v25;
	v25 =	vld.idx.msk [tilespmem:v10+s7+$0x70 ss:$0x1], $0xffff;
	v62 =	vor.u32 v1, v16;
	v36 =	vmul.f32 v40, v55  }
0x11c: {  	v22 =	vmul.f32 v22, v60;
	v45 =	vshll.u32 v21, $0x10;
	v30 =	vld.idx.msk [tilespmem:v50+s5+$0x0], $0xffff;
	v31 =	vand.u32 $0xFFFF0000, v31  }
0x11d: {  	v29 =	vor.u32 v1, v18;
	[tilespmem:v9+s11+$0x0 ss:$0x1] =	vst.idx.msk $0xffff, v23;
	v57 =	vld.idx.msk [tilespmem:v10+s9+$0x1D0 ss:$0x1], $0xffff;
	v31 =	vadd.f32 v31, v36  }
0x11e: {  	v41 =	vor.u32 v1, v19;
	v49 =	vld.idx.msk [tilespmem:v42+s5+$0x0], $0xffff;
	v28 =	vmul.f32 v45, v28  }
0x11f: {  	v21 =	vand.u32 $0xFFFF0000, v21;
	v22 =	vadd.f32 v63, v22;
	v52 =	vld.idx.msk [tilespmem:v10+s11+$0x110 ss:$0x1], $0xffff;
	[tilespmem:v9+s11+$0x80 ss:$0x1] =	vst.idx.msk $0xffff, v31  }
0x120: {  	v21 =	vadd.f32 v21, v28;
	v28 =	vld.idx.msk [tilespmem:v62+s5+$0x0], $0xffff  }
0x121: {  	v59 =	vor.u32 v4, v11;
	[tilespmem:v9+s11+$0xFFFFFF00 ss:$0x1] =	vst.idx.msk $0xffff, v22;
	v22 =	vld.idx.msk [tilespmem:v10+s11+$0x190 ss:$0x1], $0xffff  }
0x122: {  	v29 =	vld.idx.msk [tilespmem:v29+s5+$0x0], $0xffff;
	[tilespmem:v9+s11+$0xFFFFFF80 ss:$0x1] =	vst.idx.msk $0xffff, v21  }
0x123: {  	v23 =	vshll.u32 v30, $0x10;
	v21 =	vld.idx.msk [tilespmem:v41+s5+$0x0], $0xffff  }
0x124: {  	v53 =	vor.u32 v6, v15;
	v23 =	vmul.f32 v23, v57;
	v50 =	vld.idx.msk [tilespmem:v10+s11+$0x90 ss:$0x1], $0xffff  }
0x125: {  	v54 =	vld.idx.msk [tilespmem:v10+s11+$0x10 ss:$0x1], $0xffff;
	v30 =	vand.u32 $0xFFFF0000, v30;
	v51 =	vshll.u32 v28, $0x10  }
0x126: {  	v60 =	vor.u32 v2, v20;
	v39 =	vld.idx.msk [tilespmem:v59+s5+$0x0], $0xffff;
	v23 =	vadd.f32 v30, v23;
	v22 =	vmul.f32 v51, v22  }
0x127: {  	v58 =	vld.idx.msk [tilespmem:v10+s9+$0x40 ss:$0x1], $0xffff;
	v59 =	vor.u32 v2, v19;
	v56 =	vor.u32 v2, v16;
	v28 =	vand.u32 $0xFFFF0000, v28  }
0x128: {  	v46 =	vld.idx.msk [tilespmem:v10+s9+$0xC0 ss:$0x1], $0xffff;
	v43 =	vshll.u32 v37, $0x10;
	[tilespmem:v9+s9+$0xD0 ss:$0x1] =	vst.idx.msk $0xffff, v23;
	v22 =	vadd.f32 v28, v22;
	v28 =	vshll.u32 v21, $0x10  }
0x129: {  	v57 =	vshll.u32 v29, $0x10;
	v23 =	vshll.u32 v49, $0x10;
	v61 =	vld.idx.msk [tilespmem:v53+s5+$0x0], $0xffff;
	v28 =	vmul.f32 v28, v50  }
0x12a: {  	v30 =	vmul.f32 v57, v54;
	v23 =	vmul.f32 v23, v52;
	v52 =	vld.idx.msk [tilespmem:v10+s9+$0x1E0 ss:$0x1], $0xffff;
	v21 =	vand.u32 $0xFFFF0000, v21  }
0x12b: {  	v37 =	vand.u32 $0xFFFF0000, v37;
	v55 =	vld.idx.msk [tilespmem:v10+s9+$0x140 ss:$0x1], $0xffff;
	[tilespmem:v9+s11+$0x90 ss:$0x1] =	vst.idx.msk $0xffff, v22;
	v22 =	vand.u32 $0xFFFF0000, v49;
	v21 =	vadd.f32 v21, v28  }
0x12c: {  	v44 =	vshll.u32 v39, $0x10;
	v28 =	vand.u32 $0xFFFF0000, v29;
	v29 =	vld.idx.msk [tilespmem:v56+s5+$0x0], $0xffff;
	v22 =	vadd.f32 v22, v23  }
0x12d: {  	v62 =	vor.u32 v2, v18;
	v63 =	vld.idx.msk [tilespmem:v10+s11+$0x1A0 ss:$0x1], $0xffff;
	v28 =	vadd.f32 v28, v30;
	[tilespmem:v9+s11+$0xFFFFFF90 ss:$0x1] =	vst.idx.msk $0xffff, v21  }
0x12e: {  	v31 =	vmul.f32 v44, v58;
	v30 =	vmul.f32 v43, v46;
	[tilespmem:v9+s11+$0x10 ss:$0x1] =	vst.idx.msk $0xffff, v22;
	v32 =	vld.idx.msk [tilespmem:v59+s5+$0x0], $0xffff  }
0x12f: {  	v39 =	vand.u32 $0xFFFF0000, v39;
	v21 =	vor.u32 v5, v13;
	v22 =	vshll.u32 v33, $0x10;
	[tilespmem:v9+s11+$0xFFFFFF10 ss:$0x1] =	vst.idx.msk $0xffff, v28;
	v28 =	vld.idx.msk [tilespmem:v60+s5+$0x0], $0xffff  }
0x130: {  	v31 =	vadd.f32 v39, v31;
	v23 =	vor.u32 v5, v11;
	v22 =	vmul.f32 v22, v55;
	v48 =	vld.idx.msk [tilespmem:v10+s11+$0xA0 ss:$0x1], $0xffff  }
0x131: {  	v45 =	vor.u32 v5, v12;
	v33 =	vand.u32 $0xFFFF0000, v33;
	v30 =	vadd.f32 v37, v30;
	v50 =	vld.idx.msk [tilespmem:v10+s11+$0x120 ss:$0x1], $0xffff  }
0x132: {  	[tilespmem:v9+s9+$0xFFFFFF40 ss:$0x1] =	vst.idx.msk $0xffff, v31;
	v46 =	vld.idx.msk [tilespmem:v62+s5+$0x0], $0xffff;
	v47 =	vshll.u32 v29, $0x10;
	v22 =	vadd.f32 v33, v22  }
0x133: {  	v55 =	vor.u32 v3, v19;
	v51 =	vld.idx.msk [tilespmem:v10+s11+$0x20 ss:$0x1], $0xffff;
	[tilespmem:v9+s9+$0xFFFFFFC0 ss:$0x1] =	vst.idx.msk $0xffff, v30;
	v49 =	vmul.f32 v47, v63  }
0x134: {  	v29 =	vand.u32 $0xFFFF0000, v29;
	[tilespmem:v9+s9+$0x40 ss:$0x1] =	vst.idx.msk $0xffff, v22;
	v22 =	vor.u32 v3, v16;
	v33 =	vld.idx.msk [tilespmem:v21+s5+$0x0], $0xffff;
	v21 =	vshll.u32 v32, $0x10  }
0x135: {  	v23 =	vld.idx.msk [tilespmem:v23+s5+$0x0], $0xffff;
	v29 =	vadd.f32 v29, v49;
	v54 =	vshll.u32 v28, $0x10;
	v21 =	vmul.f32 v21, v48  }
0x136: {  	v56 =	vor.u32 v3, v20;
	v53 =	vand.u32 $0xFFFF0000, v32;
	v36 =	vld.idx.msk [tilespmem:v45+s5+$0x0], $0xffff;
	v32 =	vmul.f32 v54, v50  }
0x137: {  	v28 =	vand.u32 $0xFFFF0000, v28;
	v45 =	vld.idx.msk [tilespmem:v10+s9+$0xD0 ss:$0x1], $0xffff;
	[tilespmem:v9+s11+$0xA0 ss:$0x1] =	vst.idx.msk $0xffff, v29;
	v29 =	vshll.u32 v46, $0x10;
	v21 =	vadd.f32 v53, v21  }
0x138: {  	v29 =	vmul.f32 v29, v51;
	v28 =	vadd.f32 v28, v32;
	v59 =	vld.idx.msk [tilespmem:v10+s11+$0x1B0 ss:$0x1], $0xffff  }
0x139: {  	v57 =	vor.u32 v3, v18;
	v58 =	vand.u32 $0xFFFF0000, v46;
	v22 =	vld.idx.msk [tilespmem:v22+s5+$0x0], $0xffff;
	[tilespmem:v9+s11+$0xFFFFFFA0 ss:$0x1] =	vst.idx.msk $0xffff, v21  }
0x13a: {  	v29 =	vadd.f32 v58, v29;
	v21 =	vshll.u32 v61, $0x10;
	[tilespmem:v9+s11+$0x20 ss:$0x1] =	vst.idx.msk $0xffff, v28;
	v60 =	vld.idx.msk [tilespmem:v55+s5+$0x0], $0xffff  }
0x13b: {  	v21 =	vmul.f32 v21, v52;
	v28 =	vld.idx.msk [tilespmem:v56+s5+$0x0], $0xffff  }
0x13c: {  	v15 =	vor.u32 v7, v15;
	v62 =	vld.idx.msk [tilespmem:v10+s11+$0x130 ss:$0x1], $0xffff;
	[tilespmem:v9+s11+$0xFFFFFF20 ss:$0x1] =	vst.idx.msk $0xffff, v29;
	v29 =	vand.u32 $0xFFFF0000, v61  }
0x13d: {  	v61 =	vld.idx.msk [tilespmem:v10+s11+$0xB0 ss:$0x1], $0xffff;
	v21 =	vadd.f32 v29, v21  }
0x13e: {  	v63 =	vor.u32 v4, v16;
	v30 =	vld.idx.msk [tilespmem:v57+s5+$0x0], $0xffff;
	v29 =	vshll.u32 v22, $0x10  }
0x13f: {  	v29 =	vmul.f32 v29, v59;
	[tilespmem:v9+s9+$0xE0 ss:$0x1] =	vst.idx.msk $0xffff, v21;
	v21 =	vand.u32 $0xFFFF0000, v22;
	v22 =	vld.idx.msk [tilespmem:v10+s11+$0x30 ss:$0x1], $0xffff  }
0x140: {  	v41 =	vor.u32 v6, v19;
	v47 =	vor.u32 v4, v20;
	v48 =	vld.idx.msk [tilespmem:v10+s9+$0x150 ss:$0x1], $0xffff;
	v44 =	vshll.u32 v28, $0x10  }
0x141: {  	v15 =	vld.idx.msk [tilespmem:v15+s5+$0x0], $0xffff;
	v43 =	vshll.u32 v60, $0x10;
	v29 =	vadd.f32 v21, v29;
	v32 =	vmul.f32 v44, v62  }
0x142: {  	v46 =	vor.u32 v4, v19;
	v28 =	vand.u32 $0xFFFF0000, v28;
	v21 =	vld.idx.msk [tilespmem:v10+s9+$0x1F0 ss:$0x1], $0xffff;
	v34 =	vmul.f32 v43, v61  }
0x143: {  	v31 =	vand.u32 $0xFFFF0000, v60;
	v61 =	vld.idx.msk [tilespmem:v10+s9+$0x50 ss:$0x1], $0xffff;
	[tilespmem:v9+s11+$0xB0 ss:$0x1] =	vst.idx.msk $0xffff, v29;
	v29 =	vshll.u32 v30, $0x10;
	v28 =	vadd.f32 v28, v32  }
0x144: {  	v49 =	vor.u32 v4, v18;
	v22 =	vmul.f32 v29, v22;
	v29 =	vadd.f32 v31, v34;
	v50 =	vld.idx.msk [tilespmem:v63+s5+$0x0], $0xffff  }
0x145: {  	v53 =	vor.u32 v6, v13;
	v13 =	vor.u32 v7, v13;
	v51 =	vld.idx.msk [tilespmem:v10+s11+$0x1C0 ss:$0x1], $0xffff;
	[tilespmem:v9+s11+$0x30 ss:$0x1] =	vst.idx.msk $0xffff, v28  }
0x146: {  	v52 =	vshll.u32 v36, $0x10;
	v55 =	vor.u32 v6, v12;
	v30 =	vand.u32 $0xFFFF0000, v30;
	[tilespmem:v9+s11+$0xFFFFFFB0 ss:$0x1] =	vst.idx.msk $0xffff, v29;
	v58 =	vld.idx.msk [tilespmem:v10+s11+$0x140 ss:$0x1], $0xffff  }
0x147: {  	v22 =	vadd.f32 v30, v22;
	v29 =	vshll.u32 v33, $0x10;
	v30 =	vmul.f32 v52, v48;
	v28 =	vld.idx.msk [tilespmem:v46+s5+$0x0], $0xffff  }
0x148: {  	v36 =	vand.u32 $0xFFFF0000, v36;
	v60 =	vshll.u32 v23, $0x10;
	v29 =	vmul.f32 v29, v45;
	v56 =	vld.idx.msk [tilespmem:v10+s11+$0xC0 ss:$0x1], $0xffff  }
0x149: {  	v23 =	vand.u32 $0xFFFF0000, v23;
	v33 =	vand.u32 $0xFFFF0000, v33;
	[tilespmem:v9+s11+$0xFFFFFF30 ss:$0x1] =	vst.idx.msk $0xffff, v22;
	v22 =	vld.idx.msk [tilespmem:v47+s5+$0x0], $0xffff;
	v30 =	vadd.f32 v36, v30  }
0x14a: {  	v63 =	vor.u32 v5, v16;
	v54 =	vld.idx.msk [tilespmem:v49+s5+$0x0], $0xffff;
	v29 =	vadd.f32 v33, v29;
	v57 =	vshll.u32 v50, $0x10  }
0x14b: {  	v52 =	vor.u32 v5, v20;
	v59 =	vld.idx.msk [tilespmem:v10+s11+$0x40 ss:$0x1], $0xffff;
	v32 =	vmul.f32 v57, v51;
	[tilespmem:v9+s9+$0x50 ss:$0x1] =	vst.idx.msk $0xffff, v30  }
0x14c: {  	v36 =	vmul.f32 v60, v61;
	[tilespmem:v9+s9+$0xFFFFFFD0 ss:$0x1] =	vst.idx.msk $0xffff, v29;
	v29 =	vand.u32 $0xFFFF0000, v50;
	v45 =	vld.idx.msk [tilespmem:v55+s5+$0x0], $0xffff;
	v47 =	vshll.u32 v28, $0x10  }
0x14d: {  	v46 =	vor.u32 v5, v19;
	v51 =	vld.idx.msk [tilespmem:v10+s9+$0x160 ss:$0x1], $0xffff;
	v29 =	vadd.f32 v29, v32;
	v37 =	vmul.f32 v47, v56  }
0x14e: {  	v23 =	vadd.f32 v23, v36;
	v62 =	vld.idx.msk [tilespmem:v53+s5+$0x0], $0xffff;
	v28 =	vand.u32 $0xFFFF0000, v28;
	v48 =	vshll.u32 v22, $0x10  }
0x14f: {  	v49 =	vld.idx.msk [tilespmem:v10+s9+$0xE0 ss:$0x1], $0xffff;
	v39 =	vmul.f32 v48, v58;
	[tilespmem:v9+s11+$0xC0 ss:$0x1] =	vst.idx.msk $0xffff, v29;
	v28 =	vadd.f32 v28, v37  }
0x150: {  	v22 =	vand.u32 $0xFFFF0000, v22;
	v50 =	vshll.u32 v54, $0x10;
	v29 =	vor.u32 v5, v18;
	v31 =	vld.idx.msk [tilespmem:v63+s5+$0x0], $0xffff  }
0x151: {  	v33 =	vmul.f32 v50, v59;
	v53 =	vld.idx.msk [tilespmem:v10+s11+$0x1D0 ss:$0x1], $0xffff;
	v22 =	vadd.f32 v22, v39;
	[tilespmem:v9+s11+$0xFFFFFFC0 ss:$0x1] =	vst.idx.msk $0xffff, v28  }
0x152: {  	v12 =	vor.u32 v7, v12;
	[tilespmem:v9+s9+$0xFFFFFF50 ss:$0x1] =	vst.idx.msk $0xffff, v23;
	v35 =	vand.u32 $0xFFFF0000, v54;
	v28 =	vld.idx.msk [tilespmem:v46+s5+$0x0], $0xffff  }
0x153: {  	v33 =	vadd.f32 v35, v33;
	v54 =	vshll.u32 v62, $0x10;
	[tilespmem:v9+s11+$0x40 ss:$0x1] =	vst.idx.msk $0xffff, v22;
	v58 =	vld.idx.msk [tilespmem:v10+s11+$0xD0 ss:$0x1], $0xffff  }
0x154: {  	v56 =	vshll.u32 v45, $0x10;
	v22 =	vor.u32 v6, v11;
	v34 =	vmul.f32 v54, v49;
	v55 =	vld.idx.msk [tilespmem:v52+s5+$0x0], $0xffff  }
0x155: {  	v23 =	vand.u32 $0xFFFF0000, v62;
	v30 =	vmul.f32 v56, v51;
	[tilespmem:v9+s11+$0xFFFFFF40 ss:$0x1] =	vst.idx.msk $0xffff, v33;
	v60 =	vld.idx.msk [tilespmem:v10+s11+$0x150 ss:$0x1], $0xffff  }
0x156: {  	v32 =	vand.u32 $0xFFFF0000, v45;
	v29 =	vld.idx.msk [tilespmem:v29+s5+$0x0], $0xffff;
	v57 =	vshll.u32 v31, $0x10;
	v23 =	vadd.f32 v23, v34  }
0x157: {  	v43 =	vor.u32 v6, v20;
	v30 =	vadd.f32 v32, v30;
	v61 =	vld.idx.msk [tilespmem:v10+s11+$0x50 ss:$0x1], $0xffff;
	v59 =	vmul.f32 v57, v53  }
0x158: {  	v62 =	vld.idx.msk [tilespmem:v10+s9+$0x60 ss:$0x1], $0xffff;
	v31 =	vand.u32 $0xFFFF0000, v31;
	[tilespmem:v9+s9+$0xFFFFFFE0 ss:$0x1] =	vst.idx.msk $0xffff, v23;
	v23 =	vor.u32 v6, v16;
	v63 =	vshll.u32 v28, $0x10  }
0x159: {  	[tilespmem:v9+s9+$0x60 ss:$0x1] =	vst.idx.msk $0xffff, v30;
	v22 =	vld.idx.msk [tilespmem:v22+s5+$0x0], $0xffff;
	v31 =	vadd.f32 v31, v59;
	v30 =	vmul.f32 v63, v58  }
0x15a: {  	v20 =	vor.u32 v7, v20;
	v12 =	vld.idx.msk [tilespmem:v12+s5+$0x0], $0xffff;
	v28 =	vand.u32 $0xFFFF0000, v28;
	v40 =	vshll.u32 v55, $0x10  }
0x15b: {  	[tilespmem:v9+s11+$0xD0 ss:$0x1] =	vst.idx.msk $0xffff, v31;
	v42 =	vshll.u32 v29, $0x10;
	v35 =	vmul.f32 v40, v60;
	v28 =	vadd.f32 v28, v30  }
0x15c: {  	v45 =	vor.u32 v6, v18;
	v33 =	vand.u32 $0xFFFF0000, v55;
	v44 =	vmul.f32 v42, v61;
	v47 =	vld.idx.msk [tilespmem:v10+s11+$0x1E0 ss:$0x1], $0xffff  }
0x15d: {  	v29 =	vand.u32 $0xFFFF0000, v29;
	v23 =	vld.idx.msk [tilespmem:v23+s5+$0x0], $0xffff;
	v46 =	vadd.f32 v33, v35;
	[tilespmem:v9+s11+$0xFFFFFFD0 ss:$0x1] =	vst.idx.msk $0xffff, v28  }
0x15e: {  	v19 =	vor.u32 v7, v19;
	v28 =	vadd.f32 v29, v44;
	v48 =	vshll.u32 v22, $0x10;
	v49 =	vld.idx.msk [tilespmem:v41+s5+$0x0], $0xffff  }
0x15f: {  	v50 =	vshll.u32 v17, $0x10;
	[tilespmem:v9+s11+$0x50 ss:$0x1] =	vst.idx.msk $0xffff, v46;
	v30 =	vmul.f32 v48, v62;
	v51 =	vld.idx.msk [tilespmem:v10+s11+$0xE0 ss:$0x1], $0xffff  }
0x160: {  	v17 =	vand.u32 $0xFFFF0000, v17;
	v26 =	vmul.f32 v50, v26;
	v22 =	vand.u32 $0xFFFF0000, v22;
	[tilespmem:v9+s11+$0xFFFFFF50 ss:$0x1] =	vst.idx.msk $0xffff, v28;
	v28 =	vld.idx.msk [tilespmem:v43+s5+$0x0], $0xffff  }
0x161: {  	v18 =	vor.u32 v7, v18;
	v29 =	vshll.u32 v24, $0x10;
	v53 =	vld.idx.msk [tilespmem:v10+s11+$0x160 ss:$0x1], $0xffff;
	v22 =	vadd.f32 v22, v30  }
0x162: {  	v11 =	vor.u32 v7, v11;
	v27 =	vmul.f32 v29, v27;
	v31 =	vld.idx.msk [tilespmem:v45+s5+$0x0], $0xffff;
	v29 =	vshll.u32 v23, $0x10  }
0x163: {  	v52 =	vshll.u32 v14, $0x10;
	v29 =	vmul.f32 v29, v47;
	[tilespmem:v9+s9+$0xFFFFFF60 ss:$0x1] =	vst.idx.msk $0xffff, v22;
	v22 =	vand.u32 $0xFFFF0000, v23;
	v23 =	vld.idx.msk [tilespmem:v10+s11+$0x60 ss:$0x1], $0xffff  }
0x164: {  	v17 =	vadd.f32 v17, v26;
	v25 =	vmul.f32 v52, v25;
	v16 =	vor.u32 v7, v16;
	v13 =	vld.idx.msk [tilespmem:v13+s5+$0x0], $0xffff  }
0x165: {  	v55 =	vld.idx.msk [tilespmem:v10+s9+$0x170 ss:$0x1], $0xffff;
	v24 =	vand.u32 $0xFFFF0000, v24;
	v22 =	vadd.f32 v22, v29;
	v29 =	vshll.u32 v49, $0x10  }
0x166: {  	v24 =	vadd.f32 v24, v27;
	v27 =	vld.idx.msk [tilespmem:v10+s9+$0xF0 ss:$0x1], $0xffff;
	v54 =	vshll.u32 v28, $0x10;
	v29 =	vmul.f32 v29, v51  }
0x167: {  	v11 =	vld.idx.msk [tilespmem:v11+s5+$0x0], $0xffff;
	v32 =	vand.u32 $0xFFFF0000, v49;
	v56 =	vmul.f32 v54, v53;
	[tilespmem:v9+s11+$0xE0 ss:$0x1] =	vst.idx.msk $0xffff, v22;
	v22 =	vshll.u32 v31, $0x10  }
0x168: {  	v57 =	vld.idx.msk [tilespmem:v10+s9+$0x70 ss:$0x1], $0xffff;
	v28 =	vand.u32 $0xFFFF0000, v28;
	v22 =	vmul.f32 v22, v23;
	v23 =	vadd.f32 v32, v29  }
0x169: {  	v14 =	vand.u32 $0xFFFF0000, v14;
	[tilespmem:v9+s7+$0x70 ss:$0x1] =	vst.idx.msk $0xffff, v17;
	v29 =	vshll.u32 v15, $0x10;
	v16 =	vld.idx.msk [tilespmem:v16+s5+$0x0], $0xffff;
	v28 =	vadd.f32 v28, v56  }
0x16a: {  	v14 =	vadd.f32 v14, v25;
	v21 =	vmul.f32 v29, v21;
	v29 =	vld.idx.msk [tilespmem:v10+s11+$0x1F0 ss:$0x1], $0xffff;
	[tilespmem:v9+s11+$0xFFFFFFE0 ss:$0x1] =	vst.idx.msk $0xffff, v23  }
0x16b: {  	v31 =	vand.u32 $0xFFFF0000, v31;
	[tilespmem:v9+s11+$0x60 ss:$0x1] =	vst.idx.msk $0xffff, v28;
	v19 =	vld.idx.msk [tilespmem:v19+s5+$0x0], $0xffff  }
0x16c: {  	[tilespmem:v9+s7+$0xFFFFFF70 ss:$0x1] =	vst.idx.msk $0xffff, v14;
	v15 =	vand.u32 $0xFFFF0000, v15;
	v17 =	vshll.u32 v11, $0x10;
	v22 =	vadd.f32 v31, v22;
	v20 =	vld.idx.msk [tilespmem:v20+s5+$0x0], $0xffff  }
0x16d: {  	v17 =	vmul.f32 v17, v57;
	v15 =	vadd.f32 v15, v21;
	v21 =	vshll.u32 v13, $0x10;
	v23 =	vld.idx.msk [tilespmem:v10+s11+$0xF0 ss:$0x1], $0xffff  }
0x16e: {  	v11 =	vand.u32 $0xFFFF0000, v11;
	v13 =	vand.u32 $0xFFFF0000, v13;
	v25 =	vld.idx.msk [tilespmem:v10+s11+$0x170 ss:$0x1], $0xffff;
	[tilespmem:v9+s11+$0xFFFFFF60 ss:$0x1] =	vst.idx.msk $0xffff, v22;
	v21 =	vmul.f32 v21, v27  }
0x16f: {  	[tilespmem:v9+s7+$0xFFFFFFF0 ss:$0x1] =	vst.idx.msk $0xffff, v24;
	v22 =	vshll.u32 v12, $0x10;
	v11 =	vadd.f32 v11, v17;
	v18 =	vld.idx.msk [tilespmem:v18+s5+$0x0], $0xffff;
	v24 =	vshll.u32 v16, $0x10  }
0x170: {  	v22 =	vmul.f32 v22, v55;
	v10 =	vld.idx.msk [tilespmem:v10+s11+$0x70 ss:$0x1], $0xffff;
	v13 =	vadd.f32 v13, v21;
	v21 =	vmul.f32 v24, v29  }
0x171: {  	v12 =	vand.u32 $0xFFFF0000, v12;
	v14 =	vand.u32 $0xFFFF0000, v16;
	[tilespmem:v9+s9+$0xFFFFFF70 ss:$0x1] =	vst.idx.msk $0xffff, v11;
	v11 =	vor.u32 $0x80, v8  }
0x172: {  	[tilespmem:v9+s9+$0xF0 ss:$0x1] =	vst.idx.msk $0xffff, v15;
	v12 =	vadd.f32 v12, v22;
	v14 =	vadd.f32 v14, v21;
	v15 =	vshll.u32 v19, $0x10  }
0x173: {  	v16 =	vand.u32 $0xFFFF0000, v19;
	[tilespmem:v9+s9+$0xFFFFFFF0 ss:$0x1] =	vst.idx.msk $0xffff, v13;
	v13 =	vshll.u32 v20, $0x10;
	v15 =	vmul.f32 v15, v23  }
0x174: {  	s12 =	simm.s32 $0x3;
	v17 =	vand.u32 $0xFFFF0000, v20;
	[tilespmem:v9+s9+$0x70 ss:$0x1] =	vst.idx.msk $0xffff, v12;
	v13 =	vmul.f32 v13, v25;
	v12 =	vshll.u32 v18, $0x10  }
0x175: {  	s13 =	sadd.s32 s6, s0;
	v10 =	vmul.f32 v12, v10;
	v12 =	vadd.f32 v16, v15;
	v15 =	vmov s12  }
0x176: {  	s7 =	smul.u32 $0x5000, s13;
	v18 =	vand.u32 $0xFFFF0000, v18;
	[tilespmem:v9+s11+$0xF0 ss:$0x1] =	vst.idx.msk $0xffff, v14;
	v13 =	vadd.f32 v17, v13;
	v8 =	vand.u32 $0x7F, v15  }
0x177: {  	s12 =	simm.s32 $0x1;
	v10 =	vadd.f32 v18, v10;
	[tilespmem:v9+s11+$0xFFFFFFF0 ss:$0x1] =	vst.idx.msk $0xffff, v12;
	v8 =	vor.u32 v11, v8  }
0x178: {  	s13 =	simm.s32 $0x2;
	v12 =	vmov s12;
	[tilespmem:v9+s11+$0x70 ss:$0x1] =	vst.idx.msk $0xffff, v13;
	s12 =	sshrl.u32 s7, $0x3;
	v8 =	vbroadcast v8, $0x0  }
0x179: {  	v13 =	vmov s13;
	s7 =	sadd.s32 $0x6, s23;
	s13 =	simm.s32 $0x0;
	v12 =	vand.u32 $0x7D, v12;
	s9 =	sadd.s32 s4, s12;
	[tilespmem:v9+s11+$0xFFFFFF70 ss:$0x1] =	vst.idx.msk $0xffff, v10  }
0x17a: {  	v9 =	vor.u32 v11, v12;
	v10 =	vand.u32 $0x7E, v13;
	[hbm4b:s9+s13] =	stream.linear.scatter [tilespmem:s10], [sflag:s7], $0x2800, $0x38;
	[tilespmem:$0x1C600] =	vst v63  }
0x17b: {  	v10 =	vor.u32 v11, v10;
	v9 =	vbroadcast v9, $0x0;
	_ =	swait.ge [sflag:s29], $0x2800  }
0x17c: {  	v10 =	vbroadcast v10, $0x0;
	[sflag:s29] =	ssyncset.done $0x0  }
0x17d: {  	v12 =	vmov s13;
	[sflag:s29] =	ssyncadd.s32 $0xFFFFD800  }
0x17e: {  	v12 =	vand.u32 $0x7C, v12;
	v8 =	vld.idx.msk [tilespmem:v8+s21+$0x0], $0xffff  }
0x17f: {  	v12 =	vor.u32 v11, v12  }
0x180: {  	v12 =	vbroadcast v12, $0x0  }
0x181: {  	v9 =	vld.idx.msk [tilespmem:v9+s21+$0x0], $0xffff  }
0x182: {  	v10 =	vld.idx.msk [tilespmem:v10+s21+$0x0], $0xffff  }
0x183: {  	v17 =	vshll.u32 v8, $0x7  }
0x184: {  	v8 =	vor.u32 v0, v17;
	_ =	sdelay $0x1  }
0x185: {  	v15 =	vshll.u32 v9, $0x7;
	v9 =	vld.idx.msk [tilespmem:v12+s21+$0x0], $0xffff  }
0x186: {  	v16 =	vshll.u32 v10, $0x7;
	v10 =	vor.u32 v0, v15  }
0x187: {  	v12 =	vor.u32 v0, v16  }
0x188: {  	v8 =	vld.idx.msk [tilespmem:v8+s5+$0x0], $0xffff  }
0x189: {  	v13 =	vld [tilespmem:s28+$0xFFFFFF90]  }
0x18a: {  	v18 =	vld [tilespmem:s28+$0xFFFFFE90];
	v14 =	vshll.u32 v9, $0x7  }
0x18b: {  	v9 =	vld.idx.msk [tilespmem:v10+s5+$0x0], $0xffff;
	v10 =	vor.u32 v0, v14  }
0x18c: {  	v12 =	vld.idx.msk [tilespmem:v12+s5+$0x0], $0xffff  }
0x18d: {  	v20 =	vld [tilespmem:s28+$0xFFFFFF10];
	v19 =	vshll.u32 v8, $0x10  }
0x18e: {  	v13 =	vmul.f32 v19, v13;
	v19 =	vor.u32 v1, v17  }
0x18f: {  	v8 =	vand.u32 $0xFFFF0000, v8  }
0x190: {  	v10 =	vld.idx.msk [tilespmem:v10+s5+$0x0], $0xffff;
	v21 =	vshll.u32 v9, $0x10;
	v8 =	vadd.f32 v8, v13  }
0x191: {  	s29 =	sadd.s32 $0x14FF0, s26;
	v22 =	vor.u32 v1, v15;
	v13 =	vld [tilespmem:s28+$0xFFFFFE10];
	v18 =	vmul.f32 v21, v18;
	v21 =	vshll.u32 v12, $0x10  }
0x192: {  	v9 =	vand.u32 $0xFFFF0000, v9;
	[tilespmem:s29+$0xFFFFFF90] =	vst v8;
	v8 =	vmul.f32 v21, v20  }
0x193: {  	v23 =	vor.u32 v1, v16;
	v12 =	vand.u32 $0xFFFF0000, v12;
	v9 =	vadd.f32 v9, v18;
	v18 =	vld.idx.msk [tilespmem:v19+s5+$0x0], $0xffff  }
0x194: {  	v8 =	vadd.f32 v12, v8;
	v12 =	vld [tilespmem:s28+$0xFFFFFFA0]  }
0x195: {  	v19 =	vshll.u32 v10, $0x10;
	[tilespmem:s29+$0xFFFFFE90] =	vst v9  }
0x196: {  	v9 =	vor.u32 v1, v14;
	v13 =	vmul.f32 v19, v13;
	v19 =	vld.idx.msk [tilespmem:v22+s5+$0x0], $0xffff  }
0x197: {  	v20 =	vld [tilespmem:s28+$0xFFFFFEA0];
	[tilespmem:s29+$0xFFFFFF10] =	vst v8;
	v8 =	vand.u32 $0xFFFF0000, v10  }
0x198: {  	v10 =	vld.idx.msk [tilespmem:v23+s5+$0x0], $0xffff;
	v8 =	vadd.f32 v8, v13;
	v13 =	vshll.u32 v18, $0x10  }
0x199: {  	v21 =	vld [tilespmem:s28+$0xFFFFFF20];
	v12 =	vmul.f32 v13, v12;
	v13 =	vor.u32 v2, v17  }
0x19a: {  	[tilespmem:s29+$0xFFFFFE10] =	vst v8;
	v8 =	vand.u32 $0xFFFF0000, v18  }
0x19b: {  	v9 =	vld.idx.msk [tilespmem:v9+s5+$0x0], $0xffff;
	v8 =	vadd.f32 v8, v12  }
0x19c: {  	v18 =	vshll.u32 v19, $0x10;
	v12 =	vld [tilespmem:s28+$0xFFFFFE20]  }
0x19d: {  	v22 =	vshll.u32 v10, $0x10;
	[tilespmem:s29+$0xFFFFFFA0] =	vst v8;
	v8 =	vmul.f32 v18, v20;
	v18 =	vor.u32 v2, v15  }
0x19e: {  	v19 =	vand.u32 $0xFFFF0000, v19;
	v20 =	vmul.f32 v22, v21;
	v21 =	vor.u32 v2, v16;
	v13 =	vld.idx.msk [tilespmem:v13+s5+$0x0], $0xffff  }
0x19f: {  	v10 =	vand.u32 $0xFFFF0000, v10;
	v8 =	vadd.f32 v19, v8;
	v19 =	vld [tilespmem:s28+$0xFFFFFFB0]  }
0x1a0: {  	v22 =	vshll.u32 v9, $0x10;
	v10 =	vadd.f32 v10, v20  }
0x1a1: {  	v20 =	vor.u32 v2, v14;
	v12 =	vmul.f32 v22, v12;
	[tilespmem:s29+$0xFFFFFEA0] =	vst v8  }
0x1a2: {  	v8 =	vand.u32 $0xFFFF0000, v9;
	[tilespmem:s29+$0xFFFFFF20] =	vst v10;
	v9 =	vld.idx.msk [tilespmem:v18+s5+$0x0], $0xffff  }
0x1a3: {  	v8 =	vadd.f32 v8, v12;
	v10 =	vld.idx.msk [tilespmem:v21+s5+$0x0], $0xffff;
	v12 =	vshll.u32 v13, $0x10  }
0x1a4: {  	v12 =	vmul.f32 v12, v19;
	v19 =	vld [tilespmem:s28+$0xFFFFFEB0]  }
0x1a5: {  	v18 =	vor.u32 v3, v17;
	[tilespmem:s29+$0xFFFFFE20] =	vst v8;
	v8 =	vand.u32 $0xFFFF0000, v13;
	v13 =	vld [tilespmem:s28+$0xFFFFFF30]  }
0x1a6: {  	s11 =	simm.s32 $0x4;
	v20 =	vld.idx.msk [tilespmem:v20+s5+$0x0], $0xffff  }
0x1a7: {  	v21 =	vld [tilespmem:s28+$0xFFFFFE30];
	v8 =	vadd.f32 v8, v12;
	v12 =	vmov s11  }
0x1a8: {  	v12 =	vand.u32 $0x7C, v12;
	v22 =	vshll.u32 v9, $0x10  }
0x1a9: {  	v23 =	vshll.u32 v10, $0x10;
	[tilespmem:s29+$0xFFFFFFB0] =	vst v8;
	v8 =	vor.u32 v3, v15;
	v19 =	vmul.f32 v22, v19  }
0x1aa: {  	v9 =	vand.u32 $0xFFFF0000, v9;
	v18 =	vld.idx.msk [tilespmem:v18+s5+$0x0], $0xffff;
	v13 =	vmul.f32 v23, v13;
	v22 =	vor.u32 v3, v16  }
0x1ab: {  	v10 =	vand.u32 $0xFFFF0000, v10;
	v23 =	vld [tilespmem:s28+$0xFFFFFFC0];
	v24 =	vshll.u32 v20, $0x10;
	v9 =	vadd.f32 v9, v19  }
0x1ac: {  	v19 =	vmul.f32 v24, v21;
	v21 =	vor.u32 v3, v14;
	v10 =	vadd.f32 v10, v13  }
0x1ad: {  	v12 =	vor.u32 v11, v12;
	v13 =	vand.u32 $0xFFFF0000, v20;
	[tilespmem:s29+$0xFFFFFEB0] =	vst v9  }
0x1ae: {  	s12 =	simm.s32 $0x5;
	v9 =	vbroadcast v12, $0x0;
	v12 =	vadd.f32 v13, v19;
	[tilespmem:s29+$0xFFFFFF30] =	vst v10;
	v8 =	vld.idx.msk [tilespmem:v8+s5+$0x0], $0xffff  }
0x1af: {  	s13 =	simm.s32 $0x6;
	v20 =	vor.u32 v4, v17;
	v13 =	vmov s12;
	v10 =	vshll.u32 v18, $0x10;
	v19 =	vld.idx.msk [tilespmem:v22+s5+$0x0], $0xffff  }
0x1b0: {  	v22 =	vmov s13;
	v10 =	vmul.f32 v10, v23;
	[tilespmem:s29+$0xFFFFFE30] =	vst v12;
	v12 =	vand.u32 $0xFFFF0000, v18;
	v18 =	vld [tilespmem:s28+$0xFFFFFEC0]  }
0x1b1: {  	v13 =	vand.u32 $0x7D, v13;
	v22 =	vand.u32 $0x7E, v22;
	v21 =	vld.idx.msk [tilespmem:v21+s5+$0x0], $0xffff  }
0x1b2: {  	s11 =	simm.s32 $0x7;
	v13 =	vor.u32 v11, v13;
	v10 =	vadd.f32 v12, v10;
	v12 =	vor.u32 v11, v22;
	v22 =	vld [tilespmem:s28+$0xFFFFFF40]  }
0x1b3: {  	v23 =	vmov s11;
	s11 =	sadd.s32 $0x200, s28;
	v13 =	vbroadcast v13, $0x0;
	v24 =	vld [tilespmem:s28+$0xFFFFFE40]  }
0x1b4: {  	v61 =	vld [tilespmem:s11+$0xFFFFFF90];
	v12 =	vbroadcast v12, $0x0;
	[tilespmem:s29+$0xFFFFFFC0] =	vst v10;
	v10 =	vand.u32 $0x7F, v23;
	v23 =	vor.u32 v4, v15  }
0x1b5: {  	v25 =	vshll.u32 v8, $0x10;
	v8 =	vand.u32 $0xFFFF0000, v8;
	v20 =	vld.idx.msk [tilespmem:v20+s5+$0x0], $0xffff;
	v10 =	vor.u32 v11, v10  }
0x1b6: {  	v26 =	vshll.u32 v19, $0x10;
	v18 =	vmul.f32 v25, v18;
	v25 =	vld [tilespmem:s28+$0xFFFFFFD0];
	v10 =	vbroadcast v10, $0x0  }
0x1b7: {  	v43 =	vld [tilespmem:s11+$0xFFFFFF10];
	v19 =	vand.u32 $0xFFFF0000, v19;
	v27 =	vshll.u32 v21, $0x10;
	v22 =	vmul.f32 v26, v22  }
0x1b8: {  	s12 =	simm.s32 $0x8;
	v9 =	vld.idx.msk [tilespmem:v9+s21+$0x0], $0xffff;
	v8 =	vadd.f32 v8, v18;
	v18 =	vor.u32 v4, v16;
	v24 =	vmul.f32 v27, v24  }
0x1b9: {  	v21 =	vand.u32 $0xFFFF0000, v21;
	v13 =	vld.idx.msk [tilespmem:v13+s21+$0x0], $0xffff;
	v26 =	vor.u32 v4, v14;
	v27 =	vmov s12  }
0x1ba: {  	v19 =	vadd.f32 v19, v22;
	v12 =	vld.idx.msk [tilespmem:v12+s21+$0x0], $0xffff;
	[tilespmem:s29+$0xFFFFFEC0] =	vst v8;
	v21 =	vadd.f32 v21, v24;
	v8 =	vshll.u32 v20, $0x10  }
0x1bb: {  	v24 =	vand.u32 $0x7C, v27;
	v22 =	vld.idx.msk [tilespmem:v23+s5+$0x0], $0xffff;
	v23 =	vor.u32 v5, v17;
	v8 =	vmul.f32 v8, v25  }
0x1bc: {  	[tilespmem:s29+$0xFFFFFF40] =	vst v19;
	v19 =	vld.idx.msk [tilespmem:v10+s21+$0x0], $0xffff;
	v10 =	vand.u32 $0xFFFF0000, v20;
	v20 =	vor.u32 v11, v24  }
0x1bd: {  	v18 =	vld.idx.msk [tilespmem:v18+s5+$0x0], $0xffff;
	v10 =	vadd.f32 v10, v8;
	v20 =	vbroadcast v20, $0x0  }
0x1be: {  	[tilespmem:s29+$0xFFFFFE40] =	vst v21;
	v24 =	vld [tilespmem:s28+$0xFFFFFED0]  }
0x1bf: {  	v21 =	vld.idx.msk [tilespmem:v26+s5+$0x0], $0xffff;
	v8 =	vshll.u32 v9, $0x7;
	[tilespmem:s29+$0xFFFFFFD0] =	vst v10  }
0x1c0: {  	v9 =	vshll.u32 v13, $0x7;
	v25 =	vor.u32 v0, v8;
	v23 =	vld.idx.msk [tilespmem:v23+s5+$0x0], $0xffff  }
0x1c1: {  	v26 =	vor.u32 v0, v9;
	v10 =	vshll.u32 v12, $0x7;
	v12 =	vshll.u32 v19, $0x7;
	v19 =	vld [tilespmem:s28+$0xFFFFFFE0]  }
0x1c2: {  	v27 =	vld [tilespmem:s28+$0xFFFFFF50];
	v29 =	vshll.u32 v22, $0x10;
	v28 =	vor.u32 v0, v10  }
0x1c3: {  	v58 =	vor.u32 v0, v12;
	v13 =	vld.idx.msk [tilespmem:v20+s21+$0x0], $0xffff;
	v20 =	vmul.f32 v29, v24  }
0x1c4: {  	v60 =	vor.u32 v5, v15;
	v59 =	vld [tilespmem:s28+$0xFFFFFE50];
	v22 =	vand.u32 $0xFFFF0000, v22  }
0x1c5: {  	v24 =	vld.idx.msk [tilespmem:v25+s5+$0x0], $0xffff;
	v20 =	vadd.f32 v22, v20;
	v22 =	vshll.u32 v23, $0x10  }
0x1c6: {  	v25 =	vld.idx.msk [tilespmem:v26+s5+$0x0], $0xffff;
	v19 =	vmul.f32 v22, v19;
	v22 =	vor.u32 v6, v17  }
0x1c7: {  	v26 =	vld.idx.msk [tilespmem:v28+s5+$0x0], $0xffff;
	[tilespmem:s29+$0xFFFFFED0] =	vst v20;
	v20 =	vand.u32 $0xFFFF0000, v23  }
0x1c8: {  	v28 =	vld.idx.msk [tilespmem:v58+s5+$0x0], $0xffff;
	v19 =	vadd.f32 v20, v19;
	v20 =	vshll.u32 v18, $0x10  }
0x1c9: {  	v62 =	vor.u32 v5, v16;
	v29 =	vshll.u32 v21, $0x10;
	v23 =	vld.idx.msk [tilespmem:v60+s5+$0x0], $0xffff;
	v20 =	vmul.f32 v20, v27  }
0x1ca: {  	v18 =	vand.u32 $0xFFFF0000, v18;
	v27 =	vmul.f32 v29, v59;
	v29 =	vld [tilespmem:s11+$0xFFFFFE10];
	[tilespmem:s29+$0xFFFFFFE0] =	vst v19  }
0x1cb: {  	v19 =	vand.u32 $0xFFFF0000, v21;
	v21 =	vor.u32 v5, v14;
	v22 =	vld.idx.msk [tilespmem:v22+s5+$0x0], $0xffff;
	v18 =	vadd.f32 v18, v20  }
0x1cc: {  	v19 =	vadd.f32 v19, v27;
	v27 =	vld [tilespmem:s11+$0xFFFFFE90]  }
0x1cd: {  	v44 =	vor.u32 v1, v12;
	v42 =	vld [tilespmem:s28+$0xFFFFFFF0];
	v41 =	vshll.u32 v28, $0x10;
	[tilespmem:s29+$0xFFFFFF50] =	vst v18;
	v18 =	vshll.u32 v24, $0x10  }
0x1ce: {  	v30 =	vmul.f32 v41, v61;
	[tilespmem:s29+$0xFFFFFE50] =	vst v19;
	v19 =	vand.u32 $0xFFFF0000, v24;
	v24 =	vand.u32 $0xFFFF0000, v28;
	v28 =	vld.idx.msk [tilespmem:v62+s5+$0x0], $0xffff  }
0x1cf: {  	v63 =	vor.u32 v1, v9;
	v20 =	vor.u32 v1, v8;
	v18 =	vmul.f32 v18, v29;
	v50 =	vld [tilespmem:s28+$0xFFFFFE60]  }
0x1d0: {  	v17 =	vor.u32 v7, v17;
	v29 =	vshll.u32 v25, $0x10;
	v24 =	vadd.f32 v24, v30;
	v21 =	vld.idx.msk [tilespmem:v21+s5+$0x0], $0xffff  }
0x1d1: {  	s10 =	sadd.s32 $0x200, s29;
	v18 =	vadd.f32 v19, v18;
	v19 =	vmul.f32 v29, v27;
	v27 =	vld [tilespmem:s28+$0xFFFFFEE0];
	v29 =	vshll.u32 v22, $0x10  }
0x1d2: {  	v45 =	vshll.u32 v26, $0x10;
	v25 =	vand.u32 $0xFFFF0000, v25;
	[tilespmem:s10+$0xFFFFFF90] =	vst v24;
	v24 =	vld [tilespmem:s28+$0xFFFFFF60];
	v29 =	vmul.f32 v29, v42  }
0x1d3: {  	v22 =	vand.u32 $0xFFFF0000, v22;
	[tilespmem:s10+$0xFFFFFE10] =	vst v18;
	v18 =	vadd.f32 v25, v19;
	v19 =	vmul.f32 v45, v43;
	v25 =	vld.idx.msk [tilespmem:v44+s5+$0x0], $0xffff  }
0x1d4: {  	v26 =	vand.u32 $0xFFFF0000, v26;
	v20 =	vld.idx.msk [tilespmem:v20+s5+$0x0], $0xffff;
	v22 =	vadd.f32 v22, v29  }
0x1d5: {  	v40 =	vor.u32 v1, v10;
	[tilespmem:s10+$0xFFFFFE90] =	vst v18;
	v18 =	vadd.f32 v26, v19;
	v19 =	vld [tilespmem:s11+$0xFFFFFFA0]  }
0x1d6: {  	v46 =	vor.u32 v6, v15;
	v26 =	vld.idx.msk [tilespmem:v63+s5+$0x0], $0xffff;
	[tilespmem:s29+$0xFFFFFFF0] =	vst v22  }
0x1d7: {  	v48 =	vor.u32 v6, v16;
	v15 =	vor.u32 v7, v15;
	v22 =	vshll.u32 v23, $0x10;
	v17 =	vld.idx.msk [tilespmem:v17+s5+$0x0], $0xffff  }
0x1d8: {  	[tilespmem:s10+$0xFFFFFF10] =	vst v18;
	v18 =	vand.u32 $0xFFFF0000, v23;
	v23 =	vshll.u32 v28, $0x10;
	v22 =	vmul.f32 v22, v27;
	v47 =	vld [tilespmem:s28+$0x0]  }
0x1d9: {  	v16 =	vor.u32 v7, v16;
	v53 =	vor.u32 v2, v10;
	v23 =	vmul.f32 v23, v24;
	v24 =	vld [tilespmem:s11+$0xFFFFFEA0]  }
0x1da: {  	v28 =	vand.u32 $0xFFFF0000, v28;
	v29 =	vld.idx.msk [tilespmem:v40+s5+$0x0], $0xffff;
	v27 =	vshll.u32 v25, $0x10;
	v18 =	vadd.f32 v18, v22  }
0x1db: {  	v22 =	vld [tilespmem:s11+$0xFFFFFF20];
	v19 =	vmul.f32 v27, v19;
	v27 =	vor.u32 v2, v12;
	v23 =	vadd.f32 v28, v23  }
0x1dc: {  	v62 =	vor.u32 v3, v8;
	v25 =	vand.u32 $0xFFFF0000, v25;
	v28 =	vld [tilespmem:s11+$0xFFFFFE20];
	[tilespmem:s29+$0xFFFFFEE0] =	vst v18;
	v18 =	vand.u32 $0xFFFF0000, v20  }
0x1dd: {  	v19 =	vadd.f32 v25, v19;
	v25 =	vshll.u32 v20, $0x10;
	v20 =	vshll.u32 v26, $0x10;
	[tilespmem:s29+$0xFFFFFF60] =	vst v23;
	v55 =	vld [tilespmem:s28+$0xFFFFFEF0]  }
0x1de: {  	v49 =	vshll.u32 v21, $0x10;
	v20 =	vmul.f32 v20, v24;
	v24 =	vor.u32 v2, v9;
	v54 =	vld.idx.msk [tilespmem:v48+s5+$0x0], $0xffff  }
0x1df: {  	v26 =	vand.u32 $0xFFFF0000, v26;
	v51 =	vshll.u32 v17, $0x10;
	v52 =	vshll.u32 v29, $0x10;
	[tilespmem:s10+$0xFFFFFFA0] =	vst v19;
	v19 =	vld.idx.msk [tilespmem:v46+s5+$0x0], $0xffff  }
0x1e0: {  	v23 =	vand.u32 $0xFFFF0000, v29;
	v22 =	vmul.f32 v52, v22;
	v27 =	vld.idx.msk [tilespmem:v27+s5+$0x0], $0xffff;
	v20 =	vadd.f32 v26, v20  }
0x1e1: {  	v29 =	vmul.f32 v51, v47;
	v25 =	vmul.f32 v25, v28;
	v28 =	vor.u32 v2, v8;
	v26 =	vld [tilespmem:s11+$0xFFFFFFB0]  }
0x1e2: {  	v17 =	vand.u32 $0xFFFF0000, v17;
	v22 =	vadd.f32 v23, v22;
	v23 =	vmul.f32 v49, v50;
	[tilespmem:s10+$0xFFFFFEA0] =	vst v20;
	v20 =	vld [tilespmem:s28+$0xFFFFFF70]  }
0x1e3: {  	s13 =	simm.s32 $0x9;
	v21 =	vand.u32 $0xFFFF0000, v21;
	v17 =	vadd.f32 v17, v29;
	v18 =	vadd.f32 v18, v25;
	v24 =	vld.idx.msk [tilespmem:v24+s5+$0x0], $0xffff  }
0x1e4: {  	v29 =	vor.u32 v6, v14;
	[tilespmem:s10+$0xFFFFFF20] =	vst v22;
	v21 =	vadd.f32 v21, v23;
	v23 =	vmov s13;
	v57 =	vld [tilespmem:s11+$0xFFFFFEB0]  }
0x1e5: {  	v56 =	vshll.u32 v54, $0x10;
	v31 =	vand.u32 $0xFFFF0000, v54;
	[tilespmem:s10+$0xFFFFFE20] =	vst v18;
	v18 =	vld.idx.msk [tilespmem:v53+s5+$0x0], $0xffff;
	v25 =	vshll.u32 v27, $0x10  }
0x1e6: {  	v22 =	vshll.u32 v19, $0x10;
	v28 =	vld.idx.msk [tilespmem:v28+s5+$0x0], $0xffff;
	v25 =	vmul.f32 v25, v26;
	v26 =	vor.u32 v3, v12  }
0x1e7: {  	s13 =	simm.s32 $0xA;
	v19 =	vand.u32 $0xFFFF0000, v19;
	v59 =	vld [tilespmem:s11+$0xFFFFFF30];
	v27 =	vand.u32 $0xFFFF0000, v27;
	v22 =	vmul.f32 v22, v55  }
0x1e8: {  	v58 =	vmov s13;
	[tilespmem:s29+$0xFFFFFE60] =	vst v21;
	v21 =	vld [tilespmem:s11+$0xFFFFFE30];
	v20 =	vmul.f32 v56, v20;
	v25 =	vadd.f32 v27, v25  }
0x1e9: {  	v60 =	vld [tilespmem:s28+$0xFFFFFE70];
	v19 =	vadd.f32 v19, v22;
	v22 =	vshll.u32 v24, $0x10;
	v27 =	vor.u32 v3, v9  }
0x1ea: {  	v24 =	vand.u32 $0xFFFF0000, v24;
	v20 =	vadd.f32 v31, v20;
	v22 =	vmul.f32 v22, v57;
	[tilespmem:s10+$0xFFFFFFB0] =	vst v25;
	v25 =	vld.idx.msk [tilespmem:v29+s5+$0x0], $0xffff  }
0x1eb: {  	[tilespmem:s29+$0xFFFFFEF0] =	vst v19;
	v29 =	vshll.u32 v18, $0x10;
	v18 =	vand.u32 $0xFFFF0000, v18;
	v19 =	vshll.u32 v28, $0x10;
	v26 =	vld.idx.msk [tilespmem:v26+s5+$0x0], $0xffff  }
0x1ec: {  	[tilespmem:s29+$0xFFFFFF70] =	vst v20;
	v20 =	vand.u32 $0x7D, v23;
	v23 =	vmul.f32 v29, v59;
	v29 =	vor.u32 v3, v10;
	v61 =	vld [tilespmem:s11+$0xFFFFFFC0]  }
0x1ed: {  	v28 =	vand.u32 $0xFFFF0000, v28;
	v15 =	vld.idx.msk [tilespmem:v15+s5+$0x0], $0xffff;
	v19 =	vmul.f32 v19, v21;
	v21 =	vadd.f32 v24, v22  }
0x1ee: {  	v22 =	vand.u32 $0x7E, v58;
	v20 =	vor.u32 v11, v20;
	v63 =	vld.idx.msk [tilespmem:v16+s5+$0x0], $0xffff;
	v18 =	vadd.f32 v18, v23  }
0x1ef: {  	v16 =	vadd.f32 v28, v19;
	[tilespmem:s10+$0xFFFFFEB0] =	vst v21;
	v28 =	vld [tilespmem:s28+$0xFFFFFF00];
	v21 =	vor.u32 v11, v22;
	v23 =	vshll.u32 v25, $0x10  }
0x1f0: {  	v19 =	vld.idx.msk [tilespmem:v27+s5+$0x0], $0xffff;
	v24 =	vand.u32 $0xFFFF0000, v25;
	[tilespmem:s10+$0xFFFFFF30] =	vst v18;
	v22 =	vshll.u32 v26, $0x10;
	v25 =	vmul.f32 v23, v60  }
0x1f1: {  	v18 =	vbroadcast v20, $0x0;
	[tilespmem:s10+$0xFFFFFE30] =	vst v16;
	v20 =	vld.idx.msk [tilespmem:v29+s5+$0x0], $0xffff;
	v16 =	vmul.f32 v22, v61;
	v22 =	vor.u32 v4, v12  }
0x1f2: {  	v23 =	vld.idx.msk [tilespmem:v62+s5+$0x0], $0xffff;
	v26 =	vand.u32 $0xFFFF0000, v26;
	v29 =	vadd.f32 v24, v25;
	v24 =	vor.u32 v7, v14  }
0x1f3: {  	[tilespmem:s29+$0x0] =	vst v17;
	v25 =	vld [tilespmem:s11+$0xFFFFFEC0];
	v14 =	vshll.u32 v15, $0x10;
	v27 =	vadd.f32 v26, v16;
	v16 =	vand.u32 $0xFFFF0000, v15  }
0x1f4: {  	s12 =	simm.s32 $0xC;
	s13 =	simm.s32 $0xB;
	v26 =	vld [tilespmem:s11+$0xFFFFFF40];
	v17 =	vmul.f32 v14, v28;
	v15 =	vshll.u32 v63, $0x10;
	v14 =	vand.u32 $0xFFFF0000, v63;
	[tilespmem:s29+$0xFFFFFE70] =	vst v29  }
.LBB2_5:
0x1f5: {  	p1 =	slt.u32 s12, $0x4C;
	v21 =	vbroadcast v21, $0x0;
	v28 =	vmov s13;
	v29 =	vld [tilespmem:s11+$0xFFFFFE40];
	v30 =	vor.u32 v4, v9;
	[tilespmem:s10+$0xFFFFFFC0] =	vst v27  }
0x1f6: {  	v27 =	vand.u32 $0x7F, v28;
	v28 =	vshll.u32 v19, $0x10;
	v19 =	vand.u32 $0xFFFF0000, v19;
	v22 =	vld.idx.msk [tilespmem:v22+s5+$0x0], $0xffff  }
0x1f7: {  	v31 =	vshll.u32 v20, $0x10;
	v20 =	vand.u32 $0xFFFF0000, v20;
	v27 =	vor.u32 v11, v27;
	v24 =	vld.idx.msk [tilespmem:v24+s5+$0x0], $0xffff  }
0x1f8: {  	v32 =	vshll.u32 v23, $0x10;
	v27 =	vbroadcast v27, $0x0;
	v25 =	vmul.f32 v28, v25;
	v28 =	vld [tilespmem:s11+$0xFFFFFFD0]  }
0x1f9: {  	v16 =	vadd.f32 v16, v17;
	v23 =	vand.u32 $0xFFFF0000, v23;
	v26 =	vmul.f32 v31, v26;
	v17 =	vld [tilespmem:s28+$0xFFFFFF80]  }
0x1fa: {  	v29 =	vmul.f32 v32, v29;
	v19 =	vadd.f32 v19, v25;
	v25 =	vor.u32 v4, v10;
	v31 =	vld [tilespmem:s28+$0xFFFFFE80];
	s28 =	smov.u32 s11  }
0x1fb: {  	v33 =	vor.u32 v4, v8;
	v32 =	vmov s12;
	v18 =	vld.idx.msk [tilespmem:v18+s21+$0x0], $0xffff;
	v20 =	vadd.f32 v20, v26;
	[tilespmem:s29+$0xFFFFFF00] =	vst v16  }
0x1fc: {  	v16 =	vand.u32 $0x7C, v32;
	v21 =	vld.idx.msk [tilespmem:v21+s21+$0x0], $0xffff;
	v23 =	vadd.f32 v23, v29;
	[tilespmem:s10+$0xFFFFFEC0] =	vst v19;
	v19 =	vshll.u32 v22, $0x10  }
0x1fd: {  	v26 =	vld.idx.msk [tilespmem:v30+s5+$0x0], $0xffff;
	[tilespmem:s10+$0xFFFFFF40] =	vst v20;
	v19 =	vmul.f32 v19, v28;
	v20 =	vor.u32 v5, v12;
	v28 =	vshll.u32 v24, $0x10  }
0x1fe: {  	v22 =	vand.u32 $0xFFFF0000, v22;
	v27 =	vld.idx.msk [tilespmem:v27+s21+$0x0], $0xffff;
	[tilespmem:s10+$0xFFFFFE40] =	vst v23;
	v23 =	vand.u32 $0xFFFF0000, v24;
	v15 =	vmul.f32 v15, v17  }
0x1ff: {  	v16 =	vor.u32 v11, v16;
	v17 =	vld.idx.msk [tilespmem:v25+s5+$0x0], $0xffff;
	v19 =	vadd.f32 v22, v19;
	v22 =	vmul.f32 v28, v31  }
0x200: {  	v24 =	vbroadcast v16, $0x0;
	v25 =	vld.idx.msk [tilespmem:v33+s5+$0x0], $0xffff;
	v28 =	vadd.f32 v14, v15  }
0x201: {  	v14 =	vshll.u32 v13, $0x7;
	v29 =	vld [tilespmem:s11+$0xFFFFFED0];
	[tilespmem:s10+$0xFFFFFFD0] =	vst v19;
	v13 =	vadd.f32 v23, v22  }
0x202: {  	v16 =	vshll.u32 v18, $0x7;
	v19 =	vor.u32 v0, v14;
	v15 =	vshll.u32 v21, $0x7;
	v18 =	vld.idx.msk [tilespmem:v20+s5+$0x0], $0xffff;
	[tilespmem:s29+$0xFFFFFF80] =	vst v28  }
0x203: {  	v20 =	vor.u32 v0, v16;
	v21 =	vshll.u32 v26, $0x10;
	v22 =	vand.u32 $0xFFFF0000, v26;
	v23 =	vld [tilespmem:s11+$0xFFFFFF50];
	[tilespmem:s29+$0xFFFFFE80] =	vst v13;
	s29 =	smov.u32 s10  }
0x204: {  	v26 =	vor.u32 v0, v15;
	v28 =	vor.u32 v5, v9;
	v27 =	vshll.u32 v27, $0x7;
	v30 =	vld [tilespmem:s11+$0xFFFFFFE0]  }
0x205: {  	v31 =	vor.u32 v0, v27;
	v33 =	vshll.u32 v17, $0x10;
	v17 =	vand.u32 $0xFFFF0000, v17;
	v32 =	vld [tilespmem:s11+$0xFFFFFE50]  }
0x206: {  	v13 =	vld.idx.msk [tilespmem:v24+s21+$0x0], $0xffff;
	v24 =	vshll.u32 v25, $0x10;
	v25 =	vand.u32 $0xFFFF0000, v25;
	v21 =	vmul.f32 v21, v29  }
0x207: {  	v19 =	vld.idx.msk [tilespmem:v19+s5+$0x0], $0xffff  }
0x208: {  	v20 =	vld.idx.msk [tilespmem:v20+s5+$0x0], $0xffff;
	v21 =	vadd.f32 v22, v21;
	v22 =	vmul.f32 v33, v23;
	v23 =	vshll.u32 v18, $0x10  }
0x209: {  	v29 =	vor.u32 v6, v12;
	v26 =	vld.idx.msk [tilespmem:v26+s5+$0x0], $0xffff;
	v23 =	vmul.f32 v23, v30  }
0x20a: {  	v18 =	vand.u32 $0xFFFF0000, v18;
	v30 =	vld.idx.msk [tilespmem:v31+s5+$0x0], $0xffff;
	v24 =	vmul.f32 v24, v32;
	[tilespmem:s10+$0xFFFFFED0] =	vst v21;
	v17 =	vadd.f32 v17, v22  }
0x20b: {  	s11 =	sadd.s32 $0x200, s11;
	v21 =	vld.idx.msk [tilespmem:v28+s5+$0x0], $0xffff;
	v18 =	vadd.f32 v18, v23  }
0x20c: {  	v22 =	vld [tilespmem:s11+$0xFFFFFF90];
	v23 =	vadd.f32 v25, v24;
	[tilespmem:s10+$0xFFFFFF50] =	vst v17  }
0x20d: {  	v24 =	vor.u32 v5, v10;
	v17 =	vld [tilespmem:s11+$0xFFFFFE10];
	[tilespmem:s10+$0xFFFFFFE0] =	vst v18  }
0x20e: {  	v18 =	vor.u32 v5, v8;
	[tilespmem:s10+$0xFFFFFE50] =	vst v23;
	v23 =	vld.idx.msk [tilespmem:v29+s5+$0x0], $0xffff  }
0x20f: {  	v31 =	vor.u32 v1, v15;
	v25 =	vor.u32 v1, v14;
	v29 =	vor.u32 v1, v16;
	v28 =	vld [tilespmem:s11+$0xFFFFFE90]  }
0x210: {  	v32 =	vshll.u32 v19, $0x10;
	v19 =	vand.u32 $0xFFFF0000, v19;
	v33 =	vshll.u32 v30, $0x10;
	v34 =	vld [tilespmem:s28+$0xFFFFFFF0]  }
0x211: {  	v36 =	vshll.u32 v21, $0x10;
	v35 =	vld [tilespmem:s11+$0xFFFFFF10];
	v22 =	vmul.f32 v33, v22;
	v33 =	vor.u32 v1, v27  }
0x212: {  	v30 =	vand.u32 $0xFFFF0000, v30;
	v21 =	vand.u32 $0xFFFF0000, v21;
	v17 =	vmul.f32 v32, v17;
	v24 =	vld.idx.msk [tilespmem:v24+s5+$0x0], $0xffff  }
0x213: {  	v32 =	vshll.u32 v20, $0x10;
	v20 =	vand.u32 $0xFFFF0000, v20;
	v22 =	vadd.f32 v30, v22;
	v18 =	vld.idx.msk [tilespmem:v18+s5+$0x0], $0xffff  }
0x214: {  	s10 =	sadd.s32 $0x200, s10;
	v30 =	vshll.u32 v23, $0x10;
	v17 =	vadd.f32 v19, v17;
	v19 =	vmul.f32 v32, v28;
	v28 =	vld [tilespmem:s28+$0xFFFFFEE0]  }
0x215: {  	v32 =	vshll.u32 v26, $0x10;
	[tilespmem:s10+$0xFFFFFF90] =	vst v22;
	v22 =	vld [tilespmem:s28+$0xFFFFFF60];
	v30 =	vmul.f32 v30, v34;
	v34 =	vor.u32 v7, v12;
	v12 =	vmovc v27  }
0x216: {  	v23 =	vand.u32 $0xFFFF0000, v23;
	[tilespmem:s10+$0xFFFFFE10] =	vst v17;
	v17 =	vadd.f32 v20, v19;
	v19 =	vmul.f32 v32, v35;
	v20 =	vld.idx.msk [tilespmem:v33+s5+$0x0], $0xffff  }
0x217: {  	v26 =	vand.u32 $0xFFFF0000, v26;
	v25 =	vld.idx.msk [tilespmem:v25+s5+$0x0], $0xffff;
	v23 =	vadd.f32 v23, v30  }
0x218: {  	[tilespmem:s10+$0xFFFFFE90] =	vst v17;
	v17 =	vadd.f32 v26, v19;
	v19 =	vld [tilespmem:s11+$0xFFFFFFA0];
	v26 =	vshll.u32 v24, $0x10;
	v24 =	vand.u32 $0xFFFF0000, v24  }
0x219: {  	v27 =	vld.idx.msk [tilespmem:v29+s5+$0x0], $0xffff;
	v29 =	vshll.u32 v18, $0x10;
	v18 =	vand.u32 $0xFFFF0000, v18;
	v28 =	vmul.f32 v36, v28;
	[tilespmem:s29+$0xFFFFFFF0] =	vst v23  }
0x21a: {  	[tilespmem:s10+$0xFFFFFF10] =	vst v17;
	v17 =	vmul.f32 v26, v22;
	v22 =	vld.idx.msk [tilespmem:v34+s5+$0x0], $0xffff  }
0x21b: {  	v23 =	vld.idx.msk [tilespmem:v31+s5+$0x0], $0xffff;
	v21 =	vadd.f32 v21, v28  }
0x21c: {  	v26 =	vshll.u32 v20, $0x10;
	v28 =	vor.u32 v6, v9;
	v17 =	vadd.f32 v24, v17;
	v24 =	vld [tilespmem:s28+$0x0]  }
0x21d: {  	v30 =	vshll.u32 v25, $0x10;
	v31 =	vld [tilespmem:s11+$0xFFFFFEA0];
	v19 =	vmul.f32 v26, v19;
	v26 =	vor.u32 v2, v12;
	[tilespmem:s29+$0xFFFFFEE0] =	vst v21  }
0x21e: {  	v20 =	vand.u32 $0xFFFF0000, v20;
	v21 =	vand.u32 $0xFFFF0000, v25;
	v25 =	vld [tilespmem:s11+$0xFFFFFF20];
	[tilespmem:s29+$0xFFFFFF60] =	vst v17;
	v17 =	vor.u32 v6, v10  }
0x21f: {  	v33 =	vshll.u32 v27, $0x10;
	v27 =	vand.u32 $0xFFFF0000, v27;
	v32 =	vld [tilespmem:s11+$0xFFFFFE20];
	v19 =	vadd.f32 v20, v19  }
0x220: {  	v34 =	vshll.u32 v22, $0x10;
	v20 =	vld [tilespmem:s28+$0xFFFFFE60]  }
0x221: {  	v35 =	vshll.u32 v23, $0x10;
	v23 =	vand.u32 $0xFFFF0000, v23;
	[tilespmem:s10+$0xFFFFFFA0] =	vst v19;
	v19 =	vld.idx.msk [tilespmem:v28+s5+$0x0], $0xffff;
	v24 =	vmul.f32 v34, v24  }
0x222: {  	v22 =	vand.u32 $0xFFFF0000, v22;
	v28 =	vmul.f32 v33, v31;
	v31 =	vor.u32 v2, v16;
	v26 =	vld.idx.msk [tilespmem:v26+s5+$0x0], $0xffff  }
0x223: {  	v33 =	vor.u32 v2, v15;
	v25 =	vmul.f32 v35, v25;
	v17 =	vld.idx.msk [tilespmem:v17+s5+$0x0], $0xffff;
	v22 =	vadd.f32 v22, v24  }
0x224: {  	v24 =	vmul.f32 v30, v32;
	v30 =	vor.u32 v2, v14;
	v27 =	vadd.f32 v27, v28;
	v28 =	vld [tilespmem:s11+$0xFFFFFFB0]  }
0x225: {  	v23 =	vadd.f32 v23, v25;
	v20 =	vmul.f32 v29, v20;
	v25 =	vld [tilespmem:s28+$0xFFFFFEF0];
	[tilespmem:s29+$0x0] =	vst v22  }
0x226: {  	v21 =	vadd.f32 v21, v24;
	[tilespmem:s10+$0xFFFFFEA0] =	vst v27;
	v22 =	vld [tilespmem:s28+$0xFFFFFF70]  }
0x227: {  	s13 =	sadd.s32 $0x1, s12;
	v24 =	vld.idx.msk [tilespmem:v31+s5+$0x0], $0xffff;
	[tilespmem:s10+$0xFFFFFF20] =	vst v23;
	v18 =	vadd.f32 v18, v20;
	v20 =	vshll.u32 v19, $0x10;
	v19 =	vand.u32 $0xFFFF0000, v19  }
0x228: {  	v29 =	vor.u32 v6, v8;
	v23 =	vmov s13;
	v27 =	vshll.u32 v26, $0x10;
	[tilespmem:s10+$0xFFFFFE20] =	vst v21;
	v21 =	vld.idx.msk [tilespmem:v33+s5+$0x0], $0xffff  }
0x229: {  	v30 =	vld.idx.msk [tilespmem:v30+s5+$0x0], $0xffff;
	v27 =	vmul.f32 v27, v28;
	v28 =	vor.u32 v3, v12;
	[tilespmem:s29+$0xFFFFFE60] =	vst v18;
	v18 =	vshll.u32 v17, $0x10  }
0x22a: {  	s13 =	sadd.s32 $0x2, s12;
	v26 =	vand.u32 $0xFFFF0000, v26;
	v17 =	vand.u32 $0xFFFF0000, v17;
	v31 =	vld [tilespmem:s11+$0xFFFFFEB0];
	v20 =	vmul.f32 v20, v25  }
0x22b: {  	v25 =	vmov s13;
	v32 =	vld [tilespmem:s11+$0xFFFFFF30];
	v26 =	vadd.f32 v26, v27;
	v18 =	vmul.f32 v18, v22  }
0x22c: {  	v27 =	vor.u32 v7, v10;
	v22 =	vld [tilespmem:s11+$0xFFFFFE30];
	v19 =	vadd.f32 v19, v20;
	v20 =	vor.u32 v7, v9;
	v9 =	vmovc v16  }
0x22d: {  	v10 =	vmovc v15;
	v16 =	vshll.u32 v24, $0x10;
	v24 =	vand.u32 $0xFFFF0000, v24;
	[tilespmem:s10+$0xFFFFFFB0] =	vst v26;
	v26 =	vld.idx.msk [tilespmem:v29+s5+$0x0], $0xffff;
	v17 =	vadd.f32 v17, v18  }
0x22e: {  	v15 =	vor.u32 v3, v9;
	v18 =	vshll.u32 v21, $0x10;
	v21 =	vand.u32 $0xFFFF0000, v21;
	v28 =	vld.idx.msk [tilespmem:v28+s5+$0x0], $0xffff;
	[tilespmem:s29+$0xFFFFFEF0] =	vst v19  }
0x22f: {  	v19 =	vshll.u32 v30, $0x10;
	v29 =	vand.u32 $0xFFFF0000, v30;
	v16 =	vmul.f32 v16, v31;
	v30 =	vld [tilespmem:s28+$0xFFFFFE70];
	[tilespmem:s29+$0xFFFFFF70] =	vst v17  }
0x230: {  	v17 =	vand.u32 $0x7D, v23;
	v23 =	vor.u32 v3, v10;
	v18 =	vmul.f32 v18, v32;
	v31 =	vld [tilespmem:s11+$0xFFFFFFC0]  }
0x231: {  	v32 =	vor.u32 v3, v14;
	v19 =	vmul.f32 v19, v22;
	v16 =	vadd.f32 v24, v16;
	v33 =	vld.idx.msk [tilespmem:v20+s5+$0x0], $0xffff  }
0x232: {  	v17 =	vor.u32 v11, v17;
	v20 =	vand.u32 $0x7E, v25;
	v18 =	vadd.f32 v21, v18;
	v34 =	vld.idx.msk [tilespmem:v27+s5+$0x0], $0xffff  }
0x233: {  	v24 =	vand.u32 $0xFFFF0000, v26;
	v22 =	vadd.f32 v29, v19;
	[tilespmem:s10+$0xFFFFFEB0] =	vst v16;
	v16 =	vshll.u32 v26, $0x10;
	v29 =	vld [tilespmem:s28+$0xFFFFFF00]  }
.Ltmp1:
0x234: {  	v21 =	vor.u32 v11, v20;
	v19 =	vld.idx.msk [tilespmem:v15+s5+$0x0], $0xffff;
	[tilespmem:s10+$0xFFFFFF30] =	vst v18;
	v15 =	vshll.u32 v28, $0x10;
	v16 =	vmul.f32 v16, v30;
	(pc) =	sbr.rel @p1 .LBB2_5-.Ltmp1, $4  }
0x235: {  	v18 =	vbroadcast v17, $0x0;
	[tilespmem:s10+$0xFFFFFE30] =	vst v22;
	v20 =	vld.idx.msk [tilespmem:v23+s5+$0x0], $0xffff;
	v15 =	vmul.f32 v15, v31;
	v22 =	vor.u32 v4, v12  }
0x236: {  	v17 =	vand.u32 $0xFFFF0000, v28;
	v23 =	vld.idx.msk [tilespmem:v32+s5+$0x0], $0xffff;
	v28 =	vadd.f32 v24, v16;
	v24 =	vor.u32 v7, v8;
	v8 =	vmovc v14  }
0x237: {  	v14 =	vshll.u32 v33, $0x10;
	v16 =	vand.u32 $0xFFFF0000, v33;
	v25 =	vld [tilespmem:s11+$0xFFFFFEC0];
	v27 =	vadd.f32 v17, v15  }
0x238: {  	s13 =	sadd.s32 $0x3, s12;
	s12 =	sadd.s32 $0x4, s12;
	v15 =	vshll.u32 v34, $0x10;
	v26 =	vld [tilespmem:s11+$0xFFFFFF40];
	[tilespmem:s29+$0xFFFFFE70] =	vst v28;
	v17 =	vmul.f32 v14, v29;
	v14 =	vand.u32 $0xFFFF0000, v34  }
0x239: {  	_ =	sdelay $0x1  }
0x23a: {  	v28 =	vmov s13  }
0x23b: {  	v21 =	vbroadcast v21, $0x0;
	v28 =	vand.u32 $0x7F, v28  }
0x23c: {  	v18 =	vld.idx.msk [tilespmem:v18+s21+$0x0], $0xffff;
	v11 =	vor.u32 v11, v28  }
0x23d: {  	v29 =	vld [tilespmem:s11+$0xFFFFFE40];
	[tilespmem:s10+$0xFFFFFFC0] =	vst v27;
	v11 =	vbroadcast v11, $0x0  }
0x23e: {  	v32 =	vld.idx.msk [tilespmem:v22+s5+$0x0], $0xffff  }
0x23f: {  	s12 =	sadd.s32 $0x200, s11;
	v50 =	vld [tilespmem:s11+$0xFFFFFFD0]  }
0x240: {  	v34 =	vld [tilespmem:s12+$0xFFFFFF90]  }
0x241: {  	v31 =	vld.idx.msk [tilespmem:v21+s21+$0x0], $0xffff  }
0x242: {  	v43 =	vshll.u32 v19, $0x10;
	v58 =	vld [tilespmem:s12+$0xFFFFFE90]  }
0x243: {  	v30 =	vor.u32 v4, v9;
	v47 =	vmul.f32 v43, v25;
	v42 =	vld.idx.msk [tilespmem:v11+s21+$0x0], $0xffff  }
0x244: {  	v44 =	vand.u32 $0xFFFF0000, v19;
	v61 =	vld [tilespmem:s12+$0xFFFFFF10];
	v19 =	vshll.u32 v18, $0x7  }
0x245: {  	v27 =	vadd.f32 v44, v47;
	v18 =	vld [tilespmem:s28+$0xFFFFFE80];
	v33 =	vor.u32 v0, v19  }
0x246: {  	v45 =	vshll.u32 v20, $0x10;
	v46 =	vand.u32 $0xFFFF0000, v20;
	v44 =	vld [tilespmem:s12+$0xFFFFFE10];
	v20 =	vshll.u32 v31, $0x7  }
0x247: {  	v13 =	vshll.u32 v13, $0x7;
	v21 =	vld [tilespmem:s28+$0xFFFFFF80];
	[tilespmem:s10+$0xFFFFFEC0] =	vst v27;
	v51 =	vor.u32 v0, v20  }
0x248: {  	v60 =	vor.u32 v0, v13;
	v48 =	vmul.f32 v45, v26;
	v27 =	vld.idx.msk [tilespmem:v30+s5+$0x0], $0xffff;
	v22 =	vshll.u32 v42, $0x7  }
0x249: {  	v54 =	vor.u32 v4, v8;
	v52 =	vshll.u32 v23, $0x10;
	v11 =	vld.idx.msk [tilespmem:v24+s5+$0x0], $0xffff;
	v28 =	vor.u32 v0, v22  }
0x24a: {  	v29 =	vmul.f32 v52, v29;
	v56 =	vshll.u32 v32, $0x10;
	v24 =	vadd.f32 v46, v48;
	v53 =	vld.idx.msk [tilespmem:v33+s5+$0x0], $0xffff  }
0x24b: {  	v55 =	vand.u32 $0xFFFF0000, v23;
	v26 =	vmul.f32 v56, v50;
	v36 =	vld [tilespmem:s11+$0xFFFFFED0]  }
0x24c: {  	v57 =	vor.u32 v5, v12;
	v32 =	vand.u32 $0xFFFF0000, v32;
	v23 =	vadd.f32 v55, v29;
	[tilespmem:s10+$0xFFFFFF40] =	vst v24;
	v24 =	vld.idx.msk [tilespmem:v51+s5+$0x0], $0xffff  }
0x24d: {  	v59 =	vadd.f32 v32, v26;
	v26 =	vld.idx.msk [tilespmem:v60+s5+$0x0], $0xffff  }
0x24e: {  	v49 =	vor.u32 v4, v10;
	[tilespmem:s10+$0xFFFFFE40] =	vst v23;
	v28 =	vld.idx.msk [tilespmem:v28+s5+$0x0], $0xffff  }
0x24f: {  	v30 =	vld.idx.msk [tilespmem:v54+s5+$0x0], $0xffff;
	v37 =	vshll.u32 v53, $0x10  }
0x250: {  	v40 =	vor.u32 v1, v19;
	v60 =	vld [tilespmem:s11+$0xFFFFFE50];
	[tilespmem:s10+$0xFFFFFFD0] =	vst v59;
	v41 =	vmul.f32 v37, v58  }
0x251: {  	v29 =	vld.idx.msk [tilespmem:v57+s5+$0x0], $0xffff;
	v43 =	vor.u32 v1, v20;
	v31 =	vand.u32 $0xFFFF0000, v53;
	v42 =	vshll.u32 v24, $0x10  }
0x252: {  	v38 =	vld [tilespmem:s11+$0xFFFFFFE0];
	v57 =	vor.u32 v1, v13;
	v45 =	vadd.f32 v31, v41;
	v32 =	vmul.f32 v42, v61  }
0x253: {  	s13 =	sadd.s32 $0x200, s10;
	v25 =	vld.idx.msk [tilespmem:v49+s5+$0x0], $0xffff;
	v46 =	vshll.u32 v27, $0x10;
	v24 =	vand.u32 $0xFFFF0000, v24;
	v35 =	vshll.u32 v28, $0x10  }
0x254: {  	v59 =	vld [tilespmem:s11+$0xFFFFFF50];
	v63 =	vor.u32 v1, v22;
	[tilespmem:s13+$0xFFFFFE90] =	vst v45;
	v24 =	vadd.f32 v24, v32;
	v62 =	vmul.f32 v35, v34  }
0x255: {  	v27 =	vand.u32 $0xFFFF0000, v27;
	v55 =	vshll.u32 v26, $0x10;
	v50 =	vld.idx.msk [tilespmem:v40+s5+$0x0], $0xffff;
	v28 =	vand.u32 $0xFFFF0000, v28  }
0x256: {  	v33 =	vmul.f32 v55, v44;
	v49 =	vshll.u32 v29, $0x10;
	v56 =	vld [tilespmem:s12+$0xFFFFFEA0];
	[tilespmem:s13+$0xFFFFFF10] =	vst v24;
	v23 =	vadd.f32 v28, v62  }
0x257: {  	v26 =	vand.u32 $0xFFFF0000, v26;
	v52 =	vmul.f32 v49, v38;
	v28 =	vmul.f32 v46, v36;
	v53 =	vld.idx.msk [tilespmem:v43+s5+$0x0], $0xffff  }
0x258: {  	v51 =	vor.u32 v5, v9;
	v29 =	vand.u32 $0xFFFF0000, v29;
	v26 =	vadd.f32 v26, v33;
	v39 =	vld [tilespmem:s12+$0xFFFFFF20];
	[tilespmem:s13+$0xFFFFFF90] =	vst v23  }
0x259: {  	v27 =	vadd.f32 v27, v28;
	v28 =	vadd.f32 v29, v52;
	v47 =	vld.idx.msk [tilespmem:v63+s5+$0x0], $0xffff  }
0x25a: {  	[tilespmem:s13+$0xFFFFFE10] =	vst v26;
	v62 =	vshll.u32 v50, $0x10;
	v48 =	vld [tilespmem:s12+$0xFFFFFFA0]  }
0x25b: {  	v41 =	vld.idx.msk [tilespmem:v57+s5+$0x0], $0xffff;
	v40 =	vor.u32 v2, v19;
	[tilespmem:s10+$0xFFFFFFE0] =	vst v28;
	v28 =	vmul.f32 v62, v56  }
0x25c: {  	v54 =	vor.u32 v6, v12;
	v45 =	vshll.u32 v25, $0x10;
	v34 =	vand.u32 $0xFFFF0000, v50;
	v43 =	vld [tilespmem:s12+$0xFFFFFE20];
	[tilespmem:s10+$0xFFFFFED0] =	vst v27  }
0x25d: {  	v61 =	vor.u32 v2, v22;
	v24 =	vld.idx.msk [tilespmem:v51+s5+$0x0], $0xffff;
	v63 =	vshll.u32 v53, $0x10;
	v44 =	vadd.f32 v34, v28  }
0x25e: {  	v42 =	vor.u32 v2, v20;
	v62 =	vld [tilespmem:s11+$0xFFFFFEE0];
	v26 =	vmul.f32 v63, v39;
	v58 =	vshll.u32 v47, $0x10  }
0x25f: {  	v32 =	vand.u32 $0xFFFF0000, v53;
	v28 =	vmul.f32 v45, v59;
	v59 =	vld [tilespmem:s11+$0xFFFFFFF0];
	[tilespmem:s13+$0xFFFFFEA0] =	vst v44;
	v23 =	vmul.f32 v58, v48  }
0x260: {  	v49 =	vor.u32 v5, v10;
	v31 =	vand.u32 $0xFFFF0000, v47;
	v26 =	vadd.f32 v32, v26;
	v50 =	vld.idx.msk [tilespmem:v40+s5+$0x0], $0xffff  }
0x261: {  	v25 =	vand.u32 $0xFFFF0000, v25;
	v46 =	vshll.u32 v30, $0x10;
	v55 =	vld [tilespmem:s12+$0xFFFFFEB0];
	v23 =	vadd.f32 v31, v23  }
0x262: {  	v56 =	vor.u32 v2, v13;
	v48 =	vmul.f32 v46, v60;
	[tilespmem:s13+$0xFFFFFF20] =	vst v26;
	v31 =	vld.idx.msk [tilespmem:v54+s5+$0x0], $0xffff;
	v54 =	vshll.u32 v41, $0x10  }
0x263: {  	v51 =	vand.u32 $0xFFFF0000, v30;
	v25 =	vadd.f32 v25, v28;
	v53 =	vld.idx.msk [tilespmem:v42+s5+$0x0], $0xffff;
	v26 =	vmul.f32 v54, v43;
	[tilespmem:s13+$0xFFFFFFA0] =	vst v23  }
0x264: {  	v36 =	vand.u32 $0xFFFF0000, v41;
	v23 =	vadd.f32 v51, v48;
	v33 =	vld.idx.msk [tilespmem:v61+s5+$0x0], $0xffff  }
0x265: {  	v52 =	vor.u32 v5, v8;
	[tilespmem:s10+$0xFFFFFF50] =	vst v25;
	v47 =	vld [tilespmem:s12+$0xFFFFFFB0];
	v26 =	vadd.f32 v36, v26  }
0x266: {  	v63 =	vor.u32 v3, v19;
	v60 =	vor.u32 v3, v22;
	v58 =	vld [tilespmem:s12+$0xFFFFFF30];
	v61 =	vshll.u32 v50, $0x10;
	[tilespmem:s10+$0xFFFFFE50] =	vst v23  }
0x267: {  	v48 =	vor.u32 v7, v12;
	v23 =	vld.idx.msk [tilespmem:v49+s5+$0x0], $0xffff;
	v28 =	vmul.f32 v61, v55;
	[tilespmem:s13+$0xFFFFFE20] =	vst v26  }
0x268: {  	v32 =	vand.u32 $0xFFFF0000, v50;
	v49 =	vshll.u32 v24, $0x10;
	v46 =	vshll.u32 v31, $0x10;
	v41 =	vld.idx.msk [tilespmem:v56+s5+$0x0], $0xffff  }
0x269: {  	v44 =	vld [tilespmem:s12+$0xFFFFFE30];
	v28 =	vadd.f32 v32, v28;
	v25 =	vmul.f32 v46, v59;
	v57 =	vshll.u32 v33, $0x10  }
0x26a: {  	v30 =	vld.idx.msk [tilespmem:v52+s5+$0x0], $0xffff;
	v40 =	vshll.u32 v53, $0x10;
	v50 =	vand.u32 $0xFFFF0000, v31;
	v29 =	vmul.f32 v57, v47  }
0x26b: {  	v42 =	vmul.f32 v40, v58;
	v58 =	vld [tilespmem:s11+$0xFFFFFF60];
	v33 =	vand.u32 $0xFFFF0000, v33;
	[tilespmem:s13+$0xFFFFFEB0] =	vst v28;
	v25 =	vadd.f32 v50, v25  }
0x26c: {  	v43 =	vor.u32 v3, v20;
	v28 =	vmul.f32 v49, v62;
	v26 =	vld.idx.msk [tilespmem:v63+s5+$0x0], $0xffff;
	v29 =	vadd.f32 v33, v29  }
0x26d: {  	v24 =	vand.u32 $0xFFFF0000, v24;
	v45 =	vand.u32 $0xFFFF0000, v53;
	v55 =	vld [tilespmem:s12+$0xFFFFFEC0];
	[tilespmem:s10+$0xFFFFFFF0] =	vst v25;
	v51 =	vshll.u32 v41, $0x10  }
0x26e: {  	v24 =	vadd.f32 v24, v28;
	v28 =	vld [tilespmem:s11+$0xFFFFFE60];
	v53 =	vmul.f32 v51, v44;
	[tilespmem:s13+$0xFFFFFFB0] =	vst v29;
	v29 =	vadd.f32 v45, v42  }
0x26f: {  	v54 =	vor.u32 v3, v13;
	v33 =	vand.u32 $0xFFFF0000, v41;
	v12 =	vld.idx.msk [tilespmem:v48+s5+$0x0], $0xffff  }
0x270: {  	v27 =	vld.idx.msk [tilespmem:v60+s5+$0x0], $0xffff;
	[tilespmem:s13+$0xFFFFFF30] =	vst v29;
	v29 =	vadd.f32 v33, v53  }
0x271: {  	v59 =	vor.u32 v6, v9;
	v47 =	vld [tilespmem:s12+$0xFFFFFFC0];
	v62 =	vshll.u32 v26, $0x10  }
0x272: {  	v63 =	vor.u32 v4, v19;
	v52 =	vld.idx.msk [tilespmem:v43+s5+$0x0], $0xffff;
	[tilespmem:s13+$0xFFFFFE30] =	vst v29;
	v29 =	vmul.f32 v62, v55  }
0x273: {  	v26 =	vand.u32 $0xFFFF0000, v26;
	v57 =	vld [tilespmem:s12+$0xFFFFFF40]  }
0x274: {  	v45 =	vshll.u32 v23, $0x10;
	v31 =	vld.idx.msk [tilespmem:v54+s5+$0x0], $0xffff;
	v26 =	vadd.f32 v26, v29  }
0x275: {  	[tilespmem:s10+$0xFFFFFEE0] =	vst v24;
	v41 =	vld [tilespmem:s12+$0xFFFFFE40];
	v56 =	vshll.u32 v27, $0x10;
	v29 =	vmul.f32 v45, v58  }
0x276: {  	v61 =	vor.u32 v4, v22;
	v25 =	vld.idx.msk [tilespmem:v59+s5+$0x0], $0xffff;
	v23 =	vand.u32 $0xFFFF0000, v23;
	v60 =	vmul.f32 v56, v47;
	[tilespmem:s13+$0xFFFFFEC0] =	vst v26  }
0x277: {  	v27 =	vand.u32 $0xFFFF0000, v27;
	v47 =	vor.u32 v6, v10;
	v23 =	vadd.f32 v23, v29;
	v33 =	vld.idx.msk [tilespmem:v63+s5+$0x0], $0xffff  }
0x278: {  	v40 =	vshll.u32 v52, $0x10;
	v44 =	vand.u32 $0xFFFF0000, v52;
	v27 =	vadd.f32 v27, v60;
	v52 =	vld [tilespmem:s12+$0xFFFFFED0]  }
0x279: {  	v43 =	vor.u32 v4, v20;
	v42 =	vmul.f32 v40, v57;
	v57 =	vld [tilespmem:s11+$0xFFFFFEF0];
	v49 =	vshll.u32 v31, $0x10;
	[tilespmem:s10+$0xFFFFFF60] =	vst v23  }
0x27a: {  	[tilespmem:s13+$0xFFFFFFC0] =	vst v27;
	v24 =	vmul.f32 v49, v41;
	v41 =	vld [tilespmem:s11+$0xFFFFFF70]  }
0x27b: {  	v50 =	vor.u32 v4, v13;
	v59 =	vshll.u32 v30, $0x10;
	v27 =	vadd.f32 v44, v42;
	v46 =	vld.idx.msk [tilespmem:v61+s5+$0x0], $0xffff  }
0x27c: {  	v28 =	vmul.f32 v59, v28;
	v51 =	vand.u32 $0xFFFF0000, v31;
	v48 =	vld [tilespmem:s12+$0xFFFFFFD0]  }
0x27d: {  	v45 =	vor.u32 v6, v8;
	v34 =	vld.idx.msk [tilespmem:v47+s5+$0x0], $0xffff;
	[tilespmem:s13+$0xFFFFFF40] =	vst v27;
	v53 =	vadd.f32 v51, v24;
	v61 =	vshll.u32 v33, $0x10  }
0x27e: {  	v30 =	vand.u32 $0xFFFF0000, v30;
	v62 =	vor.u32 v5, v19;
	v27 =	vld.idx.msk [tilespmem:v43+s5+$0x0], $0xffff;
	v26 =	vmul.f32 v61, v52  }
0x27f: {  	v28 =	vadd.f32 v30, v28;
	v55 =	vld [tilespmem:s12+$0xFFFFFF50];
	v33 =	vand.u32 $0xFFFF0000, v33;
	[tilespmem:s13+$0xFFFFFE40] =	vst v53  }
0x280: {  	v60 =	vld.idx.msk [tilespmem:v50+s5+$0x0], $0xffff;
	v26 =	vadd.f32 v33, v26  }
0x281: {  	[tilespmem:s10+$0xFFFFFE60] =	vst v28;
	v56 =	vor.u32 v5, v22;
	v63 =	vld [tilespmem:s12+$0xFFFFFE50];
	v54 =	vshll.u32 v46, $0x10  }
0x282: {  	v42 =	vor.u32 v5, v20;
	v30 =	vld.idx.msk [tilespmem:v45+s5+$0x0], $0xffff;
	v24 =	vmul.f32 v54, v48;
	[tilespmem:s13+$0xFFFFFED0] =	vst v26  }
0x283: {  	v49 =	vor.u32 v5, v13;
	v58 =	vand.u32 $0xFFFF0000, v46;
	v40 =	vshll.u32 v27, $0x10;
	v48 =	vld.idx.msk [tilespmem:v62+s5+$0x0], $0xffff  }
0x284: {  	v50 =	vshll.u32 v25, $0x10;
	v23 =	vadd.f32 v58, v24;
	v29 =	vmul.f32 v40, v55;
	v53 =	vld [tilespmem:s12+$0xFFFFFEE0]  }
0x285: {  	v25 =	vand.u32 $0xFFFF0000, v25;
	v27 =	vand.u32 $0xFFFF0000, v27;
	v62 =	vld [tilespmem:s11+$0xFFFFFE70];
	v46 =	vshll.u32 v60, $0x10  }
0x286: {  	v51 =	vshll.u32 v34, $0x10;
	[tilespmem:s13+$0xFFFFFFD0] =	vst v23;
	v27 =	vadd.f32 v27, v29;
	v29 =	vld [tilespmem:s11+$0x0];
	v47 =	vmul.f32 v46, v63  }
0x287: {  	v36 =	vmul.f32 v50, v57;
	v34 =	vand.u32 $0xFFFF0000, v34;
	v24 =	vand.u32 $0xFFFF0000, v60;
	v43 =	vld.idx.msk [tilespmem:v56+s5+$0x0], $0xffff  }
0x288: {  	v54 =	vor.u32 v7, v9;
	v23 =	vmul.f32 v51, v41;
	v44 =	vld [tilespmem:s12+$0xFFFFFFE0];
	[tilespmem:s13+$0xFFFFFF50] =	vst v27;
	v24 =	vadd.f32 v24, v47  }
0x289: {  	v57 =	vor.u32 v7, v10;
	v58 =	vadd.f32 v25, v36;
	v31 =	vld.idx.msk [tilespmem:v42+s5+$0x0], $0xffff;
	v60 =	vshll.u32 v48, $0x10  }
0x28a: {  	v40 =	vor.u32 v6, v19;
	v23 =	vadd.f32 v34, v23;
	v56 =	vld [tilespmem:s12+$0xFFFFFF60];
	[tilespmem:s13+$0xFFFFFE50] =	vst v24;
	v26 =	vmul.f32 v60, v53  }
0x28b: {  	[tilespmem:s10+$0xFFFFFEF0] =	vst v58;
	v41 =	vand.u32 $0xFFFF0000, v48;
	v27 =	vld.idx.msk [tilespmem:v49+s5+$0x0], $0xffff  }
0x28c: {  	[tilespmem:s10+$0xFFFFFF70] =	vst v23;
	v61 =	vld [tilespmem:s12+$0xFFFFFE60];
	v52 =	vshll.u32 v43, $0x10;
	v23 =	vadd.f32 v41, v26  }
0x28d: {  	v59 =	vor.u32 v6, v22;
	v9 =	vld.idx.msk [tilespmem:v54+s5+$0x0], $0xffff;
	v55 =	vmul.f32 v52, v44  }
0x28e: {  	v10 =	vld.idx.msk [tilespmem:v57+s5+$0x0], $0xffff;
	v32 =	vand.u32 $0xFFFF0000, v43;
	v63 =	vshll.u32 v31, $0x10;
	[tilespmem:s13+$0xFFFFFEE0] =	vst v23  }
0x28f: {  	v42 =	vor.u32 v6, v20;
	v28 =	vadd.f32 v32, v55;
	v33 =	vmul.f32 v63, v56;
	v48 =	vld.idx.msk [tilespmem:v40+s5+$0x0], $0xffff  }
0x290: {  	v43 =	vand.u32 $0xFFFF0000, v31;
	v51 =	vld [tilespmem:s12+$0xFFFFFEF0];
	v44 =	vshll.u32 v27, $0x10  }
0x291: {  	v47 =	vor.u32 v6, v13;
	v63 =	vld [tilespmem:s11+$0xFFFFFF80];
	[tilespmem:s13+$0xFFFFFFE0] =	vst v28;
	v28 =	vadd.f32 v43, v33;
	v46 =	vmul.f32 v44, v61  }
0x292: {  	v49 =	vshll.u32 v30, $0x10;
	v27 =	vand.u32 $0xFFFF0000, v27;
	v25 =	vld.idx.msk [tilespmem:v59+s5+$0x0], $0xffff  }
0x293: {  	v8 =	vor.u32 v7, v8;
	v24 =	vmul.f32 v49, v62;
	v45 =	vld [tilespmem:s12+$0xFFFFFFF0];
	[tilespmem:s13+$0xFFFFFF60] =	vst v28;
	v23 =	vadd.f32 v27, v46  }
0x294: {  	v30 =	vand.u32 $0xFFFF0000, v30;
	v50 =	vld.idx.msk [tilespmem:v42+s5+$0x0], $0xffff  }
0x295: {  	v15 =	vmul.f32 v15, v21;
	v54 =	vadd.f32 v30, v24;
	v53 =	vld [tilespmem:s12+$0xFFFFFF70];
	v61 =	vshll.u32 v48, $0x10;
	[tilespmem:s13+$0xFFFFFE60] =	vst v23  }
0x296: {  	v16 =	vadd.f32 v16, v17;
	v19 =	vor.u32 v7, v19;
	v23 =	vmul.f32 v61, v51;
	v56 =	vld.idx.msk [tilespmem:v47+s5+$0x0], $0xffff  }
0x297: {  	v14 =	vadd.f32 v14, v15;
	[tilespmem:s10+$0xFFFFFE70] =	vst v54;
	v28 =	vand.u32 $0xFFFF0000, v48;
	v58 =	vld [tilespmem:s12+$0xFFFFFE70];
	v52 =	vshll.u32 v25, $0x10  }
0x298: {  	v22 =	vor.u32 v7, v22;
	v8 =	vld.idx.msk [tilespmem:v8+s5+$0x0], $0xffff;
	v23 =	vadd.f32 v28, v23;
	v55 =	vmul.f32 v52, v45  }
0x299: {  	v13 =	vor.u32 v7, v13;
	v35 =	vld [tilespmem:s11+$0xFFFFFE80];
	v25 =	vand.u32 $0xFFFF0000, v25;
	v62 =	vshll.u32 v50, $0x10  }
0x29a: {  	v20 =	vor.u32 v7, v20;
	v59 =	vld [tilespmem:s11+$0xFFFFFF00];
	[tilespmem:s13+$0xFFFFFEF0] =	vst v23;
	v60 =	vadd.f32 v25, v55;
	v25 =	vmul.f32 v62, v53  }
0x29b: {  	v57 =	vshll.u32 v11, $0x10;
	v36 =	vand.u32 $0xFFFF0000, v50;
	v43 =	vld.idx.msk [tilespmem:v19+s5+$0x0], $0xffff;
	v37 =	vshll.u32 v56, $0x10  }
0x29c: {  	v18 =	vmul.f32 v57, v18;
	v47 =	vld [tilespmem:s12+$0xFFFFFF00];
	[tilespmem:s13+$0xFFFFFFF0] =	vst v60;
	v17 =	vadd.f32 v36, v25;
	v38 =	vmul.f32 v37, v58  }
0x29d: {  	v39 =	vshll.u32 v12, $0x10;
	v11 =	vand.u32 $0xFFFF0000, v11;
	v41 =	vand.u32 $0xFFFF0000, v56;
	v22 =	vld.idx.msk [tilespmem:v22+s5+$0x0], $0xffff  }
0x29e: {  	v12 =	vand.u32 $0xFFFF0000, v12;
	v11 =	vadd.f32 v11, v18;
	v40 =	vld [tilespmem:s12+$0x0];
	[tilespmem:s13+$0xFFFFFF70] =	vst v17;
	v44 =	vadd.f32 v41, v38  }
0x29f: {  	v46 =	vshll.u32 v9, $0x10;
	v9 =	vand.u32 $0xFFFF0000, v9;
	v42 =	vmul.f32 v39, v29;
	v45 =	vld.idx.msk [tilespmem:v20+s5+$0x0], $0xffff  }
0x2a0: {  	v48 =	vshll.u32 v10, $0x10;
	v49 =	vshll.u32 v8, $0x10;
	v18 =	vmul.f32 v46, v59;
	v50 =	vld [tilespmem:s12+$0xFFFFFF80];
	[tilespmem:s13+$0xFFFFFE70] =	vst v44  }
0x2a1: {  	[tilespmem:s29+$0xFFFFFF00] =	vst v16;
	v10 =	vand.u32 $0xFFFF0000, v10;
	v51 =	vmul.f32 v49, v35;
	v19 =	vmul.f32 v48, v63;
	v13 =	vld.idx.msk [tilespmem:v13+s5+$0x0], $0xffff  }
0x2a2: {  	[tilespmem:s29+$0xFFFFFF80] =	vst v14;
	v12 =	vadd.f32 v12, v42;
	v8 =	vand.u32 $0xFFFF0000, v8;
	v9 =	vadd.f32 v9, v18;
	v53 =	vld [tilespmem:s12+$0xFFFFFE80]  }
0x2a3: {  	[tilespmem:s29+$0xFFFFFE80] =	vst v11;
	v8 =	vadd.f32 v8, v51;
	v10 =	vadd.f32 v10, v19;
	v56 =	vshll.u32 v43, $0x10  }
0x2a4: {  	[tilespmem:s10+$0x0] =	vst v12;
	v60 =	vand.u32 $0xFFFF0000, v43;
	v58 =	vmul.f32 v56, v47;
	v52 =	vshll.u32 v22, $0x10  }
0x2a5: {  	[tilespmem:s10+$0xFFFFFF00] =	vst v9;
	v55 =	vand.u32 $0xFFFF0000, v22;
	v54 =	vmul.f32 v52, v40;
	v59 =	vshll.u32 v45, $0x10  }
0x2a6: {  	[tilespmem:s10+$0xFFFFFF80] =	vst v10;
	v10 =	vadd.f32 v60, v58;
	v12 =	vmul.f32 v59, v50;
	v61 =	vshll.u32 v13, $0x10  }
0x2a7: {  	[tilespmem:s10+$0xFFFFFE80] =	vst v8;
	v8 =	vand.u32 $0xFFFF0000, v45;
	v57 =	vadd.f32 v55, v54;
	v62 =	vmul.f32 v61, v53  }
0x2a8: {  	[tilespmem:s13+$0xFFFFFF00] =	vst v10;
	v63 =	vand.u32 $0xFFFF0000, v13;
	v8 =	vadd.f32 v8, v12  }
0x2a9: {  	[tilespmem:s13+$0x0] =	vst v57;
	v9 =	vadd.f32 v63, v62  }
0x2aa: {  	[tilespmem:s13+$0xFFFFFF80] =	vst v8  }
0x2ab: {  	s9 =	sadd.s32 $0x500, s9;
	s29 =	sadd.s32 $0x14E00, s26;
	[tilespmem:s13+$0xFFFFFE80] =	vst v9  }
0x2ac: {  	[hbm4b:s9+s5] =	stream.linear.scatter [tilespmem:s29], [sflag:s7], $0x2800, $0x38;
	[tilespmem:$0x1C600] =	vst v63  }
0x2ad: {  	s7 =	smul.u32 @!p0 $0xA0, s22  }
0x2ae: {  	s9 =	sshll.u32 @!p0 s23, $0x8  }
0x2af: {  	s9 =	sand.u32 @!p0 $0x3FFFFF00, s9;
	s7 =	sshrl.u32 @!p0 s7, $0x3  }
0x2b0: {  	s11 =	simm.s32 @!p0 $0x0;
	s10 =	sadd.s32 @!p0 $0x3400, s9;
	s7 =	sadd.s32 @!p0 s3, s7  }
0x2b1: {  	[tilespmem:s10], [sflag:s25] =	stream.linear.gather @!p0 [hbm4b:s7+s11], $0x50, $0x38;
	[tilespmem:$0x1C600] =	vst v63  }
0x2b2: {  	s0 =	sadd.s32 $0x1, s0;
	s9 =	sadd.s32 @!p0 $0x3480, s9;
	s7 =	sadd.s32 @!p0 $0xA, s7  }
0x2b3: {  	[tilespmem:s9], [sflag:s25] =	stream.linear.gather @!p0 [hbm4b:s7+s11], $0x50, $0x38;
	[tilespmem:$0x1C600] =	vst v63  }
0x2b4: {  	p0 =	sne.s32 s0, s19  }
.Ltmp2:
0x2b5: {  	_ = 	snop;
	(pc) =	sbr.rel @p0 .LBB2_2-.Ltmp2, $2  }
0x2b6: {  	_ =	sdelay $0x2  }
0x2b7: {  	s31 =	sadd.s32 $0x5000, s31;
	s2 =	sadd.s32 $0x5000, s2  }
0x2b8: {  	_ =	swait.ge [sflag:s17], $0x2800  }
0x2b9: {  	[sflag:s17] =	ssyncset.done $0x0  }
0x2ba: {  	[sflag:s17] =	ssyncadd.s32 $0xFFFFD800  }
0x2bb: {  	_ =	swait.ge [sflag:s17], $0x2800  }
0x2bc: {  	[sflag:s17] =	ssyncset.done $0x0  }
0x2bd: {  	s30 =	sadd.s32 $0x1, s30;
	[sflag:s17] =	ssyncadd.s32 $0xFFFFD800  }
0x2be: {  	p0 =	sne.s32 s30, s20;
	_ =	swait.ge [sflag:s18], $0x2800  }
.Ltmp3:
0x2bf: {  	[sflag:s18] =	ssyncset.done $0x0;
	(pc) =	sbr.rel @p0 .LBB2_1-.Ltmp3, $4  }
0x2c0: {  	[sflag:s18] =	ssyncadd.s32 $0xFFFFD800  }
0x2c1: {  	_ =	swait.ge [sflag:s18], $0x2800  }
0x2c2: {  	[sflag:s18] =	ssyncset.done $0x0  }
0x2c3: {  	[sflag:s18] =	ssyncadd.s32 $0xFFFFD800  }
0x2c4: {  	_ =	sfence.sel $0x180000  }
0x2c5: {  	[bflag:$0x0] =	sbarrier.arrive $0xFFFF  }
0x2c6: {  	_ =	strace $0x90000047  }
0x2c7: {  	s0 =	stileid.u32;
	[bflag:$0x2] =	sbarrier.arrive $0xFFFF  }
0x2c8: {  	p0 =	sne.s32 s0, $0x0;
	s0 =	rddreg [dreg:$0x4]  }
0x2c9: {  	s0 =	sadd.s32 @!p0 $0x100000, s0  }
0x2ca: {  	[sflag:s0] =	ssyncadd.tile.s32 @!p0 $0x1;
	_ =	shalt  }
.Lfunc_end2:
_tile_overlayer_lowered:
.L_overlay_start_2:
0x2cb: {  	(tag) =	ssettag $0x2  }
0x2cc: {  	s0 =	rddreg [dreg:$0x0];
	s2 =	stileid.u32  }
0x2cd: {  	s1 =	rddreg [dreg:$0x1];
	p0 =	sne.s32 s2, $0x0  }
0x2ce: {  	s3 =	rddreg [dreg:$0x2];
	[bflag:$0x3] =	sbarrier.arrive $0xFFFF;
	s2 =	simm.s32 @!p0 $0x1C08  }
0x2cf: {  	[timem:s3], [sflag:s2] =	dma.local @!p0 [hbm:s0], s1  }
0x2d0: {  	s0 =	simm.s32 @!p0 $0x8  }
0x2d1: {  	_ =	swait.ge @!p0 [sflag:s0], s1  }
0x2d2: {  	s1 =	ssub.s32 @!p0 $0x0, s1;
	[sflag:s0] =	ssyncset.done @!p0 $0x0  }
0x2d3: {  	[sflag:s0] =	ssyncadd.s32 @!p0 s1  }
0x2d4: {  	[bflag:$0x3] =	sbarrier.arrive $0xFFFF  }
0x2d5: {  	_ =	shalt  }

</sc_bundles>
